<compile_context>
chip_gen: v7x
topology: tpu7x:2x2x1
jax: 0.10.2.dev20260603
libtpu: 0.0.44.dev20260713+nightly
codegen_flags: <defaults>
</compile_context>

<pallas_src>
import functools

import jax
import jax.numpy as jnp
from jax import lax
from jax.experimental import pallas as pl
from jax.experimental.pallas import tpu as pltpu
from jax.experimental.pallas import tpu_sc as plsc

N = 10000
E = 320000
D = 128
DE = 16
SIGMAS = [1.5 ** x for x in range(15)]
NEG_SLOPE = 0.01
SKIP_W = 0.5

C = 128
NCHUNKS = E // C
NWORK = 32
STEPS = (NCHUNKS + NWORK - 1) // NWORK
ROWS8 = 624

_R1 = 1000


def _node_pre_body(h_ref, wa_ref, wb_ref, oa_ref, ob_ref):
    h = h_ref[...]
    oa_ref[...] = jnp.dot(h, wa_ref[...], preferred_element_type=jnp.float32)
    ob_ref[...] = jnp.dot(h, wb_ref[...], preferred_element_type=jnp.float32)


def _node_pre(lig_h, wa, wb):
    return pl.pallas_call(
        _node_pre_body,
        grid=(N // _R1,),
        in_specs=[
            pl.BlockSpec((_R1, D), lambda i: (i, 0)),
            pl.BlockSpec((D, D), lambda i: (0, 0)),
            pl.BlockSpec((D, D), lambda i: (0, 0)),
        ],
        out_specs=[
            pl.BlockSpec((_R1, D), lambda i: (i, 0)),
            pl.BlockSpec((_R1, D), lambda i: (i, 0)),
        ],
        out_shape=[
            jax.ShapeDtypeStruct((N, D), jnp.float32),
            jax.ShapeDtypeStruct((N, D), jnp.float32),
        ],
    )(lig_h, wa, wb)


_CB = 1000
_DSTEPS = E // (NWORK * _CB)


def _dist_body(src_hbm, dst_hbm, c4_hbm, d2_hbm, idxs, idxd, cflat, d2buf):
    cid = lax.axis_index("c")
    sid = lax.axis_index("s")
    wid = sid * 2 + cid

    pltpu.sync_copy(c4_hbm, cflat)

    iota16 = lax.iota(jnp.int32, 16)

    def step(k, carry):
        base = (wid + k * NWORK) * _CB
        pltpu.sync_copy(src_hbm.at[pl.ds(base, _CB)], idxs)
        pltpu.sync_copy(dst_hbm.at[pl.ds(base, _CB)], idxd)

        def group(g, carry2):
            o = g * 16
            s16 = idxs[pl.ds(o, 16)] * 4
            t16 = idxd[pl.ds(o, 16)] * 4
            dx = (plsc.load_gather(cflat, [s16])
                  - plsc.load_gather(cflat, [t16]))
            dy = (plsc.load_gather(cflat, [s16 + 1])
                  - plsc.load_gather(cflat, [t16 + 1]))
            dz = (plsc.load_gather(cflat, [s16 + 2])
                  - plsc.load_gather(cflat, [t16 + 2]))
            d2 = dx * dx + dy * dy + dz * dz
            rows16 = (o + iota16) * DE
            for c in range(16):
                plsc.store_scatter(d2buf, [rows16 + c], d2)
            return carry2

        lax.fori_loop(0, _CB // 16, group, 0, unroll=5)
        pltpu.sync_copy(d2buf, d2_hbm.at[pl.ds(base * DE, _CB * DE)])
        return carry

    lax.fori_loop(0, _DSTEPS, step, 0)


def _dist(src, dst, coords4):
    mesh = plsc.VectorSubcoreMesh(core_axis_name="c", subcore_axis_name="s")
    return pl.kernel(
        _dist_body,
        out_type=jax.ShapeDtypeStruct((E * DE,), jnp.float32),
        mesh=mesh,
        scratch_types=[
            pltpu.VMEM((_CB,), jnp.int32),
            pltpu.VMEM((_CB,), jnp.int32),
            pltpu.VMEM((4 * N,), jnp.float32),
            pltpu.VMEM((_CB * DE,), jnp.float32),
        ],
        compiler_params=pltpu.CompilerParams(needs_layout_passes=False),
    )(src, dst, coords4)


def _gather_body(chunk0, nchunks, ta_hbm, tb_hbm, src_hbm, dst_hbm,
                 gs_hbm, gd_hbm,
                 idx0s, idx0d, idx1s, idx1d, buf0s, buf0d, buf1s, buf1d,
                 sems, semd, ws0, wd0, ws1, wd1):
    cid = lax.axis_index("c")
    sid = lax.axis_index("s")
    wid = sid * 2 + cid
    idxs_ = (idx0s, idx1s)
    idxd_ = (idx0d, idx1d)
    bufs_ = (buf0s, buf1s)
    bufd_ = (buf0d, buf1d)
    ws_ = (ws0, ws1)
    wd_ = (wd0, wd1)

    def step(k2, carry):
        for j in (0, 1):
            k = k2 * 2 + j
            chunk = wid + k * NWORK

            @pl.when(chunk < nchunks)
            def _(j=j, k=k, chunk=chunk):
                @pl.when(k >= 2)
                def _():
                    pltpu.make_async_copy(
                        bufs_[j], gs_hbm.at[pl.ds(0, C)], ws_[j]).wait()
                    pltpu.make_async_copy(
                        bufd_[j], gd_hbm.at[pl.ds(0, C)], wd_[j]).wait()

                gbase = (chunk0 + chunk) * C
                base = chunk * C
                pltpu.sync_copy(src_hbm.at[pl.ds(gbase, C)], idxs_[j])
                pltpu.sync_copy(dst_hbm.at[pl.ds(gbase, C)], idxd_[j])
                cp1 = pltpu.async_copy(ta_hbm.at[idxs_[j]], bufs_[j], sems)
                cp2 = pltpu.async_copy(tb_hbm.at[idxd_[j]], bufd_[j], semd)
                cp1.wait()
                cp2.wait()
                pltpu.async_copy(bufs_[j], gs_hbm.at[pl.ds(base, C)], ws_[j])
                pltpu.async_copy(bufd_[j], gd_hbm.at[pl.ds(base, C)], wd_[j])

        return carry

    steps2 = ((nchunks + NWORK - 1) // NWORK + 1) // 2
    lax.fori_loop(0, steps2, step, 0)
    for j in (0, 1):
        pltpu.make_async_copy(bufs_[j], gs_hbm.at[pl.ds(0, C)], ws_[j]).wait()
        pltpu.make_async_copy(bufd_[j], gd_hbm.at[pl.ds(0, C)], wd_[j]).wait()


def _gather(ta, tb, src, dst, e0, ne):
    mesh = plsc.VectorSubcoreMesh(core_axis_name="c", subcore_axis_name="s")
    return pl.kernel(
        functools.partial(_gather_body, e0 // C, ne // C),
        out_type=(
            jax.ShapeDtypeStruct((ne, D), jnp.float32),
            jax.ShapeDtypeStruct((ne, D), jnp.float32),
        ),
        mesh=mesh,
        scratch_types=[
            pltpu.VMEM((C,), jnp.int32),
            pltpu.VMEM((C,), jnp.int32),
            pltpu.VMEM((C,), jnp.int32),
            pltpu.VMEM((C,), jnp.int32),
            pltpu.VMEM((C, D), jnp.float32),
            pltpu.VMEM((C, D), jnp.float32),
            pltpu.VMEM((C, D), jnp.float32),
            pltpu.VMEM((C, D), jnp.float32),
            pltpu.SemaphoreType.DMA,
            pltpu.SemaphoreType.DMA,
            pltpu.SemaphoreType.DMA,
            pltpu.SemaphoreType.DMA,
            pltpu.SemaphoreType.DMA,
            pltpu.SemaphoreType.DMA,
        ],
        compiler_params=pltpu.CompilerParams(needs_layout_passes=False),
    )(ta, tb, src, dst)


_B3 = 3200


def _extra_body(d2_ref, ea_ref, coef_ref, w1cd_ref, out_ref):
    rbf1 = jnp.exp(d2_ref[...].astype(jnp.float32) * coef_ref[...])
    cfeat = jnp.concatenate([ea_ref[...], rbf1], axis=1)
    out_ref[...] = jnp.dot(cfeat, w1cd_ref[...],
                           preferred_element_type=jnp.float32).astype(jnp.bfloat16)


def _extra(d2x16, eattr, coef, w1cd, e0, ne):
    blk0 = e0 // _B3
    return pl.pallas_call(
        _extra_body,
        grid=(ne // _B3,),
        in_specs=[
            pl.BlockSpec((_B3, DE), lambda i: (blk0 + i, 0)),
            pl.BlockSpec((_B3, DE), lambda i: (blk0 + i, 0)),
            pl.BlockSpec((1, DE), lambda i: (0, 0)),
            pl.BlockSpec((32, D), lambda i: (0, 0)),
        ],
        out_specs=pl.BlockSpec((_B3, D), lambda i: (i, 0)),
        out_shape=jax.ShapeDtypeStruct((ne, D), jnp.bfloat16),
    )(d2x16, eattr, coef, w1cd)


def _edge_mlp_body(gs_ref, gd_ref, ex_ref, w2_ref, gam_ref, bet_ref,
                   b2_ref, out_ref):
    pre = gs_ref[...] + gd_ref[...] + ex_ref[...].astype(jnp.float32)
    pre = jnp.where(pre >= 0, pre, NEG_SLOPE * pre)
    mu = jnp.mean(pre, axis=1, keepdims=True)
    xc = pre - mu
    var = jnp.mean(xc * xc, axis=1, keepdims=True)
    hdd = xc * lax.rsqrt(var + 1e-5) * gam_ref[...] + bet_ref[...]
    msg = jnp.dot(hdd, w2_ref[...], preferred_element_type=jnp.float32)
    out_ref[...] = msg + b2_ref[...]


def _edge_mlp(gs, gd, extra, w2, gamma, beta, b2):
    ne = gs.shape[0]
    return pl.pallas_call(
        _edge_mlp_body,
        grid=(ne // _B3,),
        in_specs=[
            pl.BlockSpec((_B3, D), lambda i: (i, 0)),
            pl.BlockSpec((_B3, D), lambda i: (i, 0)),
            pl.BlockSpec((_B3, D), lambda i: (i, 0)),
            pl.BlockSpec((D, D), lambda i: (0, 0)),
            pl.BlockSpec((1, D), lambda i: (0, 0)),
            pl.BlockSpec((1, D), lambda i: (0, 0)),
            pl.BlockSpec((1, D), lambda i: (0, 0)),
        ],
        out_specs=pl.BlockSpec((_B3, D), lambda i: (i, 0)),
        out_shape=jax.ShapeDtypeStruct((ne, D), jnp.float32),
    )(gs, gd, extra, w2, gamma, beta, b2)


def _scatter_body(chunk0, nchunks, msg_hbm, dst_hbm, zer_hbm, out_hbm,
                  hist_hbm, idxv, bufv, hist, acc):
    cid = lax.axis_index("c")
    sid = lax.axis_index("s")
    wid = sid * 2 + cid
    row0 = sid * ROWS8

    pltpu.sync_copy(zer_hbm.at[pl.ds(row0, ROWS8)],
                    acc.at[pl.ds(row0, ROWS8)])

    @pl.when(sid == 15)
    def _():
        pltpu.sync_copy(zer_hbm.at[pl.ds(16 * ROWS8, N - 16 * ROWS8)],
                        acc.at[pl.ds(16 * ROWS8, N - 16 * ROWS8)])

    def zstep(i, carry):
        hist[pl.ds(i * 16, 16)] = jnp.zeros((16,), jnp.float32)
        return carry

    lax.fori_loop(0, N // 16, zstep, 0)
    plsc.subcore_barrier()

    ones16 = jnp.ones((16,), jnp.float32)

    def step(k, carry):
        chunk = wid + k * NWORK

        @pl.when(chunk < nchunks)
        def _():
            base = chunk * C
            pltpu.sync_copy(dst_hbm.at[pl.ds((chunk0 + chunk) * C, C)], idxv)
            pltpu.sync_copy(msg_hbm.at[pl.ds(base, C)], bufv)
            pltpu.sync_copy(bufv, acc.at[idxv], add=True)
            for g in range(C // 16):
                i16 = idxv[pl.ds(g * 16, 16)]
                plsc.addupdate_scatter(hist, [i16], ones16)

        return carry

    lax.fori_loop(0, (nchunks + NWORK - 1) // NWORK, step, 0)
    pltpu.sync_copy(hist, hist_hbm.at[pl.ds(wid * N, N)])
    plsc.subcore_barrier()
    pltpu.sync_copy(acc.at[pl.ds(row0, ROWS8)],
                    out_hbm.at[cid, pl.ds(row0, ROWS8)])

    @pl.when(sid == 15)
    def _():
        pltpu.sync_copy(acc.at[pl.ds(16 * ROWS8, N - 16 * ROWS8)],
                        out_hbm.at[cid, pl.ds(16 * ROWS8, N - 16 * ROWS8)])


def _scatter(msg, dst, zeros_nd, e0):
    ne = msg.shape[0]
    mesh = plsc.VectorSubcoreMesh(core_axis_name="c", subcore_axis_name="s")
    return pl.kernel(
        functools.partial(_scatter_body, e0 // C, ne // C),
        out_type=(
            jax.ShapeDtypeStruct((2, N, D), jnp.float32),
            jax.ShapeDtypeStruct((NWORK * N,), jnp.float32),
        ),
        mesh=mesh,
        scratch_types=[
            pltpu.VMEM((C,), jnp.int32),
            pltpu.VMEM((C, D), jnp.float32),
            pltpu.VMEM((N,), jnp.float32),
            pltpu.VMEM_SHARED((N, D), jnp.float32),
        ],
        compiler_params=pltpu.CompilerParams(needs_layout_passes=False),
    )(msg, dst, zeros_nd)


_R5 = 1000


def _final_body(acca_ref, accb_ref, hista_ref, histb_ref, h_ref, out_ref):
    sums = acca_ref[0] + acca_ref[1] + accb_ref[0] + accb_ref[1]
    cnt = (jnp.sum(hista_ref[0], axis=0)
           + jnp.sum(histb_ref[0], axis=0))[:, None]
    agg = sums / jnp.maximum(cnt, 1.0)
    out_ref[...] = SKIP_W * agg + (1.0 - SKIP_W) * h_ref[...]


def _final(acc_a, acc_b, hists_a, hists_b, lig_h):
    ha = hists_a.reshape(NWORK, N // _R5, _R5).transpose(1, 0, 2)
    hb = hists_b.reshape(NWORK, N // _R5, _R5).transpose(1, 0, 2)
    return pl.pallas_call(
        _final_body,
        grid=(N // _R5,),
        in_specs=[
            pl.BlockSpec((2, _R5, D), lambda i: (0, i, 0)),
            pl.BlockSpec((2, _R5, D), lambda i: (0, i, 0)),
            pl.BlockSpec((1, NWORK, _R5), lambda i: (i, 0, 0)),
            pl.BlockSpec((1, NWORK, _R5), lambda i: (i, 0, 0)),
            pl.BlockSpec((_R5, D), lambda i: (i, 0)),
        ],
        out_specs=pl.BlockSpec((_R5, D), lambda i: (i, 0)),
        out_shape=jax.ShapeDtypeStruct((N, D), jnp.float32),
    )(acc_a, acc_b, ha, hb, lig_h)


def kernel(lig_h, lig_coords, lig_edge_index, lig_edge_attr, W1, b1,
           ln_gamma, ln_beta, W2, b2):
    src = lig_edge_index[0]
    dst = lig_edge_index[1]

    wa = W1[0:D]
    wb = W1[D:2 * D]
    w1cd = jnp.concatenate([W1[2 * D:2 * D + DE], W1[2 * D + DE:],
                            b1[None, :]], axis=0)
    coef = jnp.array([[-1.0 / s for s in SIGMAS] + [0.0]], jnp.float32)
    coords4 = jnp.pad(lig_coords, ((0, 0), (0, 1))).reshape(-1)

    d2x16 = _dist(src, dst, coords4).reshape(E, DE)

    pa, pb = _node_pre(lig_h, wa, wb)
    zeros_nd = jnp.zeros((N, D), jnp.float32)

    EH = E // 2
    gam, bet, b2r = ln_gamma[None, :], ln_beta[None, :], b2[None, :]

    ex1 = _extra(d2x16, lig_edge_attr, coef, w1cd, 0, EH)
    ex2 = _extra(d2x16, lig_edge_attr, coef, w1cd, EH, EH)
    gs1, gd1 = _gather(pa, pb, src, dst, 0, EH)
    gs2, gd2 = _gather(pa, pb, src, dst, EH, EH)

    msg1 = _edge_mlp(gs1, gd1, ex1, W2, gam, bet, b2r)
    acc1, hists1 = _scatter(msg1, dst, zeros_nd, 0)
    msg2 = _edge_mlp(gs2, gd2, ex2, W2, gam, bet, b2r)
    acc2, hists2 = _scatter(msg2, dst, zeros_nd, EH)

    return _final(acc1, acc2, hists1, hists2, lig_h)

# --- scband reference (transcript-rebuilt; emitter-appended) ---
"""Pipeline reference for scband-iset-layer-1451698946638 (READ-ONLY COPY).

The authoritative reference and input builder live on the scoring server;
editing this copy changes nothing except your own understanding.
"""

import jax, jax.numpy as jnp
import numpy as np

N = 10000
E = 320000
D = 128
DE = 16
SIGMAS = [1.5 ** x for x in range(15)]
IN_DIM = 2 * D + DE + len(SIGMAS)
SKIP_W = 0.5
NEG_SLOPE = 0.01


def setup_inputs(seed: int = 0) -> dict:
    key = jax.random.key(seed)
    ks = jax.random.split(key, 10)
    lig_h = jax.random.normal(ks[0], (N, D), dtype=jnp.float32)
    lig_coords = jax.random.normal(ks[1], (N, 3), dtype=jnp.float32)
    lig_edge_index = jax.random.randint(ks[2], (2, E), 0, N, dtype=jnp.int32)
    lig_edge_attr = jax.random.normal(ks[3], (E, DE), dtype=jnp.float32)
    W1 = jax.random.normal(ks[4], (IN_DIM, D), dtype=jnp.float32) * (1.0 / np.sqrt(IN_DIM))
    b1 = jnp.zeros((D,), dtype=jnp.float32)
    ln_gamma = jnp.ones((D,), dtype=jnp.float32)
    ln_beta = jnp.zeros((D,), dtype=jnp.float32)
    W2 = jax.random.normal(ks[5], (D, D), dtype=jnp.float32) * (1.0 / np.sqrt(D))
    b2 = jnp.zeros((D,), dtype=jnp.float32)
    return {
        'lig_h': lig_h,
        'lig_coords': lig_coords,
        'lig_edge_index': lig_edge_index,
        'lig_edge_attr': lig_edge_attr,
        'W1': W1, 'b1': b1,
        'ln_gamma': ln_gamma, 'ln_beta': ln_beta,
        'W2': W2, 'b2': b2,
    }


def _leaky_relu(x, neg_slope):
    return jnp.where(x >= 0, x, neg_slope * x)


def _layer_norm(x, gamma, beta, eps=1e-5):
    mu = jnp.mean(x, axis=-1, keepdims=True)
    var = jnp.var(x, axis=-1, keepdims=True)
    return (x - mu) / jnp.sqrt(var + eps) * gamma + beta


def reference(lig_h, lig_coords, lig_edge_index, lig_edge_attr, W1, b1, ln_gamma, ln_beta, W2, b2):
    src = lig_edge_index[0]
    dst = lig_edge_index[1]
    # ligand coordinate geometry features (use_dist_in_layers + lig_evolve)
    x_rel = lig_coords[src] - lig_coords[dst]
    d2 = jnp.sum(x_rel ** 2, axis=-1, keepdims=True)
    rbf = jnp.concatenate([jnp.exp(-d2 / s) for s in SIGMAS], axis=-1)
    # lig_edge_mlp input: [h_src, h_dst, edge_attr, rbf]
    feat = jnp.concatenate([lig_h[src], lig_h[dst], lig_edge_attr, rbf], axis=-1)
    # lig_edge_mlp (non standard_norm_order): Linear -> Dropout(eval=id) -> LeakyReLU -> LN -> Linear
    hdd = feat @ W1 + b1
    hdd = _leaky_relu(hdd, NEG_SLOPE)
    hdd = _layer_norm(hdd, ln_gamma, ln_beta)
    msg = hdd @ W2 + b2
    # aggregate messages (mean over incoming edges per dst node)
    sums = jnp.zeros((N, D), dtype=msg.dtype).at[dst].add(msg)
    cnt = jnp.zeros((N,), dtype=msg.dtype).at[dst].add(1.0)
    agg = sums / jnp.clip(cnt, 1.0, None)[:, None]
    # skip connection on node features
    h_new = SKIP_W * agg + (1.0 - SKIP_W) * lig_h
    return h_new

if __name__ == "__main__":
    import jax
    _d = setup_inputs()
    print(jax.jit(kernel)(*tuple(_d.values())))

</pallas_src>

<mosaic_0001>
#map = affine_map<(d0, d1) -> (0)>
module attributes {stable_mosaic.version = 14 : i64} {
  func.func @_dist_body(%arg0: i32, %arg1: i32, %arg2: memref<320000xi32, #tpu.memory_space<hbm>>, %arg3: memref<320000xi32, #tpu.memory_space<hbm>>, %arg4: memref<40000xf32, #tpu.memory_space<hbm>>, %arg5: memref<5120000xf32, #tpu.memory_space<hbm>>, %arg6: memref<1000xi32, #tpu.memory_space<vmem>>, %arg7: memref<1000xi32, #tpu.memory_space<vmem>>, %arg8: memref<40000xf32, #tpu.memory_space<vmem>>, %arg9: memref<16000xf32, #tpu.memory_space<vmem>>) attributes {dimension_semantics = [#tpu.dimension_semantics<core_parallel>, #tpu.dimension_semantics<subcore_parallel>], iteration_bounds = array<i64: 2, 16>, scalar_prefetch = 0 : i64, scratch_operands = 4 : i64, tpu.core_type = #tpu.core_type<sc_vector_subcore>, window_params = [{transform_indices = #map}, {transform_indices = #map}, {transform_indices = #map}, {transform_indices = #map}]} {
    %mul3A = arith.constant 2 : i32
    %mul3A_0 = arith.muli %arg1, %mul3A : i32
    %add3A = arith.addi %mul3A_0, %arg0 : i32
    "tpu.region"() ({
      %run_scoped3A = tpu.sem_alloc : memref<!tpu.dma_semaphore, #tpu.memory_space<semaphore_mem>>
      tpu.enqueue_dma source(%arg4 : memref<40000xf32, #tpu.memory_space<hbm>>) target(%arg8 : memref<40000xf32, #tpu.memory_space<vmem>>) target_semaphore(%run_scoped3A : memref<!tpu.dma_semaphore, #tpu.memory_space<semaphore_mem>>)
      tpu.wait_dma2 semaphore(%run_scoped3A : memref<!tpu.dma_semaphore, #tpu.memory_space<semaphore_mem>>) src(%arg4 : memref<40000xf32, #tpu.memory_space<hbm>>) dst(%arg8 : memref<40000xf32, #tpu.memory_space<vmem>>)
      tpu.yield
    }) : () -> ()
    %iota3A = tpu.iota {dimensions = array<i32: 0>} : vector<16xi32>
    %scan3A = arith.constant 0 : i32
    %scan3A_1 = arith.constant 0 : i32
    %scan3A_2 = arith.constant 10 : i32
    %scan3A_3 = arith.addi %scan3A_1, %scan3A_2 : i32
    %scan3A_4 = arith.constant 1 : i32
    scf.for %scan3A_6 = %scan3A_1 to %scan3A_3 step %scan3A_4  : i32 {
      %mul3A_7 = arith.constant 32 : i32
      %mul3A_8 = arith.muli %scan3A_6, %mul3A_7 : i32
      %add3A_9 = arith.addi %add3A, %mul3A_8 : i32
      %mul3A_10 = arith.constant 1000 : i32
      %mul3A_11 = arith.muli %add3A_9, %mul3A_10 : i32
      "tpu.region"() ({
        %run_scoped3A = tpu.sem_alloc : memref<!tpu.dma_semaphore, #tpu.memory_space<semaphore_mem>>
        %dma_start3A = tpu.memref_slice %arg2[%mul3A_11] : memref<320000xi32, #tpu.memory_space<hbm>> -> memref<1000xi32, #tpu.memory_space<hbm>>
        %dma_start3A_203 = tpu.memref_slice %arg2[%mul3A_11] : memref<320000xi32, #tpu.memory_space<hbm>> -> memref<1000xi32, #tpu.memory_space<hbm>>
        tpu.enqueue_dma source(%dma_start3A_203 : memref<1000xi32, #tpu.memory_space<hbm>>) target(%arg6 : memref<1000xi32, #tpu.memory_space<vmem>>) target_semaphore(%run_scoped3A : memref<!tpu.dma_semaphore, #tpu.memory_space<semaphore_mem>>)
        %dma_wait3A = tpu.memref_slice %arg2[%mul3A_11] : memref<320000xi32, #tpu.memory_space<hbm>> -> memref<1000xi32, #tpu.memory_space<hbm>>
        %dma_wait3A_204 = tpu.memref_slice %arg2[%mul3A_11] : memref<320000xi32, #tpu.memory_space<hbm>> -> memref<1000xi32, #tpu.memory_space<hbm>>
        tpu.wait_dma2 semaphore(%run_scoped3A : memref<!tpu.dma_semaphore, #tpu.memory_space<semaphore_mem>>) src(%dma_wait3A_204 : memref<1000xi32, #tpu.memory_space<hbm>>) dst(%arg6 : memref<1000xi32, #tpu.memory_space<vmem>>)
        tpu.yield
      }) : () -> ()
      "tpu.region"() ({
        %run_scoped3A = tpu.sem_alloc : memref<!tpu.dma_semaphore, #tpu.memory_space<semaphore_mem>>
        %dma_start3A = tpu.memref_slice %arg3[%mul3A_11] : memref<320000xi32, #tpu.memory_space<hbm>> -> memref<1000xi32, #tpu.memory_space<hbm>>
        %dma_start3A_203 = tpu.memref_slice %arg3[%mul3A_11] : memref<320000xi32, #tpu.memory_space<hbm>> -> memref<1000xi32, #tpu.memory_space<hbm>>
        tpu.enqueue_dma source(%dma_start3A_203 : memref<1000xi32, #tpu.memory_space<hbm>>) target(%arg7 : memref<1000xi32, #tpu.memory_space<vmem>>) target_semaphore(%run_scoped3A : memref<!tpu.dma_semaphore, #tpu.memory_space<semaphore_mem>>)
        %dma_wait3A = tpu.memref_slice %arg3[%mul3A_11] : memref<320000xi32, #tpu.memory_space<hbm>> -> memref<1000xi32, #tpu.memory_space<hbm>>
        %dma_wait3A_204 = tpu.memref_slice %arg3[%mul3A_11] : memref<320000xi32, #tpu.memory_space<hbm>> -> memref<1000xi32, #tpu.memory_space<hbm>>
        tpu.wait_dma2 semaphore(%run_scoped3A : memref<!tpu.dma_semaphore, #tpu.memory_space<semaphore_mem>>) src(%dma_wait3A_204 : memref<1000xi32, #tpu.memory_space<hbm>>) dst(%arg7 : memref<1000xi32, #tpu.memory_space<vmem>>)
        tpu.yield
      }) : () -> ()
      %scan3A_12 = arith.constant 0 : i32
      %scan3A_13 = arith.constant 0 : i32
      %scan3A_14 = arith.constant 60 : i32
      %scan3A_15 = arith.addi %scan3A_13, %scan3A_14 : i32
      %scan3A_16 = arith.constant 5 : i32
      scf.for %scan3A_203 = %scan3A_13 to %scan3A_15 step %scan3A_16  : i32 {
        %mul3A_204 = arith.constant 16 : i32
        %mul3A_205 = arith.muli %scan3A_203, %mul3A_204 : i32
        %get3A_206 = arith.index_cast %mul3A_205 : i32 to index
        %get3A_207 = tpu.vector_load %arg6[%get3A_206] {strides = array<i32>} : memref<1000xi32, #tpu.memory_space<vmem>>, vector<16xi32>,
        %mul3A_208 = arith.constant 4 : i32
        %mul3A_209 = vector.broadcast %mul3A_208 : i32 to vector<16xi32>
        %mul3A_210 = arith.muli %get3A_207, %mul3A_209 : vector<16xi32>
        %get3A_211 = arith.index_cast %mul3A_205 : i32 to index
        %get3A_212 = tpu.vector_load %arg7[%get3A_211] {strides = array<i32>} : memref<1000xi32, #tpu.memory_space<vmem>>, vector<16xi32>,
        %mul3A_213 = arith.constant 4 : i32
        %mul3A_214 = vector.broadcast %mul3A_213 : i32 to vector<16xi32>
        %mul3A_215 = arith.muli %get3A_212, %mul3A_214 : vector<16xi32>
        %gather3A_216 = tpu.vector_load_idx %arg8[%mul3A_210] : memref<40000xf32, #tpu.memory_space<vmem>>[vector<16xi32>], vector<16xf32>,
        %gather3A_217 = tpu.vector_load_idx %arg8[%mul3A_215] : memref<40000xf32, #tpu.memory_space<vmem>>[vector<16xi32>], vector<16xf32>,
        %sub3A_218 = arith.subf %gather3A_216, %gather3A_217 : vector<16xf32>
        %add3A_219 = arith.constant 1 : i32
        %add3A_220 = vector.broadcast %add3A_219 : i32 to vector<16xi32>
        %add3A_221 = arith.addi %mul3A_210, %add3A_220 : vector<16xi32>
        %gather3A_222 = tpu.vector_load_idx %arg8[%add3A_221] : memref<40000xf32, #tpu.memory_space<vmem>>[vector<16xi32>], vector<16xf32>,
        %add3A_223 = arith.constant 1 : i32
        %add3A_224 = vector.broadcast %add3A_223 : i32 to vector<16xi32>
        %add3A_225 = arith.addi %mul3A_215, %add3A_224 : vector<16xi32>
        %gather3A_226 = tpu.vector_load_idx %arg8[%add3A_225] : memref<40000xf32, #tpu.memory_space<vmem>>[vector<16xi32>], vector<16xf32>,
        %sub3A_227 = arith.subf %gather3A_222, %gather3A_226 : vector<16xf32>
        %add3A_228 = arith.constant 2 : i32
        %add3A_229 = vector.broadcast %add3A_228 : i32 to vector<16xi32>
        %add3A_230 = arith.addi %mul3A_210, %add3A_229 : vector<16xi32>
        %gather3A_231 = tpu.vector_load_idx %arg8[%add3A_230] : memref<40000xf32, #tpu.memory_space<vmem>>[vector<16xi32>], vector<16xf32>,
        %add3A_232 = arith.constant 2 : i32
        %add3A_233 = vector.broadcast %add3A_232 : i32 to vector<16xi32>
        %add3A_234 = arith.addi %mul3A_215, %add3A_233 : vector<16xi32>
        %gather3A_235 = tpu.vector_load_idx %arg8[%add3A_234] : memref<40000xf32, #tpu.memory_space<vmem>>[vector<16xi32>], vector<16xf32>,
        %sub3A_236 = arith.subf %gather3A_231, %gather3A_235 : vector<16xf32>
        %mul3A_237 = arith.mulf %sub3A_218, %sub3A_218 : vector<16xf32>
        %mul3A_238 = arith.mulf %sub3A_227, %sub3A_227 : vector<16xf32>
        %add3A_239 = arith.addf %mul3A_237, %mul3A_238 : vector<16xf32>
        %mul3A_240 = arith.mulf %sub3A_236, %sub3A_236 : vector<16xf32>
        %add3A_241 = arith.addf %add3A_239, %mul3A_240 : vector<16xf32>
        %add3A_242 = vector.broadcast %mul3A_205 : i32 to vector<16xi32>
        %add3A_243 = arith.addi %add3A_242, %iota3A : vector<16xi32>
        %mul3A_244 = arith.constant 16 : i32
        %mul3A_245 = vector.broadcast %mul3A_244 : i32 to vector<16xi32>
        %mul3A_246 = arith.muli %add3A_243, %mul3A_245 : vector<16xi32>
        %add3A_247 = arith.constant 0 : i32
        %add3A_248 = vector.broadcast %add3A_247 : i32 to vector<16xi32>
        %add3A_249 = arith.addi %mul3A_246, %add3A_248 : vector<16xi32>
        tpu.vector_store_idx %arg9[%add3A_249], %add3A_241 : memref<16000xf32, #tpu.memory_space<vmem>>[vector<16xi32>], vector<16xf32>,
        %add3A_250 = arith.constant 1 : i32
        %add3A_251 = vector.broadcast %add3A_250 : i32 to vector<16xi32>
        %add3A_252 = arith.addi %mul3A_246, %add3A_251 : vector<16xi32>
        tpu.vector_store_idx %arg9[%add3A_252], %add3A_241 : memref<16000xf32, #tpu.memory_space<vmem>>[vector<16xi32>], vector<16xf32>,
        %add3A_253 = arith.constant 2 : i32
        %add3A_254 = vector.broadcast %add3A_253 : i32 to vector<16xi32>
        %add3A_255 = arith.addi %mul3A_246, %add3A_254 : vector<16xi32>
        tpu.vector_store_idx %arg9[%add3A_255], %add3A_241 : memref<16000xf32, #tpu.memory_space<vmem>>[vector<16xi32>], vector<16xf32>,
        %add3A_256 = arith.constant 3 : i32
        %add3A_257 = vector.broadcast %add3A_256 : i32 to vector<16xi32>
        %add3A_258 = arith.addi %mul3A_246, %add3A_257 : vector<16xi32>
        tpu.vector_store_idx %arg9[%add3A_258], %add3A_241 : memref<16000xf32, #tpu.memory_space<vmem>>[vector<16xi32>], vector<16xf32>,
        %add3A_259 = arith.constant 4 : i32
        %add3A_260 = vector.broadcast %add3A_259 : i32 to vector<16xi32>
        %add3A_261 = arith.addi %mul3A_246, %add3A_260 : vector<16xi32>
        tpu.vector_store_idx %arg9[%add3A_261], %add3A_241 : memref<16000xf32, #tpu.memory_space<vmem>>[vector<16xi32>], vector<16xf32>,
        %add3A_262 = arith.constant 5 : i32
        %add3A_263 = vector.broadcast %add3A_262 : i32 to vector<16xi32>
        %add3A_264 = arith.addi %mul3A_246, %add3A_263 : vector<16xi32>
        tpu.vector_store_idx %arg9[%add3A_264], %add3A_241 : memref<16000xf32, #tpu.memory_space<vmem>>[vector<16xi32>], vector<16xf32>,
        %add3A_265 = arith.constant 6 : i32
        %add3A_266 = vector.broadcast %add3A_265 : i32 to vector<16xi32>
        %add3A_267 = arith.addi %mul3A_246, %add3A_266 : vector<16xi32>
        tpu.vector_store_idx %arg9[%add3A_267], %add3A_241 : memref<16000xf32, #tpu.memory_space<vmem>>[vector<16xi32>], vector<16xf32>,
        %add3A_268 = arith.constant 7 : i32
        %add3A_269 = vector.broadcast %add3A_268 : i32 to vector<16xi32>
        %add3A_270 = arith.addi %mul3A_246, %add3A_269 : vector<16xi32>
        tpu.vector_store_idx %arg9[%add3A_270], %add3A_241 : memref<16000xf32, #tpu.memory_space<vmem>>[vector<16xi32>], vector<16xf32>,
        %add3A_271 = arith.constant 8 : i32
        %add3A_272 = vector.broadcast %add3A_271 : i32 to vector<16xi32>
        %add3A_273 = arith.addi %mul3A_246, %add3A_272 : vector<16xi32>
        tpu.vector_store_idx %arg9[%add3A_273], %add3A_241 : memref<16000xf32, #tpu.memory_space<vmem>>[vector<16xi32>], vector<16xf32>,
        %add3A_274 = arith.constant 9 : i32
        %add3A_275 = vector.broadcast %add3A_274 : i32 to vector<16xi32>
        %add3A_276 = arith.addi %mul3A_246, %add3A_275 : vector<16xi32>
        tpu.vector_store_idx %arg9[%add3A_276], %add3A_241 : memref<16000xf32, #tpu.memory_space<vmem>>[vector<16xi32>], vector<16xf32>,
        %add3A_277 = arith.constant 10 : i32
        %add3A_278 = vector.broadcast %add3A_277 : i32 to vector<16xi32>
        %add3A_279 = arith.addi %mul3A_246, %add3A_278 : vector<16xi32>
        tpu.vector_store_idx %arg9[%add3A_279], %add3A_241 : memref<16000xf32, #tpu.memory_space<vmem>>[vector<16xi32>], vector<16xf32>,
        %add3A_280 = arith.constant 11 : i32
        %add3A_281 = vector.broadcast %add3A_280 : i32 to vector<16xi32>
        %add3A_282 = arith.addi %mul3A_246, %add3A_281 : vector<16xi32>
        tpu.vector_store_idx %arg9[%add3A_282], %add3A_241 : memref<16000xf32, #tpu.memory_space<vmem>>[vector<16xi32>], vector<16xf32>,
        %add3A_283 = arith.constant 12 : i32
        %add3A_284 = vector.broadcast %add3A_283 : i32 to vector<16xi32>
        %add3A_285 = arith.addi %mul3A_246, %add3A_284 : vector<16xi32>
        tpu.vector_store_idx %arg9[%add3A_285], %add3A_241 : memref<16000xf32, #tpu.memory_space<vmem>>[vector<16xi32>], vector<16xf32>,
        %add3A_286 = arith.constant 13 : i32
        %add3A_287 = vector.broadcast %add3A_286 : i32 to vector<16xi32>
        %add3A_288 = arith.addi %mul3A_246, %add3A_287 : vector<16xi32>
        tpu.vector_store_idx %arg9[%add3A_288], %add3A_241 : memref<16000xf32, #tpu.memory_space<vmem>>[vector<16xi32>], vector<16xf32>,
        %add3A_289 = arith.constant 14 : i32
        %add3A_290 = vector.broadcast %add3A_289 : i32 to vector<16xi32>
        %add3A_291 = arith.addi %mul3A_246, %add3A_290 : vector<16xi32>
        tpu.vector_store_idx %arg9[%add3A_291], %add3A_241 : memref<16000xf32, #tpu.memory_space<vmem>>[vector<16xi32>], vector<16xf32>,
        %add3A_292 = arith.constant 15 : i32
        %add3A_293 = vector.broadcast %add3A_292 : i32 to vector<16xi32>
        %add3A_294 = arith.addi %mul3A_246, %add3A_293 : vector<16xi32>
        tpu.vector_store_idx %arg9[%add3A_294], %add3A_241 : memref<16000xf32, #tpu.memory_space<vmem>>[vector<16xi32>], vector<16xf32>,
        %scan3A_295 = arith.constant 1 : i32
        %scan3A_296 = arith.addi %scan3A_203, %scan3A_295 : i32
        %mul3A_297 = arith.constant 16 : i32
        %mul3A_298 = arith.muli %scan3A_296, %mul3A_297 : i32
        %get3A_299 = arith.index_cast %mul3A_298 : i32 to index
        %get3A_300 = tpu.vector_load %arg6[%get3A_299] {strides = array<i32>} : memref<1000xi32, #tpu.memory_space<vmem>>, vector<16xi32>,
        %mul3A_301 = arith.constant 4 : i32
        %mul3A_302 = vector.broadcast %mul3A_301 : i32 to vector<16xi32>
        %mul3A_303 = arith.muli %get3A_300, %mul3A_302 : vector<16xi32>
        %get3A_304 = arith.index_cast %mul3A_298 : i32 to index
        %get3A_305 = tpu.vector_load %arg7[%get3A_304] {strides = array<i32>} : memref<1000xi32, #tpu.memory_space<vmem>>, vector<16xi32>,
        %mul3A_306 = arith.constant 4 : i32
        %mul3A_307 = vector.broadcast %mul3A_306 : i32 to vector<16xi32>
        %mul3A_308 = arith.muli %get3A_305, %mul3A_307 : vector<16xi32>
        %gather3A_309 = tpu.vector_load_idx %arg8[%mul3A_303] : memref<40000xf32, #tpu.memory_space<vmem>>[vector<16xi32>], vector<16xf32>,
        %gather3A_310 = tpu.vector_load_idx %arg8[%mul3A_308] : memref<40000xf32, #tpu.memory_space<vmem>>[vector<16xi32>], vector<16xf32>,
        %sub3A_311 = arith.subf %gather3A_309, %gather3A_310 : vector<16xf32>
        %add3A_312 = arith.constant 1 : i32
        %add3A_313 = vector.broadcast %add3A_312 : i32 to vector<16xi32>
        %add3A_314 = arith.addi %mul3A_303, %add3A_313 : vector<16xi32>
        %gather3A_315 = tpu.vector_load_idx %arg8[%add3A_314] : memref<40000xf32, #tpu.memory_space<vmem>>[vector<16xi32>], vector<16xf32>,
        %add3A_316 = arith.constant 1 : i32
        %add3A_317 = vector.broadcast %add3A_316 : i32 to vector<16xi32>
        %add3A_318 = arith.addi %mul3A_308, %add3A_317 : vector<16xi32>
        %gather3A_319 = tpu.vector_load_idx %arg8[%add3A_318] : memref<40000xf32, #tpu.memory_space<vmem>>[vector<16xi32>], vector<16xf32>,
        %sub3A_320 = arith.subf %gather3A_315, %gather3A_319 : vector<16xf32>
        %add3A_321 = arith.constant 2 : i32
        %add3A_322 = vector.broadcast %add3A_321 : i32 to vector<16xi32>
        %add3A_323 = arith.addi %mul3A_303, %add3A_322 : vector<16xi32>
        %gather3A_324 = tpu.vector_load_idx %arg8[%add3A_323] : memref<40000xf32, #tpu.memory_space<vmem>>[vector<16xi32>], vector<16xf32>,
        %add3A_325 = arith.constant 2 : i32
        %add3A_326 = vector.broadcast %add3A_325 : i32 to vector<16xi32>
        %add3A_327 = arith.addi %mul3A_308, %add3A_326 : vector<16xi32>
        %gather3A_328 = tpu.vector_load_idx %arg8[%add3A_327] : memref<40000xf32, #tpu.memory_space<vmem>>[vector<16xi32>], vector<16xf32>,
        %sub3A_329 = arith.subf %gather3A_324, %gather3A_328 : vector<16xf32>
        %mul3A_330 = arith.mulf %sub3A_311, %sub3A_311 : vector<16xf32>
        %mul3A_331 = arith.mulf %sub3A_320, %sub3A_320 : vector<16xf32>
        %add3A_332 = arith.addf %mul3A_330, %mul3A_331 : vector<16xf32>
        %mul3A_333 = arith.mulf %sub3A_329, %sub3A_329 : vector<16xf32>
        %add3A_334 = arith.addf %add3A_332, %mul3A_333 : vector<16xf32>
        %add3A_335 = vector.broadcast %mul3A_298 : i32 to vector<16xi32>
        %add3A_336 = arith.addi %add3A_335, %iota3A : vector<16xi32>
        %mul3A_337 = arith.constant 16 : i32
        %mul3A_338 = vector.broadcast %mul3A_337 : i32 to vector<16xi32>
        %mul3A_339 = arith.muli %add3A_336, %mul3A_338 : vector<16xi32>
        %add3A_340 = arith.constant 0 : i32
        %add3A_341 = vector.broadcast %add3A_340 : i32 to vector<16xi32>
        %add3A_342 = arith.addi %mul3A_339, %add3A_341 : vector<16xi32>
        tpu.vector_store_idx %arg9[%add3A_342], %add3A_334 : memref<16000xf32, #tpu.memory_space<vmem>>[vector<16xi32>], vector<16xf32>,
        %add3A_343 = arith.constant 1 : i32
        %add3A_344 = vector.broadcast %add3A_343 : i32 to vector<16xi32>
        %add3A_345 = arith.addi %mul3A_339, %add3A_344 : vector<16xi32>
        tpu.vector_store_idx %arg9[%add3A_345], %add3A_334 : memref<16000xf32, #tpu.memory_space<vmem>>[vector<16xi32>], vector<16xf32>,
        %add3A_346 = arith.constant 2 : i32
        %add3A_347 = vector.broadcast %add3A_346 : i32 to vector<16xi32>
        %add3A_348 = arith.addi %mul3A_339, %add3A_347 : vector<16xi32>
        tpu.vector_store_idx %arg9[%add3A_348], %add3A_334 : memref<16000xf32, #tpu.memory_space<vmem>>[vector<16xi32>], vector<16xf32>,
        %add3A_349 = arith.constant 3 : i32
        %add3A_350 = vector.broadcast %add3A_349 : i32 to vector<16xi32>
        %add3A_351 = arith.addi %mul3A_339, %add3A_350 : vector<16xi32>
        tpu.vector_store_idx %arg9[%add3A_351], %add3A_334 : memref<16000xf32, #tpu.memory_space<vmem>>[vector<16xi32>], vector<16xf32>,
        %add3A_352 = arith.constant 4 : i32
        %add3A_353 = vector.broadcast %add3A_352 : i32 to vector<16xi32>
        %add3A_354 = arith.addi %mul3A_339, %add3A_353 : vector<16xi32>
        tpu.vector_store_idx %arg9[%add3A_354], %add3A_334 : memref<16000xf32, #tpu.memory_space<vmem>>[vector<16xi32>], vector<16xf32>,
        %add3A_355 = arith.constant 5 : i32
        %add3A_356 = vector.broadcast %add3A_355 : i32 to vector<16xi32>
        %add3A_357 = arith.addi %mul3A_339, %add3A_356 : vector<16xi32>
        tpu.vector_store_idx %arg9[%add3A_357], %add3A_334 : memref<16000xf32, #tpu.memory_space<vmem>>[vector<16xi32>], vector<16xf32>,
        %add3A_358 = arith.constant 6 : i32
        %add3A_359 = vector.broadcast %add3A_358 : i32 to vector<16xi32>
        %add3A_360 = arith.addi %mul3A_339, %add3A_359 : vector<16xi32>
        tpu.vector_store_idx %arg9[%add3A_360], %add3A_334 : memref<16000xf32, #tpu.memory_space<vmem>>[vector<16xi32>], vector<16xf32>,
        %add3A_361 = arith.constant 7 : i32
        %add3A_362 = vector.broadcast %add3A_361 : i32 to vector<16xi32>
        %add3A_363 = arith.addi %mul3A_339, %add3A_362 : vector<16xi32>
        tpu.vector_store_idx %arg9[%add3A_363], %add3A_334 : memref<16000xf32, #tpu.memory_space<vmem>>[vector<16xi32>], vector<16xf32>,
        %add3A_364 = arith.constant 8 : i32
        %add3A_365 = vector.broadcast %add3A_364 : i32 to vector<16xi32>
        %add3A_366 = arith.addi %mul3A_339, %add3A_365 : vector<16xi32>
        tpu.vector_store_idx %arg9[%add3A_366], %add3A_334 : memref<16000xf32, #tpu.memory_space<vmem>>[vector<16xi32>], vector<16xf32>,
        %add3A_367 = arith.constant 9 : i32
        %add3A_368 = vector.broadcast %add3A_367 : i32 to vector<16xi32>
        %add3A_369 = arith.addi %mul3A_339, %add3A_368 : vector<16xi32>
        tpu.vector_store_idx %arg9[%add3A_369], %add3A_334 : memref<16000xf32, #tpu.memory_space<vmem>>[vector<16xi32>], vector<16xf32>,
        %add3A_370 = arith.constant 10 : i32
        %add3A_371 = vector.broadcast %add3A_370 : i32 to vector<16xi32>
        %add3A_372 = arith.addi %mul3A_339, %add3A_371 : vector<16xi32>
        tpu.vector_store_idx %arg9[%add3A_372], %add3A_334 : memref<16000xf32, #tpu.memory_space<vmem>>[vector<16xi32>], vector<16xf32>,
        %add3A_373 = arith.constant 11 : i32
        %add3A_374 = vector.broadcast %add3A_373 : i32 to vector<16xi32>
        %add3A_375 = arith.addi %mul3A_339, %add3A_374 : vector<16xi32>
        tpu.vector_store_idx %arg9[%add3A_375], %add3A_334 : memref<16000xf32, #tpu.memory_space<vmem>>[vector<16xi32>], vector<16xf32>,
        %add3A_376 = arith.constant 12 : i32
        %add3A_377 = vector.broadcast %add3A_376 : i32 to vector<16xi32>
        %add3A_378 = arith.addi %mul3A_339, %add3A_377 : vector<16xi32>
        tpu.vector_store_idx %arg9[%add3A_378], %add3A_334 : memref<16000xf32, #tpu.memory_space<vmem>>[vector<16xi32>], vector<16xf32>,
        %add3A_379 = arith.constant 13 : i32
        %add3A_380 = vector.broadcast %add3A_379 : i32 to vector<16xi32>
        %add3A_381 = arith.addi %mul3A_339, %add3A_380 : vector<16xi32>
        tpu.vector_store_idx %arg9[%add3A_381], %add3A_334 : memref<16000xf32, #tpu.memory_space<vmem>>[vector<16xi32>], vector<16xf32>,
        %add3A_382 = arith.constant 14 : i32
        %add3A_383 = vector.broadcast %add3A_382 : i32 to vector<16xi32>
        %add3A_384 = arith.addi %mul3A_339, %add3A_383 : vector<16xi32>
        tpu.vector_store_idx %arg9[%add3A_384], %add3A_334 : memref<16000xf32, #tpu.memory_space<vmem>>[vector<16xi32>], vector<16xf32>,
        %add3A_385 = arith.constant 15 : i32
        %add3A_386 = vector.broadcast %add3A_385 : i32 to vector<16xi32>
        %add3A_387 = arith.addi %mul3A_339, %add3A_386 : vector<16xi32>
        tpu.vector_store_idx %arg9[%add3A_387], %add3A_334 : memref<16000xf32, #tpu.memory_space<vmem>>[vector<16xi32>], vector<16xf32>,
        %scan3A_388 = arith.constant 2 : i32
        %scan3A_389 = arith.addi %scan3A_203, %scan3A_388 : i32
        %mul3A_390 = arith.constant 16 : i32
        %mul3A_391 = arith.muli %scan3A_389, %mul3A_390 : i32
        %get3A_392 = arith.index_cast %mul3A_391 : i32 to index
        %get3A_393 = tpu.vector_load %arg6[%get3A_392] {strides = array<i32>} : memref<1000xi32, #tpu.memory_space<vmem>>, vector<16xi32>,
        %mul3A_394 = arith.constant 4 : i32
        %mul3A_395 = vector.broadcast %mul3A_394 : i32 to vector<16xi32>
        %mul3A_396 = arith.muli %get3A_393, %mul3A_395 : vector<16xi32>
        %get3A_397 = arith.index_cast %mul3A_391 : i32 to index
        %get3A_398 = tpu.vector_load %arg7[%get3A_397] {strides = array<i32>} : memref<1000xi32, #tpu.memory_space<vmem>>, vector<16xi32>,
        %mul3A_399 = arith.constant 4 : i32
        %mul3A_400 = vector.broadcast %mul3A_399 : i32 to vector<16xi32>
        %mul3A_401 = arith.muli %get3A_398, %mul3A_400 : vector<16xi32>
        %gather3A_402 = tpu.vector_load_idx %arg8[%mul3A_396] : memref<40000xf32, #tpu.memory_space<vmem>>[vector<16xi32>], vector<16xf32>,
        %gather3A_403 = tpu.vector_load_idx %arg8[%mul3A_401] : memref<40000xf32, #tpu.memory_space<vmem>>[vector<16xi32>], vector<16xf32>,
        %sub3A_404 = arith.subf %gather3A_402, %gather3A_403 : vector<16xf32>
        %add3A_405 = arith.constant 1 : i32
        %add3A_406 = vector.broadcast %add3A_405 : i32 to vector<16xi32>
        %add3A_407 = arith.addi %mul3A_396, %add3A_406 : vector<16xi32>
        %gather3A_408 = tpu.vector_load_idx %arg8[%add3A_407] : memref<40000xf32, #tpu.memory_space<vmem>>[vector<16xi32>], vector<16xf32>,
        %add3A_409 = arith.constant 1 : i32
        %add3A_410 = vector.broadcast %add3A_409 : i32 to vector<16xi32>
        %add3A_411 = arith.addi %mul3A_401, %add3A_410 : vector<16xi32>
        %gather3A_412 = tpu.vector_load_idx %arg8[%add3A_411] : memref<40000xf32, #tpu.memory_space<vmem>>[vector<16xi32>], vector<16xf32>,
        %sub3A_413 = arith.subf %gather3A_408, %gather3A_412 : vector<16xf32>
        %add3A_414 = arith.constant 2 : i32
        %add3A_415 = vector.broadcast %add3A_414 : i32 to vector<16xi32>
        %add3A_416 = arith.addi %mul3A_396, %add3A_415 : vector<16xi32>
        %gather3A_417 = tpu.vector_load_idx %arg8[%add3A_416] : memref<40000xf32, #tpu.memory_space<vmem>>[vector<16xi32>], vector<16xf32>,
        %add3A_418 = arith.constant 2 : i32
        %add3A_419 = vector.broadcast %add3A_418 : i32 to vector<16xi32>
        %add3A_420 = arith.addi %mul3A_401, %add3A_419 : vector<16xi32>
        %gather3A_421 = tpu.vector_load_idx %arg8[%add3A_420] : memref<40000xf32, #tpu.memory_space<vmem>>[vector<16xi32>], vector<16xf32>,
        %sub3A_422 = arith.subf %gather3A_417, %gather3A_421 : vector<16xf32>
        %mul3A_423 = arith.mulf %sub3A_404, %sub3A_404 : vector<16xf32>
        %mul3A_424 = arith.mulf %sub3A_413, %sub3A_413 : vector<16xf32>
        %add3A_425 = arith.addf %mul3A_423, %mul3A_424 : vector<16xf32>
        %mul3A_426 = arith.mulf %sub3A_422, %sub3A_422 : vector<16xf32>
        %add3A_427 = arith.addf %add3A_425, %mul3A_426 : vector<16xf32>
        %add3A_428 = vector.broadcast %mul3A_391 : i32 to vector<16xi32>
        %add3A_429 = arith.addi %add3A_428, %iota3A : vector<16xi32>
        %mul3A_430 = arith.constant 16 : i32
        %mul3A_431 = vector.broadcast %mul3A_430 : i32 to vector<16xi32>
        %mul3A_432 = arith.muli %add3A_429, %mul3A_431 : vector<16xi32>
        %add3A_433 = arith.constant 0 : i32
        %add3A_434 = vector.broadcast %add3A_433 : i32 to vector<16xi32>
        %add3A_435 = arith.addi %mul3A_432, %add3A_434 : vector<16xi32>
        tpu.vector_store_idx %arg9[%add3A_435], %add3A_427 : memref<16000xf32, #tpu.memory_space<vmem>>[vector<16xi32>], vector<16xf32>,
        %add3A_436 = arith.constant 1 : i32
        %add3A_437 = vector.broadcast %add3A_436 : i32 to vector<16xi32>
        %add3A_438 = arith.addi %mul3A_432, %add3A_437 : vector<16xi32>
        tpu.vector_store_idx %arg9[%add3A_438], %add3A_427 : memref<16000xf32, #tpu.memory_space<vmem>>[vector<16xi32>], vector<16xf32>,
        %add3A_439 = arith.constant 2 : i32
        %add3A_440 = vector.broadcast %add3A_439 : i32 to vector<16xi32>
        %add3A_441 = arith.addi %mul3A_432, %add3A_440 : vector<16xi32>
        tpu.vector_store_idx %arg9[%add3A_441], %add3A_427 : memref<16000xf32, #tpu.memory_space<vmem>>[vector<16xi32>], vector<16xf32>,
        %add3A_442 = arith.constant 3 : i32
        %add3A_443 = vector.broadcast %add3A_442 : i32 to vector<16xi32>
        %add3A_444 = arith.addi %mul3A_432, %add3A_443 : vector<16xi32>
        tpu.vector_store_idx %arg9[%add3A_444], %add3A_427 : memref<16000xf32, #tpu.memory_space<vmem>>[vector<16xi32>], vector<16xf32>,
        %add3A_445 = arith.constant 4 : i32
        %add3A_446 = vector.broadcast %add3A_445 : i32 to vector<16xi32>
        %add3A_447 = arith.addi %mul3A_432, %add3A_446 : vector<16xi32>
        tpu.vector_store_idx %arg9[%add3A_447], %add3A_427 : memref<16000xf32, #tpu.memory_space<vmem>>[vector<16xi32>], vector<16xf32>,
        %add3A_448 = arith.constant 5 : i32
        %add3A_449 = vector.broadcast %add3A_448 : i32 to vector<16xi32>
        %add3A_450 = arith.addi %mul3A_432, %add3A_449 : vector<16xi32>
        tpu.vector_store_idx %arg9[%add3A_450], %add3A_427 : memref<16000xf32, #tpu.memory_space<vmem>>[vector<16xi32>], vector<16xf32>,
        %add3A_451 = arith.constant 6 : i32
        %add3A_452 = vector.broadcast %add3A_451 : i32 to vector<16xi32>
        %add3A_453 = arith.addi %mul3A_432, %add3A_452 : vector<16xi32>
        tpu.vector_store_idx %arg9[%add3A_453], %add3A_427 : memref<16000xf32, #tpu.memory_space<vmem>>[vector<16xi32>], vector<16xf32>,
        %add3A_454 = arith.constant 7 : i32
        %add3A_455 = vector.broadcast %add3A_454 : i32 to vector<16xi32>
        %add3A_456 = arith.addi %mul3A_432, %add3A_455 : vector<16xi32>
        tpu.vector_store_idx %arg9[%add3A_456], %add3A_427 : memref<16000xf32, #tpu.memory_space<vmem>>[vector<16xi32>], vector<16xf32>,
        %add3A_457 = arith.constant 8 : i32
        %add3A_458 = vector.broadcast %add3A_457 : i32 to vector<16xi32>
        %add3A_459 = arith.addi %mul3A_432, %add3A_458 : vector<16xi32>
        tpu.vector_store_idx %arg9[%add3A_459], %add3A_427 : memref<16000xf32, #tpu.memory_space<vmem>>[vector<16xi32>], vector<16xf32>,
        %add3A_460 = arith.constant 9 : i32
        %add3A_461 = vector.broadcast %add3A_460 : i32 to vector<16xi32>
        %add3A_462 = arith.addi %mul3A_432, %add3A_461 : vector<16xi32>
        tpu.vector_store_idx %arg9[%add3A_462], %add3A_427 : memref<16000xf32, #tpu.memory_space<vmem>>[vector<16xi32>], vector<16xf32>,
        %add3A_463 = arith.constant 10 : i32
        %add3A_464 = vector.broadcast %add3A_463 : i32 to vector<16xi32>
        %add3A_465 = arith.addi %mul3A_432, %add3A_464 : vector<16xi32>
        tpu.vector_store_idx %arg9[%add3A_465], %add3A_427 : memref<16000xf32, #tpu.memory_space<vmem>>[vector<16xi32>], vector<16xf32>,
        %add3A_466 = arith.constant 11 : i32
        %add3A_467 = vector.broadcast %add3A_466 : i32 to vector<16xi32>
        %add3A_468 = arith.addi %mul3A_432, %add3A_467 : vector<16xi32>
        tpu.vector_store_idx %arg9[%add3A_468], %add3A_427 : memref<16000xf32, #tpu.memory_space<vmem>>[vector<16xi32>], vector<16xf32>,
        %add3A_469 = arith.constant 12 : i32
        %add3A_470 = vector.broadcast %add3A_469 : i32 to vector<16xi32>
        %add3A_471 = arith.addi %mul3A_432, %add3A_470 : vector<16xi32>
        tpu.vector_store_idx %arg9[%add3A_471], %add3A_427 : memref<16000xf32, #tpu.memory_space<vmem>>[vector<16xi32>], vector<16xf32>,
        %add3A_472 = arith.constant 13 : i32
        %add3A_473 = vector.broadcast %add3A_472 : i32 to vector<16xi32>
        %add3A_474 = arith.addi %mul3A_432, %add3A_473 : vector<16xi32>
        tpu.vector_store_idx %arg9[%add3A_474], %add3A_427 : memref<16000xf32, #tpu.memory_space<vmem>>[vector<16xi32>], vector<16xf32>,
        %add3A_475 = arith.constant 14 : i32
        %add3A_476 = vector.broadcast %add3A_475 : i32 to vector<16xi32>
        %add3A_477 = arith.addi %mul3A_432, %add3A_476 : vector<16xi32>
        tpu.vector_store_idx %arg9[%add3A_477], %add3A_427 : memref<16000xf32, #tpu.memory_space<vmem>>[vector<16xi32>], vector<16xf32>,
        %add3A_478 = arith.constant 15 : i32
        %add3A_479 = vector.broadcast %add3A_478 : i32 to vector<16xi32>
        %add3A_480 = arith.addi %mul3A_432, %add3A_479 : vector<16xi32>
        tpu.vector_store_idx %arg9[%add3A_480], %add3A_427 : memref<16000xf32, #tpu.memory_space<vmem>>[vector<16xi32>], vector<16xf32>,
        %scan3A_481 = arith.constant 3 : i32
        %scan3A_482 = arith.addi %scan3A_203, %scan3A_481 : i32
        %mul3A_483 = arith.constant 16 : i32
        %mul3A_484 = arith.muli %scan3A_482, %mul3A_483 : i32
        %get3A_485 = arith.index_cast %mul3A_484 : i32 to index
        %get3A_486 = tpu.vector_load %arg6[%get3A_485] {strides = array<i32>} : memref<1000xi32, #tpu.memory_space<vmem>>, vector<16xi32>,
        %mul3A_487 = arith.constant 4 : i32
        %mul3A_488 = vector.broadcast %mul3A_487 : i32 to vector<16xi32>
        %mul3A_489 = arith.muli %get3A_486, %mul3A_488 : vector<16xi32>
        %get3A_490 = arith.index_cast %mul3A_484 : i32 to index
        %get3A_491 = tpu.vector_load %arg7[%get3A_490] {strides = array<i32>} : memref<1000xi32, #tpu.memory_space<vmem>>, vector<16xi32>,
        %mul3A_492 = arith.constant 4 : i32
        %mul3A_493 = vector.broadcast %mul3A_492 : i32 to vector<16xi32>
        %mul3A_494 = arith.muli %get3A_491, %mul3A_493 : vector<16xi32>
        %gather3A_495 = tpu.vector_load_idx %arg8[%mul3A_489] : memref<40000xf32, #tpu.memory_space<vmem>>[vector<16xi32>], vector<16xf32>,
        %gather3A_496 = tpu.vector_load_idx %arg8[%mul3A_494] : memref<40000xf32, #tpu.memory_space<vmem>>[vector<16xi32>], vector<16xf32>,
        %sub3A_497 = arith.subf %gather3A_495, %gather3A_496 : vector<16xf32>
        %add3A_498 = arith.constant 1 : i32
        %add3A_499 = vector.broadcast %add3A_498 : i32 to vector<16xi32>
        %add3A_500 = arith.addi %mul3A_489, %add3A_499 : vector<16xi32>
        %gather3A_501 = tpu.vector_load_idx %arg8[%add3A_500] : memref<40000xf32, #tpu.memory_space<vmem>>[vector<16xi32>], vector<16xf32>,
        %add3A_502 = arith.constant 1 : i32
        %add3A_503 = vector.broadcast %add3A_502 : i32 to vector<16xi32>
        %add3A_504 = arith.addi %mul3A_494, %add3A_503 : vector<16xi32>
        %gather3A_505 = tpu.vector_load_idx %arg8[%add3A_504] : memref<40000xf32, #tpu.memory_space<vmem>>[vector<16xi32>], vector<16xf32>,
        %sub3A_506 = arith.subf %gather3A_501, %gather3A_505 : vector<16xf32>
        %add3A_507 = arith.constant 2 : i32
        %add3A_508 = vector.broadcast %add3A_507 : i32 to vector<16xi32>
        %add3A_509 = arith.addi %mul3A_489, %add3A_508 : vector<16xi32>
        %gather3A_510 = tpu.vector_load_idx %arg8[%add3A_509] : memref<40000xf32, #tpu.memory_space<vmem>>[vector<16xi32>], vector<16xf32>,
        %add3A_511 = arith.constant 2 : i32
        %add3A_512 = vector.broadcast %add3A_511 : i32 to vector<16xi32>
        %add3A_513 = arith.addi %mul3A_494, %add3A_512 : vector<16xi32>
        %gather3A_514 = tpu.vector_load_idx %arg8[%add3A_513] : memref<40000xf32, #tpu.memory_space<vmem>>[vector<16xi32>], vector<16xf32>,
        %sub3A_515 = arith.subf %gather3A_510, %gather3A_514 : vector<16xf32>
        %mul3A_516 = arith.mulf %sub3A_497, %sub3A_497 : vector<16xf32>
        %mul3A_517 = arith.mulf %sub3A_506, %sub3A_506 : vector<16xf32>
        %add3A_518 = arith.addf %mul3A_516, %mul3A_517 : vector<16xf32>
        %mul3A_519 = arith.mulf %sub3A_515, %sub3A_515 : vector<16xf32>
        %add3A_520 = arith.addf %add3A_518, %mul3A_519 : vector<16xf32>
        %add3A_521 = vector.broadcast %mul3A_484 : i32 to vector<16xi32>
        %add3A_522 = arith.addi %add3A_521, %iota3A : vector<16xi32>
        %mul3A_523 = arith.constant 16 : i32
        %mul3A_524 = vector.broadcast %mul3A_523 : i32 to vector<16xi32>
        %mul3A_525 = arith.muli %add3A_522, %mul3A_524 : vector<16xi32>
        %add3A_526 = arith.constant 0 : i32
        %add3A_527 = vector.broadcast %add3A_526 : i32 to vector<16xi32>
        %add3A_528 = arith.addi %mul3A_525, %add3A_527 : vector<16xi32>
        tpu.vector_store_idx %arg9[%add3A_528], %add3A_520 : memref<16000xf32, #tpu.memory_space<vmem>>[vector<16xi32>], vector<16xf32>,
        %add3A_529 = arith.constant 1 : i32
        %add3A_530 = vector.broadcast %add3A_529 : i32 to vector<16xi32>
        %add3A_531 = arith.addi %mul3A_525, %add3A_530 : vector<16xi32>
        tpu.vector_store_idx %arg9[%add3A_531], %add3A_520 : memref<16000xf32, #tpu.memory_space<vmem>>[vector<16xi32>], vector<16xf32>,
        %add3A_532 = arith.constant 2 : i32
        %add3A_533 = vector.broadcast %add3A_532 : i32 to vector<16xi32>
        %add3A_534 = arith.addi %mul3A_525, %add3A_533 : vector<16xi32>
        tpu.vector_store_idx %arg9[%add3A_534], %add3A_520 : memref<16000xf32, #tpu.memory_space<vmem>>[vector<16xi32>], vector<16xf32>,
        %add3A_535 = arith.constant 3 : i32
        %add3A_536 = vector.broadcast %add3A_535 : i32 to vector<16xi32>
        %add3A_537 = arith.addi %mul3A_525, %add3A_536 : vector<16xi32>
        tpu.vector_store_idx %arg9[%add3A_537], %add3A_520 : memref<16000xf32, #tpu.memory_space<vmem>>[vector<16xi32>], vector<16xf32>,
        %add3A_538 = arith.constant 4 : i32
        %add3A_539 = vector.broadcast %add3A_538 : i32 to vector<16xi32>
        %add3A_540 = arith.addi %mul3A_525, %add3A_539 : vector<16xi32>
        tpu.vector_store_idx %arg9[%add3A_540], %add3A_520 : memref<16000xf32, #tpu.memory_space<vmem>>[vector<16xi32>], vector<16xf32>,
        %add3A_541 = arith.constant 5 : i32
        %add3A_542 = vector.broadcast %add3A_541 : i32 to vector<16xi32>
        %add3A_543 = arith.addi %mul3A_525, %add3A_542 : vector<16xi32>
        tpu.vector_store_idx %arg9[%add3A_543], %add3A_520 : memref<16000xf32, #tpu.memory_space<vmem>>[vector<16xi32>], vector<16xf32>,
        %add3A_544 = arith.constant 6 : i32
        %add3A_545 = vector.broadcast %add3A_544 : i32 to vector<16xi32>
        %add3A_546 = arith.addi %mul3A_525, %add3A_545 : vector<16xi32>
        tpu.vector_store_idx %arg9[%add3A_546], %add3A_520 : memref<16000xf32, #tpu.memory_space<vmem>>[vector<16xi32>], vector<16xf32>,
        %add3A_547 = arith.constant 7 : i32
        %add3A_548 = vector.broadcast %add3A_547 : i32 to vector<16xi32>
        %add3A_549 = arith.addi %mul3A_525, %add3A_548 : vector<16xi32>
        tpu.vector_store_idx %arg9[%add3A_549], %add3A_520 : memref<16000xf32, #tpu.memory_space<vmem>>[vector<16xi32>], vector<16xf32>,
        %add3A_550 = arith.constant 8 : i32
        %add3A_551 = vector.broadcast %add3A_550 : i32 to vector<16xi32>
        %add3A_552 = arith.addi %mul3A_525, %add3A_551 : vector<16xi32>
        tpu.vector_store_idx %arg9[%add3A_552], %add3A_520 : memref<16000xf32, #tpu.memory_space<vmem>>[vector<16xi32>], vector<16xf32>,
        %add3A_553 = arith.constant 9 : i32
        %add3A_554 = vector.broadcast %add3A_553 : i32 to vector<16xi32>
        %add3A_555 = arith.addi %mul3A_525, %add3A_554 : vector<16xi32>
        tpu.vector_store_idx %arg9[%add3A_555], %add3A_520 : memref<16000xf32, #tpu.memory_space<vmem>>[vector<16xi32>], vector<16xf32>,
        %add3A_556 = arith.constant 10 : i32
        %add3A_557 = vector.broadcast %add3A_556 : i32 to vector<16xi32>
        %add3A_558 = arith.addi %mul3A_525, %add3A_557 : vector<16xi32>
        tpu.vector_store_idx %arg9[%add3A_558], %add3A_520 : memref<16000xf32, #tpu.memory_space<vmem>>[vector<16xi32>], vector<16xf32>,
        %add3A_559 = arith.constant 11 : i32
        %add3A_560 = vector.broadcast %add3A_559 : i32 to vector<16xi32>
        %add3A_561 = arith.addi %mul3A_525, %add3A_560 : vector<16xi32>
        tpu.vector_store_idx %arg9[%add3A_561], %add3A_520 : memref<16000xf32, #tpu.memory_space<vmem>>[vector<16xi32>], vector<16xf32>,
        %add3A_562 = arith.constant 12 : i32
        %add3A_563 = vector.broadcast %add3A_562 : i32 to vector<16xi32>
        %add3A_564 = arith.addi %mul3A_525, %add3A_563 : vector<16xi32>
        tpu.vector_store_idx %arg9[%add3A_564], %add3A_520 : memref<16000xf32, #tpu.memory_space<vmem>>[vector<16xi32>], vector<16xf32>,
        %add3A_565 = arith.constant 13 : i32
        %add3A_566 = vector.broadcast %add3A_565 : i32 to vector<16xi32>
        %add3A_567 = arith.addi %mul3A_525, %add3A_566 : vector<16xi32>
        tpu.vector_store_idx %arg9[%add3A_567], %add3A_520 : memref<16000xf32, #tpu.memory_space<vmem>>[vector<16xi32>], vector<16xf32>,
        %add3A_568 = arith.constant 14 : i32
        %add3A_569 = vector.broadcast %add3A_568 : i32 to vector<16xi32>
        %add3A_570 = arith.addi %mul3A_525, %add3A_569 : vector<16xi32>
        tpu.vector_store_idx %arg9[%add3A_570], %add3A_520 : memref<16000xf32, #tpu.memory_space<vmem>>[vector<16xi32>], vector<16xf32>,
        %add3A_571 = arith.constant 15 : i32
        %add3A_572 = vector.broadcast %add3A_571 : i32 to vector<16xi32>
        %add3A_573 = arith.addi %mul3A_525, %add3A_572 : vector<16xi32>
        tpu.vector_store_idx %arg9[%add3A_573], %add3A_520 : memref<16000xf32, #tpu.memory_space<vmem>>[vector<16xi32>], vector<16xf32>,
        %scan3A_574 = arith.constant 4 : i32
        %scan3A_575 = arith.addi %scan3A_203, %scan3A_574 : i32
        %mul3A_576 = arith.constant 16 : i32
        %mul3A_577 = arith.muli %scan3A_575, %mul3A_576 : i32
        %get3A_578 = arith.index_cast %mul3A_577 : i32 to index
        %get3A_579 = tpu.vector_load %arg6[%get3A_578] {strides = array<i32>} : memref<1000xi32, #tpu.memory_space<vmem>>, vector<16xi32>,
        %mul3A_580 = arith.constant 4 : i32
        %mul3A_581 = vector.broadcast %mul3A_580 : i32 to vector<16xi32>
        %mul3A_582 = arith.muli %get3A_579, %mul3A_581 : vector<16xi32>
        %get3A_583 = arith.index_cast %mul3A_577 : i32 to index
        %get3A_584 = tpu.vector_load %arg7[%get3A_583] {strides = array<i32>} : memref<1000xi32, #tpu.memory_space<vmem>>, vector<16xi32>,
        %mul3A_585 = arith.constant 4 : i32
        %mul3A_586 = vector.broadcast %mul3A_585 : i32 to vector<16xi32>
        %mul3A_587 = arith.muli %get3A_584, %mul3A_586 : vector<16xi32>
        %gather3A_588 = tpu.vector_load_idx %arg8[%mul3A_582] : memref<40000xf32, #tpu.memory_space<vmem>>[vector<16xi32>], vector<16xf32>,
        %gather3A_589 = tpu.vector_load_idx %arg8[%mul3A_587] : memref<40000xf32, #tpu.memory_space<vmem>>[vector<16xi32>], vector<16xf32>,
        %sub3A_590 = arith.subf %gather3A_588, %gather3A_589 : vector<16xf32>
        %add3A_591 = arith.constant 1 : i32
        %add3A_592 = vector.broadcast %add3A_591 : i32 to vector<16xi32>
        %add3A_593 = arith.addi %mul3A_582, %add3A_592 : vector<16xi32>
        %gather3A_594 = tpu.vector_load_idx %arg8[%add3A_593] : memref<40000xf32, #tpu.memory_space<vmem>>[vector<16xi32>], vector<16xf32>,
        %add3A_595 = arith.constant 1 : i32
        %add3A_596 = vector.broadcast %add3A_595 : i32 to vector<16xi32>
        %add3A_597 = arith.addi %mul3A_587, %add3A_596 : vector<16xi32>
        %gather3A_598 = tpu.vector_load_idx %arg8[%add3A_597] : memref<40000xf32, #tpu.memory_space<vmem>>[vector<16xi32>], vector<16xf32>,
        %sub3A_599 = arith.subf %gather3A_594, %gather3A_598 : vector<16xf32>
        %add3A_600 = arith.constant 2 : i32
        %add3A_601 = vector.broadcast %add3A_600 : i32 to vector<16xi32>
        %add3A_602 = arith.addi %mul3A_582, %add3A_601 : vector<16xi32>
        %gather3A_603 = tpu.vector_load_idx %arg8[%add3A_602] : memref<40000xf32, #tpu.memory_space<vmem>>[vector<16xi32>], vector<16xf32>,
        %add3A_604 = arith.constant 2 : i32
        %add3A_605 = vector.broadcast %add3A_604 : i32 to vector<16xi32>
        %add3A_606 = arith.addi %mul3A_587, %add3A_605 : vector<16xi32>
        %gather3A_607 = tpu.vector_load_idx %arg8[%add3A_606] : memref<40000xf32, #tpu.memory_space<vmem>>[vector<16xi32>], vector<16xf32>,
        %sub3A_608 = arith.subf %gather3A_603, %gather3A_607 : vector<16xf32>
        %mul3A_609 = arith.mulf %sub3A_590, %sub3A_590 : vector<16xf32>
        %mul3A_610 = arith.mulf %sub3A_599, %sub3A_599 : vector<16xf32>
        %add3A_611 = arith.addf %mul3A_609, %mul3A_610 : vector<16xf32>
        %mul3A_612 = arith.mulf %sub3A_608, %sub3A_608 : vector<16xf32>
        %add3A_613 = arith.addf %add3A_611, %mul3A_612 : vector<16xf32>
        %add3A_614 = vector.broadcast %mul3A_577 : i32 to vector<16xi32>
        %add3A_615 = arith.addi %add3A_614, %iota3A : vector<16xi32>
        %mul3A_616 = arith.constant 16 : i32
        %mul3A_617 = vector.broadcast %mul3A_616 : i32 to vector<16xi32>
        %mul3A_618 = arith.muli %add3A_615, %mul3A_617 : vector<16xi32>
        %add3A_619 = arith.constant 0 : i32
        %add3A_620 = vector.broadcast %add3A_619 : i32 to vector<16xi32>
        %add3A_621 = arith.addi %mul3A_618, %add3A_620 : vector<16xi32>
        tpu.vector_store_idx %arg9[%add3A_621], %add3A_613 : memref<16000xf32, #tpu.memory_space<vmem>>[vector<16xi32>], vector<16xf32>,
        %add3A_622 = arith.constant 1 : i32
        %add3A_623 = vector.broadcast %add3A_622 : i32 to vector<16xi32>
        %add3A_624 = arith.addi %mul3A_618, %add3A_623 : vector<16xi32>
        tpu.vector_store_idx %arg9[%add3A_624], %add3A_613 : memref<16000xf32, #tpu.memory_space<vmem>>[vector<16xi32>], vector<16xf32>,
        %add3A_625 = arith.constant 2 : i32
        %add3A_626 = vector.broadcast %add3A_625 : i32 to vector<16xi32>
        %add3A_627 = arith.addi %mul3A_618, %add3A_626 : vector<16xi32>
        tpu.vector_store_idx %arg9[%add3A_627], %add3A_613 : memref<16000xf32, #tpu.memory_space<vmem>>[vector<16xi32>], vector<16xf32>,
        %add3A_628 = arith.constant 3 : i32
        %add3A_629 = vector.broadcast %add3A_628 : i32 to vector<16xi32>
        %add3A_630 = arith.addi %mul3A_618, %add3A_629 : vector<16xi32>
        tpu.vector_store_idx %arg9[%add3A_630], %add3A_613 : memref<16000xf32, #tpu.memory_space<vmem>>[vector<16xi32>], vector<16xf32>,
        %add3A_631 = arith.constant 4 : i32
        %add3A_632 = vector.broadcast %add3A_631 : i32 to vector<16xi32>
        %add3A_633 = arith.addi %mul3A_618, %add3A_632 : vector<16xi32>
        tpu.vector_store_idx %arg9[%add3A_633], %add3A_613 : memref<16000xf32, #tpu.memory_space<vmem>>[vector<16xi32>], vector<16xf32>,
        %add3A_634 = arith.constant 5 : i32
        %add3A_635 = vector.broadcast %add3A_634 : i32 to vector<16xi32>
        %add3A_636 = arith.addi %mul3A_618, %add3A_635 : vector<16xi32>
        tpu.vector_store_idx %arg9[%add3A_636], %add3A_613 : memref<16000xf32, #tpu.memory_space<vmem>>[vector<16xi32>], vector<16xf32>,
        %add3A_637 = arith.constant 6 : i32
        %add3A_638 = vector.broadcast %add3A_637 : i32 to vector<16xi32>
        %add3A_639 = arith.addi %mul3A_618, %add3A_638 : vector<16xi32>
        tpu.vector_store_idx %arg9[%add3A_639], %add3A_613 : memref<16000xf32, #tpu.memory_space<vmem>>[vector<16xi32>], vector<16xf32>,
        %add3A_640 = arith.constant 7 : i32
        %add3A_641 = vector.broadcast %add3A_640 : i32 to vector<16xi32>
        %add3A_642 = arith.addi %mul3A_618, %add3A_641 : vector<16xi32>
        tpu.vector_store_idx %arg9[%add3A_642], %add3A_613 : memref<16000xf32, #tpu.memory_space<vmem>>[vector<16xi32>], vector<16xf32>,
        %add3A_643 = arith.constant 8 : i32
        %add3A_644 = vector.broadcast %add3A_643 : i32 to vector<16xi32>
        %add3A_645 = arith.addi %mul3A_618, %add3A_644 : vector<16xi32>
        tpu.vector_store_idx %arg9[%add3A_645], %add3A_613 : memref<16000xf32, #tpu.memory_space<vmem>>[vector<16xi32>], vector<16xf32>,
        %add3A_646 = arith.constant 9 : i32
        %add3A_647 = vector.broadcast %add3A_646 : i32 to vector<16xi32>
        %add3A_648 = arith.addi %mul3A_618, %add3A_647 : vector<16xi32>
        tpu.vector_store_idx %arg9[%add3A_648], %add3A_613 : memref<16000xf32, #tpu.memory_space<vmem>>[vector<16xi32>], vector<16xf32>,
        %add3A_649 = arith.constant 10 : i32
        %add3A_650 = vector.broadcast %add3A_649 : i32 to vector<16xi32>
        %add3A_651 = arith.addi %mul3A_618, %add3A_650 : vector<16xi32>
        tpu.vector_store_idx %arg9[%add3A_651], %add3A_613 : memref<16000xf32, #tpu.memory_space<vmem>>[vector<16xi32>], vector<16xf32>,
        %add3A_652 = arith.constant 11 : i32
        %add3A_653 = vector.broadcast %add3A_652 : i32 to vector<16xi32>
        %add3A_654 = arith.addi %mul3A_618, %add3A_653 : vector<16xi32>
        tpu.vector_store_idx %arg9[%add3A_654], %add3A_613 : memref<16000xf32, #tpu.memory_space<vmem>>[vector<16xi32>], vector<16xf32>,
        %add3A_655 = arith.constant 12 : i32
        %add3A_656 = vector.broadcast %add3A_655 : i32 to vector<16xi32>
        %add3A_657 = arith.addi %mul3A_618, %add3A_656 : vector<16xi32>
        tpu.vector_store_idx %arg9[%add3A_657], %add3A_613 : memref<16000xf32, #tpu.memory_space<vmem>>[vector<16xi32>], vector<16xf32>,
        %add3A_658 = arith.constant 13 : i32
        %add3A_659 = vector.broadcast %add3A_658 : i32 to vector<16xi32>
        %add3A_660 = arith.addi %mul3A_618, %add3A_659 : vector<16xi32>
        tpu.vector_store_idx %arg9[%add3A_660], %add3A_613 : memref<16000xf32, #tpu.memory_space<vmem>>[vector<16xi32>], vector<16xf32>,
        %add3A_661 = arith.constant 14 : i32
        %add3A_662 = vector.broadcast %add3A_661 : i32 to vector<16xi32>
        %add3A_663 = arith.addi %mul3A_618, %add3A_662 : vector<16xi32>
        tpu.vector_store_idx %arg9[%add3A_663], %add3A_613 : memref<16000xf32, #tpu.memory_space<vmem>>[vector<16xi32>], vector<16xf32>,
        %add3A_664 = arith.constant 15 : i32
        %add3A_665 = vector.broadcast %add3A_664 : i32 to vector<16xi32>
        %add3A_666 = arith.addi %mul3A_618, %add3A_665 : vector<16xi32>
        tpu.vector_store_idx %arg9[%add3A_666], %add3A_613 : memref<16000xf32, #tpu.memory_space<vmem>>[vector<16xi32>], vector<16xf32>,
      }
      %scan3A_17 = arith.constant 60 : i32
      %scan3A_18 = arith.addi %scan3A_13, %scan3A_17 : i32
      %mul3A_19 = arith.constant 16 : i32
      %mul3A_20 = arith.muli %scan3A_18, %mul3A_19 : i32
      %get3A = arith.index_cast %mul3A_20 : i32 to index
      %get3A_21 = tpu.vector_load %arg6[%get3A] {strides = array<i32>} : memref<1000xi32, #tpu.memory_space<vmem>>, vector<16xi32>,
      %mul3A_22 = arith.constant 4 : i32
      %mul3A_23 = vector.broadcast %mul3A_22 : i32 to vector<16xi32>
      %mul3A_24 = arith.muli %get3A_21, %mul3A_23 : vector<16xi32>
      %get3A_25 = arith.index_cast %mul3A_20 : i32 to index
      %get3A_26 = tpu.vector_load %arg7[%get3A_25] {strides = array<i32>} : memref<1000xi32, #tpu.memory_space<vmem>>, vector<16xi32>,
      %mul3A_27 = arith.constant 4 : i32
      %mul3A_28 = vector.broadcast %mul3A_27 : i32 to vector<16xi32>
      %mul3A_29 = arith.muli %get3A_26, %mul3A_28 : vector<16xi32>
      %gather3A = tpu.vector_load_idx %arg8[%mul3A_24] : memref<40000xf32, #tpu.memory_space<vmem>>[vector<16xi32>], vector<16xf32>,
      %gather3A_30 = tpu.vector_load_idx %arg8[%mul3A_29] : memref<40000xf32, #tpu.memory_space<vmem>>[vector<16xi32>], vector<16xf32>,
      %sub3A = arith.subf %gather3A, %gather3A_30 : vector<16xf32>
      %add3A_31 = arith.constant 1 : i32
      %add3A_32 = vector.broadcast %add3A_31 : i32 to vector<16xi32>
      %add3A_33 = arith.addi %mul3A_24, %add3A_32 : vector<16xi32>
      %gather3A_34 = tpu.vector_load_idx %arg8[%add3A_33] : memref<40000xf32, #tpu.memory_space<vmem>>[vector<16xi32>], vector<16xf32>,
      %add3A_35 = arith.constant 1 : i32
      %add3A_36 = vector.broadcast %add3A_35 : i32 to vector<16xi32>
      %add3A_37 = arith.addi %mul3A_29, %add3A_36 : vector<16xi32>
      %gather3A_38 = tpu.vector_load_idx %arg8[%add3A_37] : memref<40000xf32, #tpu.memory_space<vmem>>[vector<16xi32>], vector<16xf32>,
      %sub3A_39 = arith.subf %gather3A_34, %gather3A_38 : vector<16xf32>
      %add3A_40 = arith.constant 2 : i32
      %add3A_41 = vector.broadcast %add3A_40 : i32 to vector<16xi32>
      %add3A_42 = arith.addi %mul3A_24, %add3A_41 : vector<16xi32>
      %gather3A_43 = tpu.vector_load_idx %arg8[%add3A_42] : memref<40000xf32, #tpu.memory_space<vmem>>[vector<16xi32>], vector<16xf32>,
      %add3A_44 = arith.constant 2 : i32
      %add3A_45 = vector.broadcast %add3A_44 : i32 to vector<16xi32>
      %add3A_46 = arith.addi %mul3A_29, %add3A_45 : vector<16xi32>
      %gather3A_47 = tpu.vector_load_idx %arg8[%add3A_46] : memref<40000xf32, #tpu.memory_space<vmem>>[vector<16xi32>], vector<16xf32>,
      %sub3A_48 = arith.subf %gather3A_43, %gather3A_47 : vector<16xf32>
      %mul3A_49 = arith.mulf %sub3A, %sub3A : vector<16xf32>
      %mul3A_50 = arith.mulf %sub3A_39, %sub3A_39 : vector<16xf32>
      %add3A_51 = arith.addf %mul3A_49, %mul3A_50 : vector<16xf32>
      %mul3A_52 = arith.mulf %sub3A_48, %sub3A_48 : vector<16xf32>
      %add3A_53 = arith.addf %add3A_51, %mul3A_52 : vector<16xf32>
      %add3A_54 = vector.broadcast %mul3A_20 : i32 to vector<16xi32>
      %add3A_55 = arith.addi %add3A_54, %iota3A : vector<16xi32>
      %mul3A_56 = arith.constant 16 : i32
      %mul3A_57 = vector.broadcast %mul3A_56 : i32 to vector<16xi32>
      %mul3A_58 = arith.muli %add3A_55, %mul3A_57 : vector<16xi32>
      %add3A_59 = arith.constant 0 : i32
      %add3A_60 = vector.broadcast %add3A_59 : i32 to vector<16xi32>
      %add3A_61 = arith.addi %mul3A_58, %add3A_60 : vector<16xi32>
      tpu.vector_store_idx %arg9[%add3A_61], %add3A_53 : memref<16000xf32, #tpu.memory_space<vmem>>[vector<16xi32>], vector<16xf32>,
      %add3A_62 = arith.constant 1 : i32
      %add3A_63 = vector.broadcast %add3A_62 : i32 to vector<16xi32>
      %add3A_64 = arith.addi %mul3A_58, %add3A_63 : vector<16xi32>
      tpu.vector_store_idx %arg9[%add3A_64], %add3A_53 : memref<16000xf32, #tpu.memory_space<vmem>>[vector<16xi32>], vector<16xf32>,
      %add3A_65 = arith.constant 2 : i32
      %add3A_66 = vector.broadcast %add3A_65 : i32 to vector<16xi32>
      %add3A_67 = arith.addi %mul3A_58, %add3A_66 : vector<16xi32>
      tpu.vector_store_idx %arg9[%add3A_67], %add3A_53 : memref<16000xf32, #tpu.memory_space<vmem>>[vector<16xi32>], vector<16xf32>,
      %add3A_68 = arith.constant 3 : i32
      %add3A_69 = vector.broadcast %add3A_68 : i32 to vector<16xi32>
      %add3A_70 = arith.addi %mul3A_58, %add3A_69 : vector<16xi32>
      tpu.vector_store_idx %arg9[%add3A_70], %add3A_53 : memref<16000xf32, #tpu.memory_space<vmem>>[vector<16xi32>], vector<16xf32>,
      %add3A_71 = arith.constant 4 : i32
      %add3A_72 = vector.broadcast %add3A_71 : i32 to vector<16xi32>
      %add3A_73 = arith.addi %mul3A_58, %add3A_72 : vector<16xi32>
      tpu.vector_store_idx %arg9[%add3A_73], %add3A_53 : memref<16000xf32, #tpu.memory_space<vmem>>[vector<16xi32>], vector<16xf32>,
      %add3A_74 = arith.constant 5 : i32
      %add3A_75 = vector.broadcast %add3A_74 : i32 to vector<16xi32>
      %add3A_76 = arith.addi %mul3A_58, %add3A_75 : vector<16xi32>
      tpu.vector_store_idx %arg9[%add3A_76], %add3A_53 : memref<16000xf32, #tpu.memory_space<vmem>>[vector<16xi32>], vector<16xf32>,
      %add3A_77 = arith.constant 6 : i32
      %add3A_78 = vector.broadcast %add3A_77 : i32 to vector<16xi32>
      %add3A_79 = arith.addi %mul3A_58, %add3A_78 : vector<16xi32>
      tpu.vector_store_idx %arg9[%add3A_79], %add3A_53 : memref<16000xf32, #tpu.memory_space<vmem>>[vector<16xi32>], vector<16xf32>,
      %add3A_80 = arith.constant 7 : i32
      %add3A_81 = vector.broadcast %add3A_80 : i32 to vector<16xi32>
      %add3A_82 = arith.addi %mul3A_58, %add3A_81 : vector<16xi32>
      tpu.vector_store_idx %arg9[%add3A_82], %add3A_53 : memref<16000xf32, #tpu.memory_space<vmem>>[vector<16xi32>], vector<16xf32>,
      %add3A_83 = arith.constant 8 : i32
      %add3A_84 = vector.broadcast %add3A_83 : i32 to vector<16xi32>
      %add3A_85 = arith.addi %mul3A_58, %add3A_84 : vector<16xi32>
      tpu.vector_store_idx %arg9[%add3A_85], %add3A_53 : memref<16000xf32, #tpu.memory_space<vmem>>[vector<16xi32>], vector<16xf32>,
      %add3A_86 = arith.constant 9 : i32
      %add3A_87 = vector.broadcast %add3A_86 : i32 to vector<16xi32>
      %add3A_88 = arith.addi %mul3A_58, %add3A_87 : vector<16xi32>
      tpu.vector_store_idx %arg9[%add3A_88], %add3A_53 : memref<16000xf32, #tpu.memory_space<vmem>>[vector<16xi32>], vector<16xf32>,
      %add3A_89 = arith.constant 10 : i32
      %add3A_90 = vector.broadcast %add3A_89 : i32 to vector<16xi32>
      %add3A_91 = arith.addi %mul3A_58, %add3A_90 : vector<16xi32>
      tpu.vector_store_idx %arg9[%add3A_91], %add3A_53 : memref<16000xf32, #tpu.memory_space<vmem>>[vector<16xi32>], vector<16xf32>,
      %add3A_92 = arith.constant 11 : i32
      %add3A_93 = vector.broadcast %add3A_92 : i32 to vector<16xi32>
      %add3A_94 = arith.addi %mul3A_58, %add3A_93 : vector<16xi32>
      tpu.vector_store_idx %arg9[%add3A_94], %add3A_53 : memref<16000xf32, #tpu.memory_space<vmem>>[vector<16xi32>], vector<16xf32>,
      %add3A_95 = arith.constant 12 : i32
      %add3A_96 = vector.broadcast %add3A_95 : i32 to vector<16xi32>
      %add3A_97 = arith.addi %mul3A_58, %add3A_96 : vector<16xi32>
      tpu.vector_store_idx %arg9[%add3A_97], %add3A_53 : memref<16000xf32, #tpu.memory_space<vmem>>[vector<16xi32>], vector<16xf32>,
      %add3A_98 = arith.constant 13 : i32
      %add3A_99 = vector.broadcast %add3A_98 : i32 to vector<16xi32>
      %add3A_100 = arith.addi %mul3A_58, %add3A_99 : vector<16xi32>
      tpu.vector_store_idx %arg9[%add3A_100], %add3A_53 : memref<16000xf32, #tpu.memory_space<vmem>>[vector<16xi32>], vector<16xf32>,
      %add3A_101 = arith.constant 14 : i32
      %add3A_102 = vector.broadcast %add3A_101 : i32 to vector<16xi32>
      %add3A_103 = arith.addi %mul3A_58, %add3A_102 : vector<16xi32>
      tpu.vector_store_idx %arg9[%add3A_103], %add3A_53 : memref<16000xf32, #tpu.memory_space<vmem>>[vector<16xi32>], vector<16xf32>,
      %add3A_104 = arith.constant 15 : i32
      %add3A_105 = vector.broadcast %add3A_104 : i32 to vector<16xi32>
      %add3A_106 = arith.addi %mul3A_58, %add3A_105 : vector<16xi32>
      tpu.vector_store_idx %arg9[%add3A_106], %add3A_53 : memref<16000xf32, #tpu.memory_space<vmem>>[vector<16xi32>], vector<16xf32>,
      %scan3A_107 = arith.constant 61 : i32
      %scan3A_108 = arith.addi %scan3A_13, %scan3A_107 : i32
      %mul3A_109 = arith.constant 16 : i32
      %mul3A_110 = arith.muli %scan3A_108, %mul3A_109 : i32
      %get3A_111 = arith.index_cast %mul3A_110 : i32 to index
      %get3A_112 = tpu.vector_load %arg6[%get3A_111] {strides = array<i32>} : memref<1000xi32, #tpu.memory_space<vmem>>, vector<16xi32>,
      %mul3A_113 = arith.constant 4 : i32
      %mul3A_114 = vector.broadcast %mul3A_113 : i32 to vector<16xi32>
      %mul3A_115 = arith.muli %get3A_112, %mul3A_114 : vector<16xi32>
      %get3A_116 = arith.index_cast %mul3A_110 : i32 to index
      %get3A_117 = tpu.vector_load %arg7[%get3A_116] {strides = array<i32>} : memref<1000xi32, #tpu.memory_space<vmem>>, vector<16xi32>,
      %mul3A_118 = arith.constant 4 : i32
      %mul3A_119 = vector.broadcast %mul3A_118 : i32 to vector<16xi32>
      %mul3A_120 = arith.muli %get3A_117, %mul3A_119 : vector<16xi32>
      %gather3A_121 = tpu.vector_load_idx %arg8[%mul3A_115] : memref<40000xf32, #tpu.memory_space<vmem>>[vector<16xi32>], vector<16xf32>,
      %gather3A_122 = tpu.vector_load_idx %arg8[%mul3A_120] : memref<40000xf32, #tpu.memory_space<vmem>>[vector<16xi32>], vector<16xf32>,
      %sub3A_123 = arith.subf %gather3A_121, %gather3A_122 : vector<16xf32>
      %add3A_124 = arith.constant 1 : i32
      %add3A_125 = vector.broadcast %add3A_124 : i32 to vector<16xi32>
      %add3A_126 = arith.addi %mul3A_115, %add3A_125 : vector<16xi32>
      %gather3A_127 = tpu.vector_load_idx %arg8[%add3A_126] : memref<40000xf32, #tpu.memory_space<vmem>>[vector<16xi32>], vector<16xf32>,
      %add3A_128 = arith.constant 1 : i32
      %add3A_129 = vector.broadcast %add3A_128 : i32 to vector<16xi32>
      %add3A_130 = arith.addi %mul3A_120, %add3A_129 : vector<16xi32>
      %gather3A_131 = tpu.vector_load_idx %arg8[%add3A_130] : memref<40000xf32, #tpu.memory_space<vmem>>[vector<16xi32>], vector<16xf32>,
      %sub3A_132 = arith.subf %gather3A_127, %gather3A_131 : vector<16xf32>
      %add3A_133 = arith.constant 2 : i32
      %add3A_134 = vector.broadcast %add3A_133 : i32 to vector<16xi32>
      %add3A_135 = arith.addi %mul3A_115, %add3A_134 : vector<16xi32>
      %gather3A_136 = tpu.vector_load_idx %arg8[%add3A_135] : memref<40000xf32, #tpu.memory_space<vmem>>[vector<16xi32>], vector<16xf32>,
      %add3A_137 = arith.constant 2 : i32
      %add3A_138 = vector.broadcast %add3A_137 : i32 to vector<16xi32>
      %add3A_139 = arith.addi %mul3A_120, %add3A_138 : vector<16xi32>
      %gather3A_140 = tpu.vector_load_idx %arg8[%add3A_139] : memref<40000xf32, #tpu.memory_space<vmem>>[vector<16xi32>], vector<16xf32>,
      %sub3A_141 = arith.subf %gather3A_136, %gather3A_140 : vector<16xf32>
      %mul3A_142 = arith.mulf %sub3A_123, %sub3A_123 : vector<16xf32>
      %mul3A_143 = arith.mulf %sub3A_132, %sub3A_132 : vector<16xf32>
      %add3A_144 = arith.addf %mul3A_142, %mul3A_143 : vector<16xf32>
      %mul3A_145 = arith.mulf %sub3A_141, %sub3A_141 : vector<16xf32>
      %add3A_146 = arith.addf %add3A_144, %mul3A_145 : vector<16xf32>
      %add3A_147 = vector.broadcast %mul3A_110 : i32 to vector<16xi32>
      %add3A_148 = arith.addi %add3A_147, %iota3A : vector<16xi32>
      %mul3A_149 = arith.constant 16 : i32
      %mul3A_150 = vector.broadcast %mul3A_149 : i32 to vector<16xi32>
      %mul3A_151 = arith.muli %add3A_148, %mul3A_150 : vector<16xi32>
      %add3A_152 = arith.constant 0 : i32
      %add3A_153 = vector.broadcast %add3A_152 : i32 to vector<16xi32>
      %add3A_154 = arith.addi %mul3A_151, %add3A_153 : vector<16xi32>
      tpu.vector_store_idx %arg9[%add3A_154], %add3A_146 : memref<16000xf32, #tpu.memory_space<vmem>>[vector<16xi32>], vector<16xf32>,
      %add3A_155 = arith.constant 1 : i32
      %add3A_156 = vector.broadcast %add3A_155 : i32 to vector<16xi32>
      %add3A_157 = arith.addi %mul3A_151, %add3A_156 : vector<16xi32>
      tpu.vector_store_idx %arg9[%add3A_157], %add3A_146 : memref<16000xf32, #tpu.memory_space<vmem>>[vector<16xi32>], vector<16xf32>,
      %add3A_158 = arith.constant 2 : i32
      %add3A_159 = vector.broadcast %add3A_158 : i32 to vector<16xi32>
      %add3A_160 = arith.addi %mul3A_151, %add3A_159 : vector<16xi32>
      tpu.vector_store_idx %arg9[%add3A_160], %add3A_146 : memref<16000xf32, #tpu.memory_space<vmem>>[vector<16xi32>], vector<16xf32>,
      %add3A_161 = arith.constant 3 : i32
      %add3A_162 = vector.broadcast %add3A_161 : i32 to vector<16xi32>
      %add3A_163 = arith.addi %mul3A_151, %add3A_162 : vector<16xi32>
      tpu.vector_store_idx %arg9[%add3A_163], %add3A_146 : memref<16000xf32, #tpu.memory_space<vmem>>[vector<16xi32>], vector<16xf32>,
      %add3A_164 = arith.constant 4 : i32
      %add3A_165 = vector.broadcast %add3A_164 : i32 to vector<16xi32>
      %add3A_166 = arith.addi %mul3A_151, %add3A_165 : vector<16xi32>
      tpu.vector_store_idx %arg9[%add3A_166], %add3A_146 : memref<16000xf32, #tpu.memory_space<vmem>>[vector<16xi32>], vector<16xf32>,
      %add3A_167 = arith.constant 5 : i32
      %add3A_168 = vector.broadcast %add3A_167 : i32 to vector<16xi32>
      %add3A_169 = arith.addi %mul3A_151, %add3A_168 : vector<16xi32>
      tpu.vector_store_idx %arg9[%add3A_169], %add3A_146 : memref<16000xf32, #tpu.memory_space<vmem>>[vector<16xi32>], vector<16xf32>,
      %add3A_170 = arith.constant 6 : i32
      %add3A_171 = vector.broadcast %add3A_170 : i32 to vector<16xi32>
      %add3A_172 = arith.addi %mul3A_151, %add3A_171 : vector<16xi32>
      tpu.vector_store_idx %arg9[%add3A_172], %add3A_146 : memref<16000xf32, #tpu.memory_space<vmem>>[vector<16xi32>], vector<16xf32>,
      %add3A_173 = arith.constant 7 : i32
      %add3A_174 = vector.broadcast %add3A_173 : i32 to vector<16xi32>
      %add3A_175 = arith.addi %mul3A_151, %add3A_174 : vector<16xi32>
      tpu.vector_store_idx %arg9[%add3A_175], %add3A_146 : memref<16000xf32, #tpu.memory_space<vmem>>[vector<16xi32>], vector<16xf32>,
      %add3A_176 = arith.constant 8 : i32
      %add3A_177 = vector.broadcast %add3A_176 : i32 to vector<16xi32>
      %add3A_178 = arith.addi %mul3A_151, %add3A_177 : vector<16xi32>
      tpu.vector_store_idx %arg9[%add3A_178], %add3A_146 : memref<16000xf32, #tpu.memory_space<vmem>>[vector<16xi32>], vector<16xf32>,
      %add3A_179 = arith.constant 9 : i32
      %add3A_180 = vector.broadcast %add3A_179 : i32 to vector<16xi32>
      %add3A_181 = arith.addi %mul3A_151, %add3A_180 : vector<16xi32>
      tpu.vector_store_idx %arg9[%add3A_181], %add3A_146 : memref<16000xf32, #tpu.memory_space<vmem>>[vector<16xi32>], vector<16xf32>,
      %add3A_182 = arith.constant 10 : i32
      %add3A_183 = vector.broadcast %add3A_182 : i32 to vector<16xi32>
      %add3A_184 = arith.addi %mul3A_151, %add3A_183 : vector<16xi32>
      tpu.vector_store_idx %arg9[%add3A_184], %add3A_146 : memref<16000xf32, #tpu.memory_space<vmem>>[vector<16xi32>], vector<16xf32>,
      %add3A_185 = arith.constant 11 : i32
      %add3A_186 = vector.broadcast %add3A_185 : i32 to vector<16xi32>
      %add3A_187 = arith.addi %mul3A_151, %add3A_186 : vector<16xi32>
      tpu.vector_store_idx %arg9[%add3A_187], %add3A_146 : memref<16000xf32, #tpu.memory_space<vmem>>[vector<16xi32>], vector<16xf32>,
      %add3A_188 = arith.constant 12 : i32
      %add3A_189 = vector.broadcast %add3A_188 : i32 to vector<16xi32>
      %add3A_190 = arith.addi %mul3A_151, %add3A_189 : vector<16xi32>
      tpu.vector_store_idx %arg9[%add3A_190], %add3A_146 : memref<16000xf32, #tpu.memory_space<vmem>>[vector<16xi32>], vector<16xf32>,
      %add3A_191 = arith.constant 13 : i32
      %add3A_192 = vector.broadcast %add3A_191 : i32 to vector<16xi32>
      %add3A_193 = arith.addi %mul3A_151, %add3A_192 : vector<16xi32>
      tpu.vector_store_idx %arg9[%add3A_193], %add3A_146 : memref<16000xf32, #tpu.memory_space<vmem>>[vector<16xi32>], vector<16xf32>,
      %add3A_194 = arith.constant 14 : i32
      %add3A_195 = vector.broadcast %add3A_194 : i32 to vector<16xi32>
      %add3A_196 = arith.addi %mul3A_151, %add3A_195 : vector<16xi32>
      tpu.vector_store_idx %arg9[%add3A_196], %add3A_146 : memref<16000xf32, #tpu.memory_space<vmem>>[vector<16xi32>], vector<16xf32>,
      %add3A_197 = arith.constant 15 : i32
      %add3A_198 = vector.broadcast %add3A_197 : i32 to vector<16xi32>
      %add3A_199 = arith.addi %mul3A_151, %add3A_198 : vector<16xi32>
      tpu.vector_store_idx %arg9[%add3A_199], %add3A_146 : memref<16000xf32, #tpu.memory_space<vmem>>[vector<16xi32>], vector<16xf32>,
      %scan3A_200 = arith.constant 62 : i32
      %mul3A_201 = arith.constant 16 : i32
      %mul3A_202 = arith.muli %mul3A_11, %mul3A_201 : i32
      "tpu.region"() ({
        %run_scoped3A = tpu.sem_alloc : memref<!tpu.dma_semaphore, #tpu.memory_space<semaphore_mem>>
        %dma_start3A = tpu.memref_slice %arg5[%mul3A_202] : memref<5120000xf32, #tpu.memory_space<hbm>> -> memref<16000xf32, #tpu.memory_space<hbm>>
        %dma_start3A_203 = tpu.memref_slice %arg5[%mul3A_202] : memref<5120000xf32, #tpu.memory_space<hbm>> -> memref<16000xf32, #tpu.memory_space<hbm>>
        tpu.enqueue_dma source(%arg9 : memref<16000xf32, #tpu.memory_space<vmem>>) target(%dma_start3A_203 : memref<16000xf32, #tpu.memory_space<hbm>>) target_semaphore(%run_scoped3A : memref<!tpu.dma_semaphore, #tpu.memory_space<semaphore_mem>>)
        %dma_wait3A = tpu.memref_slice %arg5[%mul3A_202] : memref<5120000xf32, #tpu.memory_space<hbm>> -> memref<16000xf32, #tpu.memory_space<hbm>>
        %dma_wait3A_204 = tpu.memref_slice %arg5[%mul3A_202] : memref<5120000xf32, #tpu.memory_space<hbm>> -> memref<16000xf32, #tpu.memory_space<hbm>>
        tpu.wait_dma2 semaphore(%run_scoped3A : memref<!tpu.dma_semaphore, #tpu.memory_space<semaphore_mem>>) src(%arg9 : memref<16000xf32, #tpu.memory_space<vmem>>) dst(%dma_wait3A_204 : memref<16000xf32, #tpu.memory_space<hbm>>)
        tpu.yield
      }) : () -> ()
    }
    %scan3A_5 = arith.constant 10 : i32
    return
  }
}

#map = affine_map<(d0, d1) -> (0, 0)>
#map1 = affine_map<(d0, d1) -> (0)>
module attributes {stable_mosaic.version = 14 : i64} {
  func.func @_gather_body(%arg0: i32, %arg1: i32, %arg2: memref<10000x128xf32, #tpu.memory_space<hbm>>, %arg3: memref<10000x128xf32, #tpu.memory_space<hbm>>, %arg4: memref<320000xi32, #tpu.memory_space<hbm>>, %arg5: memref<320000xi32, #tpu.memory_space<hbm>>, %arg6: memref<160000x128xf32, #tpu.memory_space<hbm>>, %arg7: memref<160000x128xf32, #tpu.memory_space<hbm>>, %arg8: memref<128xi32, #tpu.memory_space<vmem>>, %arg9: memref<128xi32, #tpu.memory_space<vmem>>, %arg10: memref<128xi32, #tpu.memory_space<vmem>>, %arg11: memref<128xi32, #tpu.memory_space<vmem>>, %arg12: memref<128x128xf32, #tpu.memory_space<vmem>>, %arg13: memref<128x128xf32, #tpu.memory_space<vmem>>, %arg14: memref<128x128xf32, #tpu.memory_space<vmem>>, %arg15: memref<128x128xf32, #tpu.memory_space<vmem>>, %arg16: memref<!tpu.dma_semaphore, #tpu.memory_space<semaphore_mem>>, %arg17: memref<!tpu.dma_semaphore, #tpu.memory_space<semaphore_mem>>, %arg18: memref<!tpu.dma_semaphore, #tpu.memory_space<semaphore_mem>>, %arg19: memref<!tpu.dma_semaphore, #tpu.memory_space<semaphore_mem>>, %arg20: memref<!tpu.dma_semaphore, #tpu.memory_space<semaphore_mem>>, %arg21: memref<!tpu.dma_semaphore, #tpu.memory_space<semaphore_mem>>) attributes {dimension_semantics = [#tpu.dimension_semantics<core_parallel>, #tpu.dimension_semantics<subcore_parallel>], iteration_bounds = array<i64: 2, 16>, scalar_prefetch = 0 : i64, scratch_operands = 14 : i64, tpu.core_type = #tpu.core_type<sc_vector_subcore>, window_params = [{transform_indices = #map}, {transform_indices = #map}, {transform_indices = #map1}, {transform_indices = #map1}, {transform_indices = #map}, {transform_indices = #map}]} {
    %mul3A = arith.constant 2 : i32
    %mul3A_0 = arith.muli %arg1, %mul3A : i32
    %add3A = arith.addi %mul3A_0, %arg0 : i32
    %scan3A = arith.constant 0 : i32
    %scan3A_1 = arith.constant 0 : i32
    %scan3A_2 = arith.constant 20 : i32
    %scan3A_3 = arith.addi %scan3A_1, %scan3A_2 : i32
    %scan3A_4 = arith.constant 1 : i32
    scf.for %scan3A_29 = %scan3A_1 to %scan3A_3 step %scan3A_4  : i32 {
      %mul3A_30 = arith.constant 2 : i32
      %mul3A_31 = arith.muli %scan3A_29, %mul3A_30 : i32
      %add3A_32 = arith.constant 0 : i32
      %add3A_33 = arith.addi %mul3A_31, %add3A_32 : i32
      %mul3A_34 = arith.constant 32 : i32
      %mul3A_35 = arith.muli %add3A_33, %mul3A_34 : i32
      %add3A_36 = arith.addi %add3A, %mul3A_35 : i32
      %lt3A = arith.constant 1250 : i32
      %lt3A_37 = arith.cmpi slt, %add3A_36, %lt3A : i32
      %convert_element_type3A = arith.extui %lt3A_37 : i1 to i32
      %cond3A = arith.constant 0 : i32
      %cond3A_38 = arith.cmpi ne, %convert_element_type3A, %cond3A : i32
      scf.if %cond3A_38 {
        %ge3A = arith.constant 2 : i32
        %ge3A_51 = arith.cmpi sge, %add3A_33, %ge3A : i32
        %convert_element_type3A_52 = arith.extui %ge3A_51 : i1 to i32
        %cond3A_53 = arith.constant 0 : i32
        %cond3A_54 = arith.cmpi ne, %convert_element_type3A_52, %cond3A_53 : i32
        scf.if %cond3A_54 {
          %dma_wait3A_80 = arith.constant 0 : i32
          %dma_wait3A_81 = arith.constant 0 : i32
          %dma_wait3A_82 = tpu.memref_slice %arg6[%dma_wait3A_80, %dma_wait3A_81] : memref<160000x128xf32, #tpu.memory_space<hbm>> -> memref<128x128xf32, #tpu.memory_space<hbm>>
          %dma_wait3A_83 = arith.constant 0 : i32
          %dma_wait3A_84 = arith.constant 0 : i32
          %dma_wait3A_85 = tpu.memref_slice %arg6[%dma_wait3A_83, %dma_wait3A_84] : memref<160000x128xf32, #tpu.memory_space<hbm>> -> memref<128x128xf32, #tpu.memory_space<hbm>>
          tpu.wait_dma2 semaphore(%arg18 : memref<!tpu.dma_semaphore, #tpu.memory_space<semaphore_mem>>) src(%arg12 : memref<128x128xf32, #tpu.memory_space<vmem>>) dst(%dma_wait3A_85 : memref<128x128xf32, #tpu.memory_space<hbm>>)
          %dma_wait3A_86 = arith.constant 0 : i32
          %dma_wait3A_87 = arith.constant 0 : i32
          %dma_wait3A_88 = tpu.memref_slice %arg7[%dma_wait3A_86, %dma_wait3A_87] : memref<160000x128xf32, #tpu.memory_space<hbm>> -> memref<128x128xf32, #tpu.memory_space<hbm>>
          %dma_wait3A_89 = arith.constant 0 : i32
          %dma_wait3A_90 = arith.constant 0 : i32
          %dma_wait3A_91 = tpu.memref_slice %arg7[%dma_wait3A_89, %dma_wait3A_90] : memref<160000x128xf32, #tpu.memory_space<hbm>> -> memref<128x128xf32, #tpu.memory_space<hbm>>
          tpu.wait_dma2 semaphore(%arg19 : memref<!tpu.dma_semaphore, #tpu.memory_space<semaphore_mem>>) src(%arg13 : memref<128x128xf32, #tpu.memory_space<vmem>>) dst(%dma_wait3A_91 : memref<128x128xf32, #tpu.memory_space<hbm>>)
        } else {
        }
        %add3A_55 = arith.constant 0 : i32
        %add3A_56 = arith.addi %add3A_55, %add3A_36 : i32
        %mul3A_57 = arith.constant 128 : i32
        %mul3A_58 = arith.muli %add3A_56, %mul3A_57 : i32
        %mul3A_59 = arith.constant 128 : i32
        %mul3A_60 = arith.muli %add3A_36, %mul3A_59 : i32
        "tpu.region"() ({
          %run_scoped3A = tpu.sem_alloc : memref<!tpu.dma_semaphore, #tpu.memory_space<semaphore_mem>>
          %dma_start3A_80 = tpu.memref_slice %arg4[%mul3A_58] : memref<320000xi32, #tpu.memory_space<hbm>> -> memref<128xi32, #tpu.memory_space<hbm>>
          %dma_start3A_81 = tpu.memref_slice %arg4[%mul3A_58] : memref<320000xi32, #tpu.memory_space<hbm>> -> memref<128xi32, #tpu.memory_space<hbm>>
          tpu.enqueue_dma source(%dma_start3A_81 : memref<128xi32, #tpu.memory_space<hbm>>) target(%arg8 : memref<128xi32, #tpu.memory_space<vmem>>) target_semaphore(%run_scoped3A : memref<!tpu.dma_semaphore, #tpu.memory_space<semaphore_mem>>)
          %dma_wait3A_82 = tpu.memref_slice %arg4[%mul3A_58] : memref<320000xi32, #tpu.memory_space<hbm>> -> memref<128xi32, #tpu.memory_space<hbm>>
          %dma_wait3A_83 = tpu.memref_slice %arg4[%mul3A_58] : memref<320000xi32, #tpu.memory_space<hbm>> -> memref<128xi32, #tpu.memory_space<hbm>>
          tpu.wait_dma2 semaphore(%run_scoped3A : memref<!tpu.dma_semaphore, #tpu.memory_space<semaphore_mem>>) src(%dma_wait3A_83 : memref<128xi32, #tpu.memory_space<hbm>>) dst(%arg8 : memref<128xi32, #tpu.memory_space<vmem>>)
          tpu.yield
        }) : () -> ()
        "tpu.region"() ({
          %run_scoped3A = tpu.sem_alloc : memref<!tpu.dma_semaphore, #tpu.memory_space<semaphore_mem>>
          %dma_start3A_80 = tpu.memref_slice %arg5[%mul3A_58] : memref<320000xi32, #tpu.memory_space<hbm>> -> memref<128xi32, #tpu.memory_space<hbm>>
          %dma_start3A_81 = tpu.memref_slice %arg5[%mul3A_58] : memref<320000xi32, #tpu.memory_space<hbm>> -> memref<128xi32, #tpu.memory_space<hbm>>
          tpu.enqueue_dma source(%dma_start3A_81 : memref<128xi32, #tpu.memory_space<hbm>>) target(%arg9 : memref<128xi32, #tpu.memory_space<vmem>>) target_semaphore(%run_scoped3A : memref<!tpu.dma_semaphore, #tpu.memory_space<semaphore_mem>>)
          %dma_wait3A_82 = tpu.memref_slice %arg5[%mul3A_58] : memref<320000xi32, #tpu.memory_space<hbm>> -> memref<128xi32, #tpu.memory_space<hbm>>
          %dma_wait3A_83 = tpu.memref_slice %arg5[%mul3A_58] : memref<320000xi32, #tpu.memory_space<hbm>> -> memref<128xi32, #tpu.memory_space<hbm>>
          tpu.wait_dma2 semaphore(%run_scoped3A : memref<!tpu.dma_semaphore, #tpu.memory_space<semaphore_mem>>) src(%dma_wait3A_83 : memref<128xi32, #tpu.memory_space<hbm>>) dst(%arg9 : memref<128xi32, #tpu.memory_space<vmem>>)
          tpu.yield
        }) : () -> ()
        %dma_start3A = arith.constant 0 : i32
        %dma_start3A_61 = arith.constant 0 : i32
        %dma_start3A_62 = tpu.memref_slice %arg2[%dma_start3A, %dma_start3A_61] : memref<10000x128xf32, #tpu.memory_space<hbm>> -> memref<10000x128xf32, #tpu.memory_space<hbm>>
        tpu.enqueue_indirect_dma source(%dma_start3A_62 : memref<10000x128xf32, #tpu.memory_space<hbm>>) target(%arg12 : memref<128x128xf32, #tpu.memory_space<vmem>>) offsets(%arg8 : memref<128xi32, #tpu.memory_space<vmem>>) semaphore(%arg16 : memref<!tpu.dma_semaphore, #tpu.memory_space<semaphore_mem>>)
        %dma_start3A_63 = arith.constant 0 : i32
        %dma_start3A_64 = arith.constant 0 : i32
        %dma_start3A_65 = tpu.memref_slice %arg3[%dma_start3A_63, %dma_start3A_64] : memref<10000x128xf32, #tpu.memory_space<hbm>> -> memref<10000x128xf32, #tpu.memory_space<hbm>>
        tpu.enqueue_indirect_dma source(%dma_start3A_65 : memref<10000x128xf32, #tpu.memory_space<hbm>>) target(%arg13 : memref<128x128xf32, #tpu.memory_space<vmem>>) offsets(%arg9 : memref<128xi32, #tpu.memory_space<vmem>>) semaphore(%arg17 : memref<!tpu.dma_semaphore, #tpu.memory_space<semaphore_mem>>)
        %dma_wait3A_66 = arith.constant 0 : i32
        %dma_wait3A_67 = arith.constant 0 : i32
        %dma_wait3A_68 = tpu.memref_slice %arg2[%dma_wait3A_66, %dma_wait3A_67] : memref<10000x128xf32, #tpu.memory_space<hbm>> -> memref<10000x128xf32, #tpu.memory_space<hbm>>
        tpu.wait_indirect_dma semaphore(%arg16 : memref<!tpu.dma_semaphore, #tpu.memory_space<semaphore_mem>>) src(%dma_wait3A_68 : memref<10000x128xf32, #tpu.memory_space<hbm>>) dst(%arg12 : memref<128x128xf32, #tpu.memory_space<vmem>>)
        %dma_wait3A_69 = arith.constant 0 : i32
        %dma_wait3A_70 = arith.constant 0 : i32
        %dma_wait3A_71 = tpu.memref_slice %arg3[%dma_wait3A_69, %dma_wait3A_70] : memref<10000x128xf32, #tpu.memory_space<hbm>> -> memref<10000x128xf32, #tpu.memory_space<hbm>>
        tpu.wait_indirect_dma semaphore(%arg17 : memref<!tpu.dma_semaphore, #tpu.memory_space<semaphore_mem>>) src(%dma_wait3A_71 : memref<10000x128xf32, #tpu.memory_space<hbm>>) dst(%arg13 : memref<128x128xf32, #tpu.memory_space<vmem>>)
        %dma_start3A_72 = arith.constant 0 : i32
        %dma_start3A_73 = tpu.memref_slice %arg6[%mul3A_60, %dma_start3A_72] : memref<160000x128xf32, #tpu.memory_space<hbm>> -> memref<128x128xf32, #tpu.memory_space<hbm>>
        %dma_start3A_74 = arith.constant 0 : i32
        %dma_start3A_75 = tpu.memref_slice %arg6[%mul3A_60, %dma_start3A_74] : memref<160000x128xf32, #tpu.memory_space<hbm>> -> memref<128x128xf32, #tpu.memory_space<hbm>>
        tpu.enqueue_dma source(%arg12 : memref<128x128xf32, #tpu.memory_space<vmem>>) target(%dma_start3A_75 : memref<128x128xf32, #tpu.memory_space<hbm>>) target_semaphore(%arg18 : memref<!tpu.dma_semaphore, #tpu.memory_space<semaphore_mem>>)
        %dma_start3A_76 = arith.constant 0 : i32
        %dma_start3A_77 = tpu.memref_slice %arg7[%mul3A_60, %dma_start3A_76] : memref<160000x128xf32, #tpu.memory_space<hbm>> -> memref<128x128xf32, #tpu.memory_space<hbm>>
        %dma_start3A_78 = arith.constant 0 : i32
        %dma_start3A_79 = tpu.memref_slice %arg7[%mul3A_60, %dma_start3A_78] : memref<160000x128xf32, #tpu.memory_space<hbm>> -> memref<128x128xf32, #tpu.memory_space<hbm>>
        tpu.enqueue_dma source(%arg13 : memref<128x128xf32, #tpu.memory_space<vmem>>) target(%dma_start3A_79 : memref<128x128xf32, #tpu.memory_space<hbm>>) target_semaphore(%arg19 : memref<!tpu.dma_semaphore, #tpu.memory_space<semaphore_mem>>)
      } else {
      }
      %mul3A_39 = arith.constant 2 : i32
      %mul3A_40 = arith.muli %scan3A_29, %mul3A_39 : i32
      %add3A_41 = arith.constant 1 : i32
      %add3A_42 = arith.addi %mul3A_40, %add3A_41 : i32
      %mul3A_43 = arith.constant 32 : i32
      %mul3A_44 = arith.muli %add3A_42, %mul3A_43 : i32
      %add3A_45 = arith.addi %add3A, %mul3A_44 : i32
      %lt3A_46 = arith.constant 1250 : i32
      %lt3A_47 = arith.cmpi slt, %add3A_45, %lt3A_46 : i32
      %convert_element_type3A_48 = arith.extui %lt3A_47 : i1 to i32
      %cond3A_49 = arith.constant 0 : i32
      %cond3A_50 = arith.cmpi ne, %convert_element_type3A_48, %cond3A_49 : i32
      scf.if %cond3A_50 {
        %ge3A = arith.constant 2 : i32
        %ge3A_51 = arith.cmpi sge, %add3A_42, %ge3A : i32
        %convert_element_type3A_52 = arith.extui %ge3A_51 : i1 to i32
        %cond3A_53 = arith.constant 0 : i32
        %cond3A_54 = arith.cmpi ne, %convert_element_type3A_52, %cond3A_53 : i32
        scf.if %cond3A_54 {
          %dma_wait3A_80 = arith.constant 0 : i32
          %dma_wait3A_81 = arith.constant 0 : i32
          %dma_wait3A_82 = tpu.memref_slice %arg6[%dma_wait3A_80, %dma_wait3A_81] : memref<160000x128xf32, #tpu.memory_space<hbm>> -> memref<128x128xf32, #tpu.memory_space<hbm>>
          %dma_wait3A_83 = arith.constant 0 : i32
          %dma_wait3A_84 = arith.constant 0 : i32
          %dma_wait3A_85 = tpu.memref_slice %arg6[%dma_wait3A_83, %dma_wait3A_84] : memref<160000x128xf32, #tpu.memory_space<hbm>> -> memref<128x128xf32, #tpu.memory_space<hbm>>
          tpu.wait_dma2 semaphore(%arg20 : memref<!tpu.dma_semaphore, #tpu.memory_space<semaphore_mem>>) src(%arg14 : memref<128x128xf32, #tpu.memory_space<vmem>>) dst(%dma_wait3A_85 : memref<128x128xf32, #tpu.memory_space<hbm>>)
          %dma_wait3A_86 = arith.constant 0 : i32
          %dma_wait3A_87 = arith.constant 0 : i32
          %dma_wait3A_88 = tpu.memref_slice %arg7[%dma_wait3A_86, %dma_wait3A_87] : memref<160000x128xf32, #tpu.memory_space<hbm>> -> memref<128x128xf32, #tpu.memory_space<hbm>>
          %dma_wait3A_89 = arith.constant 0 : i32
          %dma_wait3A_90 = arith.constant 0 : i32
          %dma_wait3A_91 = tpu.memref_slice %arg7[%dma_wait3A_89, %dma_wait3A_90] : memref<160000x128xf32, #tpu.memory_space<hbm>> -> memref<128x128xf32, #tpu.memory_space<hbm>>
          tpu.wait_dma2 semaphore(%arg21 : memref<!tpu.dma_semaphore, #tpu.memory_space<semaphore_mem>>) src(%arg15 : memref<128x128xf32, #tpu.memory_space<vmem>>) dst(%dma_wait3A_91 : memref<128x128xf32, #tpu.memory_space<hbm>>)
        } else {
        }
        %add3A_55 = arith.constant 0 : i32
        %add3A_56 = arith.addi %add3A_55, %add3A_45 : i32
        %mul3A_57 = arith.constant 128 : i32
        %mul3A_58 = arith.muli %add3A_56, %mul3A_57 : i32
        %mul3A_59 = arith.constant 128 : i32
        %mul3A_60 = arith.muli %add3A_45, %mul3A_59 : i32
        "tpu.region"() ({
          %run_scoped3A = tpu.sem_alloc : memref<!tpu.dma_semaphore, #tpu.memory_space<semaphore_mem>>
          %dma_start3A_80 = tpu.memref_slice %arg4[%mul3A_58] : memref<320000xi32, #tpu.memory_space<hbm>> -> memref<128xi32, #tpu.memory_space<hbm>>
          %dma_start3A_81 = tpu.memref_slice %arg4[%mul3A_58] : memref<320000xi32, #tpu.memory_space<hbm>> -> memref<128xi32, #tpu.memory_space<hbm>>
          tpu.enqueue_dma source(%dma_start3A_81 : memref<128xi32, #tpu.memory_space<hbm>>) target(%arg10 : memref<128xi32, #tpu.memory_space<vmem>>) target_semaphore(%run_scoped3A : memref<!tpu.dma_semaphore, #tpu.memory_space<semaphore_mem>>)
          %dma_wait3A_82 = tpu.memref_slice %arg4[%mul3A_58] : memref<320000xi32, #tpu.memory_space<hbm>> -> memref<128xi32, #tpu.memory_space<hbm>>
          %dma_wait3A_83 = tpu.memref_slice %arg4[%mul3A_58] : memref<320000xi32, #tpu.memory_space<hbm>> -> memref<128xi32, #tpu.memory_space<hbm>>
          tpu.wait_dma2 semaphore(%run_scoped3A : memref<!tpu.dma_semaphore, #tpu.memory_space<semaphore_mem>>) src(%dma_wait3A_83 : memref<128xi32, #tpu.memory_space<hbm>>) dst(%arg10 : memref<128xi32, #tpu.memory_space<vmem>>)
          tpu.yield
        }) : () -> ()
        "tpu.region"() ({
          %run_scoped3A = tpu.sem_alloc : memref<!tpu.dma_semaphore, #tpu.memory_space<semaphore_mem>>
          %dma_start3A_80 = tpu.memref_slice %arg5[%mul3A_58] : memref<320000xi32, #tpu.memory_space<hbm>> -> memref<128xi32, #tpu.memory_space<hbm>>
          %dma_start3A_81 = tpu.memref_slice %arg5[%mul3A_58] : memref<320000xi32, #tpu.memory_space<hbm>> -> memref<128xi32, #tpu.memory_space<hbm>>
          tpu.enqueue_dma source(%dma_start3A_81 : memref<128xi32, #tpu.memory_space<hbm>>) target(%arg11 : memref<128xi32, #tpu.memory_space<vmem>>) target_semaphore(%run_scoped3A : memref<!tpu.dma_semaphore, #tpu.memory_space<semaphore_mem>>)
          %dma_wait3A_82 = tpu.memref_slice %arg5[%mul3A_58] : memref<320000xi32, #tpu.memory_space<hbm>> -> memref<128xi32, #tpu.memory_space<hbm>>
          %dma_wait3A_83 = tpu.memref_slice %arg5[%mul3A_58] : memref<320000xi32, #tpu.memory_space<hbm>> -> memref<128xi32, #tpu.memory_space<hbm>>
          tpu.wait_dma2 semaphore(%run_scoped3A : memref<!tpu.dma_semaphore, #tpu.memory_space<semaphore_mem>>) src(%dma_wait3A_83 : memref<128xi32, #tpu.memory_space<hbm>>) dst(%arg11 : memref<128xi32, #tpu.memory_space<vmem>>)
          tpu.yield
        }) : () -> ()
        %dma_start3A = arith.constant 0 : i32
        %dma_start3A_61 = arith.constant 0 : i32
        %dma_start3A_62 = tpu.memref_slice %arg2[%dma_start3A, %dma_start3A_61] : memref<10000x128xf32, #tpu.memory_space<hbm>> -> memref<10000x128xf32, #tpu.memory_space<hbm>>
        tpu.enqueue_indirect_dma source(%dma_start3A_62 : memref<10000x128xf32, #tpu.memory_space<hbm>>) target(%arg14 : memref<128x128xf32, #tpu.memory_space<vmem>>) offsets(%arg10 : memref<128xi32, #tpu.memory_space<vmem>>) semaphore(%arg16 : memref<!tpu.dma_semaphore, #tpu.memory_space<semaphore_mem>>)
        %dma_start3A_63 = arith.constant 0 : i32
        %dma_start3A_64 = arith.constant 0 : i32
        %dma_start3A_65 = tpu.memref_slice %arg3[%dma_start3A_63, %dma_start3A_64] : memref<10000x128xf32, #tpu.memory_space<hbm>> -> memref<10000x128xf32, #tpu.memory_space<hbm>>
        tpu.enqueue_indirect_dma source(%dma_start3A_65 : memref<10000x128xf32, #tpu.memory_space<hbm>>) target(%arg15 : memref<128x128xf32, #tpu.memory_space<vmem>>) offsets(%arg11 : memref<128xi32, #tpu.memory_space<vmem>>) semaphore(%arg17 : memref<!tpu.dma_semaphore, #tpu.memory_space<semaphore_mem>>)
        %dma_wait3A_66 = arith.constant 0 : i32
        %dma_wait3A_67 = arith.constant 0 : i32
        %dma_wait3A_68 = tpu.memref_slice %arg2[%dma_wait3A_66, %dma_wait3A_67] : memref<10000x128xf32, #tpu.memory_space<hbm>> -> memref<10000x128xf32, #tpu.memory_space<hbm>>
        tpu.wait_indirect_dma semaphore(%arg16 : memref<!tpu.dma_semaphore, #tpu.memory_space<semaphore_mem>>) src(%dma_wait3A_68 : memref<10000x128xf32, #tpu.memory_space<hbm>>) dst(%arg14 : memref<128x128xf32, #tpu.memory_space<vmem>>)
        %dma_wait3A_69 = arith.constant 0 : i32
        %dma_wait3A_70 = arith.constant 0 : i32
        %dma_wait3A_71 = tpu.memref_slice %arg3[%dma_wait3A_69, %dma_wait3A_70] : memref<10000x128xf32, #tpu.memory_space<hbm>> -> memref<10000x128xf32, #tpu.memory_space<hbm>>
        tpu.wait_indirect_dma semaphore(%arg17 : memref<!tpu.dma_semaphore, #tpu.memory_space<semaphore_mem>>) src(%dma_wait3A_71 : memref<10000x128xf32, #tpu.memory_space<hbm>>) dst(%arg15 : memref<128x128xf32, #tpu.memory_space<vmem>>)
        %dma_start3A_72 = arith.constant 0 : i32
        %dma_start3A_73 = tpu.memref_slice %arg6[%mul3A_60, %dma_start3A_72] : memref<160000x128xf32, #tpu.memory_space<hbm>> -> memref<128x128xf32, #tpu.memory_space<hbm>>
        %dma_start3A_74 = arith.constant 0 : i32
        %dma_start3A_75 = tpu.memref_slice %arg6[%mul3A_60, %dma_start3A_74] : memref<160000x128xf32, #tpu.memory_space<hbm>> -> memref<128x128xf32, #tpu.memory_space<hbm>>
        tpu.enqueue_dma source(%arg14 : memref<128x128xf32, #tpu.memory_space<vmem>>) target(%dma_start3A_75 : memref<128x128xf32, #tpu.memory_space<hbm>>) target_semaphore(%arg20 : memref<!tpu.dma_semaphore, #tpu.memory_space<semaphore_mem>>)
        %dma_start3A_76 = arith.constant 0 : i32
        %dma_start3A_77 = tpu.memref_slice %arg7[%mul3A_60, %dma_start3A_76] : memref<160000x128xf32, #tpu.memory_space<hbm>> -> memref<128x128xf32, #tpu.memory_space<hbm>>
        %dma_start3A_78 = arith.constant 0 : i32
        %dma_start3A_79 = tpu.memref_slice %arg7[%mul3A_60, %dma_start3A_78] : memref<160000x128xf32, #tpu.memory_space<hbm>> -> memref<128x128xf32, #tpu.memory_space<hbm>>
        tpu.enqueue_dma source(%arg15 : memref<128x128xf32, #tpu.memory_space<vmem>>) target(%dma_start3A_79 : memref<128x128xf32, #tpu.memory_space<hbm>>) target_semaphore(%arg21 : memref<!tpu.dma_semaphore, #tpu.memory_space<semaphore_mem>>)
      } else {
      }
    }
    %scan3A_5 = arith.constant 20 : i32
    %dma_wait3A = arith.constant 0 : i32
    %dma_wait3A_6 = arith.constant 0 : i32
    %dma_wait3A_7 = tpu.memref_slice %arg6[%dma_wait3A, %dma_wait3A_6] : memref<160000x128xf32, #tpu.memory_space<hbm>> -> memref<128x128xf32, #tpu.memory_space<hbm>>
    %dma_wait3A_8 = arith.constant 0 : i32
    %dma_wait3A_9 = arith.constant 0 : i32
    %dma_wait3A_10 = tpu.memref_slice %arg6[%dma_wait3A_8, %dma_wait3A_9] : memref<160000x128xf32, #tpu.memory_space<hbm>> -> memref<128x128xf32, #tpu.memory_space<hbm>>
    tpu.wait_dma2 semaphore(%arg18 : memref<!tpu.dma_semaphore, #tpu.memory_space<semaphore_mem>>) src(%arg12 : memref<128x128xf32, #tpu.memory_space<vmem>>) dst(%dma_wait3A_10 : memref<128x128xf32, #tpu.memory_space<hbm>>)
    %dma_wait3A_11 = arith.constant 0 : i32
    %dma_wait3A_12 = arith.constant 0 : i32
    %dma_wait3A_13 = tpu.memref_slice %arg7[%dma_wait3A_11, %dma_wait3A_12] : memref<160000x128xf32, #tpu.memory_space<hbm>> -> memref<128x128xf32, #tpu.memory_space<hbm>>
    %dma_wait3A_14 = arith.constant 0 : i32
    %dma_wait3A_15 = arith.constant 0 : i32
    %dma_wait3A_16 = tpu.memref_slice %arg7[%dma_wait3A_14, %dma_wait3A_15] : memref<160000x128xf32, #tpu.memory_space<hbm>> -> memref<128x128xf32, #tpu.memory_space<hbm>>
    tpu.wait_dma2 semaphore(%arg19 : memref<!tpu.dma_semaphore, #tpu.memory_space<semaphore_mem>>) src(%arg13 : memref<128x128xf32, #tpu.memory_space<vmem>>) dst(%dma_wait3A_16 : memref<128x128xf32, #tpu.memory_space<hbm>>)
    %dma_wait3A_17 = arith.constant 0 : i32
    %dma_wait3A_18 = arith.constant 0 : i32
    %dma_wait3A_19 = tpu.memref_slice %arg6[%dma_wait3A_17, %dma_wait3A_18] : memref<160000x128xf32, #tpu.memory_space<hbm>> -> memref<128x128xf32, #tpu.memory_space<hbm>>
    %dma_wait3A_20 = arith.constant 0 : i32
    %dma_wait3A_21 = arith.constant 0 : i32
    %dma_wait3A_22 = tpu.memref_slice %arg6[%dma_wait3A_20, %dma_wait3A_21] : memref<160000x128xf32, #tpu.memory_space<hbm>> -> memref<128x128xf32, #tpu.memory_space<hbm>>
    tpu.wait_dma2 semaphore(%arg20 : memref<!tpu.dma_semaphore, #tpu.memory_space<semaphore_mem>>) src(%arg14 : memref<128x128xf32, #tpu.memory_space<vmem>>) dst(%dma_wait3A_22 : memref<128x128xf32, #tpu.memory_space<hbm>>)
    %dma_wait3A_23 = arith.constant 0 : i32
    %dma_wait3A_24 = arith.constant 0 : i32
    %dma_wait3A_25 = tpu.memref_slice %arg7[%dma_wait3A_23, %dma_wait3A_24] : memref<160000x128xf32, #tpu.memory_space<hbm>> -> memref<128x128xf32, #tpu.memory_space<hbm>>
    %dma_wait3A_26 = arith.constant 0 : i32
    %dma_wait3A_27 = arith.constant 0 : i32
    %dma_wait3A_28 = tpu.memref_slice %arg7[%dma_wait3A_26, %dma_wait3A_27] : memref<160000x128xf32, #tpu.memory_space<hbm>> -> memref<128x128xf32, #tpu.memory_space<hbm>>
    tpu.wait_dma2 semaphore(%arg21 : memref<!tpu.dma_semaphore, #tpu.memory_space<semaphore_mem>>) src(%arg15 : memref<128x128xf32, #tpu.memory_space<vmem>>) dst(%dma_wait3A_28 : memref<128x128xf32, #tpu.memory_space<hbm>>)
    return
  }
}

#map = affine_map<(d0, d1) -> (0, 0)>
#map1 = affine_map<(d0, d1) -> (0)>
#map2 = affine_map<(d0, d1) -> (0, 0, 0)>
module attributes {stable_mosaic.version = 14 : i64} {
  func.func @_scatter_body(%arg0: i32, %arg1: i32, %arg2: memref<160000x128xf32, #tpu.memory_space<hbm>>, %arg3: memref<320000xi32, #tpu.memory_space<hbm>>, %arg4: memref<10000x128xf32, #tpu.memory_space<hbm>>, %arg5: memref<2x10000x128xf32, #tpu.memory_space<hbm>>, %arg6: memref<320000xf32, #tpu.memory_space<hbm>>, %arg7: memref<128xi32, #tpu.memory_space<vmem>>, %arg8: memref<128x128xf32, #tpu.memory_space<vmem>>, %arg9: memref<10000xf32, #tpu.memory_space<vmem>>, %arg10: memref<10000x128xf32, #tpu.memory_space<vmem_shared>>) attributes {dimension_semantics = [#tpu.dimension_semantics<core_parallel>, #tpu.dimension_semantics<subcore_parallel>], iteration_bounds = array<i64: 2, 16>, scalar_prefetch = 0 : i64, scratch_operands = 4 : i64, tpu.core_type = #tpu.core_type<sc_vector_subcore>, window_params = [{transform_indices = #map}, {transform_indices = #map1}, {transform_indices = #map}, {transform_indices = #map2}, {transform_indices = #map1}]} {
    %mul3A = arith.constant 2 : i32
    %mul3A_0 = arith.muli %arg1, %mul3A : i32
    %add3A = arith.addi %mul3A_0, %arg0 : i32
    %mul3A_1 = arith.constant 624 : i32
    %mul3A_2 = arith.muli %arg1, %mul3A_1 : i32
    "tpu.region"() ({
      %run_scoped3A = tpu.sem_alloc : memref<!tpu.dma_semaphore, #tpu.memory_space<semaphore_mem>>
      %dma_start3A = arith.constant 0 : i32
      %dma_start3A_25 = tpu.memref_slice %arg10[%mul3A_2, %dma_start3A] : memref<10000x128xf32, #tpu.memory_space<vmem_shared>> -> memref<624x128xf32, #tpu.memory_space<vmem_shared>>
      %dma_start3A_26 = arith.constant 0 : i32
      %dma_start3A_27 = tpu.memref_slice %arg4[%mul3A_2, %dma_start3A_26] : memref<10000x128xf32, #tpu.memory_space<hbm>> -> memref<624x128xf32, #tpu.memory_space<hbm>>
      tpu.enqueue_dma source(%dma_start3A_27 : memref<624x128xf32, #tpu.memory_space<hbm>>) target(%dma_start3A_25 : memref<624x128xf32, #tpu.memory_space<vmem_shared>>) target_semaphore(%run_scoped3A : memref<!tpu.dma_semaphore, #tpu.memory_space<semaphore_mem>>)
      %dma_wait3A = arith.constant 0 : i32
      %dma_wait3A_28 = tpu.memref_slice %arg10[%mul3A_2, %dma_wait3A] : memref<10000x128xf32, #tpu.memory_space<vmem_shared>> -> memref<624x128xf32, #tpu.memory_space<vmem_shared>>
      %dma_wait3A_29 = arith.constant 0 : i32
      %dma_wait3A_30 = tpu.memref_slice %arg4[%mul3A_2, %dma_wait3A_29] : memref<10000x128xf32, #tpu.memory_space<hbm>> -> memref<624x128xf32, #tpu.memory_space<hbm>>
      tpu.wait_dma2 semaphore(%run_scoped3A : memref<!tpu.dma_semaphore, #tpu.memory_space<semaphore_mem>>) src(%dma_wait3A_30 : memref<624x128xf32, #tpu.memory_space<hbm>>) dst(%dma_wait3A_28 : memref<624x128xf32, #tpu.memory_space<vmem_shared>>)
      tpu.yield
    }) : () -> ()
    %eq3A = arith.constant 15 : i32
    %eq3A_3 = arith.cmpi eq, %arg1, %eq3A : i32
    %convert_element_type3A = arith.extui %eq3A_3 : i1 to i32
    %cond3A = arith.constant 0 : i32
    %cond3A_4 = arith.cmpi ne, %convert_element_type3A, %cond3A : i32
    scf.if %cond3A_4 {
      "tpu.region"() ({
        %run_scoped3A = tpu.sem_alloc : memref<!tpu.dma_semaphore, #tpu.memory_space<semaphore_mem>>
        %dma_start3A = arith.constant 9984 : i32
        %dma_start3A_25 = arith.constant 0 : i32
        %dma_start3A_26 = tpu.memref_slice %arg10[%dma_start3A, %dma_start3A_25] : memref<10000x128xf32, #tpu.memory_space<vmem_shared>> -> memref<16x128xf32, #tpu.memory_space<vmem_shared>>
        %dma_start3A_27 = arith.constant 9984 : i32
        %dma_start3A_28 = arith.constant 0 : i32
        %dma_start3A_29 = tpu.memref_slice %arg4[%dma_start3A_27, %dma_start3A_28] : memref<10000x128xf32, #tpu.memory_space<hbm>> -> memref<16x128xf32, #tpu.memory_space<hbm>>
        tpu.enqueue_dma source(%dma_start3A_29 : memref<16x128xf32, #tpu.memory_space<hbm>>) target(%dma_start3A_26 : memref<16x128xf32, #tpu.memory_space<vmem_shared>>) target_semaphore(%run_scoped3A : memref<!tpu.dma_semaphore, #tpu.memory_space<semaphore_mem>>)
        %dma_wait3A = arith.constant 9984 : i32
        %dma_wait3A_30 = arith.constant 0 : i32
        %dma_wait3A_31 = tpu.memref_slice %arg10[%dma_wait3A, %dma_wait3A_30] : memref<10000x128xf32, #tpu.memory_space<vmem_shared>> -> memref<16x128xf32, #tpu.memory_space<vmem_shared>>
        %dma_wait3A_32 = arith.constant 9984 : i32
        %dma_wait3A_33 = arith.constant 0 : i32
        %dma_wait3A_34 = tpu.memref_slice %arg4[%dma_wait3A_32, %dma_wait3A_33] : memref<10000x128xf32, #tpu.memory_space<hbm>> -> memref<16x128xf32, #tpu.memory_space<hbm>>
        tpu.wait_dma2 semaphore(%run_scoped3A : memref<!tpu.dma_semaphore, #tpu.memory_space<semaphore_mem>>) src(%dma_wait3A_34 : memref<16x128xf32, #tpu.memory_space<hbm>>) dst(%dma_wait3A_31 : memref<16x128xf32, #tpu.memory_space<vmem_shared>>)
        tpu.yield
      }) : () -> ()
    } else {
    }
    %scan3A = arith.constant 0 : i32
    %scan3A_5 = arith.constant 0 : i32
    %scan3A_6 = arith.constant 625 : i32
    %scan3A_7 = arith.addi %scan3A_5, %scan3A_6 : i32
    %scan3A_8 = arith.constant 1 : i32
    scf.for %scan3A_25 = %scan3A_5 to %scan3A_7 step %scan3A_8  : i32 {
      %broadcast_in_dim3A_26 = arith.constant 0.000000e+00 : f32
      %broadcast_in_dim3A_27 = vector.broadcast %broadcast_in_dim3A_26 : f32 to vector<16xf32>
      %mul3A_28 = arith.constant 16 : i32
      %mul3A_29 = arith.muli %scan3A_25, %mul3A_28 : i32
      %swap3A = arith.index_cast %mul3A_29 : i32 to index
      %swap3A_30 = tpu.vector_load %arg9[%swap3A] {strides = array<i32>} : memref<10000xf32, #tpu.memory_space<vmem>>, vector<16xf32>,
      tpu.vector_store %arg9[%swap3A], %broadcast_in_dim3A_27 {strides = array<i32>} : memref<10000xf32, #tpu.memory_space<vmem>>, vector<16xf32>,
    }
    %scan3A_9 = arith.constant 625 : i32
    %barrier3A = arith.constant 0 : index
    tpu.barrier barrier_id(%barrier3A)
    %broadcast_in_dim3A = arith.constant 1.000000e+00 : f32
    %broadcast_in_dim3A_10 = vector.broadcast %broadcast_in_dim3A : f32 to vector<16xf32>
    %scan3A_11 = arith.constant 0 : i32
    %scan3A_12 = arith.constant 0 : i32
    %scan3A_13 = arith.constant 40 : i32
    %scan3A_14 = arith.addi %scan3A_12, %scan3A_13 : i32
    %scan3A_15 = arith.constant 1 : i32
    scf.for %scan3A_25 = %scan3A_12 to %scan3A_14 step %scan3A_15  : i32 {
      %mul3A_26 = arith.constant 32 : i32
      %mul3A_27 = arith.muli %scan3A_25, %mul3A_26 : i32
      %add3A_28 = arith.addi %add3A, %mul3A_27 : i32
      %lt3A = arith.constant 1250 : i32
      %lt3A_29 = arith.cmpi slt, %add3A_28, %lt3A : i32
      %convert_element_type3A_30 = arith.extui %lt3A_29 : i1 to i32
      %cond3A_31 = arith.constant 0 : i32
      %cond3A_32 = arith.cmpi ne, %convert_element_type3A_30, %cond3A_31 : i32
      scf.if %cond3A_32 {
        %mul3A_33 = arith.constant 128 : i32
        %mul3A_34 = arith.muli %add3A_28, %mul3A_33 : i32
        %add3A_35 = arith.constant 1250 : i32
        %add3A_36 = arith.addi %add3A_35, %add3A_28 : i32
        %mul3A_37 = arith.constant 128 : i32
        %mul3A_38 = arith.muli %add3A_36, %mul3A_37 : i32
        "tpu.region"() ({
          %run_scoped3A = tpu.sem_alloc : memref<!tpu.dma_semaphore, #tpu.memory_space<semaphore_mem>>
          %dma_start3A = tpu.memref_slice %arg3[%mul3A_38] : memref<320000xi32, #tpu.memory_space<hbm>> -> memref<128xi32, #tpu.memory_space<hbm>>
          %dma_start3A_54 = tpu.memref_slice %arg3[%mul3A_38] : memref<320000xi32, #tpu.memory_space<hbm>> -> memref<128xi32, #tpu.memory_space<hbm>>
          tpu.enqueue_dma source(%dma_start3A_54 : memref<128xi32, #tpu.memory_space<hbm>>) target(%arg7 : memref<128xi32, #tpu.memory_space<vmem>>) target_semaphore(%run_scoped3A : memref<!tpu.dma_semaphore, #tpu.memory_space<semaphore_mem>>)
          %dma_wait3A = tpu.memref_slice %arg3[%mul3A_38] : memref<320000xi32, #tpu.memory_space<hbm>> -> memref<128xi32, #tpu.memory_space<hbm>>
          %dma_wait3A_55 = tpu.memref_slice %arg3[%mul3A_38] : memref<320000xi32, #tpu.memory_space<hbm>> -> memref<128xi32, #tpu.memory_space<hbm>>
          tpu.wait_dma2 semaphore(%run_scoped3A : memref<!tpu.dma_semaphore, #tpu.memory_space<semaphore_mem>>) src(%dma_wait3A_55 : memref<128xi32, #tpu.memory_space<hbm>>) dst(%arg7 : memref<128xi32, #tpu.memory_space<vmem>>)
          tpu.yield
        }) : () -> ()
        "tpu.region"() ({
          %run_scoped3A = tpu.sem_alloc : memref<!tpu.dma_semaphore, #tpu.memory_space<semaphore_mem>>
          %dma_start3A = arith.constant 0 : i32
          %dma_start3A_54 = tpu.memref_slice %arg2[%mul3A_34, %dma_start3A] : memref<160000x128xf32, #tpu.memory_space<hbm>> -> memref<128x128xf32, #tpu.memory_space<hbm>>
          %dma_start3A_55 = arith.constant 0 : i32
          %dma_start3A_56 = tpu.memref_slice %arg2[%mul3A_34, %dma_start3A_55] : memref<160000x128xf32, #tpu.memory_space<hbm>> -> memref<128x128xf32, #tpu.memory_space<hbm>>
          tpu.enqueue_dma source(%dma_start3A_56 : memref<128x128xf32, #tpu.memory_space<hbm>>) target(%arg8 : memref<128x128xf32, #tpu.memory_space<vmem>>) target_semaphore(%run_scoped3A : memref<!tpu.dma_semaphore, #tpu.memory_space<semaphore_mem>>)
          %dma_wait3A = arith.constant 0 : i32
          %dma_wait3A_57 = tpu.memref_slice %arg2[%mul3A_34, %dma_wait3A] : memref<160000x128xf32, #tpu.memory_space<hbm>> -> memref<128x128xf32, #tpu.memory_space<hbm>>
          %dma_wait3A_58 = arith.constant 0 : i32
          %dma_wait3A_59 = tpu.memref_slice %arg2[%mul3A_34, %dma_wait3A_58] : memref<160000x128xf32, #tpu.memory_space<hbm>> -> memref<128x128xf32, #tpu.memory_space<hbm>>
          tpu.wait_dma2 semaphore(%run_scoped3A : memref<!tpu.dma_semaphore, #tpu.memory_space<semaphore_mem>>) src(%dma_wait3A_59 : memref<128x128xf32, #tpu.memory_space<hbm>>) dst(%arg8 : memref<128x128xf32, #tpu.memory_space<vmem>>)
          tpu.yield
        }) : () -> ()
        "tpu.region"() ({
          %run_scoped3A = tpu.sem_alloc : memref<!tpu.dma_semaphore, #tpu.memory_space<semaphore_mem>>
          %dma_start3A = arith.constant 0 : i32
          %dma_start3A_54 = arith.constant 0 : i32
          %dma_start3A_55 = tpu.memref_slice %arg10[%dma_start3A, %dma_start3A_54] : memref<10000x128xf32, #tpu.memory_space<vmem_shared>> -> memref<10000x128xf32, #tpu.memory_space<vmem_shared>>
          tpu.enqueue_indirect_dma source(%arg8 : memref<128x128xf32, #tpu.memory_space<vmem>>) target(%dma_start3A_55 : memref<10000x128xf32, #tpu.memory_space<vmem_shared>>) offsets(%arg7 : memref<128xi32, #tpu.memory_space<vmem>>) semaphore(%run_scoped3A : memref<!tpu.dma_semaphore, #tpu.memory_space<semaphore_mem>>) {add = true}
          %dma_wait3A = arith.constant 0 : i32
          %dma_wait3A_56 = arith.constant 0 : i32
          %dma_wait3A_57 = tpu.memref_slice %arg10[%dma_wait3A, %dma_wait3A_56] : memref<10000x128xf32, #tpu.memory_space<vmem_shared>> -> memref<10000x128xf32, #tpu.memory_space<vmem_shared>>
          tpu.wait_indirect_dma semaphore(%run_scoped3A : memref<!tpu.dma_semaphore, #tpu.memory_space<semaphore_mem>>) src(%arg8 : memref<128x128xf32, #tpu.memory_space<vmem>>) dst(%dma_wait3A_57 : memref<10000x128xf32, #tpu.memory_space<vmem_shared>>)
          tpu.yield
        }) : () -> ()
        %get3A = arith.constant 0 : index
        %get3A_39 = tpu.vector_load %arg7[%get3A] {strides = array<i32>} : memref<128xi32, #tpu.memory_space<vmem>>, vector<16xi32>,
        tpu.vector_store_idx %arg9[%get3A_39], %broadcast_in_dim3A_10 {add = true} : memref<10000xf32, #tpu.memory_space<vmem>>[vector<16xi32>], vector<16xf32>,
        %get3A_40 = arith.constant 16 : index
        %get3A_41 = tpu.vector_load %arg7[%get3A_40] {strides = array<i32>} : memref<128xi32, #tpu.memory_space<vmem>>, vector<16xi32>,
        tpu.vector_store_idx %arg9[%get3A_41], %broadcast_in_dim3A_10 {add = true} : memref<10000xf32, #tpu.memory_space<vmem>>[vector<16xi32>], vector<16xf32>,
        %get3A_42 = arith.constant 32 : index
        %get3A_43 = tpu.vector_load %arg7[%get3A_42] {strides = array<i32>} : memref<128xi32, #tpu.memory_space<vmem>>, vector<16xi32>,
        tpu.vector_store_idx %arg9[%get3A_43], %broadcast_in_dim3A_10 {add = true} : memref<10000xf32, #tpu.memory_space<vmem>>[vector<16xi32>], vector<16xf32>,
        %get3A_44 = arith.constant 48 : index
        %get3A_45 = tpu.vector_load %arg7[%get3A_44] {strides = array<i32>} : memref<128xi32, #tpu.memory_space<vmem>>, vector<16xi32>,
        tpu.vector_store_idx %arg9[%get3A_45], %broadcast_in_dim3A_10 {add = true} : memref<10000xf32, #tpu.memory_space<vmem>>[vector<16xi32>], vector<16xf32>,
        %get3A_46 = arith.constant 64 : index
        %get3A_47 = tpu.vector_load %arg7[%get3A_46] {strides = array<i32>} : memref<128xi32, #tpu.memory_space<vmem>>, vector<16xi32>,
        tpu.vector_store_idx %arg9[%get3A_47], %broadcast_in_dim3A_10 {add = true} : memref<10000xf32, #tpu.memory_space<vmem>>[vector<16xi32>], vector<16xf32>,
        %get3A_48 = arith.constant 80 : index
        %get3A_49 = tpu.vector_load %arg7[%get3A_48] {strides = array<i32>} : memref<128xi32, #tpu.memory_space<vmem>>, vector<16xi32>,
        tpu.vector_store_idx %arg9[%get3A_49], %broadcast_in_dim3A_10 {add = true} : memref<10000xf32, #tpu.memory_space<vmem>>[vector<16xi32>], vector<16xf32>,
        %get3A_50 = arith.constant 96 : index
        %get3A_51 = tpu.vector_load %arg7[%get3A_50] {strides = array<i32>} : memref<128xi32, #tpu.memory_space<vmem>>, vector<16xi32>,
        tpu.vector_store_idx %arg9[%get3A_51], %broadcast_in_dim3A_10 {add = true} : memref<10000xf32, #tpu.memory_space<vmem>>[vector<16xi32>], vector<16xf32>,
        %get3A_52 = arith.constant 112 : index
        %get3A_53 = tpu.vector_load %arg7[%get3A_52] {strides = array<i32>} : memref<128xi32, #tpu.memory_space<vmem>>, vector<16xi32>,
        tpu.vector_store_idx %arg9[%get3A_53], %broadcast_in_dim3A_10 {add = true} : memref<10000xf32, #tpu.memory_space<vmem>>[vector<16xi32>], vector<16xf32>,
      } else {
      }
    }
    %scan3A_16 = arith.constant 40 : i32
    %mul3A_17 = arith.constant 10000 : i32
    %mul3A_18 = arith.muli %add3A, %mul3A_17 : i32
    "tpu.region"() ({
      %run_scoped3A = tpu.sem_alloc : memref<!tpu.dma_semaphore, #tpu.memory_space<semaphore_mem>>
      %dma_start3A = tpu.memref_slice %arg6[%mul3A_18] : memref<320000xf32, #tpu.memory_space<hbm>> -> memref<10000xf32, #tpu.memory_space<hbm>>
      %dma_start3A_25 = tpu.memref_slice %arg6[%mul3A_18] : memref<320000xf32, #tpu.memory_space<hbm>> -> memref<10000xf32, #tpu.memory_space<hbm>>
      tpu.enqueue_dma source(%arg9 : memref<10000xf32, #tpu.memory_space<vmem>>) target(%dma_start3A_25 : memref<10000xf32, #tpu.memory_space<hbm>>) target_semaphore(%run_scoped3A : memref<!tpu.dma_semaphore, #tpu.memory_space<semaphore_mem>>)
      %dma_wait3A = tpu.memref_slice %arg6[%mul3A_18] : memref<320000xf32, #tpu.memory_space<hbm>> -> memref<10000xf32, #tpu.memory_space<hbm>>
      %dma_wait3A_26 = tpu.memref_slice %arg6[%mul3A_18] : memref<320000xf32, #tpu.memory_space<hbm>> -> memref<10000xf32, #tpu.memory_space<hbm>>
      tpu.wait_dma2 semaphore(%run_scoped3A : memref<!tpu.dma_semaphore, #tpu.memory_space<semaphore_mem>>) src(%arg9 : memref<10000xf32, #tpu.memory_space<vmem>>) dst(%dma_wait3A_26 : memref<10000xf32, #tpu.memory_space<hbm>>)
      tpu.yield
    }) : () -> ()
    %barrier3A_19 = arith.constant 0 : index
    tpu.barrier barrier_id(%barrier3A_19)
    "tpu.region"() ({
      %run_scoped3A = tpu.sem_alloc : memref<!tpu.dma_semaphore, #tpu.memory_space<semaphore_mem>>
      %dma_start3A = arith.constant 0 : i32
      %dma_start3A_25 = tpu.memref_slice %arg5[%arg0, %mul3A_2, %dma_start3A] : memref<2x10000x128xf32, #tpu.memory_space<hbm>> -> memref<1x624x128xf32, #tpu.memory_space<hbm>>
      %dma_start3A_26 = tpu.memref_squeeze %dma_start3A_25 : memref<1x624x128xf32, #tpu.memory_space<hbm>> -> memref<624x128xf32, #tpu.memory_space<hbm>>
      %dma_start3A_27 = arith.constant 0 : i32
      %dma_start3A_28 = tpu.memref_slice %arg10[%mul3A_2, %dma_start3A_27] : memref<10000x128xf32, #tpu.memory_space<vmem_shared>> -> memref<624x128xf32, #tpu.memory_space<vmem_shared>>
      tpu.enqueue_dma source(%dma_start3A_28 : memref<624x128xf32, #tpu.memory_space<vmem_shared>>) target(%dma_start3A_26 : memref<624x128xf32, #tpu.memory_space<hbm>>) target_semaphore(%run_scoped3A : memref<!tpu.dma_semaphore, #tpu.memory_space<semaphore_mem>>)
      %dma_wait3A = arith.constant 0 : i32
      %dma_wait3A_29 = tpu.memref_slice %arg5[%arg0, %mul3A_2, %dma_wait3A] : memref<2x10000x128xf32, #tpu.memory_space<hbm>> -> memref<1x624x128xf32, #tpu.memory_space<hbm>>
      %dma_wait3A_30 = tpu.memref_squeeze %dma_wait3A_29 : memref<1x624x128xf32, #tpu.memory_space<hbm>> -> memref<624x128xf32, #tpu.memory_space<hbm>>
      %dma_wait3A_31 = arith.constant 0 : i32
      %dma_wait3A_32 = tpu.memref_slice %arg10[%mul3A_2, %dma_wait3A_31] : memref<10000x128xf32, #tpu.memory_space<vmem_shared>> -> memref<624x128xf32, #tpu.memory_space<vmem_shared>>
      tpu.wait_dma2 semaphore(%run_scoped3A : memref<!tpu.dma_semaphore, #tpu.memory_space<semaphore_mem>>) src(%dma_wait3A_32 : memref<624x128xf32, #tpu.memory_space<vmem_shared>>) dst(%dma_wait3A_30 : memref<624x128xf32, #tpu.memory_space<hbm>>)
      tpu.yield
    }) : () -> ()
    %eq3A_20 = arith.constant 15 : i32
    %eq3A_21 = arith.cmpi eq, %arg1, %eq3A_20 : i32
    %convert_element_type3A_22 = arith.extui %eq3A_21 : i1 to i32
    %cond3A_23 = arith.constant 0 : i32
    %cond3A_24 = arith.cmpi ne, %convert_element_type3A_22, %cond3A_23 : i32
    scf.if %cond3A_24 {
      "tpu.region"() ({
        %run_scoped3A = tpu.sem_alloc : memref<!tpu.dma_semaphore, #tpu.memory_space<semaphore_mem>>
        %dma_start3A = arith.constant 9984 : i32
        %dma_start3A_25 = arith.constant 0 : i32
        %dma_start3A_26 = tpu.memref_slice %arg5[%arg0, %dma_start3A, %dma_start3A_25] : memref<2x10000x128xf32, #tpu.memory_space<hbm>> -> memref<1x16x128xf32, #tpu.memory_space<hbm>>
        %dma_start3A_27 = tpu.memref_squeeze %dma_start3A_26 : memref<1x16x128xf32, #tpu.memory_space<hbm>> -> memref<16x128xf32, #tpu.memory_space<hbm>>
        %dma_start3A_28 = arith.constant 9984 : i32
        %dma_start3A_29 = arith.constant 0 : i32
        %dma_start3A_30 = tpu.memref_slice %arg10[%dma_start3A_28, %dma_start3A_29] : memref<10000x128xf32, #tpu.memory_space<vmem_shared>> -> memref<16x128xf32, #tpu.memory_space<vmem_shared>>
        tpu.enqueue_dma source(%dma_start3A_30 : memref<16x128xf32, #tpu.memory_space<vmem_shared>>) target(%dma_start3A_27 : memref<16x128xf32, #tpu.memory_space<hbm>>) target_semaphore(%run_scoped3A : memref<!tpu.dma_semaphore, #tpu.memory_space<semaphore_mem>>)
        %dma_wait3A = arith.constant 9984 : i32
        %dma_wait3A_31 = arith.constant 0 : i32
        %dma_wait3A_32 = tpu.memref_slice %arg5[%arg0, %dma_wait3A, %dma_wait3A_31] : memref<2x10000x128xf32, #tpu.memory_space<hbm>> -> memref<1x16x128xf32, #tpu.memory_space<hbm>>
        %dma_wait3A_33 = tpu.memref_squeeze %dma_wait3A_32 : memref<1x16x128xf32, #tpu.memory_space<hbm>> -> memref<16x128xf32, #tpu.memory_space<hbm>>
        %dma_wait3A_34 = arith.constant 9984 : i32
        %dma_wait3A_35 = arith.constant 0 : i32
        %dma_wait3A_36 = tpu.memref_slice %arg10[%dma_wait3A_34, %dma_wait3A_35] : memref<10000x128xf32, #tpu.memory_space<vmem_shared>> -> memref<16x128xf32, #tpu.memory_space<vmem_shared>>
        tpu.wait_dma2 semaphore(%run_scoped3A : memref<!tpu.dma_semaphore, #tpu.memory_space<semaphore_mem>>) src(%dma_wait3A_36 : memref<16x128xf32, #tpu.memory_space<vmem_shared>>) dst(%dma_wait3A_33 : memref<16x128xf32, #tpu.memory_space<hbm>>)
        tpu.yield
      }) : () -> ()
    } else {
    }
    return
  }
}

#map = affine_map<(d0, d1) -> (0, 0)>
#map1 = affine_map<(d0, d1) -> (0)>
module attributes {stable_mosaic.version = 14 : i64} {
  func.func @_gather_body(%arg0: i32, %arg1: i32, %arg2: memref<10000x128xf32, #tpu.memory_space<hbm>>, %arg3: memref<10000x128xf32, #tpu.memory_space<hbm>>, %arg4: memref<320000xi32, #tpu.memory_space<hbm>>, %arg5: memref<320000xi32, #tpu.memory_space<hbm>>, %arg6: memref<160000x128xf32, #tpu.memory_space<hbm>>, %arg7: memref<160000x128xf32, #tpu.memory_space<hbm>>, %arg8: memref<128xi32, #tpu.memory_space<vmem>>, %arg9: memref<128xi32, #tpu.memory_space<vmem>>, %arg10: memref<128xi32, #tpu.memory_space<vmem>>, %arg11: memref<128xi32, #tpu.memory_space<vmem>>, %arg12: memref<128x128xf32, #tpu.memory_space<vmem>>, %arg13: memref<128x128xf32, #tpu.memory_space<vmem>>, %arg14: memref<128x128xf32, #tpu.memory_space<vmem>>, %arg15: memref<128x128xf32, #tpu.memory_space<vmem>>, %arg16: memref<!tpu.dma_semaphore, #tpu.memory_space<semaphore_mem>>, %arg17: memref<!tpu.dma_semaphore, #tpu.memory_space<semaphore_mem>>, %arg18: memref<!tpu.dma_semaphore, #tpu.memory_space<semaphore_mem>>, %arg19: memref<!tpu.dma_semaphore, #tpu.memory_space<semaphore_mem>>, %arg20: memref<!tpu.dma_semaphore, #tpu.memory_space<semaphore_mem>>, %arg21: memref<!tpu.dma_semaphore, #tpu.memory_space<semaphore_mem>>) attributes {dimension_semantics = [#tpu.dimension_semantics<core_parallel>, #tpu.dimension_semantics<subcore_parallel>], iteration_bounds = array<i64: 2, 16>, scalar_prefetch = 0 : i64, scratch_operands = 14 : i64, tpu.core_type = #tpu.core_type<sc_vector_subcore>, window_params = [{transform_indices = #map}, {transform_indices = #map}, {transform_indices = #map1}, {transform_indices = #map1}, {transform_indices = #map}, {transform_indices = #map}]} {
    %mul3A = arith.constant 2 : i32
    %mul3A_0 = arith.muli %arg1, %mul3A : i32
    %add3A = arith.addi %mul3A_0, %arg0 : i32
    %scan3A = arith.constant 0 : i32
    %scan3A_1 = arith.constant 0 : i32
    %scan3A_2 = arith.constant 20 : i32
    %scan3A_3 = arith.addi %scan3A_1, %scan3A_2 : i32
    %scan3A_4 = arith.constant 1 : i32
    scf.for %scan3A_29 = %scan3A_1 to %scan3A_3 step %scan3A_4  : i32 {
      %mul3A_30 = arith.constant 2 : i32
      %mul3A_31 = arith.muli %scan3A_29, %mul3A_30 : i32
      %add3A_32 = arith.constant 0 : i32
      %add3A_33 = arith.addi %mul3A_31, %add3A_32 : i32
      %mul3A_34 = arith.constant 32 : i32
      %mul3A_35 = arith.muli %add3A_33, %mul3A_34 : i32
      %add3A_36 = arith.addi %add3A, %mul3A_35 : i32
      %lt3A = arith.constant 1250 : i32
      %lt3A_37 = arith.cmpi slt, %add3A_36, %lt3A : i32
      %convert_element_type3A = arith.extui %lt3A_37 : i1 to i32
      %cond3A = arith.constant 0 : i32
      %cond3A_38 = arith.cmpi ne, %convert_element_type3A, %cond3A : i32
      scf.if %cond3A_38 {
        %ge3A = arith.constant 2 : i32
        %ge3A_51 = arith.cmpi sge, %add3A_33, %ge3A : i32
        %convert_element_type3A_52 = arith.extui %ge3A_51 : i1 to i32
        %cond3A_53 = arith.constant 0 : i32
        %cond3A_54 = arith.cmpi ne, %convert_element_type3A_52, %cond3A_53 : i32
        scf.if %cond3A_54 {
          %dma_wait3A_80 = arith.constant 0 : i32
          %dma_wait3A_81 = arith.constant 0 : i32
          %dma_wait3A_82 = tpu.memref_slice %arg6[%dma_wait3A_80, %dma_wait3A_81] : memref<160000x128xf32, #tpu.memory_space<hbm>> -> memref<128x128xf32, #tpu.memory_space<hbm>>
          %dma_wait3A_83 = arith.constant 0 : i32
          %dma_wait3A_84 = arith.constant 0 : i32
          %dma_wait3A_85 = tpu.memref_slice %arg6[%dma_wait3A_83, %dma_wait3A_84] : memref<160000x128xf32, #tpu.memory_space<hbm>> -> memref<128x128xf32, #tpu.memory_space<hbm>>
          tpu.wait_dma2 semaphore(%arg18 : memref<!tpu.dma_semaphore, #tpu.memory_space<semaphore_mem>>) src(%arg12 : memref<128x128xf32, #tpu.memory_space<vmem>>) dst(%dma_wait3A_85 : memref<128x128xf32, #tpu.memory_space<hbm>>)
          %dma_wait3A_86 = arith.constant 0 : i32
          %dma_wait3A_87 = arith.constant 0 : i32
          %dma_wait3A_88 = tpu.memref_slice %arg7[%dma_wait3A_86, %dma_wait3A_87] : memref<160000x128xf32, #tpu.memory_space<hbm>> -> memref<128x128xf32, #tpu.memory_space<hbm>>
          %dma_wait3A_89 = arith.constant 0 : i32
          %dma_wait3A_90 = arith.constant 0 : i32
          %dma_wait3A_91 = tpu.memref_slice %arg7[%dma_wait3A_89, %dma_wait3A_90] : memref<160000x128xf32, #tpu.memory_space<hbm>> -> memref<128x128xf32, #tpu.memory_space<hbm>>
          tpu.wait_dma2 semaphore(%arg19 : memref<!tpu.dma_semaphore, #tpu.memory_space<semaphore_mem>>) src(%arg13 : memref<128x128xf32, #tpu.memory_space<vmem>>) dst(%dma_wait3A_91 : memref<128x128xf32, #tpu.memory_space<hbm>>)
        } else {
        }
        %add3A_55 = arith.constant 1250 : i32
        %add3A_56 = arith.addi %add3A_55, %add3A_36 : i32
        %mul3A_57 = arith.constant 128 : i32
        %mul3A_58 = arith.muli %add3A_56, %mul3A_57 : i32
        %mul3A_59 = arith.constant 128 : i32
        %mul3A_60 = arith.muli %add3A_36, %mul3A_59 : i32
        "tpu.region"() ({
          %run_scoped3A = tpu.sem_alloc : memref<!tpu.dma_semaphore, #tpu.memory_space<semaphore_mem>>
          %dma_start3A_80 = tpu.memref_slice %arg4[%mul3A_58] : memref<320000xi32, #tpu.memory_space<hbm>> -> memref<128xi32, #tpu.memory_space<hbm>>
          %dma_start3A_81 = tpu.memref_slice %arg4[%mul3A_58] : memref<320000xi32, #tpu.memory_space<hbm>> -> memref<128xi32, #tpu.memory_space<hbm>>
          tpu.enqueue_dma source(%dma_start3A_81 : memref<128xi32, #tpu.memory_space<hbm>>) target(%arg8 : memref<128xi32, #tpu.memory_space<vmem>>) target_semaphore(%run_scoped3A : memref<!tpu.dma_semaphore, #tpu.memory_space<semaphore_mem>>)
          %dma_wait3A_82 = tpu.memref_slice %arg4[%mul3A_58] : memref<320000xi32, #tpu.memory_space<hbm>> -> memref<128xi32, #tpu.memory_space<hbm>>
          %dma_wait3A_83 = tpu.memref_slice %arg4[%mul3A_58] : memref<320000xi32, #tpu.memory_space<hbm>> -> memref<128xi32, #tpu.memory_space<hbm>>
          tpu.wait_dma2 semaphore(%run_scoped3A : memref<!tpu.dma_semaphore, #tpu.memory_space<semaphore_mem>>) src(%dma_wait3A_83 : memref<128xi32, #tpu.memory_space<hbm>>) dst(%arg8 : memref<128xi32, #tpu.memory_space<vmem>>)
          tpu.yield
        }) : () -> ()
        "tpu.region"() ({
          %run_scoped3A = tpu.sem_alloc : memref<!tpu.dma_semaphore, #tpu.memory_space<semaphore_mem>>
          %dma_start3A_80 = tpu.memref_slice %arg5[%mul3A_58] : memref<320000xi32, #tpu.memory_space<hbm>> -> memref<128xi32, #tpu.memory_space<hbm>>
          %dma_start3A_81 = tpu.memref_slice %arg5[%mul3A_58] : memref<320000xi32, #tpu.memory_space<hbm>> -> memref<128xi32, #tpu.memory_space<hbm>>
          tpu.enqueue_dma source(%dma_start3A_81 : memref<128xi32, #tpu.memory_space<hbm>>) target(%arg9 : memref<128xi32, #tpu.memory_space<vmem>>) target_semaphore(%run_scoped3A : memref<!tpu.dma_semaphore, #tpu.memory_space<semaphore_mem>>)
          %dma_wait3A_82 = tpu.memref_slice %arg5[%mul3A_58] : memref<320000xi32, #tpu.memory_space<hbm>> -> memref<128xi32, #tpu.memory_space<hbm>>
          %dma_wait3A_83 = tpu.memref_slice %arg5[%mul3A_58] : memref<320000xi32, #tpu.memory_space<hbm>> -> memref<128xi32, #tpu.memory_space<hbm>>
          tpu.wait_dma2 semaphore(%run_scoped3A : memref<!tpu.dma_semaphore, #tpu.memory_space<semaphore_mem>>) src(%dma_wait3A_83 : memref<128xi32, #tpu.memory_space<hbm>>) dst(%arg9 : memref<128xi32, #tpu.memory_space<vmem>>)
          tpu.yield
        }) : () -> ()
        %dma_start3A = arith.constant 0 : i32
        %dma_start3A_61 = arith.constant 0 : i32
        %dma_start3A_62 = tpu.memref_slice %arg2[%dma_start3A, %dma_start3A_61] : memref<10000x128xf32, #tpu.memory_space<hbm>> -> memref<10000x128xf32, #tpu.memory_space<hbm>>
        tpu.enqueue_indirect_dma source(%dma_start3A_62 : memref<10000x128xf32, #tpu.memory_space<hbm>>) target(%arg12 : memref<128x128xf32, #tpu.memory_space<vmem>>) offsets(%arg8 : memref<128xi32, #tpu.memory_space<vmem>>) semaphore(%arg16 : memref<!tpu.dma_semaphore, #tpu.memory_space<semaphore_mem>>)
        %dma_start3A_63 = arith.constant 0 : i32
        %dma_start3A_64 = arith.constant 0 : i32
        %dma_start3A_65 = tpu.memref_slice %arg3[%dma_start3A_63, %dma_start3A_64] : memref<10000x128xf32, #tpu.memory_space<hbm>> -> memref<10000x128xf32, #tpu.memory_space<hbm>>
        tpu.enqueue_indirect_dma source(%dma_start3A_65 : memref<10000x128xf32, #tpu.memory_space<hbm>>) target(%arg13 : memref<128x128xf32, #tpu.memory_space<vmem>>) offsets(%arg9 : memref<128xi32, #tpu.memory_space<vmem>>) semaphore(%arg17 : memref<!tpu.dma_semaphore, #tpu.memory_space<semaphore_mem>>)
        %dma_wait3A_66 = arith.constant 0 : i32
        %dma_wait3A_67 = arith.constant 0 : i32
        %dma_wait3A_68 = tpu.memref_slice %arg2[%dma_wait3A_66, %dma_wait3A_67] : memref<10000x128xf32, #tpu.memory_space<hbm>> -> memref<10000x128xf32, #tpu.memory_space<hbm>>
        tpu.wait_indirect_dma semaphore(%arg16 : memref<!tpu.dma_semaphore, #tpu.memory_space<semaphore_mem>>) src(%dma_wait3A_68 : memref<10000x128xf32, #tpu.memory_space<hbm>>) dst(%arg12 : memref<128x128xf32, #tpu.memory_space<vmem>>)
        %dma_wait3A_69 = arith.constant 0 : i32
        %dma_wait3A_70 = arith.constant 0 : i32
        %dma_wait3A_71 = tpu.memref_slice %arg3[%dma_wait3A_69, %dma_wait3A_70] : memref<10000x128xf32, #tpu.memory_space<hbm>> -> memref<10000x128xf32, #tpu.memory_space<hbm>>
        tpu.wait_indirect_dma semaphore(%arg17 : memref<!tpu.dma_semaphore, #tpu.memory_space<semaphore_mem>>) src(%dma_wait3A_71 : memref<10000x128xf32, #tpu.memory_space<hbm>>) dst(%arg13 : memref<128x128xf32, #tpu.memory_space<vmem>>)
        %dma_start3A_72 = arith.constant 0 : i32
        %dma_start3A_73 = tpu.memref_slice %arg6[%mul3A_60, %dma_start3A_72] : memref<160000x128xf32, #tpu.memory_space<hbm>> -> memref<128x128xf32, #tpu.memory_space<hbm>>
        %dma_start3A_74 = arith.constant 0 : i32
        %dma_start3A_75 = tpu.memref_slice %arg6[%mul3A_60, %dma_start3A_74] : memref<160000x128xf32, #tpu.memory_space<hbm>> -> memref<128x128xf32, #tpu.memory_space<hbm>>
        tpu.enqueue_dma source(%arg12 : memref<128x128xf32, #tpu.memory_space<vmem>>) target(%dma_start3A_75 : memref<128x128xf32, #tpu.memory_space<hbm>>) target_semaphore(%arg18 : memref<!tpu.dma_semaphore, #tpu.memory_space<semaphore_mem>>)
        %dma_start3A_76 = arith.constant 0 : i32
        %dma_start3A_77 = tpu.memref_slice %arg7[%mul3A_60, %dma_start3A_76] : memref<160000x128xf32, #tpu.memory_space<hbm>> -> memref<128x128xf32, #tpu.memory_space<hbm>>
        %dma_start3A_78 = arith.constant 0 : i32
        %dma_start3A_79 = tpu.memref_slice %arg7[%mul3A_60, %dma_start3A_78] : memref<160000x128xf32, #tpu.memory_space<hbm>> -> memref<128x128xf32, #tpu.memory_space<hbm>>
        tpu.enqueue_dma source(%arg13 : memref<128x128xf32, #tpu.memory_space<vmem>>) target(%dma_start3A_79 : memref<128x128xf32, #tpu.memory_space<hbm>>) target_semaphore(%arg19 : memref<!tpu.dma_semaphore, #tpu.memory_space<semaphore_mem>>)
      } else {
      }
      %mul3A_39 = arith.constant 2 : i32
      %mul3A_40 = arith.muli %scan3A_29, %mul3A_39 : i32
      %add3A_41 = arith.constant 1 : i32
      %add3A_42 = arith.addi %mul3A_40, %add3A_41 : i32
      %mul3A_43 = arith.constant 32 : i32
      %mul3A_44 = arith.muli %add3A_42, %mul3A_43 : i32
      %add3A_45 = arith.addi %add3A, %mul3A_44 : i32
      %lt3A_46 = arith.constant 1250 : i32
      %lt3A_47 = arith.cmpi slt, %add3A_45, %lt3A_46 : i32
      %convert_element_type3A_48 = arith.extui %lt3A_47 : i1 to i32
      %cond3A_49 = arith.constant 0 : i32
      %cond3A_50 = arith.cmpi ne, %convert_element_type3A_48, %cond3A_49 : i32
      scf.if %cond3A_50 {
        %ge3A = arith.constant 2 : i32
        %ge3A_51 = arith.cmpi sge, %add3A_42, %ge3A : i32
        %convert_element_type3A_52 = arith.extui %ge3A_51 : i1 to i32
        %cond3A_53 = arith.constant 0 : i32
        %cond3A_54 = arith.cmpi ne, %convert_element_type3A_52, %cond3A_53 : i32
        scf.if %cond3A_54 {
          %dma_wait3A_80 = arith.constant 0 : i32
          %dma_wait3A_81 = arith.constant 0 : i32
          %dma_wait3A_82 = tpu.memref_slice %arg6[%dma_wait3A_80, %dma_wait3A_81] : memref<160000x128xf32, #tpu.memory_space<hbm>> -> memref<128x128xf32, #tpu.memory_space<hbm>>
          %dma_wait3A_83 = arith.constant 0 : i32
          %dma_wait3A_84 = arith.constant 0 : i32
          %dma_wait3A_85 = tpu.memref_slice %arg6[%dma_wait3A_83, %dma_wait3A_84] : memref<160000x128xf32, #tpu.memory_space<hbm>> -> memref<128x128xf32, #tpu.memory_space<hbm>>
          tpu.wait_dma2 semaphore(%arg20 : memref<!tpu.dma_semaphore, #tpu.memory_space<semaphore_mem>>) src(%arg14 : memref<128x128xf32, #tpu.memory_space<vmem>>) dst(%dma_wait3A_85 : memref<128x128xf32, #tpu.memory_space<hbm>>)
          %dma_wait3A_86 = arith.constant 0 : i32
          %dma_wait3A_87 = arith.constant 0 : i32
          %dma_wait3A_88 = tpu.memref_slice %arg7[%dma_wait3A_86, %dma_wait3A_87] : memref<160000x128xf32, #tpu.memory_space<hbm>> -> memref<128x128xf32, #tpu.memory_space<hbm>>
          %dma_wait3A_89 = arith.constant 0 : i32
          %dma_wait3A_90 = arith.constant 0 : i32
          %dma_wait3A_91 = tpu.memref_slice %arg7[%dma_wait3A_89, %dma_wait3A_90] : memref<160000x128xf32, #tpu.memory_space<hbm>> -> memref<128x128xf32, #tpu.memory_space<hbm>>
          tpu.wait_dma2 semaphore(%arg21 : memref<!tpu.dma_semaphore, #tpu.memory_space<semaphore_mem>>) src(%arg15 : memref<128x128xf32, #tpu.memory_space<vmem>>) dst(%dma_wait3A_91 : memref<128x128xf32, #tpu.memory_space<hbm>>)
        } else {
        }
        %add3A_55 = arith.constant 1250 : i32
        %add3A_56 = arith.addi %add3A_55, %add3A_45 : i32
        %mul3A_57 = arith.constant 128 : i32
        %mul3A_58 = arith.muli %add3A_56, %mul3A_57 : i32
        %mul3A_59 = arith.constant 128 : i32
        %mul3A_60 = arith.muli %add3A_45, %mul3A_59 : i32
        "tpu.region"() ({
          %run_scoped3A = tpu.sem_alloc : memref<!tpu.dma_semaphore, #tpu.memory_space<semaphore_mem>>
          %dma_start3A_80 = tpu.memref_slice %arg4[%mul3A_58] : memref<320000xi32, #tpu.memory_space<hbm>> -> memref<128xi32, #tpu.memory_space<hbm>>
          %dma_start3A_81 = tpu.memref_slice %arg4[%mul3A_58] : memref<320000xi32, #tpu.memory_space<hbm>> -> memref<128xi32, #tpu.memory_space<hbm>>
          tpu.enqueue_dma source(%dma_start3A_81 : memref<128xi32, #tpu.memory_space<hbm>>) target(%arg10 : memref<128xi32, #tpu.memory_space<vmem>>) target_semaphore(%run_scoped3A : memref<!tpu.dma_semaphore, #tpu.memory_space<semaphore_mem>>)
          %dma_wait3A_82 = tpu.memref_slice %arg4[%mul3A_58] : memref<320000xi32, #tpu.memory_space<hbm>> -> memref<128xi32, #tpu.memory_space<hbm>>
          %dma_wait3A_83 = tpu.memref_slice %arg4[%mul3A_58] : memref<320000xi32, #tpu.memory_space<hbm>> -> memref<128xi32, #tpu.memory_space<hbm>>
          tpu.wait_dma2 semaphore(%run_scoped3A : memref<!tpu.dma_semaphore, #tpu.memory_space<semaphore_mem>>) src(%dma_wait3A_83 : memref<128xi32, #tpu.memory_space<hbm>>) dst(%arg10 : memref<128xi32, #tpu.memory_space<vmem>>)
          tpu.yield
        }) : () -> ()
        "tpu.region"() ({
          %run_scoped3A = tpu.sem_alloc : memref<!tpu.dma_semaphore, #tpu.memory_space<semaphore_mem>>
          %dma_start3A_80 = tpu.memref_slice %arg5[%mul3A_58] : memref<320000xi32, #tpu.memory_space<hbm>> -> memref<128xi32, #tpu.memory_space<hbm>>
          %dma_start3A_81 = tpu.memref_slice %arg5[%mul3A_58] : memref<320000xi32, #tpu.memory_space<hbm>> -> memref<128xi32, #tpu.memory_space<hbm>>
          tpu.enqueue_dma source(%dma_start3A_81 : memref<128xi32, #tpu.memory_space<hbm>>) target(%arg11 : memref<128xi32, #tpu.memory_space<vmem>>) target_semaphore(%run_scoped3A : memref<!tpu.dma_semaphore, #tpu.memory_space<semaphore_mem>>)
          %dma_wait3A_82 = tpu.memref_slice %arg5[%mul3A_58] : memref<320000xi32, #tpu.memory_space<hbm>> -> memref<128xi32, #tpu.memory_space<hbm>>
          %dma_wait3A_83 = tpu.memref_slice %arg5[%mul3A_58] : memref<320000xi32, #tpu.memory_space<hbm>> -> memref<128xi32, #tpu.memory_space<hbm>>
          tpu.wait_dma2 semaphore(%run_scoped3A : memref<!tpu.dma_semaphore, #tpu.memory_space<semaphore_mem>>) src(%dma_wait3A_83 : memref<128xi32, #tpu.memory_space<hbm>>) dst(%arg11 : memref<128xi32, #tpu.memory_space<vmem>>)
          tpu.yield
        }) : () -> ()
        %dma_start3A = arith.constant 0 : i32
        %dma_start3A_61 = arith.constant 0 : i32
        %dma_start3A_62 = tpu.memref_slice %arg2[%dma_start3A, %dma_start3A_61] : memref<10000x128xf32, #tpu.memory_space<hbm>> -> memref<10000x128xf32, #tpu.memory_space<hbm>>
        tpu.enqueue_indirect_dma source(%dma_start3A_62 : memref<10000x128xf32, #tpu.memory_space<hbm>>) target(%arg14 : memref<128x128xf32, #tpu.memory_space<vmem>>) offsets(%arg10 : memref<128xi32, #tpu.memory_space<vmem>>) semaphore(%arg16 : memref<!tpu.dma_semaphore, #tpu.memory_space<semaphore_mem>>)
        %dma_start3A_63 = arith.constant 0 : i32
        %dma_start3A_64 = arith.constant 0 : i32
        %dma_start3A_65 = tpu.memref_slice %arg3[%dma_start3A_63, %dma_start3A_64] : memref<10000x128xf32, #tpu.memory_space<hbm>> -> memref<10000x128xf32, #tpu.memory_space<hbm>>
        tpu.enqueue_indirect_dma source(%dma_start3A_65 : memref<10000x128xf32, #tpu.memory_space<hbm>>) target(%arg15 : memref<128x128xf32, #tpu.memory_space<vmem>>) offsets(%arg11 : memref<128xi32, #tpu.memory_space<vmem>>) semaphore(%arg17 : memref<!tpu.dma_semaphore, #tpu.memory_space<semaphore_mem>>)
        %dma_wait3A_66 = arith.constant 0 : i32
        %dma_wait3A_67 = arith.constant 0 : i32
        %dma_wait3A_68 = tpu.memref_slice %arg2[%dma_wait3A_66, %dma_wait3A_67] : memref<10000x128xf32, #tpu.memory_space<hbm>> -> memref<10000x128xf32, #tpu.memory_space<hbm>>
        tpu.wait_indirect_dma semaphore(%arg16 : memref<!tpu.dma_semaphore, #tpu.memory_space<semaphore_mem>>) src(%dma_wait3A_68 : memref<10000x128xf32, #tpu.memory_space<hbm>>) dst(%arg14 : memref<128x128xf32, #tpu.memory_space<vmem>>)
        %dma_wait3A_69 = arith.constant 0 : i32
        %dma_wait3A_70 = arith.constant 0 : i32
        %dma_wait3A_71 = tpu.memref_slice %arg3[%dma_wait3A_69, %dma_wait3A_70] : memref<10000x128xf32, #tpu.memory_space<hbm>> -> memref<10000x128xf32, #tpu.memory_space<hbm>>
        tpu.wait_indirect_dma semaphore(%arg17 : memref<!tpu.dma_semaphore, #tpu.memory_space<semaphore_mem>>) src(%dma_wait3A_71 : memref<10000x128xf32, #tpu.memory_space<hbm>>) dst(%arg15 : memref<128x128xf32, #tpu.memory_space<vmem>>)
        %dma_start3A_72 = arith.constant 0 : i32
        %dma_start3A_73 = tpu.memref_slice %arg6[%mul3A_60, %dma_start3A_72] : memref<160000x128xf32, #tpu.memory_space<hbm>> -> memref<128x128xf32, #tpu.memory_space<hbm>>
        %dma_start3A_74 = arith.constant 0 : i32
        %dma_start3A_75 = tpu.memref_slice %arg6[%mul3A_60, %dma_start3A_74] : memref<160000x128xf32, #tpu.memory_space<hbm>> -> memref<128x128xf32, #tpu.memory_space<hbm>>
        tpu.enqueue_dma source(%arg14 : memref<128x128xf32, #tpu.memory_space<vmem>>) target(%dma_start3A_75 : memref<128x128xf32, #tpu.memory_space<hbm>>) target_semaphore(%arg20 : memref<!tpu.dma_semaphore, #tpu.memory_space<semaphore_mem>>)
        %dma_start3A_76 = arith.constant 0 : i32
        %dma_start3A_77 = tpu.memref_slice %arg7[%mul3A_60, %dma_start3A_76] : memref<160000x128xf32, #tpu.memory_space<hbm>> -> memref<128x128xf32, #tpu.memory_space<hbm>>
        %dma_start3A_78 = arith.constant 0 : i32
        %dma_start3A_79 = tpu.memref_slice %arg7[%mul3A_60, %dma_start3A_78] : memref<160000x128xf32, #tpu.memory_space<hbm>> -> memref<128x128xf32, #tpu.memory_space<hbm>>
        tpu.enqueue_dma source(%arg15 : memref<128x128xf32, #tpu.memory_space<vmem>>) target(%dma_start3A_79 : memref<128x128xf32, #tpu.memory_space<hbm>>) target_semaphore(%arg21 : memref<!tpu.dma_semaphore, #tpu.memory_space<semaphore_mem>>)
      } else {
      }
    }
    %scan3A_5 = arith.constant 20 : i32
    %dma_wait3A = arith.constant 0 : i32
    %dma_wait3A_6 = arith.constant 0 : i32
    %dma_wait3A_7 = tpu.memref_slice %arg6[%dma_wait3A, %dma_wait3A_6] : memref<160000x128xf32, #tpu.memory_space<hbm>> -> memref<128x128xf32, #tpu.memory_space<hbm>>
    %dma_wait3A_8 = arith.constant 0 : i32
    %dma_wait3A_9 = arith.constant 0 : i32
    %dma_wait3A_10 = tpu.memref_slice %arg6[%dma_wait3A_8, %dma_wait3A_9] : memref<160000x128xf32, #tpu.memory_space<hbm>> -> memref<128x128xf32, #tpu.memory_space<hbm>>
    tpu.wait_dma2 semaphore(%arg18 : memref<!tpu.dma_semaphore, #tpu.memory_space<semaphore_mem>>) src(%arg12 : memref<128x128xf32, #tpu.memory_space<vmem>>) dst(%dma_wait3A_10 : memref<128x128xf32, #tpu.memory_space<hbm>>)
    %dma_wait3A_11 = arith.constant 0 : i32
    %dma_wait3A_12 = arith.constant 0 : i32
    %dma_wait3A_13 = tpu.memref_slice %arg7[%dma_wait3A_11, %dma_wait3A_12] : memref<160000x128xf32, #tpu.memory_space<hbm>> -> memref<128x128xf32, #tpu.memory_space<hbm>>
    %dma_wait3A_14 = arith.constant 0 : i32
    %dma_wait3A_15 = arith.constant 0 : i32
    %dma_wait3A_16 = tpu.memref_slice %arg7[%dma_wait3A_14, %dma_wait3A_15] : memref<160000x128xf32, #tpu.memory_space<hbm>> -> memref<128x128xf32, #tpu.memory_space<hbm>>
    tpu.wait_dma2 semaphore(%arg19 : memref<!tpu.dma_semaphore, #tpu.memory_space<semaphore_mem>>) src(%arg13 : memref<128x128xf32, #tpu.memory_space<vmem>>) dst(%dma_wait3A_16 : memref<128x128xf32, #tpu.memory_space<hbm>>)
    %dma_wait3A_17 = arith.constant 0 : i32
    %dma_wait3A_18 = arith.constant 0 : i32
    %dma_wait3A_19 = tpu.memref_slice %arg6[%dma_wait3A_17, %dma_wait3A_18] : memref<160000x128xf32, #tpu.memory_space<hbm>> -> memref<128x128xf32, #tpu.memory_space<hbm>>
    %dma_wait3A_20 = arith.constant 0 : i32
    %dma_wait3A_21 = arith.constant 0 : i32
    %dma_wait3A_22 = tpu.memref_slice %arg6[%dma_wait3A_20, %dma_wait3A_21] : memref<160000x128xf32, #tpu.memory_space<hbm>> -> memref<128x128xf32, #tpu.memory_space<hbm>>
    tpu.wait_dma2 semaphore(%arg20 : memref<!tpu.dma_semaphore, #tpu.memory_space<semaphore_mem>>) src(%arg14 : memref<128x128xf32, #tpu.memory_space<vmem>>) dst(%dma_wait3A_22 : memref<128x128xf32, #tpu.memory_space<hbm>>)
    %dma_wait3A_23 = arith.constant 0 : i32
    %dma_wait3A_24 = arith.constant 0 : i32
    %dma_wait3A_25 = tpu.memref_slice %arg7[%dma_wait3A_23, %dma_wait3A_24] : memref<160000x128xf32, #tpu.memory_space<hbm>> -> memref<128x128xf32, #tpu.memory_space<hbm>>
    %dma_wait3A_26 = arith.constant 0 : i32
    %dma_wait3A_27 = arith.constant 0 : i32
    %dma_wait3A_28 = tpu.memref_slice %arg7[%dma_wait3A_26, %dma_wait3A_27] : memref<160000x128xf32, #tpu.memory_space<hbm>> -> memref<128x128xf32, #tpu.memory_space<hbm>>
    tpu.wait_dma2 semaphore(%arg21 : memref<!tpu.dma_semaphore, #tpu.memory_space<semaphore_mem>>) src(%arg15 : memref<128x128xf32, #tpu.memory_space<vmem>>) dst(%dma_wait3A_28 : memref<128x128xf32, #tpu.memory_space<hbm>>)
    return
  }
}

#map = affine_map<(d0, d1) -> (0, 0)>
#map1 = affine_map<(d0, d1) -> (0)>
#map2 = affine_map<(d0, d1) -> (0, 0, 0)>
module attributes {stable_mosaic.version = 14 : i64} {
  func.func @_scatter_body(%arg0: i32, %arg1: i32, %arg2: memref<160000x128xf32, #tpu.memory_space<hbm>>, %arg3: memref<320000xi32, #tpu.memory_space<hbm>>, %arg4: memref<10000x128xf32, #tpu.memory_space<hbm>>, %arg5: memref<2x10000x128xf32, #tpu.memory_space<hbm>>, %arg6: memref<320000xf32, #tpu.memory_space<hbm>>, %arg7: memref<128xi32, #tpu.memory_space<vmem>>, %arg8: memref<128x128xf32, #tpu.memory_space<vmem>>, %arg9: memref<10000xf32, #tpu.memory_space<vmem>>, %arg10: memref<10000x128xf32, #tpu.memory_space<vmem_shared>>) attributes {dimension_semantics = [#tpu.dimension_semantics<core_parallel>, #tpu.dimension_semantics<subcore_parallel>], iteration_bounds = array<i64: 2, 16>, scalar_prefetch = 0 : i64, scratch_operands = 4 : i64, tpu.core_type = #tpu.core_type<sc_vector_subcore>, window_params = [{transform_indices = #map}, {transform_indices = #map1}, {transform_indices = #map}, {transform_indices = #map2}, {transform_indices = #map1}]} {
    %mul3A = arith.constant 2 : i32
    %mul3A_0 = arith.muli %arg1, %mul3A : i32
    %add3A = arith.addi %mul3A_0, %arg0 : i32
    %mul3A_1 = arith.constant 624 : i32
    %mul3A_2 = arith.muli %arg1, %mul3A_1 : i32
    "tpu.region"() ({
      %run_scoped3A = tpu.sem_alloc : memref<!tpu.dma_semaphore, #tpu.memory_space<semaphore_mem>>
      %dma_start3A = arith.constant 0 : i32
      %dma_start3A_25 = tpu.memref_slice %arg10[%mul3A_2, %dma_start3A] : memref<10000x128xf32, #tpu.memory_space<vmem_shared>> -> memref<624x128xf32, #tpu.memory_space<vmem_shared>>
      %dma_start3A_26 = arith.constant 0 : i32
      %dma_start3A_27 = tpu.memref_slice %arg4[%mul3A_2, %dma_start3A_26] : memref<10000x128xf32, #tpu.memory_space<hbm>> -> memref<624x128xf32, #tpu.memory_space<hbm>>
      tpu.enqueue_dma source(%dma_start3A_27 : memref<624x128xf32, #tpu.memory_space<hbm>>) target(%dma_start3A_25 : memref<624x128xf32, #tpu.memory_space<vmem_shared>>) target_semaphore(%run_scoped3A : memref<!tpu.dma_semaphore, #tpu.memory_space<semaphore_mem>>)
      %dma_wait3A = arith.constant 0 : i32
      %dma_wait3A_28 = tpu.memref_slice %arg10[%mul3A_2, %dma_wait3A] : memref<10000x128xf32, #tpu.memory_space<vmem_shared>> -> memref<624x128xf32, #tpu.memory_space<vmem_shared>>
      %dma_wait3A_29 = arith.constant 0 : i32
      %dma_wait3A_30 = tpu.memref_slice %arg4[%mul3A_2, %dma_wait3A_29] : memref<10000x128xf32, #tpu.memory_space<hbm>> -> memref<624x128xf32, #tpu.memory_space<hbm>>
      tpu.wait_dma2 semaphore(%run_scoped3A : memref<!tpu.dma_semaphore, #tpu.memory_space<semaphore_mem>>) src(%dma_wait3A_30 : memref<624x128xf32, #tpu.memory_space<hbm>>) dst(%dma_wait3A_28 : memref<624x128xf32, #tpu.memory_space<vmem_shared>>)
      tpu.yield
    }) : () -> ()
    %eq3A = arith.constant 15 : i32
    %eq3A_3 = arith.cmpi eq, %arg1, %eq3A : i32
    %convert_element_type3A = arith.extui %eq3A_3 : i1 to i32
    %cond3A = arith.constant 0 : i32
    %cond3A_4 = arith.cmpi ne, %convert_element_type3A, %cond3A : i32
    scf.if %cond3A_4 {
      "tpu.region"() ({
        %run_scoped3A = tpu.sem_alloc : memref<!tpu.dma_semaphore, #tpu.memory_space<semaphore_mem>>
        %dma_start3A = arith.constant 9984 : i32
        %dma_start3A_25 = arith.constant 0 : i32
        %dma_start3A_26 = tpu.memref_slice %arg10[%dma_start3A, %dma_start3A_25] : memref<10000x128xf32, #tpu.memory_space<vmem_shared>> -> memref<16x128xf32, #tpu.memory_space<vmem_shared>>
        %dma_start3A_27 = arith.constant 9984 : i32
        %dma_start3A_28 = arith.constant 0 : i32
        %dma_start3A_29 = tpu.memref_slice %arg4[%dma_start3A_27, %dma_start3A_28] : memref<10000x128xf32, #tpu.memory_space<hbm>> -> memref<16x128xf32, #tpu.memory_space<hbm>>
        tpu.enqueue_dma source(%dma_start3A_29 : memref<16x128xf32, #tpu.memory_space<hbm>>) target(%dma_start3A_26 : memref<16x128xf32, #tpu.memory_space<vmem_shared>>) target_semaphore(%run_scoped3A : memref<!tpu.dma_semaphore, #tpu.memory_space<semaphore_mem>>)
        %dma_wait3A = arith.constant 9984 : i32
        %dma_wait3A_30 = arith.constant 0 : i32
        %dma_wait3A_31 = tpu.memref_slice %arg10[%dma_wait3A, %dma_wait3A_30] : memref<10000x128xf32, #tpu.memory_space<vmem_shared>> -> memref<16x128xf32, #tpu.memory_space<vmem_shared>>
        %dma_wait3A_32 = arith.constant 9984 : i32
        %dma_wait3A_33 = arith.constant 0 : i32
        %dma_wait3A_34 = tpu.memref_slice %arg4[%dma_wait3A_32, %dma_wait3A_33] : memref<10000x128xf32, #tpu.memory_space<hbm>> -> memref<16x128xf32, #tpu.memory_space<hbm>>
        tpu.wait_dma2 semaphore(%run_scoped3A : memref<!tpu.dma_semaphore, #tpu.memory_space<semaphore_mem>>) src(%dma_wait3A_34 : memref<16x128xf32, #tpu.memory_space<hbm>>) dst(%dma_wait3A_31 : memref<16x128xf32, #tpu.memory_space<vmem_shared>>)
        tpu.yield
      }) : () -> ()
    } else {
    }
    %scan3A = arith.constant 0 : i32
    %scan3A_5 = arith.constant 0 : i32
    %scan3A_6 = arith.constant 625 : i32
    %scan3A_7 = arith.addi %scan3A_5, %scan3A_6 : i32
    %scan3A_8 = arith.constant 1 : i32
    scf.for %scan3A_25 = %scan3A_5 to %scan3A_7 step %scan3A_8  : i32 {
      %broadcast_in_dim3A_26 = arith.constant 0.000000e+00 : f32
      %broadcast_in_dim3A_27 = vector.broadcast %broadcast_in_dim3A_26 : f32 to vector<16xf32>
      %mul3A_28 = arith.constant 16 : i32
      %mul3A_29 = arith.muli %scan3A_25, %mul3A_28 : i32
      %swap3A = arith.index_cast %mul3A_29 : i32 to index
      %swap3A_30 = tpu.vector_load %arg9[%swap3A] {strides = array<i32>} : memref<10000xf32, #tpu.memory_space<vmem>>, vector<16xf32>,
      tpu.vector_store %arg9[%swap3A], %broadcast_in_dim3A_27 {strides = array<i32>} : memref<10000xf32, #tpu.memory_space<vmem>>, vector<16xf32>,
    }
    %scan3A_9 = arith.constant 625 : i32
    %barrier3A = arith.constant 0 : index
    tpu.barrier barrier_id(%barrier3A)
    %broadcast_in_dim3A = arith.constant 1.000000e+00 : f32
    %broadcast_in_dim3A_10 = vector.broadcast %broadcast_in_dim3A : f32 to vector<16xf32>
    %scan3A_11 = arith.constant 0 : i32
    %scan3A_12 = arith.constant 0 : i32
    %scan3A_13 = arith.constant 40 : i32
    %scan3A_14 = arith.addi %scan3A_12, %scan3A_13 : i32
    %scan3A_15 = arith.constant 1 : i32
    scf.for %scan3A_25 = %scan3A_12 to %scan3A_14 step %scan3A_15  : i32 {
      %mul3A_26 = arith.constant 32 : i32
      %mul3A_27 = arith.muli %scan3A_25, %mul3A_26 : i32
      %add3A_28 = arith.addi %add3A, %mul3A_27 : i32
      %lt3A = arith.constant 1250 : i32
      %lt3A_29 = arith.cmpi slt, %add3A_28, %lt3A : i32
      %convert_element_type3A_30 = arith.extui %lt3A_29 : i1 to i32
      %cond3A_31 = arith.constant 0 : i32
      %cond3A_32 = arith.cmpi ne, %convert_element_type3A_30, %cond3A_31 : i32
      scf.if %cond3A_32 {
        %mul3A_33 = arith.constant 128 : i32
        %mul3A_34 = arith.muli %add3A_28, %mul3A_33 : i32
        %add3A_35 = arith.constant 0 : i32
        %add3A_36 = arith.addi %add3A_35, %add3A_28 : i32
        %mul3A_37 = arith.constant 128 : i32
        %mul3A_38 = arith.muli %add3A_36, %mul3A_37 : i32
        "tpu.region"() ({
          %run_scoped3A = tpu.sem_alloc : memref<!tpu.dma_semaphore, #tpu.memory_space<semaphore_mem>>
          %dma_start3A = tpu.memref_slice %arg3[%mul3A_38] : memref<320000xi32, #tpu.memory_space<hbm>> -> memref<128xi32, #tpu.memory_space<hbm>>
          %dma_start3A_54 = tpu.memref_slice %arg3[%mul3A_38] : memref<320000xi32, #tpu.memory_space<hbm>> -> memref<128xi32, #tpu.memory_space<hbm>>
          tpu.enqueue_dma source(%dma_start3A_54 : memref<128xi32, #tpu.memory_space<hbm>>) target(%arg7 : memref<128xi32, #tpu.memory_space<vmem>>) target_semaphore(%run_scoped3A : memref<!tpu.dma_semaphore, #tpu.memory_space<semaphore_mem>>)
          %dma_wait3A = tpu.memref_slice %arg3[%mul3A_38] : memref<320000xi32, #tpu.memory_space<hbm>> -> memref<128xi32, #tpu.memory_space<hbm>>
          %dma_wait3A_55 = tpu.memref_slice %arg3[%mul3A_38] : memref<320000xi32, #tpu.memory_space<hbm>> -> memref<128xi32, #tpu.memory_space<hbm>>
          tpu.wait_dma2 semaphore(%run_scoped3A : memref<!tpu.dma_semaphore, #tpu.memory_space<semaphore_mem>>) src(%dma_wait3A_55 : memref<128xi32, #tpu.memory_space<hbm>>) dst(%arg7 : memref<128xi32, #tpu.memory_space<vmem>>)
          tpu.yield
        }) : () -> ()
        "tpu.region"() ({
          %run_scoped3A = tpu.sem_alloc : memref<!tpu.dma_semaphore, #tpu.memory_space<semaphore_mem>>
          %dma_start3A = arith.constant 0 : i32
          %dma_start3A_54 = tpu.memref_slice %arg2[%mul3A_34, %dma_start3A] : memref<160000x128xf32, #tpu.memory_space<hbm>> -> memref<128x128xf32, #tpu.memory_space<hbm>>
          %dma_start3A_55 = arith.constant 0 : i32
          %dma_start3A_56 = tpu.memref_slice %arg2[%mul3A_34, %dma_start3A_55] : memref<160000x128xf32, #tpu.memory_space<hbm>> -> memref<128x128xf32, #tpu.memory_space<hbm>>
          tpu.enqueue_dma source(%dma_start3A_56 : memref<128x128xf32, #tpu.memory_space<hbm>>) target(%arg8 : memref<128x128xf32, #tpu.memory_space<vmem>>) target_semaphore(%run_scoped3A : memref<!tpu.dma_semaphore, #tpu.memory_space<semaphore_mem>>)
          %dma_wait3A = arith.constant 0 : i32
          %dma_wait3A_57 = tpu.memref_slice %arg2[%mul3A_34, %dma_wait3A] : memref<160000x128xf32, #tpu.memory_space<hbm>> -> memref<128x128xf32, #tpu.memory_space<hbm>>
          %dma_wait3A_58 = arith.constant 0 : i32
          %dma_wait3A_59 = tpu.memref_slice %arg2[%mul3A_34, %dma_wait3A_58] : memref<160000x128xf32, #tpu.memory_space<hbm>> -> memref<128x128xf32, #tpu.memory_space<hbm>>
          tpu.wait_dma2 semaphore(%run_scoped3A : memref<!tpu.dma_semaphore, #tpu.memory_space<semaphore_mem>>) src(%dma_wait3A_59 : memref<128x128xf32, #tpu.memory_space<hbm>>) dst(%arg8 : memref<128x128xf32, #tpu.memory_space<vmem>>)
          tpu.yield
        }) : () -> ()
        "tpu.region"() ({
          %run_scoped3A = tpu.sem_alloc : memref<!tpu.dma_semaphore, #tpu.memory_space<semaphore_mem>>
          %dma_start3A = arith.constant 0 : i32
          %dma_start3A_54 = arith.constant 0 : i32
          %dma_start3A_55 = tpu.memref_slice %arg10[%dma_start3A, %dma_start3A_54] : memref<10000x128xf32, #tpu.memory_space<vmem_shared>> -> memref<10000x128xf32, #tpu.memory_space<vmem_shared>>
          tpu.enqueue_indirect_dma source(%arg8 : memref<128x128xf32, #tpu.memory_space<vmem>>) target(%dma_start3A_55 : memref<10000x128xf32, #tpu.memory_space<vmem_shared>>) offsets(%arg7 : memref<128xi32, #tpu.memory_space<vmem>>) semaphore(%run_scoped3A : memref<!tpu.dma_semaphore, #tpu.memory_space<semaphore_mem>>) {add = true}
          %dma_wait3A = arith.constant 0 : i32
          %dma_wait3A_56 = arith.constant 0 : i32
          %dma_wait3A_57 = tpu.memref_slice %arg10[%dma_wait3A, %dma_wait3A_56] : memref<10000x128xf32, #tpu.memory_space<vmem_shared>> -> memref<10000x128xf32, #tpu.memory_space<vmem_shared>>
          tpu.wait_indirect_dma semaphore(%run_scoped3A : memref<!tpu.dma_semaphore, #tpu.memory_space<semaphore_mem>>) src(%arg8 : memref<128x128xf32, #tpu.memory_space<vmem>>) dst(%dma_wait3A_57 : memref<10000x128xf32, #tpu.memory_space<vmem_shared>>)
          tpu.yield
        }) : () -> ()
        %get3A = arith.constant 0 : index
        %get3A_39 = tpu.vector_load %arg7[%get3A] {strides = array<i32>} : memref<128xi32, #tpu.memory_space<vmem>>, vector<16xi32>,
        tpu.vector_store_idx %arg9[%get3A_39], %broadcast_in_dim3A_10 {add = true} : memref<10000xf32, #tpu.memory_space<vmem>>[vector<16xi32>], vector<16xf32>,
        %get3A_40 = arith.constant 16 : index
        %get3A_41 = tpu.vector_load %arg7[%get3A_40] {strides = array<i32>} : memref<128xi32, #tpu.memory_space<vmem>>, vector<16xi32>,
        tpu.vector_store_idx %arg9[%get3A_41], %broadcast_in_dim3A_10 {add = true} : memref<10000xf32, #tpu.memory_space<vmem>>[vector<16xi32>], vector<16xf32>,
        %get3A_42 = arith.constant 32 : index
        %get3A_43 = tpu.vector_load %arg7[%get3A_42] {strides = array<i32>} : memref<128xi32, #tpu.memory_space<vmem>>, vector<16xi32>,
        tpu.vector_store_idx %arg9[%get3A_43], %broadcast_in_dim3A_10 {add = true} : memref<10000xf32, #tpu.memory_space<vmem>>[vector<16xi32>], vector<16xf32>,
        %get3A_44 = arith.constant 48 : index
        %get3A_45 = tpu.vector_load %arg7[%get3A_44] {strides = array<i32>} : memref<128xi32, #tpu.memory_space<vmem>>, vector<16xi32>,
        tpu.vector_store_idx %arg9[%get3A_45], %broadcast_in_dim3A_10 {add = true} : memref<10000xf32, #tpu.memory_space<vmem>>[vector<16xi32>], vector<16xf32>,
        %get3A_46 = arith.constant 64 : index
        %get3A_47 = tpu.vector_load %arg7[%get3A_46] {strides = array<i32>} : memref<128xi32, #tpu.memory_space<vmem>>, vector<16xi32>,
        tpu.vector_store_idx %arg9[%get3A_47], %broadcast_in_dim3A_10 {add = true} : memref<10000xf32, #tpu.memory_space<vmem>>[vector<16xi32>], vector<16xf32>,
        %get3A_48 = arith.constant 80 : index
        %get3A_49 = tpu.vector_load %arg7[%get3A_48] {strides = array<i32>} : memref<128xi32, #tpu.memory_space<vmem>>, vector<16xi32>,
        tpu.vector_store_idx %arg9[%get3A_49], %broadcast_in_dim3A_10 {add = true} : memref<10000xf32, #tpu.memory_space<vmem>>[vector<16xi32>], vector<16xf32>,
        %get3A_50 = arith.constant 96 : index
        %get3A_51 = tpu.vector_load %arg7[%get3A_50] {strides = array<i32>} : memref<128xi32, #tpu.memory_space<vmem>>, vector<16xi32>,
        tpu.vector_store_idx %arg9[%get3A_51], %broadcast_in_dim3A_10 {add = true} : memref<10000xf32, #tpu.memory_space<vmem>>[vector<16xi32>], vector<16xf32>,
        %get3A_52 = arith.constant 112 : index
        %get3A_53 = tpu.vector_load %arg7[%get3A_52] {strides = array<i32>} : memref<128xi32, #tpu.memory_space<vmem>>, vector<16xi32>,
        tpu.vector_store_idx %arg9[%get3A_53], %broadcast_in_dim3A_10 {add = true} : memref<10000xf32, #tpu.memory_space<vmem>>[vector<16xi32>], vector<16xf32>,
      } else {
      }
    }
    %scan3A_16 = arith.constant 40 : i32
    %mul3A_17 = arith.constant 10000 : i32
    %mul3A_18 = arith.muli %add3A, %mul3A_17 : i32
    "tpu.region"() ({
      %run_scoped3A = tpu.sem_alloc : memref<!tpu.dma_semaphore, #tpu.memory_space<semaphore_mem>>
      %dma_start3A = tpu.memref_slice %arg6[%mul3A_18] : memref<320000xf32, #tpu.memory_space<hbm>> -> memref<10000xf32, #tpu.memory_space<hbm>>
      %dma_start3A_25 = tpu.memref_slice %arg6[%mul3A_18] : memref<320000xf32, #tpu.memory_space<hbm>> -> memref<10000xf32, #tpu.memory_space<hbm>>
      tpu.enqueue_dma source(%arg9 : memref<10000xf32, #tpu.memory_space<vmem>>) target(%dma_start3A_25 : memref<10000xf32, #tpu.memory_space<hbm>>) target_semaphore(%run_scoped3A : memref<!tpu.dma_semaphore, #tpu.memory_space<semaphore_mem>>)
      %dma_wait3A = tpu.memref_slice %arg6[%mul3A_18] : memref<320000xf32, #tpu.memory_space<hbm>> -> memref<10000xf32, #tpu.memory_space<hbm>>
      %dma_wait3A_26 = tpu.memref_slice %arg6[%mul3A_18] : memref<320000xf32, #tpu.memory_space<hbm>> -> memref<10000xf32, #tpu.memory_space<hbm>>
      tpu.wait_dma2 semaphore(%run_scoped3A : memref<!tpu.dma_semaphore, #tpu.memory_space<semaphore_mem>>) src(%arg9 : memref<10000xf32, #tpu.memory_space<vmem>>) dst(%dma_wait3A_26 : memref<10000xf32, #tpu.memory_space<hbm>>)
      tpu.yield
    }) : () -> ()
    %barrier3A_19 = arith.constant 0 : index
    tpu.barrier barrier_id(%barrier3A_19)
    "tpu.region"() ({
      %run_scoped3A = tpu.sem_alloc : memref<!tpu.dma_semaphore, #tpu.memory_space<semaphore_mem>>
      %dma_start3A = arith.constant 0 : i32
      %dma_start3A_25 = tpu.memref_slice %arg5[%arg0, %mul3A_2, %dma_start3A] : memref<2x10000x128xf32, #tpu.memory_space<hbm>> -> memref<1x624x128xf32, #tpu.memory_space<hbm>>
      %dma_start3A_26 = tpu.memref_squeeze %dma_start3A_25 : memref<1x624x128xf32, #tpu.memory_space<hbm>> -> memref<624x128xf32, #tpu.memory_space<hbm>>
      %dma_start3A_27 = arith.constant 0 : i32
      %dma_start3A_28 = tpu.memref_slice %arg10[%mul3A_2, %dma_start3A_27] : memref<10000x128xf32, #tpu.memory_space<vmem_shared>> -> memref<624x128xf32, #tpu.memory_space<vmem_shared>>
      tpu.enqueue_dma source(%dma_start3A_28 : memref<624x128xf32, #tpu.memory_space<vmem_shared>>) target(%dma_start3A_26 : memref<624x128xf32, #tpu.memory_space<hbm>>) target_semaphore(%run_scoped3A : memref<!tpu.dma_semaphore, #tpu.memory_space<semaphore_mem>>)
      %dma_wait3A = arith.constant 0 : i32
      %dma_wait3A_29 = tpu.memref_slice %arg5[%arg0, %mul3A_2, %dma_wait3A] : memref<2x10000x128xf32, #tpu.memory_space<hbm>> -> memref<1x624x128xf32, #tpu.memory_space<hbm>>
      %dma_wait3A_30 = tpu.memref_squeeze %dma_wait3A_29 : memref<1x624x128xf32, #tpu.memory_space<hbm>> -> memref<624x128xf32, #tpu.memory_space<hbm>>
      %dma_wait3A_31 = arith.constant 0 : i32
      %dma_wait3A_32 = tpu.memref_slice %arg10[%mul3A_2, %dma_wait3A_31] : memref<10000x128xf32, #tpu.memory_space<vmem_shared>> -> memref<624x128xf32, #tpu.memory_space<vmem_shared>>
      tpu.wait_dma2 semaphore(%run_scoped3A : memref<!tpu.dma_semaphore, #tpu.memory_space<semaphore_mem>>) src(%dma_wait3A_32 : memref<624x128xf32, #tpu.memory_space<vmem_shared>>) dst(%dma_wait3A_30 : memref<624x128xf32, #tpu.memory_space<hbm>>)
      tpu.yield
    }) : () -> ()
    %eq3A_20 = arith.constant 15 : i32
    %eq3A_21 = arith.cmpi eq, %arg1, %eq3A_20 : i32
    %convert_element_type3A_22 = arith.extui %eq3A_21 : i1 to i32
    %cond3A_23 = arith.constant 0 : i32
    %cond3A_24 = arith.cmpi ne, %convert_element_type3A_22, %cond3A_23 : i32
    scf.if %cond3A_24 {
      "tpu.region"() ({
        %run_scoped3A = tpu.sem_alloc : memref<!tpu.dma_semaphore, #tpu.memory_space<semaphore_mem>>
        %dma_start3A = arith.constant 9984 : i32
        %dma_start3A_25 = arith.constant 0 : i32
        %dma_start3A_26 = tpu.memref_slice %arg5[%arg0, %dma_start3A, %dma_start3A_25] : memref<2x10000x128xf32, #tpu.memory_space<hbm>> -> memref<1x16x128xf32, #tpu.memory_space<hbm>>
        %dma_start3A_27 = tpu.memref_squeeze %dma_start3A_26 : memref<1x16x128xf32, #tpu.memory_space<hbm>> -> memref<16x128xf32, #tpu.memory_space<hbm>>
        %dma_start3A_28 = arith.constant 9984 : i32
        %dma_start3A_29 = arith.constant 0 : i32
        %dma_start3A_30 = tpu.memref_slice %arg10[%dma_start3A_28, %dma_start3A_29] : memref<10000x128xf32, #tpu.memory_space<vmem_shared>> -> memref<16x128xf32, #tpu.memory_space<vmem_shared>>
        tpu.enqueue_dma source(%dma_start3A_30 : memref<16x128xf32, #tpu.memory_space<vmem_shared>>) target(%dma_start3A_27 : memref<16x128xf32, #tpu.memory_space<hbm>>) target_semaphore(%run_scoped3A : memref<!tpu.dma_semaphore, #tpu.memory_space<semaphore_mem>>)
        %dma_wait3A = arith.constant 9984 : i32
        %dma_wait3A_31 = arith.constant 0 : i32
        %dma_wait3A_32 = tpu.memref_slice %arg5[%arg0, %dma_wait3A, %dma_wait3A_31] : memref<2x10000x128xf32, #tpu.memory_space<hbm>> -> memref<1x16x128xf32, #tpu.memory_space<hbm>>
        %dma_wait3A_33 = tpu.memref_squeeze %dma_wait3A_32 : memref<1x16x128xf32, #tpu.memory_space<hbm>> -> memref<16x128xf32, #tpu.memory_space<hbm>>
        %dma_wait3A_34 = arith.constant 9984 : i32
        %dma_wait3A_35 = arith.constant 0 : i32
        %dma_wait3A_36 = tpu.memref_slice %arg10[%dma_wait3A_34, %dma_wait3A_35] : memref<10000x128xf32, #tpu.memory_space<vmem_shared>> -> memref<16x128xf32, #tpu.memory_space<vmem_shared>>
        tpu.wait_dma2 semaphore(%run_scoped3A : memref<!tpu.dma_semaphore, #tpu.memory_space<semaphore_mem>>) src(%dma_wait3A_36 : memref<16x128xf32, #tpu.memory_space<vmem_shared>>) dst(%dma_wait3A_33 : memref<16x128xf32, #tpu.memory_space<hbm>>)
        tpu.yield
      }) : () -> ()
    } else {
    }
    return
  }
}

module attributes {stable_mosaic.version = 14 : i64} {
  func.func @_node_pre_body(%arg0: i32, %arg1: memref<1000x128xf32, #tpu.memory_space<vmem>>, %arg2: memref<128x128xf32, #tpu.memory_space<vmem>>, %arg3: memref<128x128xf32, #tpu.memory_space<vmem>>, %arg4: memref<1000x128xf32, #tpu.memory_space<vmem>>, %arg5: memref<1000x128xf32, #tpu.memory_space<vmem>>) attributes {dimension_semantics = [#tpu.dimension_semantics<arbitrary>], iteration_bounds = array<i64: 10>, scalar_prefetch = 0 : i64, scratch_operands = 0 : i64, tpu.core_type = #tpu.core_type<tc>, window_params = [{transform_indices = @transform_0, window_bounds = array<i64: 1000, 128>}, {pipeline_mode = #tpu.pipeline_mode<synchronous>, transform_indices = @transform_1, window_bounds = array<i64: 128, 128>}, {pipeline_mode = #tpu.pipeline_mode<synchronous>, transform_indices = @transform_2, window_bounds = array<i64: 128, 128>}, {transform_indices = @transform_3, window_bounds = array<i64: 1000, 128>}, {transform_indices = @transform_4, window_bounds = array<i64: 1000, 128>}]} {
    %get3A = arith.constant 0 : index
    %get3A_0 = arith.constant 0 : index
    %get3A_1 = vector.load %arg1[%get3A, %get3A_0] : memref<1000x128xf32, #tpu.memory_space<vmem>>, vector<1000x128xf32>
    %get3A_2 = arith.constant 0 : index
    %get3A_3 = arith.constant 0 : index
    %get3A_4 = vector.load %arg2[%get3A_2, %get3A_3] : memref<128x128xf32, #tpu.memory_space<vmem>>, vector<128x128xf32>
    %dot_general3A = arith.constant dense<0.000000e+00> : vector<1000x128xf32>
    %dot_general3A_5 = tpu.matmul %get3A_1, %get3A_4, %dot_general3A {dimension_numbers = #tpu.dot_dimension_numbers<[1], [0], [0], [1], [0, 0, 1, 1], [], []>, transpose_lhs_hint = false} : vector<1000x128xf32>, vector<128x128xf32>, vector<1000x128xf32> -> vector<1000x128xf32>
    %swap3A = arith.constant 0 : index
    %swap3A_6 = arith.constant 0 : index
    %swap3A_7 = vector.load %arg4[%swap3A, %swap3A_6] : memref<1000x128xf32, #tpu.memory_space<vmem>>, vector<1000x128xf32>
    tpu.vector_store %arg4[%swap3A, %swap3A_6], %dot_general3A_5 {strides = array<i32>} : memref<1000x128xf32, #tpu.memory_space<vmem>>, vector<1000x128xf32>,
    %get3A_8 = arith.constant 0 : index
    %get3A_9 = arith.constant 0 : index
    %get3A_10 = vector.load %arg3[%get3A_8, %get3A_9] : memref<128x128xf32, #tpu.memory_space<vmem>>, vector<128x128xf32>
    %dot_general3A_11 = arith.constant dense<0.000000e+00> : vector<1000x128xf32>
    %dot_general3A_12 = tpu.matmul %get3A_1, %get3A_10, %dot_general3A_11 {dimension_numbers = #tpu.dot_dimension_numbers<[1], [0], [0], [1], [0, 0, 1, 1], [], []>, transpose_lhs_hint = false} : vector<1000x128xf32>, vector<128x128xf32>, vector<1000x128xf32> -> vector<1000x128xf32>
    %swap3A_13 = arith.constant 0 : index
    %swap3A_14 = arith.constant 0 : index
    %swap3A_15 = vector.load %arg5[%swap3A_13, %swap3A_14] : memref<1000x128xf32, #tpu.memory_space<vmem>>, vector<1000x128xf32>
    tpu.vector_store %arg5[%swap3A_13, %swap3A_14], %dot_general3A_12 {strides = array<i32>} : memref<1000x128xf32, #tpu.memory_space<vmem>>, vector<1000x128xf32>,
    return
  }
  func.func @transform_0(%arg0: i32) -> (i32, i32) {
    %c0_i32 = arith.constant 0 : i32
    %c0_i32_0 = arith.constant 0 : i32
    return %arg0, %c0_i32 : i32, i32
  }
  func.func @transform_1(%arg0: i32) -> (i32, i32) {
    %c0_i32 = arith.constant 0 : i32
    %c0_i32_0 = arith.constant 0 : i32
    %c0_i32_1 = arith.constant 0 : i32
    return %c0_i32, %c0_i32_0 : i32, i32
  }
  func.func @transform_2(%arg0: i32) -> (i32, i32) {
    %c0_i32 = arith.constant 0 : i32
    %c0_i32_0 = arith.constant 0 : i32
    %c0_i32_1 = arith.constant 0 : i32
    return %c0_i32, %c0_i32_0 : i32, i32
  }
  func.func @transform_3(%arg0: i32) -> (i32, i32) {
    %c0_i32 = arith.constant 0 : i32
    %c0_i32_0 = arith.constant 0 : i32
    return %arg0, %c0_i32 : i32, i32
  }
  func.func @transform_4(%arg0: i32) -> (i32, i32) {
    %c0_i32 = arith.constant 0 : i32
    %c0_i32_0 = arith.constant 0 : i32
    return %arg0, %c0_i32 : i32, i32
  }
}

module attributes {stable_mosaic.version = 14 : i64} {
  func.func @_extra_body(%arg0: i32, %arg1: memref<3200x16xf32, #tpu.memory_space<vmem>>, %arg2: memref<3200x16xf32, #tpu.memory_space<vmem>>, %arg3: memref<1x16xf32, #tpu.memory_space<vmem>>, %arg4: memref<32x128xf32, #tpu.memory_space<vmem>>, %arg5: memref<3200x128xbf16, #tpu.memory_space<vmem>>) attributes {dimension_semantics = [#tpu.dimension_semantics<arbitrary>], iteration_bounds = array<i64: 50>, scalar_prefetch = 0 : i64, scratch_operands = 0 : i64, tpu.core_type = #tpu.core_type<tc>, window_params = [{transform_indices = @transform_0, window_bounds = array<i64: 3200, 16>}, {transform_indices = @transform_1, window_bounds = array<i64: 3200, 16>}, {pipeline_mode = #tpu.pipeline_mode<synchronous>, transform_indices = @transform_2, window_bounds = array<i64: 1, 16>}, {pipeline_mode = #tpu.pipeline_mode<synchronous>, transform_indices = @transform_3, window_bounds = array<i64: 32, 128>}, {transform_indices = @transform_4, window_bounds = array<i64: 3200, 128>}]} {
    %get3A = arith.constant 0 : index
    %get3A_0 = arith.constant 0 : index
    %get3A_1 = vector.load %arg1[%get3A, %get3A_0] : memref<3200x16xf32, #tpu.memory_space<vmem>>, vector<3200x16xf32>
    %get3A_2 = arith.constant 0 : index
    %get3A_3 = arith.constant 0 : index
    %get3A_4 = vector.load %arg3[%get3A_2, %get3A_3] : memref<1x16xf32, #tpu.memory_space<vmem>>, vector<1x16xf32>
    %mul3A = vector.broadcast %get3A_4 : vector<1x16xf32> to vector<3200x16xf32>
    %mul3A_5 = arith.mulf %get3A_1, %mul3A : vector<3200x16xf32>
    %exp3A = math.exp %mul3A_5 : vector<3200x16xf32>
    %get3A_6 = arith.constant 0 : index
    %get3A_7 = arith.constant 0 : index
    %get3A_8 = vector.load %arg2[%get3A_6, %get3A_7] : memref<3200x16xf32, #tpu.memory_space<vmem>>, vector<3200x16xf32>
    %concatenate3A = tpu.concatenate %get3A_8, %exp3A in 1 : vector<3200x16xf32>, vector<3200x16xf32> -> vector<3200x32xf32>
    %get3A_9 = arith.constant 0 : index
    %get3A_10 = arith.constant 0 : index
    %get3A_11 = vector.load %arg4[%get3A_9, %get3A_10] : memref<32x128xf32, #tpu.memory_space<vmem>>, vector<32x128xf32>
    %dot_general3A = arith.constant dense<0.000000e+00> : vector<3200x128xf32>
    %dot_general3A_12 = tpu.matmul %concatenate3A, %get3A_11, %dot_general3A {dimension_numbers = #tpu.dot_dimension_numbers<[1], [0], [0], [1], [0, 0, 1, 1], [], []>, transpose_lhs_hint = false} : vector<3200x32xf32>, vector<32x128xf32>, vector<3200x128xf32> -> vector<3200x128xf32>
    %convert_element_type3A = arith.truncf %dot_general3A_12 : vector<3200x128xf32> to vector<3200x128xbf16>
    %swap3A = arith.constant 0 : index
    %swap3A_13 = arith.constant 0 : index
    %swap3A_14 = vector.load %arg5[%swap3A, %swap3A_13] : memref<3200x128xbf16, #tpu.memory_space<vmem>>, vector<3200x128xbf16>
    tpu.vector_store %arg5[%swap3A, %swap3A_13], %convert_element_type3A {strides = array<i32>} : memref<3200x128xbf16, #tpu.memory_space<vmem>>, vector<3200x128xbf16>,
    return
  }
  func.func @transform_0(%arg0: i32) -> (i32, i32) {
    %add3A = arith.constant 50 : i32
    %add3A_0 = arith.addi %add3A, %arg0 : i32
    %c0_i32 = arith.constant 0 : i32
    %c0_i32_1 = arith.constant 0 : i32
    return %add3A_0, %c0_i32 : i32, i32
  }
  func.func @transform_1(%arg0: i32) -> (i32, i32) {
    %add3A = arith.constant 50 : i32
    %add3A_0 = arith.addi %add3A, %arg0 : i32
    %c0_i32 = arith.constant 0 : i32
    %c0_i32_1 = arith.constant 0 : i32
    return %add3A_0, %c0_i32 : i32, i32
  }
  func.func @transform_2(%arg0: i32) -> (i32, i32) {
    %c0_i32 = arith.constant 0 : i32
    %c0_i32_0 = arith.constant 0 : i32
    %c0_i32_1 = arith.constant 0 : i32
    return %c0_i32, %c0_i32_0 : i32, i32
  }
  func.func @transform_3(%arg0: i32) -> (i32, i32) {
    %c0_i32 = arith.constant 0 : i32
    %c0_i32_0 = arith.constant 0 : i32
    %c0_i32_1 = arith.constant 0 : i32
    return %c0_i32, %c0_i32_0 : i32, i32
  }
  func.func @transform_4(%arg0: i32) -> (i32, i32) {
    %c0_i32 = arith.constant 0 : i32
    %c0_i32_0 = arith.constant 0 : i32
    return %arg0, %c0_i32 : i32, i32
  }
}

module attributes {stable_mosaic.version = 14 : i64} {
  func.func @_edge_mlp_body(%arg0: i32, %arg1: memref<3200x128xf32, #tpu.memory_space<vmem>>, %arg2: memref<3200x128xf32, #tpu.memory_space<vmem>>, %arg3: memref<3200x128xbf16, #tpu.memory_space<vmem>>, %arg4: memref<128x128xf32, #tpu.memory_space<vmem>>, %arg5: memref<1x128xf32, #tpu.memory_space<vmem>>, %arg6: memref<1x128xf32, #tpu.memory_space<vmem>>, %arg7: memref<1x128xf32, #tpu.memory_space<vmem>>, %arg8: memref<3200x128xf32, #tpu.memory_space<vmem>>) attributes {dimension_semantics = [#tpu.dimension_semantics<arbitrary>], iteration_bounds = array<i64: 50>, scalar_prefetch = 0 : i64, scratch_operands = 0 : i64, tpu.core_type = #tpu.core_type<tc>, window_params = [{transform_indices = @transform_0, window_bounds = array<i64: 3200, 128>}, {transform_indices = @transform_1, window_bounds = array<i64: 3200, 128>}, {transform_indices = @transform_2, window_bounds = array<i64: 3200, 128>}, {pipeline_mode = #tpu.pipeline_mode<synchronous>, transform_indices = @transform_3, window_bounds = array<i64: 128, 128>}, {pipeline_mode = #tpu.pipeline_mode<synchronous>, transform_indices = @transform_4, window_bounds = array<i64: 1, 128>}, {pipeline_mode = #tpu.pipeline_mode<synchronous>, transform_indices = @transform_5, window_bounds = array<i64: 1, 128>}, {pipeline_mode = #tpu.pipeline_mode<synchronous>, transform_indices = @transform_6, window_bounds = array<i64: 1, 128>}, {transform_indices = @transform_7, window_bounds = array<i64: 3200, 128>}]} {
    %get3A = arith.constant 0 : index
    %get3A_0 = arith.constant 0 : index
    %get3A_1 = vector.load %arg1[%get3A, %get3A_0] : memref<3200x128xf32, #tpu.memory_space<vmem>>, vector<3200x128xf32>
    %get3A_2 = arith.constant 0 : index
    %get3A_3 = arith.constant 0 : index
    %get3A_4 = vector.load %arg2[%get3A_2, %get3A_3] : memref<3200x128xf32, #tpu.memory_space<vmem>>, vector<3200x128xf32>
    %add3A = arith.addf %get3A_1, %get3A_4 : vector<3200x128xf32>
    %get3A_5 = arith.constant 0 : index
    %get3A_6 = arith.constant 0 : index
    %get3A_7 = vector.load %arg3[%get3A_5, %get3A_6] : memref<3200x128xbf16, #tpu.memory_space<vmem>>, vector<3200x128xbf16>
    %convert_element_type3A = arith.extf %get3A_7 : vector<3200x128xbf16> to vector<3200x128xf32>
    %add3A_8 = arith.addf %add3A, %convert_element_type3A : vector<3200x128xf32>
    %ge3A = arith.constant 0.000000e+00 : f32
    %ge3A_9 = vector.broadcast %ge3A : f32 to vector<3200x128xf32>
    %ge3A_10 = arith.cmpf oge, %add3A_8, %ge3A_9 : vector<3200x128xf32>
    %mul3A = arith.constant 0.00999999977 : f32
    %mul3A_11 = vector.broadcast %mul3A : f32 to vector<3200x128xf32>
    %mul3A_12 = arith.mulf %mul3A_11, %add3A_8 : vector<3200x128xf32>
    %select_n3A = arith.select %ge3A_10, %add3A_8, %mul3A_12 : vector<3200x128xi1>, vector<3200x128xf32>
    %reduce_sum3A = arith.constant dense<0.000000e+00> : vector<3200xf32>
    %reduce_sum3A_13 = vector.multi_reduction <add>, %select_n3A, %reduce_sum3A [1] : vector<3200x128xf32> to vector<3200xf32>
    %broadcast_in_dim3A = vector.shape_cast %reduce_sum3A_13 : vector<3200xf32> to vector<3200x1xf32>
    %div3A = arith.constant 1.280000e+02 : f32
    %div3A_14 = vector.broadcast %div3A : f32 to vector<3200x1xf32>
    %div3A_15 = arith.divf %broadcast_in_dim3A, %div3A_14 : vector<3200x1xf32>
    %sub3A = vector.broadcast %div3A_15 : vector<3200x1xf32> to vector<3200x128xf32>
    %sub3A_16 = arith.subf %select_n3A, %sub3A : vector<3200x128xf32>
    %mul3A_17 = arith.mulf %sub3A_16, %sub3A_16 : vector<3200x128xf32>
    %reduce_sum3A_18 = arith.constant dense<0.000000e+00> : vector<3200xf32>
    %reduce_sum3A_19 = vector.multi_reduction <add>, %mul3A_17, %reduce_sum3A_18 [1] : vector<3200x128xf32> to vector<3200xf32>
    %broadcast_in_dim3A_20 = vector.shape_cast %reduce_sum3A_19 : vector<3200xf32> to vector<3200x1xf32>
    %div3A_21 = arith.constant 1.280000e+02 : f32
    %div3A_22 = vector.broadcast %div3A_21 : f32 to vector<3200x1xf32>
    %div3A_23 = arith.divf %broadcast_in_dim3A_20, %div3A_22 : vector<3200x1xf32>
    %add3A_24 = arith.constant 9.99999974E-6 : f32
    %add3A_25 = vector.broadcast %add3A_24 : f32 to vector<3200x1xf32>
    %add3A_26 = arith.addf %div3A_23, %add3A_25 : vector<3200x1xf32>
    %rsqrt3A = math.rsqrt %add3A_26 : vector<3200x1xf32>
    %mul3A_27 = vector.broadcast %rsqrt3A : vector<3200x1xf32> to vector<3200x128xf32>
    %mul3A_28 = arith.mulf %sub3A_16, %mul3A_27 : vector<3200x128xf32>
    %get3A_29 = arith.constant 0 : index
    %get3A_30 = arith.constant 0 : index
    %get3A_31 = vector.load %arg5[%get3A_29, %get3A_30] : memref<1x128xf32, #tpu.memory_space<vmem>>, vector<1x128xf32>
    %mul3A_32 = vector.broadcast %get3A_31 : vector<1x128xf32> to vector<3200x128xf32>
    %mul3A_33 = arith.mulf %mul3A_28, %mul3A_32 : vector<3200x128xf32>
    %get3A_34 = arith.constant 0 : index
    %get3A_35 = arith.constant 0 : index
    %get3A_36 = vector.load %arg6[%get3A_34, %get3A_35] : memref<1x128xf32, #tpu.memory_space<vmem>>, vector<1x128xf32>
    %add3A_37 = vector.broadcast %get3A_36 : vector<1x128xf32> to vector<3200x128xf32>
    %add3A_38 = arith.addf %mul3A_33, %add3A_37 : vector<3200x128xf32>
    %get3A_39 = arith.constant 0 : index
    %get3A_40 = arith.constant 0 : index
    %get3A_41 = vector.load %arg4[%get3A_39, %get3A_40] : memref<128x128xf32, #tpu.memory_space<vmem>>, vector<128x128xf32>
    %dot_general3A = arith.constant dense<0.000000e+00> : vector<3200x128xf32>
    %dot_general3A_42 = tpu.matmul %add3A_38, %get3A_41, %dot_general3A {dimension_numbers = #tpu.dot_dimension_numbers<[1], [0], [0], [1], [0, 0, 1, 1], [], []>, transpose_lhs_hint = false} : vector<3200x128xf32>, vector<128x128xf32>, vector<3200x128xf32> -> vector<3200x128xf32>
    %get3A_43 = arith.constant 0 : index
    %get3A_44 = arith.constant 0 : index
    %get3A_45 = vector.load %arg7[%get3A_43, %get3A_44] : memref<1x128xf32, #tpu.memory_space<vmem>>, vector<1x128xf32>
    %add3A_46 = vector.broadcast %get3A_45 : vector<1x128xf32> to vector<3200x128xf32>
    %add3A_47 = arith.addf %dot_general3A_42, %add3A_46 : vector<3200x128xf32>
    %swap3A = arith.constant 0 : index
    %swap3A_48 = arith.constant 0 : index
    %swap3A_49 = vector.load %arg8[%swap3A, %swap3A_48] : memref<3200x128xf32, #tpu.memory_space<vmem>>, vector<3200x128xf32>
    tpu.vector_store %arg8[%swap3A, %swap3A_48], %add3A_47 {strides = array<i32>} : memref<3200x128xf32, #tpu.memory_space<vmem>>, vector<3200x128xf32>,
    return
  }
  func.func @transform_0(%arg0: i32) -> (i32, i32) {
    %c0_i32 = arith.constant 0 : i32
    %c0_i32_0 = arith.constant 0 : i32
    return %arg0, %c0_i32 : i32, i32
  }
  func.func @transform_1(%arg0: i32) -> (i32, i32) {
    %c0_i32 = arith.constant 0 : i32
    %c0_i32_0 = arith.constant 0 : i32
    return %arg0, %c0_i32 : i32, i32
  }
  func.func @transform_2(%arg0: i32) -> (i32, i32) {
    %c0_i32 = arith.constant 0 : i32
    %c0_i32_0 = arith.constant 0 : i32
    return %arg0, %c0_i32 : i32, i32
  }
  func.func @transform_3(%arg0: i32) -> (i32, i32) {
    %c0_i32 = arith.constant 0 : i32
    %c0_i32_0 = arith.constant 0 : i32
    %c0_i32_1 = arith.constant 0 : i32
    return %c0_i32, %c0_i32_0 : i32, i32
  }
  func.func @transform_4(%arg0: i32) -> (i32, i32) {
    %c0_i32 = arith.constant 0 : i32
    %c0_i32_0 = arith.constant 0 : i32
    %c0_i32_1 = arith.constant 0 : i32
    return %c0_i32, %c0_i32_0 : i32, i32
  }
  func.func @transform_5(%arg0: i32) -> (i32, i32) {
    %c0_i32 = arith.constant 0 : i32
    %c0_i32_0 = arith.constant 0 : i32
    %c0_i32_1 = arith.constant 0 : i32
    return %c0_i32, %c0_i32_0 : i32, i32
  }
  func.func @transform_6(%arg0: i32) -> (i32, i32) {
    %c0_i32 = arith.constant 0 : i32
    %c0_i32_0 = arith.constant 0 : i32
    %c0_i32_1 = arith.constant 0 : i32
    return %c0_i32, %c0_i32_0 : i32, i32
  }
  func.func @transform_7(%arg0: i32) -> (i32, i32) {
    %c0_i32 = arith.constant 0 : i32
    %c0_i32_0 = arith.constant 0 : i32
    return %arg0, %c0_i32 : i32, i32
  }
}

module attributes {stable_mosaic.version = 14 : i64} {
  func.func @_extra_body(%arg0: i32, %arg1: memref<3200x16xf32, #tpu.memory_space<vmem>>, %arg2: memref<3200x16xf32, #tpu.memory_space<vmem>>, %arg3: memref<1x16xf32, #tpu.memory_space<vmem>>, %arg4: memref<32x128xf32, #tpu.memory_space<vmem>>, %arg5: memref<3200x128xbf16, #tpu.memory_space<vmem>>) attributes {dimension_semantics = [#tpu.dimension_semantics<arbitrary>], iteration_bounds = array<i64: 50>, scalar_prefetch = 0 : i64, scratch_operands = 0 : i64, tpu.core_type = #tpu.core_type<tc>, window_params = [{transform_indices = @transform_0, window_bounds = array<i64: 3200, 16>}, {transform_indices = @transform_1, window_bounds = array<i64: 3200, 16>}, {pipeline_mode = #tpu.pipeline_mode<synchronous>, transform_indices = @transform_2, window_bounds = array<i64: 1, 16>}, {pipeline_mode = #tpu.pipeline_mode<synchronous>, transform_indices = @transform_3, window_bounds = array<i64: 32, 128>}, {transform_indices = @transform_4, window_bounds = array<i64: 3200, 128>}]} {
    %get3A = arith.constant 0 : index
    %get3A_0 = arith.constant 0 : index
    %get3A_1 = vector.load %arg1[%get3A, %get3A_0] : memref<3200x16xf32, #tpu.memory_space<vmem>>, vector<3200x16xf32>
    %get3A_2 = arith.constant 0 : index
    %get3A_3 = arith.constant 0 : index
    %get3A_4 = vector.load %arg3[%get3A_2, %get3A_3] : memref<1x16xf32, #tpu.memory_space<vmem>>, vector<1x16xf32>
    %mul3A = vector.broadcast %get3A_4 : vector<1x16xf32> to vector<3200x16xf32>
    %mul3A_5 = arith.mulf %get3A_1, %mul3A : vector<3200x16xf32>
    %exp3A = math.exp %mul3A_5 : vector<3200x16xf32>
    %get3A_6 = arith.constant 0 : index
    %get3A_7 = arith.constant 0 : index
    %get3A_8 = vector.load %arg2[%get3A_6, %get3A_7] : memref<3200x16xf32, #tpu.memory_space<vmem>>, vector<3200x16xf32>
    %concatenate3A = tpu.concatenate %get3A_8, %exp3A in 1 : vector<3200x16xf32>, vector<3200x16xf32> -> vector<3200x32xf32>
    %get3A_9 = arith.constant 0 : index
    %get3A_10 = arith.constant 0 : index
    %get3A_11 = vector.load %arg4[%get3A_9, %get3A_10] : memref<32x128xf32, #tpu.memory_space<vmem>>, vector<32x128xf32>
    %dot_general3A = arith.constant dense<0.000000e+00> : vector<3200x128xf32>
    %dot_general3A_12 = tpu.matmul %concatenate3A, %get3A_11, %dot_general3A {dimension_numbers = #tpu.dot_dimension_numbers<[1], [0], [0], [1], [0, 0, 1, 1], [], []>, transpose_lhs_hint = false} : vector<3200x32xf32>, vector<32x128xf32>, vector<3200x128xf32> -> vector<3200x128xf32>
    %convert_element_type3A = arith.truncf %dot_general3A_12 : vector<3200x128xf32> to vector<3200x128xbf16>
    %swap3A = arith.constant 0 : index
    %swap3A_13 = arith.constant 0 : index
    %swap3A_14 = vector.load %arg5[%swap3A, %swap3A_13] : memref<3200x128xbf16, #tpu.memory_space<vmem>>, vector<3200x128xbf16>
    tpu.vector_store %arg5[%swap3A, %swap3A_13], %convert_element_type3A {strides = array<i32>} : memref<3200x128xbf16, #tpu.memory_space<vmem>>, vector<3200x128xbf16>,
    return
  }
  func.func @transform_0(%arg0: i32) -> (i32, i32) {
    %add3A = arith.constant 0 : i32
    %add3A_0 = arith.addi %add3A, %arg0 : i32
    %c0_i32 = arith.constant 0 : i32
    %c0_i32_1 = arith.constant 0 : i32
    return %add3A_0, %c0_i32 : i32, i32
  }
  func.func @transform_1(%arg0: i32) -> (i32, i32) {
    %add3A = arith.constant 0 : i32
    %add3A_0 = arith.addi %add3A, %arg0 : i32
    %c0_i32 = arith.constant 0 : i32
    %c0_i32_1 = arith.constant 0 : i32
    return %add3A_0, %c0_i32 : i32, i32
  }
  func.func @transform_2(%arg0: i32) -> (i32, i32) {
    %c0_i32 = arith.constant 0 : i32
    %c0_i32_0 = arith.constant 0 : i32
    %c0_i32_1 = arith.constant 0 : i32
    return %c0_i32, %c0_i32_0 : i32, i32
  }
  func.func @transform_3(%arg0: i32) -> (i32, i32) {
    %c0_i32 = arith.constant 0 : i32
    %c0_i32_0 = arith.constant 0 : i32
    %c0_i32_1 = arith.constant 0 : i32
    return %c0_i32, %c0_i32_0 : i32, i32
  }
  func.func @transform_4(%arg0: i32) -> (i32, i32) {
    %c0_i32 = arith.constant 0 : i32
    %c0_i32_0 = arith.constant 0 : i32
    return %arg0, %c0_i32 : i32, i32
  }
}

module attributes {stable_mosaic.version = 14 : i64} {
  func.func @_final_body(%arg0: i32, %arg1: memref<2x1000x128xf32, #tpu.memory_space<vmem>>, %arg2: memref<2x1000x128xf32, #tpu.memory_space<vmem>>, %arg3: memref<1x32x1000xf32, #tpu.memory_space<vmem>>, %arg4: memref<1x32x1000xf32, #tpu.memory_space<vmem>>, %arg5: memref<1000x128xf32, #tpu.memory_space<vmem>>, %arg6: memref<1000x128xf32, #tpu.memory_space<vmem>>) attributes {dimension_semantics = [#tpu.dimension_semantics<arbitrary>], iteration_bounds = array<i64: 10>, scalar_prefetch = 0 : i64, scratch_operands = 0 : i64, tpu.core_type = #tpu.core_type<tc>, window_params = [{transform_indices = @transform_0, window_bounds = array<i64: 2, 1000, 128>}, {transform_indices = @transform_1, window_bounds = array<i64: 2, 1000, 128>}, {transform_indices = @transform_2, window_bounds = array<i64: 1, 32, 1000>}, {transform_indices = @transform_3, window_bounds = array<i64: 1, 32, 1000>}, {transform_indices = @transform_4, window_bounds = array<i64: 1000, 128>}, {transform_indices = @transform_5, window_bounds = array<i64: 1000, 128>}]} {
    %get3A = arith.constant 0 : index
    %get3A_0 = arith.constant 0 : index
    %get3A_1 = arith.constant 0 : index
    %get3A_2 = vector.load %arg1[%get3A, %get3A_0, %get3A_1] : memref<2x1000x128xf32, #tpu.memory_space<vmem>>, vector<1x1000x128xf32>
    %get3A_3 = vector.shape_cast %get3A_2 : vector<1x1000x128xf32> to vector<1000x128xf32>
    %get3A_4 = arith.constant 1 : index
    %get3A_5 = arith.constant 0 : index
    %get3A_6 = arith.constant 0 : index
    %get3A_7 = vector.load %arg1[%get3A_4, %get3A_5, %get3A_6] : memref<2x1000x128xf32, #tpu.memory_space<vmem>>, vector<1x1000x128xf32>
    %get3A_8 = vector.shape_cast %get3A_7 : vector<1x1000x128xf32> to vector<1000x128xf32>
    %add3A = arith.addf %get3A_3, %get3A_8 : vector<1000x128xf32>
    %get3A_9 = arith.constant 0 : index
    %get3A_10 = arith.constant 0 : index
    %get3A_11 = arith.constant 0 : index
    %get3A_12 = vector.load %arg2[%get3A_9, %get3A_10, %get3A_11] : memref<2x1000x128xf32, #tpu.memory_space<vmem>>, vector<1x1000x128xf32>
    %get3A_13 = vector.shape_cast %get3A_12 : vector<1x1000x128xf32> to vector<1000x128xf32>
    %add3A_14 = arith.addf %add3A, %get3A_13 : vector<1000x128xf32>
    %get3A_15 = arith.constant 1 : index
    %get3A_16 = arith.constant 0 : index
    %get3A_17 = arith.constant 0 : index
    %get3A_18 = vector.load %arg2[%get3A_15, %get3A_16, %get3A_17] : memref<2x1000x128xf32, #tpu.memory_space<vmem>>, vector<1x1000x128xf32>
    %get3A_19 = vector.shape_cast %get3A_18 : vector<1x1000x128xf32> to vector<1000x128xf32>
    %add3A_20 = arith.addf %add3A_14, %get3A_19 : vector<1000x128xf32>
    %get3A_21 = arith.constant 0 : index
    %get3A_22 = arith.constant 0 : index
    %get3A_23 = arith.constant 0 : index
    %get3A_24 = vector.load %arg3[%get3A_21, %get3A_22, %get3A_23] : memref<1x32x1000xf32, #tpu.memory_space<vmem>>, vector<1x32x1000xf32>
    %get3A_25 = vector.shape_cast %get3A_24 : vector<1x32x1000xf32> to vector<32x1000xf32>
    %reduce_sum3A = arith.constant dense<0.000000e+00> : vector<1000xf32>
    %reduce_sum3A_26 = vector.multi_reduction <add>, %get3A_25, %reduce_sum3A [0] : vector<32x1000xf32> to vector<1000xf32>
    %get3A_27 = arith.constant 0 : index
    %get3A_28 = arith.constant 0 : index
    %get3A_29 = arith.constant 0 : index
    %get3A_30 = vector.load %arg4[%get3A_27, %get3A_28, %get3A_29] : memref<1x32x1000xf32, #tpu.memory_space<vmem>>, vector<1x32x1000xf32>
    %get3A_31 = vector.shape_cast %get3A_30 : vector<1x32x1000xf32> to vector<32x1000xf32>
    %reduce_sum3A_32 = arith.constant dense<0.000000e+00> : vector<1000xf32>
    %reduce_sum3A_33 = vector.multi_reduction <add>, %get3A_31, %reduce_sum3A_32 [0] : vector<32x1000xf32> to vector<1000xf32>
    %add3A_34 = arith.addf %reduce_sum3A_26, %reduce_sum3A_33 : vector<1000xf32>
    %broadcast_in_dim3A = vector.shape_cast %add3A_34 : vector<1000xf32> to vector<1000x1xf32>
    %max3A = arith.constant 1.000000e+00 : f32
    %max3A_35 = vector.broadcast %max3A : f32 to vector<1000x1xf32>
    %max3A_36 = arith.maximumf %broadcast_in_dim3A, %max3A_35 : vector<1000x1xf32>
    %div3A = vector.broadcast %max3A_36 : vector<1000x1xf32> to vector<1000x128xf32>
    %div3A_37 = arith.divf %add3A_20, %div3A : vector<1000x128xf32>
    %mul3A = arith.constant 5.000000e-01 : f32
    %mul3A_38 = vector.broadcast %mul3A : f32 to vector<1000x128xf32>
    %mul3A_39 = arith.mulf %mul3A_38, %div3A_37 : vector<1000x128xf32>
    %get3A_40 = arith.constant 0 : index
    %get3A_41 = arith.constant 0 : index
    %get3A_42 = vector.load %arg5[%get3A_40, %get3A_41] : memref<1000x128xf32, #tpu.memory_space<vmem>>, vector<1000x128xf32>
    %mul3A_43 = arith.constant 5.000000e-01 : f32
    %mul3A_44 = vector.broadcast %mul3A_43 : f32 to vector<1000x128xf32>
    %mul3A_45 = arith.mulf %mul3A_44, %get3A_42 : vector<1000x128xf32>
    %add3A_46 = arith.addf %mul3A_39, %mul3A_45 : vector<1000x128xf32>
    %swap3A = arith.constant 0 : index
    %swap3A_47 = arith.constant 0 : index
    %swap3A_48 = vector.load %arg6[%swap3A, %swap3A_47] : memref<1000x128xf32, #tpu.memory_space<vmem>>, vector<1000x128xf32>
    tpu.vector_store %arg6[%swap3A, %swap3A_47], %add3A_46 {strides = array<i32>} : memref<1000x128xf32, #tpu.memory_space<vmem>>, vector<1000x128xf32>,
    return
  }
  func.func @transform_0(%arg0: i32) -> (i32, i32, i32) {
    %c0_i32 = arith.constant 0 : i32
    %c0_i32_0 = arith.constant 0 : i32
    %c0_i32_1 = arith.constant 0 : i32
    return %c0_i32, %arg0, %c0_i32_0 : i32, i32, i32
  }
  func.func @transform_1(%arg0: i32) -> (i32, i32, i32) {
    %c0_i32 = arith.constant 0 : i32
    %c0_i32_0 = arith.constant 0 : i32
    %c0_i32_1 = arith.constant 0 : i32
    return %c0_i32, %arg0, %c0_i32_0 : i32, i32, i32
  }
  func.func @transform_2(%arg0: i32) -> (i32, i32, i32) {
    %c0_i32 = arith.constant 0 : i32
    %c0_i32_0 = arith.constant 0 : i32
    %c0_i32_1 = arith.constant 0 : i32
    return %arg0, %c0_i32, %c0_i32_0 : i32, i32, i32
  }
  func.func @transform_3(%arg0: i32) -> (i32, i32, i32) {
    %c0_i32 = arith.constant 0 : i32
    %c0_i32_0 = arith.constant 0 : i32
    %c0_i32_1 = arith.constant 0 : i32
    return %arg0, %c0_i32, %c0_i32_0 : i32, i32, i32
  }
  func.func @transform_4(%arg0: i32) -> (i32, i32) {
    %c0_i32 = arith.constant 0 : i32
    %c0_i32_0 = arith.constant 0 : i32
    return %arg0, %c0_i32 : i32, i32
  }
  func.func @transform_5(%arg0: i32) -> (i32, i32) {
    %c0_i32 = arith.constant 0 : i32
    %c0_i32_0 = arith.constant 0 : i32
    return %arg0, %c0_i32 : i32, i32
  }
}

</mosaic_0001>

<sc_bundles>
// kernel: kernel.13.cloned.1.call-start
scs
__scs_entry_jumppad:
0x0: {  	(pc) =	sbr.rel $0x88, $3  }
0x1: {  	(tag) =	ssettag $0x0;
	lr =	simm.s32 $0x1  }
0x2: {  	[smem:$0x3F97] =	sst lr;
	_ =	strace $0xD0000000  }
0x3: {  	_ = 	snop  }
0x4: {  	_ = 	snop  }
0x5: {  	_ = 	snop  }
0x6: {  	_ = 	snop  }
0x7: {  	_ = 	snop  }
__scs_overlays_trampoline_lowered:
0x8: {  	[smem:$0x3FA6] =	sst s0  }
0x9: {  	[smem:$0x3FA7] =	sst s1  }
0xa: {  	[smem:$0x3FA8] =	sst s2  }
0xb: {  	[smem:$0x3FA9] =	sst s3  }
0xc: {  	[smem:$0x3FAA] =	sst s4  }
0xd: {  	[smem:$0x3FAB] =	sst s5  }
0xe: {  	[smem:$0x3FAC] =	sst s6  }
0xf: {  	[smem:$0x3FAD] =	sst s7  }
0x10: {  	[smem:$0x3FAE] =	sst s8  }
0x11: {  	[smem:$0x3FAF] =	sst s9;
	s0 =	simm.s32 @!p0 $0x0  }
0x12: {  	s1 =	sld [smem:$0x3F95];
	s0 =	simm.s32 @p0 $0x1  }
0x13: {  	[smem:$0x3FB0] =	sst s0;
	s0 =	simm.s32 @!p1 $0x0  }
0x14: {  	s2 =	sld [smem:$0x3F94];
	s0 =	simm.s32 @p1 $0x1  }
0x15: {  	[smem:$0x3FB1] =	sst s0;
	s0 =	simm.s32 @!p2 $0x0  }
0x16: {  	s3 =	sld [smem:$0x3FDB];
	s0 =	simm.s32 @p2 $0x1  }
0x17: {  	s4 =	simm.s32 $0x1BF5;
	[smem:$0x3FB3] =	sst s0  }
0x18: {  	s0 =	sld [smem:$0x3F96];
	_ =	swait.ge [sflag:s4], $0x0  }
0x19: {  	s7 =	sld [smem:$0x3F97]  }
0x1a: {  	s8 =	sadd.s32 $0xFFFFE003, lr  }
0x1b: {  	s9 =	sadd.s32 $0xFFFFFEF7, lr;
	s5 =	simm.s32 $0xFFFFFFFF;
	p2 =	slt.u32 s8, $0xFFFFF086  }
0x1c: {  	p1 =	slt.u32 s9, $0xF7A;
	s5 =	simm.s32 @!p2 $0x0  }
0x1d: {  	s5 =	simm.s32 @p1 $0x1;
	p0 =	seq.s32 s7, s2  }
0x1e: {  	s7 =	smul.u32 @!p0 $0xF7A, s2;
	p2 =	seq.s32 @!p0 s5, $0x0  }
0x1f: {  	s9 =	smul.u32 $0xF7A, s1;
	s8 =	simm.s32 @!p0 $0x1BF5;
	p2 =	por !p2, p0  }
0x20: {  	[sflag:s8] =	ssyncset.s32 @!p0 $0xFFFFF086;
	s6 =	sadd.s32 @!p0 s3, s7;
	s7 =	simm.s32 @!p0 $0x108  }
0x21: {  	s3 =	sadd.s32 s3, s9;
	s6 =	sadd.s32 @!p0 $0x88, s6;
	s7 =	simm.s32 @p2 $0x1082  }
0x22: {  	[simem:s7], [sflag:s8] =	dma.local @!p0 [hbm:s6], $0xF7A  }
0x23: {  	s9 =	sor.u32 $0xD0000000, s2;
	s6 =	simm.s32 $0x108;
	_ =	swait.ge @!p0 [sflag:s8], $0x0  }
0x24: {  	s3 =	sadd.s32 $0x88, s3;
	s6 =	simm.s32 @!p1 $0x1082;
	[sflag:s4] =	ssyncset.s32 $0xFFFFF086  }
0x25: {  	[simem:s6], [sflag:s4] =	dma.local [hbm:s3], $0xF7A  }
0x26: {  	[smem:$0x3F97] =	sst s1;
	(tag) =	ssettag s2;
	_ =	strace s9  }
0x27: {  	s1 =	sld [smem:$0x3FA7]  }
0x28: {  	s2 =	sld [smem:$0x3FA8]  }
0x29: {  	s4 =	sld [smem:$0x3FAA]  }
0x2a: {  	p0 =	seq.s32 s5, $0x0;
	s5 =	sld [smem:$0x3FAB]  }
0x2b: {  	s6 =	sld [smem:$0x3FAC]  }
0x2c: {  	s7 =	sld [smem:$0x3FAD]  }
0x2d: {  	s3 =	simm.s32 $0x108;
	s8 =	sld [smem:$0x3FAE]  }
0x2e: {  	s3 =	simm.s32 @!p0 $0x1082;
	s9 =	sld [smem:$0x3FAF]  }
0x2f: {  	lr =	sadd.s32 s0, s3;
	s0 =	sld [smem:$0x3FA6]  }
0x30: {  	s3 =	sld [smem:$0x3FA9]  }
0x31: {  	[smem:$0x3FB2] =	sst s10  }
0x32: {  	s10 =	sld [smem:$0x3FB0];
	_ =	sdelay $0x3  }
0x33: {  	p0 =	seq.s32 s10, $0x1;
	s10 =	sld [smem:$0x3FB2];
	_ =	sdelay $0x3  }
0x34: {  	[smem:$0x3FB2] =	sst s10  }
0x35: {  	s10 =	sld [smem:$0x3FB1];
	_ =	sdelay $0x3  }
0x36: {  	p1 =	seq.s32 s10, $0x1;
	s10 =	sld [smem:$0x3FB2];
	_ =	sdelay $0x3  }
0x37: {  	[smem:$0x3FB2] =	sst s10  }
0x38: {  	s10 =	sld [smem:$0x3FB3]  }
0x39: {  	_ = 	snop;
	(pc) =	sbr.ind lr, $3  }
0x3a: {  	_ = 	snop  }
0x3b: {  	_ = 	snop  }
0x3c: {  	p2 =	seq.s32 s10, $0x1;
	s10 =	sld [smem:$0x3FB2]  }
0x3d: {  	_ =	shalt  }
0x3e: {  	_ =	shalt  }
0x3f: {  	_ =	shalt  }
0x40: {  	_ =	shalt  }
0x41: {  	_ =	shalt  }
0x42: {  	_ =	shalt  }
0x43: {  	_ =	shalt  }
0x44: {  	_ =	shalt  }
0x45: {  	_ =	shalt  }
0x46: {  	_ =	shalt  }
0x47: {  	_ =	shalt  }
0x48: {  	_ =	shalt  }
0x49: {  	_ =	shalt  }
0x4a: {  	_ =	shalt  }
0x4b: {  	_ =	shalt  }
0x4c: {  	_ =	shalt  }
0x4d: {  	_ =	shalt  }
0x4e: {  	_ =	shalt  }
0x4f: {  	_ =	shalt  }
0x50: {  	_ =	shalt  }
0x51: {  	_ =	shalt  }
0x52: {  	_ =	shalt  }
0x53: {  	_ =	shalt  }
0x54: {  	_ =	shalt  }
0x55: {  	_ =	shalt  }
0x56: {  	_ =	shalt  }
0x57: {  	_ =	shalt  }
0x58: {  	_ =	shalt  }
0x59: {  	_ =	shalt  }
0x5a: {  	_ =	shalt  }
0x5b: {  	_ =	shalt  }
0x5c: {  	_ =	shalt  }
0x5d: {  	_ =	shalt  }
0x5e: {  	_ =	shalt  }
0x5f: {  	_ =	shalt  }
0x60: {  	_ =	shalt  }
0x61: {  	_ =	shalt  }
0x62: {  	_ =	shalt  }
0x63: {  	_ =	shalt  }
0x64: {  	_ =	shalt  }
0x65: {  	_ =	shalt  }
0x66: {  	_ =	shalt  }
0x67: {  	_ =	shalt  }
0x68: {  	_ =	shalt  }
0x69: {  	_ =	shalt  }
0x6a: {  	_ =	shalt  }
0x6b: {  	_ =	shalt  }
0x6c: {  	_ =	shalt  }
0x6d: {  	_ =	shalt  }
0x6e: {  	_ =	shalt  }
0x6f: {  	_ =	shalt  }
0x70: {  	_ =	shalt  }
0x71: {  	_ =	shalt  }
0x72: {  	_ =	shalt  }
0x73: {  	_ =	shalt  }
0x74: {  	_ =	shalt  }
0x75: {  	_ =	shalt  }
0x76: {  	_ =	shalt  }
0x77: {  	_ =	shalt  }
0x78: {  	_ =	shalt  }
0x79: {  	_ =	shalt  }
0x7a: {  	_ =	shalt  }
0x7b: {  	_ =	shalt  }
0x7c: {  	_ =	shalt  }
0x7d: {  	_ =	shalt  }
0x7e: {  	_ =	shalt  }
0x7f: {  	_ =	shalt  }
0x80: {  	_ =	shalt  }
0x81: {  	_ =	shalt  }
0x82: {  	_ =	shalt  }
0x83: {  	_ =	shalt  }
0x84: {  	_ =	shalt  }
0x85: {  	_ =	shalt  }
0x86: {  	_ =	shalt  }
0x87: {  	_ =	shalt  }
.Lfunc_end0:
.L_simem_size_0:
called_computation_lowered:
.L_overlay_start_0:
0x88: {  	s2 =	sld [smem:$0x3FD9]  }
0x89: {  	s3 =	sld [smem:$0x3FFE];
	_ =	sdelay $0x1  }
0x8a: {  	s1 =	srdreg.scid  }
0x8b: {  	s0 =	sand.u32 $0x1, s1  }
0x8c: {  	s16 =	sshll.u32 s0, $0xA;
	s2 =	sadd.s32 s3, s2  }
0x8d: {  	s2 =	sadd.s32 s2, s16  }
0x8e: {  	[smem:$0x3FBE] =	sst s2  }
0x8f: {  	_ = 	snop  }
0x90: {  	(tm) =	ssettm $0x1  }
0x91: {  	s17 =	sld [smem:$0x3FFB];
	_ =	sdelay $0x3  }
0x92: {  	_ =	strace s17  }
0x93: {  	s2 =	sld [smem:$0x3FFC];
	_ =	sdelay $0x3  }
0x94: {  	_ =	strace s2  }
0x95: {  	s2 =	sld [smem:$0x3FFD];
	_ =	sdelay $0x3  }
0x96: {  	_ =	strace s2  }
0x97: {  	_ =	strace $0x8FFFFFFF  }
0x98: {  	s18 =	sld [smem:$0x3FDB];
	_ =	sdelay $0x1  }
0x99: {  	s19 =	simm.s32 $_scs_section_size  }
0x9a: {  	s4 =	simm.s32 $_size__tile_overlayer_lowered;
	s5 =	simm.s32 $_tile_overlayer_lowered  }
0x9b: {  	s22 =	simm.s32 $0x1BFF;
	s21 =	sshll.u32 s5, $0x1;
	s2 =	sadd.s32 s19, s18  }
0x9c: {  	s6 =	simm.s32 $0x0;
	s20 =	sshll.u32 s4, $0x1;
	s4 =	sadd.s32 s21, s2  }
0x9d: {  	[timem:s6], [sflag:s22] =	dma.local [hbm:s4], s20  }
0x9e: {  	_ =	swait.ge [sflag:s22], s20  }
0x9f: {  	s3 =	ssub.s32 $0x0, s20;
	[sflag:s22] =	ssyncset.done $0x0  }
0xa0: {  	[sflag:s22] =	ssyncadd.s32 s3;
	_ =	sdelay $0x1  }
0xa1: {  	s23 =	simm.s32 $0x1B8B  }
0xa2: {  	_ =	swait.ge [sflag:s23], $0x1  }
0xa3: {  	[sflag:s23] =	ssyncset.done $0x0  }
0xa4: {  	s25 =	simm.s32 $0x1B8E;
	s24 =	sld [smem:$0x3FFE];
	[sflag:s23] =	ssyncadd.s32 $0xFFFFFFFF  }
0xa5: {  	s26 =	simm.s32 $execute0_lowered;
	[smem:$0x3FD2] =	sst s25  }
0xa6: {  	s4 =	sshll.u32 s26, $0x1;
	_ =	strace $0x80000046;
	[dreg:$0x1] =	wrdreg $0xFFFFFFFF  }
0xa7: {  	s28 =	simm.s32 $_size_execute0_lowered;
	s2 =	sadd.s32 s2, s4;
	[dreg:$0x0] =	wrdreg $0x0  }
0xa8: {  	s4 =	sshll.u32 s28, $0x1;
	[dreg:$0x2] =	wrdreg s2  }
0xa9: {  	[dreg:$0x3] =	wrdreg s4  }
0xaa: {  	[dreg:$0x4] =	wrdreg $0xC0  }
0xab: {  	_ =	task [dreg:s6], $0x5FFFF  }
0xac: {  	[dreg:$0x1] =	wrdreg $0xFFFFFFFF  }
0xad: {  	[dreg:$0x0] =	wrdreg $0x60  }
0xae: {  	[dreg:$0x2] =	wrdreg s24  }
0xaf: {  	[dreg:$0x3] =	wrdreg $0xA  }
0xb0: {  	_ =	task.clear_ibuf [dreg:s6], $0x4FFFF;
	_ =	strace $0x90000046  }
0xb1: {  	s29 =	simm.s32 $0xA;
	_ =	strace $0x80000048  }
0xb2: {  	_ =	swait.ge [sflag:s29], $0x1  }
0xb3: {  	[sflag:s29] =	ssyncadd.s32 $0xFFFFFFFF  }
0xb4: {  	_ =	strace $0x90000048  }
0xb5: {  	_ =	sfence  }
0xb6: {  	s30 =	sld [smem:$0x0];
	_ =	sdelay $0x2  }
0xb7: {  	s31 =	sshll.u32 s1, $0xD;
	s1 =	sshrl.u32 s1, $0x2  }
0xb8: {  	s3 =	sand.u32 $0x4000, s31;
	s1 =	sadd.s32 s1, s30  }
0xb9: {  	s0 =	sor.u32 s3, s0;
	s1 =	sshll.u32 s1, $0x11  }
0xba: {  	s0 =	sor.u32 s1, s0  }
0xbb: {  	s0 =	sadd.s32 $0x8F2B, s0  }
0xbc: {  	[sflag:s0] =	ssyncadd.remote.s32 $0x1  }
0xbd: {  	_ =	sfence.sel $0xFFFF  }
0xbe: {  	[dreg:$0x0] =	wrdreg $0xFFFFFFFF;
	(pc) =	sbr.abs _section_cstart, $3  }
0xbf: {  	[dreg:$0x1] =	wrdreg $0xFFFFFFFF  }
0xc0: {  	_ =	task.clear_ibuf [dreg:s6], $0x2FFFF;
	_ =	strace $0x9FFFFFFF  }
0xc1: {  	(tm) =	ssettm $0x7FFFFFFF  }
tec
execute0_lowered:
.L_overlay_start_1:
0x0: {  	(tag) =	ssettag $0x1  }
0x1: {  	v0 =	vlaneseq.u32  }
0x2: {  	v0 =	vmul.u32 $0x10, v0;
	_ =	sdelay $0x1  }
0x3: {  	v1 =	vor.u32 $0x3C00, v0  }
0x4: {  	v2 =	vor.u32 $0x3C01, v0;
	v3 =	vor.u32 $0x3C02, v0;
	v4 =	vor.u32 $0x3C03, v0  }
0x5: {  	s7 =	rddreg [dreg:$0x0];
	v5 =	vor.u32 $0x3C04, v0;
	v6 =	vor.u32 $0x3C05, v0;
	v7 =	vor.u32 $0x3C06, v0  }
0x6: {  	s0 =	rddreg [dreg:$0x1];
	s1 =	simm.s32 $0x0;
	s2 =	srdreg.scid;
	v8 =	vor.u32 $0x3C07, v0;
	v9 =	vor.u32 $0x3C08, v0;
	v10 =	vor.u32 $0x3C09, v0  }
0x7: {  	s5 =	stileid.u32;
	s10 =	simm.s32 $0x800;
	s11 =	simm.s32 $0x1;
	v11 =	vor.u32 $0x3C0A, v0;
	v12 =	vor.u32 $0x3C0B, v0;
	v13 =	vor.u32 $0x3C0C, v0  }
0x8: {  	s12 =	simm.s32 $0x400;
	s13 =	simm.s32 $0xA480;
	s2 =	sand.u32 $0x1, s2;
	v14 =	vor.u32 $0x3C0D, v0;
	v15 =	vor.u32 $0x3C0E, v0;
	v16 =	vor.u32 $0x3C0F, v0  }
0x9: {  	s14 =	simm.s32 $0x0;
	[smem:$0x7FF] =	sst s1;
	s8 =	ssub.s32 $0x2, s2;
	v17 =	vor.u32 $0x3D00, v0;
	v18 =	vor.u32 $0x3D01, v0;
	v19 =	vor.u32 $0x3D02, v0  }
0xa: {  	s3 =	sadd.s32 $0x6800, s7;
	s4 =	sadd.s32 $0x10600, s7;
	s9 =	sshrl.u32 s8, $0x1;
	v20 =	vor.u32 $0x3D03, v0;
	v21 =	vor.u32 $0x3D04, v0;
	v22 =	vor.u32 $0x3D05, v0  }
0xb: {  	s6 =	sadd.s32 $0x1A400, s7;
	s7 =	sadd.s32 $0x1B800, s7;
	v23 =	vor.u32 $0x3D06, v0;
	v24 =	vor.u32 $0x3D07, v0;
	v25 =	vor.u32 $0x3D08, v0;
	s9 =	ssub.s32 s8, s9  }
0xc: {  	_ =	strace $0x80000047;
	v26 =	vor.u32 $0x3D09, v0;
	v27 =	vor.u32 $0x3D0A, v0;
	v28 =	vor.u32 $0x3D0B, v0;
	s8 =	sshll.u32 s5, $0x1;
	s9 =	smax.u32 s9, $0x1  }
.LBB2_1:
0xd: {  	[tilespmem:s10], [sflag:$0x1] =	stream.linear.gather [hbm4b:s6+s1], $0x9C80, $0x38;
	[tilespmem:$0xE300] =	vst v63  }
0xe: {  	_ =	swait.ge [sflag:s11], $0x9C80  }
0xf: {  	[sflag:s11] =	ssyncset.done $0x0  }
0x10: {  	s15 =	simm.s32 $0x0;
	[sflag:s11] =	ssyncadd.s32 $0xFFFF6380  }
.LBB2_2:
0x11: {  	s16 =	sshll.u32 s15, $0x5  }
0x12: {  	s16 =	sor.u32 s16, s8  }
0x13: {  	s16 =	sor.u32 s2, s16  }
0x14: {  	s18 =	smul.u32 $0x7D, s16;
	_ =	sdelay $0x1  }
0x15: {  	s17 =	simm.s32 $0x0;
	s19 =	sadd.s32 s3, s18  }
0x16: {  	[tilespmem:s17], [sflag:$0x1] =	stream.linear.gather [hbm4b:s19+s17], $0x3E8, $0x38;
	[tilespmem:$0xE300] =	vst v63  }
0x17: {  	_ =	swait.ge [sflag:s11], $0x3E8  }
0x18: {  	[sflag:s11] =	ssyncset.done $0x0  }
0x19: {  	s18 =	sadd.s32 s4, s18;
	[sflag:s11] =	ssyncadd.s32 $0xFFFFFC18  }
0x1a: {  	[tilespmem:s12], [sflag:$0x1] =	stream.linear.gather [hbm4b:s18+s17], $0x3E8, $0x38;
	[tilespmem:$0xE300] =	vst v63  }
0x1b: {  	_ =	swait.ge [sflag:s11], $0x3E8  }
0x1c: {  	s20 =	simm.s32 $0x20;
	[sflag:s11] =	ssyncset.done $0x0  }
0x1d: {  	s19 =	simm.s32 $0x420;
	s18 =	simm.s32 $0xFFFFFFFB;
	[sflag:s11] =	ssyncadd.s32 $0xFFFFFC18  }
.LBB2_3:
0x1e: {  	v29 =	vld [tilespmem:s20+$0xFFFFFFE0]  }
0x1f: {  	v30 =	vld [tilespmem:s19+$0xFFFFFFE0];
	_ =	sdelay $0x3  }
0x20: {  	v29 =	vshll.u32 v29, $0x2  }
0x21: {  	v30 =	vshll.u32 v30, $0x2  }
0x22: {  	v31 =	vor.u32 $0x1, v29  }
0x23: {  	v32 =	vor.u32 $0x1, v30  }
0x24: {  	v33 =	vor.u32 $0x2, v29  }
0x25: {  	v34 =	vor.u32 $0x2, v30;
	v29 =	vld.idx.msk [tilespmem:v29+s10+$0x0], $0xffff  }
0x26: {  	v30 =	vld.idx.msk [tilespmem:v30+s10+$0x0], $0xffff  }
0x27: {  	v31 =	vld.idx.msk [tilespmem:v31+s10+$0x0], $0xffff  }
0x28: {  	v32 =	vld.idx.msk [tilespmem:v32+s10+$0x0], $0xffff  }
0x29: {  	v33 =	vld.idx.msk [tilespmem:v33+s10+$0x0], $0xffff  }
0x2a: {  	v34 =	vld.idx.msk [tilespmem:v34+s10+$0x0], $0xffff;
	_ =	sdelay $0x3  }
0x2b: {  	v29 =	vsub.f32 v29, v30;
	v30 =	vsub.f32 v31, v32  }
0x2c: {  	v36 =	vmov s17;
	v31 =	vsub.f32 v33, v34  }
0x2d: {  	v32 =	vshll.u32 v36, $0x4;
	v29 =	vmul.f32 v29, v29;
	v30 =	vmul.f32 v30, v30  }
0x2e: {  	v32 =	vor.u32 v0, v32  }
0x2f: {  	v29 =	vadd.f32 v30, v29;
	v30 =	vmul.f32 v31, v31;
	v31 =	vor.u32 $0x1, v32  }
0x30: {  	v37 =	vor.u32 $0x2, v32  }
0x31: {  	v29 =	vadd.f32 v30, v29;
	v30 =	vor.u32 $0x3, v32  }
0x32: {  	v38 =	vor.u32 $0x4, v32  }
0x33: {  	v35 =	vor.u32 $0x5, v32;
	[tilespmem:v32+s13+$0x0] =	vst.idx.msk $0xffff, v29  }
0x34: {  	[tilespmem:v31+s13+$0x0] =	vst.idx.msk $0xffff, v29;
	v31 =	vor.u32 $0x6, v32  }
0x35: {  	v39 =	vor.u32 $0x7, v32;
	[tilespmem:v37+s13+$0x0] =	vst.idx.msk $0xffff, v29  }
0x36: {  	[tilespmem:v30+s13+$0x0] =	vst.idx.msk $0xffff, v29;
	v30 =	vor.u32 $0x8, v32  }
0x37: {  	v40 =	vor.u32 $0x9, v32;
	[tilespmem:v38+s13+$0x0] =	vst.idx.msk $0xffff, v29  }
0x38: {  	v41 =	vor.u32 $0xA, v32;
	[tilespmem:v35+s13+$0x0] =	vst.idx.msk $0xffff, v29  }
0x39: {  	[tilespmem:v31+s13+$0x0] =	vst.idx.msk $0xffff, v29;
	v31 =	vor.u32 $0xB, v32  }
0x3a: {  	v42 =	vor.u32 $0xC, v32;
	[tilespmem:v39+s13+$0x0] =	vst.idx.msk $0xffff, v29  }
0x3b: {  	[tilespmem:v30+s13+$0x0] =	vst.idx.msk $0xffff, v29;
	v30 =	vor.u32 $0xD, v32  }
0x3c: {  	v43 =	vor.u32 $0xE, v32;
	[tilespmem:v40+s13+$0x0] =	vst.idx.msk $0xffff, v29  }
0x3d: {  	v32 =	vor.u32 $0xF, v32;
	[tilespmem:v41+s13+$0x0] =	vst.idx.msk $0xffff, v29  }
0x3e: {  	[tilespmem:v31+s13+$0x0] =	vst.idx.msk $0xffff, v29  }
0x3f: {  	[tilespmem:v42+s13+$0x0] =	vst.idx.msk $0xffff, v29  }
0x40: {  	[tilespmem:v30+s13+$0x0] =	vst.idx.msk $0xffff, v29  }
0x41: {  	[tilespmem:v43+s13+$0x0] =	vst.idx.msk $0xffff, v29  }
0x42: {  	[tilespmem:v32+s13+$0x0] =	vst.idx.msk $0xffff, v29  }
0x43: {  	v29 =	vld [tilespmem:s20+$0xFFFFFFF0]  }
0x44: {  	v30 =	vld [tilespmem:s19+$0xFFFFFFF0];
	_ =	sdelay $0x3  }
0x45: {  	v29 =	vshll.u32 v29, $0x2  }
0x46: {  	v30 =	vshll.u32 v30, $0x2  }
0x47: {  	v31 =	vor.u32 $0x1, v29  }
0x48: {  	v44 =	vor.u32 $0x1, v30  }
0x49: {  	v45 =	vor.u32 $0x2, v29  }
0x4a: {  	v46 =	vor.u32 $0x2, v30;
	v29 =	vld.idx.msk [tilespmem:v29+s10+$0x0], $0xffff  }
0x4b: {  	v30 =	vld.idx.msk [tilespmem:v30+s10+$0x0], $0xffff  }
0x4c: {  	v31 =	vld.idx.msk [tilespmem:v31+s10+$0x0], $0xffff  }
0x4d: {  	v32 =	vld.idx.msk [tilespmem:v44+s10+$0x0], $0xffff  }
0x4e: {  	v33 =	vld.idx.msk [tilespmem:v45+s10+$0x0], $0xffff  }
0x4f: {  	v34 =	vld.idx.msk [tilespmem:v46+s10+$0x0], $0xffff;
	_ =	sdelay $0x3  }
0x50: {  	s21 =	sadd.s32 $0x10, s17;
	v29 =	vsub.f32 v29, v30;
	v30 =	vsub.f32 v31, v32  }
0x51: {  	v47 =	vmov s21;
	v31 =	vsub.f32 v33, v34  }
0x52: {  	v32 =	vshll.u32 v47, $0x4;
	v29 =	vmul.f32 v29, v29;
	v30 =	vmul.f32 v30, v30  }
0x53: {  	v32 =	vor.u32 v0, v32  }
0x54: {  	v29 =	vadd.f32 v30, v29;
	v30 =	vmul.f32 v31, v31;
	v31 =	vor.u32 $0x1, v32  }
0x55: {  	v48 =	vor.u32 $0x2, v32  }
0x56: {  	v29 =	vadd.f32 v30, v29;
	v30 =	vor.u32 $0x3, v32  }
0x57: {  	v49 =	vor.u32 $0x4, v32  }
0x58: {  	v50 =	vor.u32 $0x5, v32;
	[tilespmem:v32+s13+$0x0] =	vst.idx.msk $0xffff, v29  }
0x59: {  	[tilespmem:v31+s13+$0x0] =	vst.idx.msk $0xffff, v29;
	v31 =	vor.u32 $0x6, v32  }
0x5a: {  	v51 =	vor.u32 $0x7, v32;
	[tilespmem:v48+s13+$0x0] =	vst.idx.msk $0xffff, v29  }
0x5b: {  	[tilespmem:v30+s13+$0x0] =	vst.idx.msk $0xffff, v29;
	v30 =	vor.u32 $0x8, v32  }
0x5c: {  	v52 =	vor.u32 $0x9, v32;
	[tilespmem:v49+s13+$0x0] =	vst.idx.msk $0xffff, v29  }
0x5d: {  	v53 =	vor.u32 $0xA, v32;
	[tilespmem:v50+s13+$0x0] =	vst.idx.msk $0xffff, v29  }
0x5e: {  	[tilespmem:v31+s13+$0x0] =	vst.idx.msk $0xffff, v29;
	v31 =	vor.u32 $0xB, v32  }
0x5f: {  	v54 =	vor.u32 $0xC, v32;
	[tilespmem:v51+s13+$0x0] =	vst.idx.msk $0xffff, v29  }
0x60: {  	[tilespmem:v30+s13+$0x0] =	vst.idx.msk $0xffff, v29;
	v30 =	vor.u32 $0xD, v32  }
0x61: {  	v55 =	vor.u32 $0xE, v32;
	[tilespmem:v52+s13+$0x0] =	vst.idx.msk $0xffff, v29  }
0x62: {  	v32 =	vor.u32 $0xF, v32;
	[tilespmem:v53+s13+$0x0] =	vst.idx.msk $0xffff, v29  }
0x63: {  	[tilespmem:v31+s13+$0x0] =	vst.idx.msk $0xffff, v29  }
0x64: {  	[tilespmem:v54+s13+$0x0] =	vst.idx.msk $0xffff, v29  }
0x65: {  	[tilespmem:v30+s13+$0x0] =	vst.idx.msk $0xffff, v29  }
0x66: {  	[tilespmem:v55+s13+$0x0] =	vst.idx.msk $0xffff, v29  }
0x67: {  	[tilespmem:v32+s13+$0x0] =	vst.idx.msk $0xffff, v29  }
0x68: {  	v29 =	vld [tilespmem:s20+$0x0]  }
0x69: {  	v30 =	vld [tilespmem:s19+$0x0];
	_ =	sdelay $0x3  }
0x6a: {  	v29 =	vshll.u32 v29, $0x2  }
0x6b: {  	v30 =	vshll.u32 v30, $0x2  }
0x6c: {  	v31 =	vor.u32 $0x1, v29  }
0x6d: {  	v56 =	vor.u32 $0x1, v30  }
0x6e: {  	v57 =	vor.u32 $0x2, v29  }
0x6f: {  	v58 =	vor.u32 $0x2, v30;
	v29 =	vld.idx.msk [tilespmem:v29+s10+$0x0], $0xffff  }
0x70: {  	v30 =	vld.idx.msk [tilespmem:v30+s10+$0x0], $0xffff  }
0x71: {  	v31 =	vld.idx.msk [tilespmem:v31+s10+$0x0], $0xffff  }
0x72: {  	v32 =	vld.idx.msk [tilespmem:v56+s10+$0x0], $0xffff  }
0x73: {  	v33 =	vld.idx.msk [tilespmem:v57+s10+$0x0], $0xffff  }
0x74: {  	v34 =	vld.idx.msk [tilespmem:v58+s10+$0x0], $0xffff;
	_ =	sdelay $0x3  }
0x75: {  	s29 =	sadd.s32 $0x20, s17;
	v29 =	vsub.f32 v29, v30;
	v30 =	vsub.f32 v31, v32  }
0x76: {  	v59 =	vmov s29;
	v31 =	vsub.f32 v33, v34  }
0x77: {  	v32 =	vshll.u32 v59, $0x4;
	v29 =	vmul.f32 v29, v29;
	v30 =	vmul.f32 v30, v30  }
0x78: {  	v32 =	vor.u32 v0, v32  }
0x79: {  	v29 =	vadd.f32 v30, v29;
	v30 =	vmul.f32 v31, v31;
	v31 =	vor.u32 $0x1, v32  }
0x7a: {  	v60 =	vor.u32 $0x2, v32  }
0x7b: {  	v29 =	vadd.f32 v30, v29;
	v30 =	vor.u32 $0x3, v32  }
0x7c: {  	v61 =	vor.u32 $0x4, v32  }
0x7d: {  	v62 =	vor.u32 $0x5, v32;
	[tilespmem:v32+s13+$0x0] =	vst.idx.msk $0xffff, v29  }
0x7e: {  	[tilespmem:v31+s13+$0x0] =	vst.idx.msk $0xffff, v29;
	v31 =	vor.u32 $0x6, v32  }
0x7f: {  	v63 =	vor.u32 $0x7, v32;
	[tilespmem:v60+s13+$0x0] =	vst.idx.msk $0xffff, v29  }
0x80: {  	[tilespmem:v30+s13+$0x0] =	vst.idx.msk $0xffff, v29;
	v30 =	vor.u32 $0x8, v32  }
0x81: {  	v36 =	vor.u32 $0x9, v32;
	[tilespmem:v61+s13+$0x0] =	vst.idx.msk $0xffff, v29  }
0x82: {  	v37 =	vor.u32 $0xA, v32;
	[tilespmem:v62+s13+$0x0] =	vst.idx.msk $0xffff, v29  }
0x83: {  	[tilespmem:v31+s13+$0x0] =	vst.idx.msk $0xffff, v29;
	v31 =	vor.u32 $0xB, v32  }
0x84: {  	v38 =	vor.u32 $0xC, v32;
	[tilespmem:v63+s13+$0x0] =	vst.idx.msk $0xffff, v29  }
0x85: {  	[tilespmem:v30+s13+$0x0] =	vst.idx.msk $0xffff, v29;
	v30 =	vor.u32 $0xD, v32  }
0x86: {  	v39 =	vor.u32 $0xE, v32;
	[tilespmem:v36+s13+$0x0] =	vst.idx.msk $0xffff, v29  }
0x87: {  	v32 =	vor.u32 $0xF, v32;
	[tilespmem:v37+s13+$0x0] =	vst.idx.msk $0xffff, v29  }
0x88: {  	[tilespmem:v31+s13+$0x0] =	vst.idx.msk $0xffff, v29  }
0x89: {  	[tilespmem:v38+s13+$0x0] =	vst.idx.msk $0xffff, v29  }
0x8a: {  	[tilespmem:v30+s13+$0x0] =	vst.idx.msk $0xffff, v29  }
0x8b: {  	[tilespmem:v39+s13+$0x0] =	vst.idx.msk $0xffff, v29  }
0x8c: {  	[tilespmem:v32+s13+$0x0] =	vst.idx.msk $0xffff, v29  }
0x8d: {  	v29 =	vld [tilespmem:s20+$0x10]  }
0x8e: {  	v30 =	vld [tilespmem:s19+$0x10];
	_ =	sdelay $0x3  }
0x8f: {  	v29 =	vshll.u32 v29, $0x2  }
0x90: {  	v30 =	vshll.u32 v30, $0x2  }
0x91: {  	v31 =	vor.u32 $0x1, v29  }
0x92: {  	v40 =	vor.u32 $0x1, v30  }
0x93: {  	v41 =	vor.u32 $0x2, v29  }
0x94: {  	v42 =	vor.u32 $0x2, v30;
	v29 =	vld.idx.msk [tilespmem:v29+s10+$0x0], $0xffff  }
0x95: {  	v30 =	vld.idx.msk [tilespmem:v30+s10+$0x0], $0xffff  }
0x96: {  	v31 =	vld.idx.msk [tilespmem:v31+s10+$0x0], $0xffff  }
0x97: {  	v32 =	vld.idx.msk [tilespmem:v40+s10+$0x0], $0xffff  }
0x98: {  	v33 =	vld.idx.msk [tilespmem:v41+s10+$0x0], $0xffff  }
0x99: {  	v34 =	vld.idx.msk [tilespmem:v42+s10+$0x0], $0xffff;
	_ =	sdelay $0x3  }
0x9a: {  	s30 =	sadd.s32 $0x30, s17;
	v29 =	vsub.f32 v29, v30;
	v30 =	vsub.f32 v31, v32  }
0x9b: {  	v43 =	vmov s30;
	v31 =	vsub.f32 v33, v34  }
0x9c: {  	v32 =	vshll.u32 v43, $0x4;
	v29 =	vmul.f32 v29, v29;
	v30 =	vmul.f32 v30, v30  }
0x9d: {  	v32 =	vor.u32 v0, v32  }
0x9e: {  	v29 =	vadd.f32 v30, v29;
	v30 =	vmul.f32 v31, v31;
	v31 =	vor.u32 $0x1, v32  }
0x9f: {  	v44 =	vor.u32 $0x2, v32  }
0xa0: {  	v29 =	vadd.f32 v30, v29;
	v30 =	vor.u32 $0x3, v32  }
0xa1: {  	v45 =	vor.u32 $0x4, v32  }
0xa2: {  	v46 =	vor.u32 $0x5, v32;
	[tilespmem:v32+s13+$0x0] =	vst.idx.msk $0xffff, v29  }
0xa3: {  	[tilespmem:v31+s13+$0x0] =	vst.idx.msk $0xffff, v29;
	v31 =	vor.u32 $0x6, v32  }
0xa4: {  	v47 =	vor.u32 $0x7, v32;
	[tilespmem:v44+s13+$0x0] =	vst.idx.msk $0xffff, v29  }
0xa5: {  	[tilespmem:v30+s13+$0x0] =	vst.idx.msk $0xffff, v29;
	v30 =	vor.u32 $0x8, v32  }
0xa6: {  	v48 =	vor.u32 $0x9, v32;
	[tilespmem:v45+s13+$0x0] =	vst.idx.msk $0xffff, v29  }
0xa7: {  	v49 =	vor.u32 $0xA, v32;
	[tilespmem:v46+s13+$0x0] =	vst.idx.msk $0xffff, v29  }
0xa8: {  	[tilespmem:v31+s13+$0x0] =	vst.idx.msk $0xffff, v29;
	v31 =	vor.u32 $0xB, v32  }
0xa9: {  	v50 =	vor.u32 $0xC, v32;
	[tilespmem:v47+s13+$0x0] =	vst.idx.msk $0xffff, v29  }
0xaa: {  	[tilespmem:v30+s13+$0x0] =	vst.idx.msk $0xffff, v29;
	v30 =	vor.u32 $0xD, v32  }
0xab: {  	v51 =	vor.u32 $0xE, v32;
	[tilespmem:v48+s13+$0x0] =	vst.idx.msk $0xffff, v29  }
0xac: {  	v32 =	vor.u32 $0xF, v32;
	[tilespmem:v49+s13+$0x0] =	vst.idx.msk $0xffff, v29  }
0xad: {  	[tilespmem:v31+s13+$0x0] =	vst.idx.msk $0xffff, v29  }
0xae: {  	[tilespmem:v50+s13+$0x0] =	vst.idx.msk $0xffff, v29  }
0xaf: {  	[tilespmem:v30+s13+$0x0] =	vst.idx.msk $0xffff, v29  }
0xb0: {  	[tilespmem:v51+s13+$0x0] =	vst.idx.msk $0xffff, v29  }
0xb1: {  	[tilespmem:v32+s13+$0x0] =	vst.idx.msk $0xffff, v29  }
0xb2: {  	v29 =	vld [tilespmem:s20+$0x20]  }
0xb3: {  	v30 =	vld [tilespmem:s19+$0x20];
	_ =	sdelay $0x3  }
0xb4: {  	v29 =	vshll.u32 v29, $0x2  }
0xb5: {  	v30 =	vshll.u32 v30, $0x2  }
0xb6: {  	v31 =	vor.u32 $0x1, v29  }
0xb7: {  	v52 =	vor.u32 $0x1, v30  }
0xb8: {  	v53 =	vor.u32 $0x2, v29  }
0xb9: {  	v54 =	vor.u32 $0x2, v30;
	v29 =	vld.idx.msk [tilespmem:v29+s10+$0x0], $0xffff  }
0xba: {  	v30 =	vld.idx.msk [tilespmem:v30+s10+$0x0], $0xffff  }
0xbb: {  	v31 =	vld.idx.msk [tilespmem:v31+s10+$0x0], $0xffff  }
0xbc: {  	v32 =	vld.idx.msk [tilespmem:v52+s10+$0x0], $0xffff  }
0xbd: {  	v33 =	vld.idx.msk [tilespmem:v53+s10+$0x0], $0xffff  }
0xbe: {  	v34 =	vld.idx.msk [tilespmem:v54+s10+$0x0], $0xffff;
	_ =	sdelay $0x3  }
0xbf: {  	s31 =	sadd.s32 $0x40, s17;
	v29 =	vsub.f32 v29, v30;
	v30 =	vsub.f32 v31, v32  }
0xc0: {  	v55 =	vmov s31;
	v31 =	vsub.f32 v33, v34  }
0xc1: {  	v32 =	vshll.u32 v55, $0x4;
	v29 =	vmul.f32 v29, v29;
	v30 =	vmul.f32 v30, v30  }
0xc2: {  	v32 =	vor.u32 v0, v32  }
0xc3: {  	v29 =	vadd.f32 v30, v29;
	v30 =	vmul.f32 v31, v31;
	v31 =	vor.u32 $0x1, v32  }
0xc4: {  	v56 =	vor.u32 $0x2, v32  }
0xc5: {  	v29 =	vadd.f32 v30, v29;
	v30 =	vor.u32 $0x3, v32  }
0xc6: {  	v57 =	vor.u32 $0x4, v32  }
0xc7: {  	v58 =	vor.u32 $0x5, v32;
	[tilespmem:v32+s13+$0x0] =	vst.idx.msk $0xffff, v29  }
0xc8: {  	[tilespmem:v31+s13+$0x0] =	vst.idx.msk $0xffff, v29;
	v31 =	vor.u32 $0x6, v32  }
0xc9: {  	v59 =	vor.u32 $0x7, v32;
	[tilespmem:v56+s13+$0x0] =	vst.idx.msk $0xffff, v29  }
0xca: {  	[tilespmem:v30+s13+$0x0] =	vst.idx.msk $0xffff, v29;
	v30 =	vor.u32 $0x8, v32  }
0xcb: {  	v60 =	vor.u32 $0x9, v32;
	[tilespmem:v57+s13+$0x0] =	vst.idx.msk $0xffff, v29  }
0xcc: {  	v61 =	vor.u32 $0xA, v32;
	[tilespmem:v58+s13+$0x0] =	vst.idx.msk $0xffff, v29  }
0xcd: {  	[tilespmem:v31+s13+$0x0] =	vst.idx.msk $0xffff, v29;
	v31 =	vor.u32 $0xB, v32  }
0xce: {  	v62 =	vor.u32 $0xC, v32;
	[tilespmem:v59+s13+$0x0] =	vst.idx.msk $0xffff, v29  }
0xcf: {  	[tilespmem:v30+s13+$0x0] =	vst.idx.msk $0xffff, v29;
	v30 =	vor.u32 $0xD, v32  }
0xd0: {  	s18 =	sadd.s32 $0x5, s18;
	v63 =	vor.u32 $0xE, v32;
	[tilespmem:v60+s13+$0x0] =	vst.idx.msk $0xffff, v29  }
0xd1: {  	p0 =	slt.u32 s18, $0x37;
	v32 =	vor.u32 $0xF, v32;
	[tilespmem:v61+s13+$0x0] =	vst.idx.msk $0xffff, v29  }
.Ltmp0:
0xd2: {  	[tilespmem:v31+s13+$0x0] =	vst.idx.msk $0xffff, v29;
	(pc) =	sbr.rel @p0 .LBB2_3-.Ltmp0, $4  }
0xd3: {  	[tilespmem:v62+s13+$0x0] =	vst.idx.msk $0xffff, v29  }
0xd4: {  	[tilespmem:v30+s13+$0x0] =	vst.idx.msk $0xffff, v29  }
0xd5: {  	[tilespmem:v63+s13+$0x0] =	vst.idx.msk $0xffff, v29  }
0xd6: {  	s17 =	sadd.s32 $0x50, s17;
	s19 =	sadd.s32 $0x50, s19;
	s20 =	sadd.s32 $0x50, s20;
	[tilespmem:v32+s13+$0x0] =	vst.idx.msk $0xffff, v29  }
0xd7: {  	v29 =	vld [tilespmem:$0x3C0]  }
0xd8: {  	v30 =	vld [tilespmem:$0x7C0];
	_ =	sdelay $0x3  }
0xd9: {  	v29 =	vshll.u32 v29, $0x2  }
0xda: {  	v30 =	vshll.u32 v30, $0x2  }
0xdb: {  	v31 =	vor.u32 $0x1, v29  }
0xdc: {  	v32 =	vor.u32 $0x1, v30  }
0xdd: {  	v33 =	vor.u32 $0x2, v29  }
0xde: {  	v34 =	vor.u32 $0x2, v30;
	v29 =	vld.idx.msk [tilespmem:v29+s10+$0x0], $0xffff  }
0xdf: {  	v30 =	vld.idx.msk [tilespmem:v30+s10+$0x0], $0xffff  }
0xe0: {  	v31 =	vld.idx.msk [tilespmem:v31+s10+$0x0], $0xffff  }
0xe1: {  	v32 =	vld.idx.msk [tilespmem:v32+s10+$0x0], $0xffff  }
0xe2: {  	v33 =	vld.idx.msk [tilespmem:v33+s10+$0x0], $0xffff  }
0xe3: {  	v34 =	vld.idx.msk [tilespmem:v34+s10+$0x0], $0xffff;
	_ =	sdelay $0x2  }
0xe4: {  	v29 =	vsub.f32 v29, v30;
	v30 =	vsub.f32 v31, v32;
	_ =	sdelay $0x1  }
0xe5: {  	v31 =	vsub.f32 v33, v34;
	v29 =	vmul.f32 v29, v29;
	v30 =	vmul.f32 v30, v30;
	_ =	sdelay $0x1  }
0xe6: {  	v29 =	vadd.f32 v30, v29;
	v30 =	vmul.f32 v31, v31;
	_ =	sdelay $0x1  }
0xe7: {  	v29 =	vadd.f32 v30, v29;
	_ =	sdelay $0x1  }
0xe8: {  	[tilespmem:v1+s13+$0x0] =	vst.idx.msk $0xffff, v29  }
0xe9: {  	[tilespmem:v2+s13+$0x0] =	vst.idx.msk $0xffff, v29  }
0xea: {  	[tilespmem:v3+s13+$0x0] =	vst.idx.msk $0xffff, v29  }
0xeb: {  	[tilespmem:v4+s13+$0x0] =	vst.idx.msk $0xffff, v29  }
0xec: {  	[tilespmem:v5+s13+$0x0] =	vst.idx.msk $0xffff, v29  }
0xed: {  	[tilespmem:v6+s13+$0x0] =	vst.idx.msk $0xffff, v29  }
0xee: {  	[tilespmem:v7+s13+$0x0] =	vst.idx.msk $0xffff, v29  }
0xef: {  	[tilespmem:v8+s13+$0x0] =	vst.idx.msk $0xffff, v29  }
0xf0: {  	[tilespmem:v9+s13+$0x0] =	vst.idx.msk $0xffff, v29  }
0xf1: {  	[tilespmem:v10+s13+$0x0] =	vst.idx.msk $0xffff, v29  }
0xf2: {  	[tilespmem:v11+s13+$0x0] =	vst.idx.msk $0xffff, v29  }
0xf3: {  	[tilespmem:v12+s13+$0x0] =	vst.idx.msk $0xffff, v29  }
0xf4: {  	[tilespmem:v13+s13+$0x0] =	vst.idx.msk $0xffff, v29  }
0xf5: {  	[tilespmem:v14+s13+$0x0] =	vst.idx.msk $0xffff, v29  }
0xf6: {  	[tilespmem:v15+s13+$0x0] =	vst.idx.msk $0xffff, v29  }
0xf7: {  	[tilespmem:v16+s13+$0x0] =	vst.idx.msk $0xffff, v29  }
0xf8: {  	v29 =	vld [tilespmem:$0x3D0]  }
0xf9: {  	v30 =	vld [tilespmem:$0x7D0];
	_ =	sdelay $0x3  }
0xfa: {  	v29 =	vshll.u32 v29, $0x2  }
0xfb: {  	v30 =	vshll.u32 v30, $0x2  }
0xfc: {  	v31 =	vor.u32 $0x1, v29  }
0xfd: {  	v59 =	vor.u32 $0x1, v30  }
0xfe: {  	v60 =	vor.u32 $0x2, v29  }
0xff: {  	v61 =	vor.u32 $0x2, v30;
	v29 =	vld.idx.msk [tilespmem:v29+s10+$0x0], $0xffff  }
0x100: {  	v30 =	vld.idx.msk [tilespmem:v30+s10+$0x0], $0xffff  }
0x101: {  	v31 =	vld.idx.msk [tilespmem:v31+s10+$0x0], $0xffff  }
0x102: {  	v32 =	vld.idx.msk [tilespmem:v59+s10+$0x0], $0xffff  }
0x103: {  	v33 =	vld.idx.msk [tilespmem:v60+s10+$0x0], $0xffff  }
0x104: {  	v34 =	vld.idx.msk [tilespmem:v61+s10+$0x0], $0xffff;
	_ =	sdelay $0x2  }
0x105: {  	v29 =	vsub.f32 v29, v30;
	v30 =	vsub.f32 v31, v32;
	_ =	sdelay $0x1  }
0x106: {  	v31 =	vsub.f32 v33, v34;
	v29 =	vmul.f32 v29, v29;
	v30 =	vmul.f32 v30, v30;
	_ =	sdelay $0x1  }
0x107: {  	v29 =	vadd.f32 v30, v29;
	v30 =	vmul.f32 v31, v31;
	_ =	sdelay $0x1  }
0x108: {  	v29 =	vadd.f32 v30, v29;
	_ =	sdelay $0x1  }
0x109: {  	[tilespmem:v17+s13+$0x0] =	vst.idx.msk $0xffff, v29  }
0x10a: {  	[tilespmem:v18+s13+$0x0] =	vst.idx.msk $0xffff, v29  }
0x10b: {  	[tilespmem:v19+s13+$0x0] =	vst.idx.msk $0xffff, v29  }
0x10c: {  	[tilespmem:v20+s13+$0x0] =	vst.idx.msk $0xffff, v29  }
0x10d: {  	[tilespmem:v21+s13+$0x0] =	vst.idx.msk $0xffff, v29  }
0x10e: {  	[tilespmem:v22+s13+$0x0] =	vst.idx.msk $0xffff, v29  }
0x10f: {  	[tilespmem:v23+s13+$0x0] =	vst.idx.msk $0xffff, v29  }
0x110: {  	v30 =	vor.u32 $0x3D0C, v0;
	[tilespmem:v24+s13+$0x0] =	vst.idx.msk $0xffff, v29  }
0x111: {  	v31 =	vor.u32 $0x3D0D, v0;
	[tilespmem:v25+s13+$0x0] =	vst.idx.msk $0xffff, v29  }
0x112: {  	v62 =	vor.u32 $0x3D0E, v0;
	[tilespmem:v26+s13+$0x0] =	vst.idx.msk $0xffff, v29  }
0x113: {  	v63 =	vor.u32 $0x3D0F, v0;
	[tilespmem:v27+s13+$0x0] =	vst.idx.msk $0xffff, v29  }
0x114: {  	[tilespmem:v28+s13+$0x0] =	vst.idx.msk $0xffff, v29  }
0x115: {  	[tilespmem:v30+s13+$0x0] =	vst.idx.msk $0xffff, v29  }
0x116: {  	s16 =	smul.u32 $0x7D0, s16;
	s15 =	sadd.s32 $0x1, s15;
	[tilespmem:v31+s13+$0x0] =	vst.idx.msk $0xffff, v29  }
0x117: {  	p0 =	sne.s32 s15, $0xA;
	[tilespmem:v62+s13+$0x0] =	vst.idx.msk $0xffff, v29  }
.Ltmp1:
0x118: {  	s16 =	sadd.s32 s7, s16;
	[tilespmem:v63+s13+$0x0] =	vst.idx.msk $0xffff, v29;
	(pc) =	sbr.rel @p0 .LBB2_2-.Ltmp1, $4  }
0x119: {  	[hbm4b:s16+s1] =	stream.linear.scatter [tilespmem:s13], [sflag:$0x1], $0x3E80, $0x38;
	[tilespmem:$0xE300] =	vst v63  }
0x11a: {  	_ =	swait.ge [sflag:s11], $0x3E80  }
0x11b: {  	[sflag:s11] =	ssyncset.done $0x0  }
0x11c: {  	[sflag:s11] =	ssyncadd.s32 $0xFFFFC180  }
0x11d: {  	s14 =	sadd.s32 $0x1, s14  }
0x11e: {  	p0 =	sne.s32 s14, s9  }
.Ltmp2:
0x11f: {  	_ = 	snop;
	(pc) =	sbr.rel @p0 .LBB2_1-.Ltmp2, $1  }
0x120: {  	_ =	sdelay $0x3  }
0x121: {  	_ =	sfence.sel $0x180000  }
0x122: {  	[bflag:$0x0] =	sbarrier.arrive $0xFFFF  }
0x123: {  	p0 =	sne.s32 s5, $0x0;
	_ =	strace $0x90000047  }
0x124: {  	s0 =	sadd.s32 @!p0 $0x100000, s0;
	[bflag:$0x2] =	sbarrier.arrive $0xFFFF  }
0x125: {  	[sflag:s0] =	ssyncadd.tile.s32 @!p0 $0x1;
	_ =	shalt  }
.Lfunc_end2:
_tile_overlayer_lowered:
.L_overlay_start_2:
0x126: {  	(tag) =	ssettag $0x2  }
0x127: {  	s0 =	rddreg [dreg:$0x0];
	s2 =	stileid.u32  }
0x128: {  	s1 =	rddreg [dreg:$0x1];
	p0 =	sne.s32 s2, $0x0  }
0x129: {  	s3 =	rddreg [dreg:$0x2];
	[bflag:$0x3] =	sbarrier.arrive $0xFFFF;
	s2 =	simm.s32 @!p0 $0x1C01  }
0x12a: {  	[timem:s3], [sflag:s2] =	dma.local @!p0 [hbm:s0], s1  }
0x12b: {  	s0 =	simm.s32 @!p0 $0x1  }
0x12c: {  	_ =	swait.ge @!p0 [sflag:s0], s1  }
0x12d: {  	s1 =	ssub.s32 @!p0 $0x0, s1;
	[sflag:s0] =	ssyncset.done @!p0 $0x0  }
0x12e: {  	[sflag:s0] =	ssyncadd.s32 @!p0 s1  }
0x12f: {  	[bflag:$0x3] =	sbarrier.arrive $0xFFFF  }
0x130: {  	_ =	shalt  }

// kernel: kernel.16.cloned.1.call-start
scs
__scs_entry_jumppad:
0x0: {  	(pc) =	sbr.rel $0x88, $3  }
0x1: {  	(tag) =	ssettag $0x0;
	lr =	simm.s32 $0x1  }
0x2: {  	[smem:$0x3F97] =	sst lr;
	_ =	strace $0xD0000000  }
0x3: {  	_ = 	snop  }
0x4: {  	_ = 	snop  }
0x5: {  	_ = 	snop  }
0x6: {  	_ = 	snop  }
0x7: {  	_ = 	snop  }
__scs_overlays_trampoline_lowered:
0x8: {  	[smem:$0x3FA6] =	sst s0  }
0x9: {  	[smem:$0x3FA7] =	sst s1  }
0xa: {  	[smem:$0x3FA8] =	sst s2  }
0xb: {  	[smem:$0x3FA9] =	sst s3  }
0xc: {  	[smem:$0x3FAA] =	sst s4  }
0xd: {  	[smem:$0x3FAB] =	sst s5  }
0xe: {  	[smem:$0x3FAC] =	sst s6  }
0xf: {  	[smem:$0x3FAD] =	sst s7  }
0x10: {  	[smem:$0x3FAE] =	sst s8  }
0x11: {  	[smem:$0x3FAF] =	sst s9;
	s0 =	simm.s32 @!p0 $0x0  }
0x12: {  	s1 =	sld [smem:$0x3F95];
	s0 =	simm.s32 @p0 $0x1  }
0x13: {  	[smem:$0x3FB0] =	sst s0;
	s0 =	simm.s32 @!p1 $0x0  }
0x14: {  	s2 =	sld [smem:$0x3F94];
	s0 =	simm.s32 @p1 $0x1  }
0x15: {  	[smem:$0x3FB1] =	sst s0;
	s0 =	simm.s32 @!p2 $0x0  }
0x16: {  	s3 =	sld [smem:$0x3FDB];
	s0 =	simm.s32 @p2 $0x1  }
0x17: {  	s4 =	simm.s32 $0x1BF5;
	[smem:$0x3FB3] =	sst s0  }
0x18: {  	s0 =	sld [smem:$0x3F96];
	_ =	swait.ge [sflag:s4], $0x0  }
0x19: {  	s7 =	sld [smem:$0x3F97]  }
0x1a: {  	s8 =	sadd.s32 $0xFFFFE003, lr  }
0x1b: {  	s9 =	sadd.s32 $0xFFFFFEF7, lr;
	s5 =	simm.s32 $0xFFFFFFFF;
	p2 =	slt.u32 s8, $0xFFFFF086  }
0x1c: {  	p1 =	slt.u32 s9, $0xF7A;
	s5 =	simm.s32 @!p2 $0x0  }
0x1d: {  	s5 =	simm.s32 @p1 $0x1;
	p0 =	seq.s32 s7, s2  }
0x1e: {  	s7 =	smul.u32 @!p0 $0xF7A, s2;
	p2 =	seq.s32 @!p0 s5, $0x0  }
0x1f: {  	s9 =	smul.u32 $0xF7A, s1;
	s8 =	simm.s32 @!p0 $0x1BF5;
	p2 =	por !p2, p0  }
0x20: {  	[sflag:s8] =	ssyncset.s32 @!p0 $0xFFFFF086;
	s6 =	sadd.s32 @!p0 s3, s7;
	s7 =	simm.s32 @!p0 $0x108  }
0x21: {  	s3 =	sadd.s32 s3, s9;
	s6 =	sadd.s32 @!p0 $0x88, s6;
	s7 =	simm.s32 @p2 $0x1082  }
0x22: {  	[simem:s7], [sflag:s8] =	dma.local @!p0 [hbm:s6], $0xF7A  }
0x23: {  	s9 =	sor.u32 $0xD0000000, s2;
	s6 =	simm.s32 $0x108;
	_ =	swait.ge @!p0 [sflag:s8], $0x0  }
0x24: {  	s3 =	sadd.s32 $0x88, s3;
	s6 =	simm.s32 @!p1 $0x1082;
	[sflag:s4] =	ssyncset.s32 $0xFFFFF086  }
0x25: {  	[simem:s6], [sflag:s4] =	dma.local [hbm:s3], $0xF7A  }
0x26: {  	[smem:$0x3F97] =	sst s1;
	(tag) =	ssettag s2;
	_ =	strace s9  }
0x27: {  	s1 =	sld [smem:$0x3FA7]  }
0x28: {  	s2 =	sld [smem:$0x3FA8]  }
0x29: {  	s4 =	sld [smem:$0x3FAA]  }
0x2a: {  	p0 =	seq.s32 s5, $0x0;
	s5 =	sld [smem:$0x3FAB]  }
0x2b: {  	s6 =	sld [smem:$0x3FAC]  }
0x2c: {  	s7 =	sld [smem:$0x3FAD]  }
0x2d: {  	s3 =	simm.s32 $0x108;
	s8 =	sld [smem:$0x3FAE]  }
0x2e: {  	s3 =	simm.s32 @!p0 $0x1082;
	s9 =	sld [smem:$0x3FAF]  }
0x2f: {  	lr =	sadd.s32 s0, s3;
	s0 =	sld [smem:$0x3FA6]  }
0x30: {  	s3 =	sld [smem:$0x3FA9]  }
0x31: {  	[smem:$0x3FB2] =	sst s10  }
0x32: {  	s10 =	sld [smem:$0x3FB0];
	_ =	sdelay $0x3  }
0x33: {  	p0 =	seq.s32 s10, $0x1;
	s10 =	sld [smem:$0x3FB2];
	_ =	sdelay $0x3  }
0x34: {  	[smem:$0x3FB2] =	sst s10  }
0x35: {  	s10 =	sld [smem:$0x3FB1];
	_ =	sdelay $0x3  }
0x36: {  	p1 =	seq.s32 s10, $0x1;
	s10 =	sld [smem:$0x3FB2];
	_ =	sdelay $0x3  }
0x37: {  	[smem:$0x3FB2] =	sst s10  }
0x38: {  	s10 =	sld [smem:$0x3FB3]  }
0x39: {  	_ = 	snop;
	(pc) =	sbr.ind lr, $3  }
0x3a: {  	_ = 	snop  }
0x3b: {  	_ = 	snop  }
0x3c: {  	p2 =	seq.s32 s10, $0x1;
	s10 =	sld [smem:$0x3FB2]  }
0x3d: {  	_ =	shalt  }
0x3e: {  	_ =	shalt  }
0x3f: {  	_ =	shalt  }
0x40: {  	_ =	shalt  }
0x41: {  	_ =	shalt  }
0x42: {  	_ =	shalt  }
0x43: {  	_ =	shalt  }
0x44: {  	_ =	shalt  }
0x45: {  	_ =	shalt  }
0x46: {  	_ =	shalt  }
0x47: {  	_ =	shalt  }
0x48: {  	_ =	shalt  }
0x49: {  	_ =	shalt  }
0x4a: {  	_ =	shalt  }
0x4b: {  	_ =	shalt  }
0x4c: {  	_ =	shalt  }
0x4d: {  	_ =	shalt  }
0x4e: {  	_ =	shalt  }
0x4f: {  	_ =	shalt  }
0x50: {  	_ =	shalt  }
0x51: {  	_ =	shalt  }
0x52: {  	_ =	shalt  }
0x53: {  	_ =	shalt  }
0x54: {  	_ =	shalt  }
0x55: {  	_ =	shalt  }
0x56: {  	_ =	shalt  }
0x57: {  	_ =	shalt  }
0x58: {  	_ =	shalt  }
0x59: {  	_ =	shalt  }
0x5a: {  	_ =	shalt  }
0x5b: {  	_ =	shalt  }
0x5c: {  	_ =	shalt  }
0x5d: {  	_ =	shalt  }
0x5e: {  	_ =	shalt  }
0x5f: {  	_ =	shalt  }
0x60: {  	_ =	shalt  }
0x61: {  	_ =	shalt  }
0x62: {  	_ =	shalt  }
0x63: {  	_ =	shalt  }
0x64: {  	_ =	shalt  }
0x65: {  	_ =	shalt  }
0x66: {  	_ =	shalt  }
0x67: {  	_ =	shalt  }
0x68: {  	_ =	shalt  }
0x69: {  	_ =	shalt  }
0x6a: {  	_ =	shalt  }
0x6b: {  	_ =	shalt  }
0x6c: {  	_ =	shalt  }
0x6d: {  	_ =	shalt  }
0x6e: {  	_ =	shalt  }
0x6f: {  	_ =	shalt  }
0x70: {  	_ =	shalt  }
0x71: {  	_ =	shalt  }
0x72: {  	_ =	shalt  }
0x73: {  	_ =	shalt  }
0x74: {  	_ =	shalt  }
0x75: {  	_ =	shalt  }
0x76: {  	_ =	shalt  }
0x77: {  	_ =	shalt  }
0x78: {  	_ =	shalt  }
0x79: {  	_ =	shalt  }
0x7a: {  	_ =	shalt  }
0x7b: {  	_ =	shalt  }
0x7c: {  	_ =	shalt  }
0x7d: {  	_ =	shalt  }
0x7e: {  	_ =	shalt  }
0x7f: {  	_ =	shalt  }
0x80: {  	_ =	shalt  }
0x81: {  	_ =	shalt  }
0x82: {  	_ =	shalt  }
0x83: {  	_ =	shalt  }
0x84: {  	_ =	shalt  }
0x85: {  	_ =	shalt  }
0x86: {  	_ =	shalt  }
0x87: {  	_ =	shalt  }
.Lfunc_end0:
.L_simem_size_0:
called_computation.1_lowered:
.L_overlay_start_0:
0x88: {  	s2 =	sld [smem:$0x3FD9]  }
0x89: {  	s3 =	sld [smem:$0x3FFE];
	_ =	sdelay $0x1  }
0x8a: {  	s1 =	srdreg.scid  }
0x8b: {  	s0 =	sand.u32 $0x1, s1  }
0x8c: {  	s17 =	sshll.u32 s0, $0xA;
	s2 =	sadd.s32 s3, s2  }
0x8d: {  	s2 =	sadd.s32 s2, s17  }
0x8e: {  	[smem:$0x3FBE] =	sst s2  }
0x8f: {  	_ = 	snop  }
0x90: {  	s18 =	sld [smem:$0x3FD0];
	(tm) =	ssettm $0x1  }
0x91: {  	s19 =	sld [smem:$0x3FFB];
	_ =	sdelay $0x3  }
0x92: {  	_ =	strace s19  }
0x93: {  	s2 =	sld [smem:$0x3FFC];
	_ =	sdelay $0x3  }
0x94: {  	_ =	strace s2  }
0x95: {  	s2 =	sld [smem:$0x3FFD];
	_ =	sdelay $0x3  }
0x96: {  	_ =	strace s2  }
0x97: {  	_ =	strace $0x8FFFFFFF  }
0x98: {  	s20 =	sld [smem:$0x3FDB];
	_ =	sdelay $0x1  }
0x99: {  	s4 =	simm.s32 $_scs_section_size  }
0x9a: {  	s5 =	simm.s32 $_size__tile_overlayer_lowered;
	s6 =	simm.s32 $_tile_overlayer_lowered  }
0x9b: {  	s7 =	simm.s32 $0x1BFF;
	s21 =	sshll.u32 s6, $0x1;
	s4 =	sadd.s32 s4, s20  }
0x9c: {  	s22 =	simm.s32 $0x0;
	s5 =	sshll.u32 s5, $0x1;
	s6 =	sadd.s32 s21, s4  }
0x9d: {  	[timem:s22], [sflag:s7] =	dma.local [hbm:s6], s5  }
0x9e: {  	_ =	swait.ge [sflag:s7], s5  }
0x9f: {  	s5 =	ssub.s32 $0x0, s5;
	[sflag:s7] =	ssyncset.done $0x0  }
0xa0: {  	[sflag:s7] =	ssyncadd.s32 s5;
	_ =	sdelay $0x1  }
0xa1: {  	s23 =	simm.s32 $0x1B8B  }
0xa2: {  	_ =	swait.ge [sflag:s23], $0x1  }
0xa3: {  	[sflag:s23] =	ssyncset.done $0x0  }
0xa4: {  	[sflag:s23] =	ssyncadd.s32 $0xFFFFFFFF  }
0xa5: {  	s5 =	sld [smem:$0x0]  }
0xa6: {  	s6 =	sand.u32 $0xFFFFFFFE, s1  }
0xa7: {  	p0 =	sne.s32 s1, s6  }
0xa8: {  	s6 =	sshll.u32 @p0 s6, $0xE  }
0xa9: {  	s6 =	sadd.s32 @p0 $0x11B8D, s6;
	s7 =	sshll.u32 @p0 s5, $0x11  }
0xaa: {  	s6 =	sor.u32 @p0 s7, s6  }
0xab: {  	[sflag:s6] =	ssyncadd.remote.s32 @p0 $0x1;
	_ =	sdelay $0x1  }
0xac: {  	s6 =	simm.s32 @p0 $0x1B8D  }
0xad: {  	_ =	swait.eq @p0 [sflag:s6], $0x1  }
0xae: {  	[sflag:s6] =	ssyncadd.s32 @p0 $0xFFFFFFFF  }
0xaf: {  	s7 =	sshll.u32 @!p0 s1, $0xE  }
0xb0: {  	s7 =	sor.u32 @!p0 $0x4000, s7;
	s6 =	simm.s32 @!p0 $0x1B8D  }
0xb1: {  	s5 =	sshll.u32 @!p0 s5, $0x11;
	s7 =	sadd.s32 @!p0 $0x11B8D, s7;
	_ =	swait.eq @!p0 [sflag:s6], $0x1  }
0xb2: {  	s5 =	sor.u32 @!p0 s5, s7;
	[sflag:s6] =	ssyncadd.s32 @!p0 $0xFFFFFFFF  }
0xb3: {  	s25 =	simm.s32 $0x1B8E;
	s24 =	sld [smem:$0x3FFE];
	[sflag:s5] =	ssyncadd.remote.s32 @!p0 $0x1  }
0xb4: {  	s26 =	simm.s32 $execute0_lowered;
	[smem:$0x3FD2] =	sst s25  }
0xb5: {  	s6 =	sshll.u32 s26, $0x1;
	_ =	strace $0x8000004C;
	[dreg:$0x1] =	wrdreg $0xFFFFFFFF  }
0xb6: {  	s28 =	simm.s32 $_size_execute0_lowered;
	s4 =	sadd.s32 s4, s6;
	[dreg:$0x0] =	wrdreg $0x0  }
0xb7: {  	s6 =	sshll.u32 s28, $0x1;
	[dreg:$0x2] =	wrdreg s4  }
0xb8: {  	[dreg:$0x3] =	wrdreg s6  }
0xb9: {  	[dreg:$0x4] =	wrdreg $0xC0  }
0xba: {  	_ =	task [dreg:s22], $0x5FFFF  }
0xbb: {  	[dreg:$0x1] =	wrdreg $0xFFFFFFFF  }
0xbc: {  	[dreg:$0x0] =	wrdreg $0x60  }
0xbd: {  	[dreg:$0x2] =	wrdreg s18  }
0xbe: {  	[dreg:$0x3] =	wrdreg s24  }
0xbf: {  	[dreg:$0x4] =	wrdreg $0x9  }
0xc0: {  	_ =	task.clear_ibuf [dreg:s22], $0x5FFFF;
	_ =	strace $0x9000004C  }
0xc1: {  	s29 =	simm.s32 $0x9;
	_ =	strace $0x8000004E  }
0xc2: {  	_ =	swait.ge [sflag:s29], $0x1  }
0xc3: {  	[sflag:s29] =	ssyncadd.s32 $0xFFFFFFFF  }
0xc4: {  	_ =	strace $0x9000004E  }
0xc5: {  	_ =	sfence  }
0xc6: {  	s30 =	sld [smem:$0x0];
	_ =	sdelay $0x2  }
0xc7: {  	s31 =	sshll.u32 s1, $0xD;
	s1 =	sshrl.u32 s1, $0x2  }
0xc8: {  	s4 =	sand.u32 $0x4000, s31;
	s1 =	sadd.s32 s1, s30  }
0xc9: {  	s0 =	sor.u32 s4, s0;
	s1 =	sshll.u32 s1, $0x11  }
0xca: {  	s0 =	sor.u32 s1, s0  }
0xcb: {  	s0 =	sadd.s32 $0x8F2B, s0  }
0xcc: {  	[sflag:s0] =	ssyncadd.remote.s32 $0x1  }
0xcd: {  	_ =	sfence.sel $0xFFFF  }
0xce: {  	[dreg:$0x0] =	wrdreg $0xFFFFFFFF;
	(pc) =	sbr.abs _section_cstart, $3  }
0xcf: {  	[dreg:$0x1] =	wrdreg $0xFFFFFFFF  }
0xd0: {  	_ =	task.clear_ibuf [dreg:s22], $0x2FFFF;
	_ =	strace $0x9FFFFFFF  }
0xd1: {  	(tm) =	ssettm $0x7FFFFFFF  }
tec
execute0_lowered:
.L_overlay_start_1:
0x0: {  	(tag) =	ssettag $0x1  }
0x1: {  	s1 =	rddreg [dreg:$0x0]  }
0x2: {  	s0 =	rddreg [dreg:$0x1];
	s3 =	simm.s32 $0x0;
	s2 =	srdreg.scid  }
0x3: {  	s9 =	stileid.u32;
	s12 =	simm.s32 $0x7;
	s13 =	simm.s32 $0x80  }
0x4: {  	s14 =	simm.s32 $0x200;
	s15 =	simm.s32 $0x4200;
	s16 =	simm.s32 $0x1  }
0x5: {  	s17 =	simm.s32 $0x2;
	s20 =	simm.s32 $0x5;
	s21 =	simm.s32 $0x6  }
0x6: {  	s22 =	simm.s32 $0x0;
	[smem:$0x7FF] =	sst s3;
	s2 =	sand.u32 $0x1, s2  }
0x7: {  	s4 =	sadd.s32 $0xB7C00, s0;
	s5 =	sshll.u32 s9, $0x5;
	s7 =	sshll.u32 s9, $0xC  }
0x8: {  	s11 =	sshll.u32 s9, $0x1;
	_ =	strace $0x8000004D;
	s6 =	ssub.s32 $0x2, s2  }
0x9: {  	s5 =	sadd.s32 s5, s0;
	s0 =	sadd.s32 s7, s0;
	s30 =	sshll.u32 s2, $0x4  }
0xa: {  	s31 =	sor.u32 s2, s11;
	s8 =	sshrl.u32 s6, $0x1;
	s5 =	sadd.s32 s30, s5  }
0xb: {  	s9 =	sadd.s32 $0x831E00, s0;
	s10 =	sadd.s32 $0x5C0E00, s0;
	s6 =	ssub.s32 s6, s8  }
0xc: {  	s11 =	sor.u32 $0x20, s31;
	s7 =	sadd.s32 $0x6800, s5;
	s6 =	smax.u32 s6, $0x1  }
0xd: {  	s8 =	sshll.u32 s2, $0xB;
	[dreg:$0x3] =	wrdreg s6;
	s6 =	sadd.s32 $0x10600, s5  }
.LBB2_1:
0xe: {  	p0 =	por $0x1, $0x1  }
0xf: {  	s0 =	simm.s32 @!p0 $0x3  }
0x10: {  	_ =	swait.ge @!p0 [sflag:s0], $0x4000  }
0x11: {  	[sflag:s0] =	ssyncset.done @!p0 $0x0  }
0x12: {  	[sflag:s0] =	ssyncadd.s32 @!p0 $0xFFFFC000;
	s0 =	simm.s32 @!p0 $0x4  }
0x13: {  	_ =	swait.ge @!p0 [sflag:s0], $0x4000  }
0x14: {  	[sflag:s0] =	ssyncset.done @!p0 $0x0  }
0x15: {  	s2 =	sadd.s32 $0x0, s7;
	[sflag:s0] =	ssyncadd.s32 @!p0 $0xFFFFC000  }
0x16: {  	[tilespmem:s3], [sflag:$0x7] =	stream.linear.gather [hbm4b:s2+s3], $0x80, $0x38;
	[tilespmem:$0x10200] =	vst v63  }
0x17: {  	_ =	swait.ge [sflag:s12], $0x80  }
0x18: {  	[sflag:s12] =	ssyncset.done $0x0  }
0x19: {  	s24 =	sadd.s32 $0x0, s6;
	[sflag:s12] =	ssyncadd.s32 $0xFFFFFF80  }
0x1a: {  	[tilespmem:s13], [sflag:$0x7] =	stream.linear.gather [hbm4b:s24+s3], $0x80, $0x38;
	[tilespmem:$0x10200] =	vst v63  }
0x1b: {  	_ =	swait.ge [sflag:s12], $0x80  }
0x1c: {  	[sflag:s12] =	ssyncset.done $0x0  }
0x1d: {  	[sflag:s12] =	ssyncadd.s32 $0xFFFFFF80  }
0x1e: {  	[tilespmem:s14], [sflag:$0x1] =	stream.indirect.gather [hbm4b:s1+s13], $0x80, s3, s13, $0xb8;
	[tilespmem:$0x10200] =	vst v63  }
0x1f: {  	_ = 	snop  }
0x20: {  	[tilespmem:s15], [sflag:$0x2] =	stream.indirect.gather [hbm4b:s4+s13], $0x80, s13, s13, $0xb8;
	[tilespmem:$0x10200] =	vst v63  }
0x21: {  	_ =	swait.ge [sflag:s16], $0x4000  }
0x22: {  	[sflag:s16] =	ssyncset.done $0x0  }
0x23: {  	[sflag:s16] =	ssyncadd.s32 $0xFFFFC000  }
0x24: {  	p0 =	sgt.u32 s11, $0x4E1;
	_ =	swait.ge [sflag:s17], $0x4000  }
0x25: {  	p1 =	por @!p0 $0x1, $0x1;
	[sflag:s17] =	ssyncset.done $0x0  }
0x26: {  	s25 =	sadd.s32 s10, s8;
	p1 =	por p1, p0;
	[sflag:s17] =	ssyncadd.s32 $0xFFFFC000  }
0x27: {  	[hbm4b:s25+s3] =	stream.linear.scatter [tilespmem:s14], [sflag:$0x3], $0x4000, $0x38;
	[tilespmem:$0x10200] =	vst v63  }
0x28: {  	s26 =	sadd.s32 s9, s8;
	s2 =	simm.s32 @!p1 $0x5  }
0x29: {  	[hbm4b:s26+s3] =	stream.linear.scatter [tilespmem:s15], [sflag:$0x4], $0x4000, $0x38;
	[tilespmem:$0x10200] =	vst v63  }
0x2a: {  	_ =	swait.ge @!p1 [sflag:s2], $0x4000  }
0x2b: {  	[sflag:s2] =	ssyncset.done @!p1 $0x0  }
0x2c: {  	s0 =	simm.s32 @!p1 $0x6;
	[sflag:s2] =	ssyncadd.s32 @!p1 $0xFFFFC000  }
0x2d: {  	s28 =	simm.s32 $0x800;
	s31 =	simm.s32 @!p0 $0x0;
	_ =	swait.ge @!p1 [sflag:s0], $0x4000  }
0x2e: {  	s18 =	simm.s32 @!p0 $0x100;
	s2 =	sadd.s32 @!p0 $0x0, s7;
	[sflag:s0] =	ssyncset.done @!p1 $0x0  }
0x2f: {  	s5 =	simm.s32 @!p0 $0x7;
	s2 =	sadd.s32 @!p0 $0x200, s2;
	[sflag:s0] =	ssyncadd.s32 @!p1 $0xFFFFC000  }
0x30: {  	[tilespmem:s18], [sflag:$0x7] =	stream.linear.gather @!p0 [hbm4b:s2+s31], $0x80, $0x38;
	[tilespmem:$0x10200] =	vst v63  }
0x31: {  	s23 =	sadd.s32 $0x20000, s9;
	s19 =	simm.s32 @!p0 $0x80;
	_ =	swait.ge @!p0 [sflag:s5], $0x80  }
0x32: {  	s24 =	sadd.s32 $0x20000, s10;
	s0 =	sadd.s32 @!p0 $0x0, s6;
	[sflag:s5] =	ssyncset.done @!p0 $0x0  }
0x33: {  	s2 =	sadd.s32 @!p0 $0x200, s0;
	s0 =	simm.s32 @!p0 $0x180;
	[sflag:s5] =	ssyncadd.s32 @!p0 $0xFFFFFF80  }
0x34: {  	[tilespmem:s0], [sflag:$0x7] =	stream.linear.gather @!p0 [hbm4b:s2+s31], $0x80, $0x38;
	[tilespmem:$0x10200] =	vst v63  }
0x35: {  	s25 =	simm.s32 $0x400;
	s2 =	sadd.s32 @!p0 s10, s8;
	_ =	swait.ge @!p0 [sflag:s5], $0x80  }
0x36: {  	s26 =	sadd.s32 $0x40, s11;
	s29 =	sadd.s32 @!p0 $0x10000, s2;
	[sflag:s5] =	ssyncset.done @!p0 $0x0  }
0x37: {  	s2 =	sadd.s32 @!p0 s9, s8;
	[sflag:s5] =	ssyncadd.s32 @!p0 $0xFFFFFF80;
	s5 =	simm.s32 @!p0 $0x8200  }
0x38: {  	[tilespmem:s5], [sflag:$0x1] =	stream.indirect.gather @!p0 [hbm4b:s1+s19], $0x80, s18, s19, $0xb8;
	[tilespmem:$0x10200] =	vst v63  }
0x39: {  	s30 =	sadd.s32 @!p0 $0x10000, s2;
	s2 =	simm.s32 @!p0 $0xC200;
	s18 =	simm.s32 @!p0 $0x1  }
.LBB2_2:
0x3a: {  	[tilespmem:s2], [sflag:$0x2] =	stream.indirect.gather @!p0 [hbm4b:s4+s19], $0x80, s0, s19, $0xb8;
	[tilespmem:$0x10200] =	vst v63  }
0x3b: {  	s0 =	smov.u32 s28;
	s28 =	sadd.s32 $0x400, s28;
	_ =	swait.ge @!p0 [sflag:s18], $0x4000  }
0x3c: {  	s19 =	simm.s32 @!p0 $0x2;
	p1 =	sne.s32 s28, $0x5000;
	[sflag:s18] =	ssyncset.done @!p0 $0x0  }
0x3d: {  	[sflag:s18] =	ssyncadd.s32 @!p0 $0xFFFFC000  }
0x3e: {  	_ =	swait.ge @!p0 [sflag:s19], $0x4000  }
0x3f: {  	[sflag:s19] =	ssyncset.done @!p0 $0x0  }
0x40: {  	[sflag:s19] =	ssyncadd.s32 @!p0 $0xFFFFC000  }
0x41: {  	[hbm4b:s29+s31] =	stream.linear.scatter @!p0 [tilespmem:s5], [sflag:$0x5], $0x4000, $0x38;
	[tilespmem:$0x10200] =	vst v63  }
0x42: {  	p2 =	seq.s32 s25, $0x0  }
0x43: {  	[hbm4b:s30+s31] =	stream.linear.scatter @!p0 [tilespmem:s2], [sflag:$0x6], $0x4000, $0x38;
	[tilespmem:$0x10200] =	vst v63  }
0x44: {  	s2 =	simm.s32 @!p2 $0x3  }
0x45: {  	_ =	swait.ge @!p2 [sflag:s2], $0x4000  }
0x46: {  	[sflag:s2] =	ssyncset.done @!p2 $0x0  }
0x47: {  	[sflag:s2] =	ssyncadd.s32 @!p2 $0xFFFFC000;
	s2 =	simm.s32 @!p2 $0x4  }
0x48: {  	_ =	swait.ge @!p2 [sflag:s2], $0x4000  }
0x49: {  	s5 =	sadd.s32 s25, s7;
	[sflag:s2] =	ssyncset.done @!p2 $0x0  }
0x4a: {  	[sflag:s2] =	ssyncadd.s32 @!p2 $0xFFFFC000  }
0x4b: {  	[tilespmem:s3], [sflag:$0x7] =	stream.linear.gather [hbm4b:s5+s3], $0x80, $0x38;
	[tilespmem:$0x10200] =	vst v63  }
0x4c: {  	_ =	swait.ge [sflag:s12], $0x80  }
0x4d: {  	s2 =	sadd.s32 s25, s6;
	[sflag:s12] =	ssyncset.done $0x0  }
0x4e: {  	[sflag:s12] =	ssyncadd.s32 $0xFFFFFF80  }
0x4f: {  	[tilespmem:s13], [sflag:$0x7] =	stream.linear.gather [hbm4b:s2+s3], $0x80, $0x38;
	[tilespmem:$0x10200] =	vst v63  }
0x50: {  	_ =	swait.ge [sflag:s12], $0x80  }
0x51: {  	[sflag:s12] =	ssyncset.done $0x0  }
0x52: {  	p0 =	sgt.u32 s26, $0x4E1;
	[sflag:s12] =	ssyncadd.s32 $0xFFFFFF80  }
0x53: {  	[tilespmem:s14], [sflag:$0x1] =	stream.indirect.gather [hbm4b:s1+s13], $0x80, s3, s13, $0xb8;
	[tilespmem:$0x10200] =	vst v63  }
0x54: {  	p2 =	seq.s32 @!p0 s25, $0x0;
	s5 =	sadd.s32 @!p0 s24, s8;
	s2 =	sadd.s32 @!p0 s25, s6  }
0x55: {  	[tilespmem:s15], [sflag:$0x2] =	stream.indirect.gather [hbm4b:s4+s13], $0x80, s13, s13, $0xb8;
	[tilespmem:$0x10200] =	vst v63  }
0x56: {  	s29 =	sadd.s32 @!p0 $0x10000, s5;
	s5 =	sadd.s32 @!p0 s23, s8;
	_ =	swait.ge [sflag:s16], $0x4000  }
0x57: {  	s18 =	sadd.s32 @!p0 s25, s7;
	s30 =	sadd.s32 @!p0 $0x10000, s5;
	[sflag:s16] =	ssyncset.done $0x0  }
0x58: {  	s5 =	sadd.s32 @!p0 $0x200, s18;
	s2 =	sadd.s32 @!p0 $0x200, s2;
	[sflag:s16] =	ssyncadd.s32 $0xFFFFC000  }
0x59: {  	s25 =	smov.u32 s0;
	_ =	swait.ge [sflag:s17], $0x4000  }
0x5a: {  	[sflag:s17] =	ssyncset.done $0x0  }
0x5b: {  	p2 =	por p2, p0;
	s0 =	sadd.s32 s24, s8;
	[sflag:s17] =	ssyncadd.s32 $0xFFFFC000  }
0x5c: {  	[hbm4b:s0+s3] =	stream.linear.scatter [tilespmem:s14], [sflag:$0x3], $0x4000, $0x38;
	[tilespmem:$0x10200] =	vst v63  }
0x5d: {  	s18 =	simm.s32 @!p2 $0x5;
	s0 =	sadd.s32 s23, s8  }
0x5e: {  	[hbm4b:s0+s3] =	stream.linear.scatter [tilespmem:s15], [sflag:$0x4], $0x4000, $0x38;
	[tilespmem:$0x10200] =	vst v63  }
0x5f: {  	_ =	swait.ge @!p2 [sflag:s18], $0x4000  }
0x60: {  	s0 =	simm.s32 @!p2 $0x6;
	[sflag:s18] =	ssyncset.done @!p2 $0x0  }
0x61: {  	[sflag:s18] =	ssyncadd.s32 @!p2 $0xFFFFC000  }
0x62: {  	_ =	swait.ge @!p2 [sflag:s0], $0x4000  }
0x63: {  	s31 =	simm.s32 @!p0 $0x0;
	s18 =	simm.s32 @!p0 $0x100;
	[sflag:s0] =	ssyncset.done @!p2 $0x0  }
0x64: {  	s19 =	simm.s32 @!p0 $0x7;
	[sflag:s0] =	ssyncadd.s32 @!p2 $0xFFFFC000  }
0x65: {  	[tilespmem:s18], [sflag:$0x7] =	stream.linear.gather @!p0 [hbm4b:s5+s31], $0x80, $0x38;
	[tilespmem:$0x10200] =	vst v63  }
0x66: {  	_ =	swait.ge @!p0 [sflag:s19], $0x80  }
0x67: {  	[sflag:s19] =	ssyncset.done @!p0 $0x0  }
0x68: {  	s0 =	simm.s32 @!p0 $0x180;
	[sflag:s19] =	ssyncadd.s32 @!p0 $0xFFFFFF80  }
0x69: {  	[tilespmem:s0], [sflag:$0x7] =	stream.linear.gather @!p0 [hbm4b:s2+s31], $0x80, $0x38;
	[tilespmem:$0x10200] =	vst v63  }
.Ltmp0:
0x6a: {  	_ =	swait.ge @!p0 [sflag:s19], $0x80;
	(pc) =	sbr.rel @p1 .LBB2_2-.Ltmp0, $4  }
0x6b: {  	s26 =	sadd.s32 $0x40, s26;
	s2 =	simm.s32 @!p0 $0xC200;
	[sflag:s19] =	ssyncset.done @!p0 $0x0  }
0x6c: {  	s5 =	simm.s32 @!p0 $0x8200;
	[sflag:s19] =	ssyncadd.s32 @!p0 $0xFFFFFF80;
	s19 =	simm.s32 @!p0 $0x80  }
0x6d: {  	[tilespmem:s5], [sflag:$0x1] =	stream.indirect.gather @!p0 [hbm4b:s1+s19], $0x80, s18, s19, $0xb8;
	[tilespmem:$0x10200] =	vst v63  }
0x6e: {  	s24 =	sadd.s32 $0x20000, s24;
	s23 =	sadd.s32 $0x20000, s23;
	s18 =	simm.s32 @!p0 $0x1  }
0x6f: {  	[tilespmem:s2], [sflag:$0x2] =	stream.indirect.gather @!p0 [hbm4b:s4+s19], $0x80, s0, s19, $0xb8;
	[tilespmem:$0x10200] =	vst v63  }
0x70: {  	_ =	swait.ge @!p0 [sflag:s18], $0x4000  }
0x71: {  	[sflag:s18] =	ssyncset.done @!p0 $0x0  }
0x72: {  	s0 =	simm.s32 @!p0 $0x2;
	[sflag:s18] =	ssyncadd.s32 @!p0 $0xFFFFC000  }
0x73: {  	_ =	swait.ge @!p0 [sflag:s0], $0x4000  }
0x74: {  	[sflag:s0] =	ssyncset.done @!p0 $0x0  }
0x75: {  	p1 =	seq.s32 s25, $0x0;
	[sflag:s0] =	ssyncadd.s32 @!p0 $0xFFFFC000  }
0x76: {  	[hbm4b:s29+s31] =	stream.linear.scatter @!p0 [tilespmem:s5], [sflag:$0x5], $0x4000, $0x38;
	[tilespmem:$0x10200] =	vst v63  }
0x77: {  	s0 =	simm.s32 @!p1 $0x3  }
0x78: {  	[hbm4b:s30+s31] =	stream.linear.scatter @!p0 [tilespmem:s2], [sflag:$0x6], $0x4000, $0x38;
	[tilespmem:$0x10200] =	vst v63  }
0x79: {  	_ =	swait.ge @!p1 [sflag:s0], $0x4000  }
0x7a: {  	[sflag:s0] =	ssyncset.done @!p1 $0x0  }
0x7b: {  	[sflag:s0] =	ssyncadd.s32 @!p1 $0xFFFFC000;
	s0 =	simm.s32 @!p1 $0x4  }
0x7c: {  	_ =	swait.ge @!p1 [sflag:s0], $0x4000  }
0x7d: {  	[sflag:s0] =	ssyncset.done @!p1 $0x0  }
0x7e: {  	s18 =	sadd.s32 s25, s7;
	[sflag:s0] =	ssyncadd.s32 @!p1 $0xFFFFC000  }
0x7f: {  	[tilespmem:s3], [sflag:$0x7] =	stream.linear.gather [hbm4b:s18+s3], $0x80, $0x38;
	[tilespmem:$0x10200] =	vst v63  }
0x80: {  	_ =	swait.ge [sflag:s12], $0x80  }
0x81: {  	[sflag:s12] =	ssyncset.done $0x0  }
0x82: {  	s19 =	sadd.s32 s25, s6;
	[sflag:s12] =	ssyncadd.s32 $0xFFFFFF80  }
0x83: {  	[tilespmem:s13], [sflag:$0x7] =	stream.linear.gather [hbm4b:s19+s3], $0x80, $0x38;
	[tilespmem:$0x10200] =	vst v63  }
0x84: {  	_ =	swait.ge [sflag:s12], $0x80  }
0x85: {  	[sflag:s12] =	ssyncset.done $0x0  }
0x86: {  	[sflag:s12] =	ssyncadd.s32 $0xFFFFFF80  }
0x87: {  	[tilespmem:s14], [sflag:$0x1] =	stream.indirect.gather [hbm4b:s1+s13], $0x80, s3, s13, $0xb8;
	[tilespmem:$0x10200] =	vst v63  }
0x88: {  	_ = 	snop  }
0x89: {  	[tilespmem:s15], [sflag:$0x2] =	stream.indirect.gather [hbm4b:s4+s13], $0x80, s13, s13, $0xb8;
	[tilespmem:$0x10200] =	vst v63  }
0x8a: {  	_ =	swait.ge [sflag:s16], $0x4000  }
0x8b: {  	[sflag:s16] =	ssyncset.done $0x0  }
0x8c: {  	[sflag:s16] =	ssyncadd.s32 $0xFFFFC000  }
0x8d: {  	p0 =	sgt.u32 s26, $0x4E1;
	_ =	swait.ge [sflag:s17], $0x4000  }
0x8e: {  	p1 =	seq.s32 @!p0 s25, $0x0;
	[sflag:s17] =	ssyncset.done $0x0  }
0x8f: {  	s26 =	sadd.s32 s24, s8;
	p1 =	por p1, p0;
	[sflag:s17] =	ssyncadd.s32 $0xFFFFC000  }
0x90: {  	[hbm4b:s26+s3] =	stream.linear.scatter [tilespmem:s14], [sflag:$0x3], $0x4000, $0x38;
	[tilespmem:$0x10200] =	vst v63  }
0x91: {  	s28 =	sadd.s32 s23, s8;
	s2 =	simm.s32 @!p1 $0x5  }
0x92: {  	[hbm4b:s28+s3] =	stream.linear.scatter [tilespmem:s15], [sflag:$0x4], $0x4000, $0x38;
	[tilespmem:$0x10200] =	vst v63  }
0x93: {  	_ =	swait.ge @!p1 [sflag:s2], $0x4000  }
0x94: {  	[sflag:s2] =	ssyncset.done @!p1 $0x0  }
0x95: {  	s0 =	simm.s32 @!p1 $0x6;
	[sflag:s2] =	ssyncadd.s32 @!p1 $0xFFFFC000  }
0x96: {  	s5 =	simm.s32 @!p0 $0x0;
	_ =	swait.ge @!p1 [sflag:s0], $0x4000  }
0x97: {  	s18 =	simm.s32 @!p0 $0x100;
	s2 =	sadd.s32 @!p0 s25, s7;
	[sflag:s0] =	ssyncset.done @!p1 $0x0  }
0x98: {  	s2 =	sadd.s32 @!p0 $0x200, s2;
	[sflag:s0] =	ssyncadd.s32 @!p1 $0xFFFFC000;
	s0 =	simm.s32 @!p0 $0x7  }
0x99: {  	[tilespmem:s18], [sflag:$0x7] =	stream.linear.gather @!p0 [hbm4b:s2+s5], $0x80, $0x38;
	[tilespmem:$0x10200] =	vst v63  }
0x9a: {  	_ =	swait.ge @!p0 [sflag:s0], $0x80  }
0x9b: {  	s2 =	sadd.s32 @!p0 s25, s6;
	[sflag:s0] =	ssyncset.done @!p0 $0x0  }
0x9c: {  	s19 =	simm.s32 @!p0 $0x180;
	s2 =	sadd.s32 @!p0 $0x200, s2;
	[sflag:s0] =	ssyncadd.s32 @!p0 $0xFFFFFF80  }
0x9d: {  	[tilespmem:s19], [sflag:$0x7] =	stream.linear.gather @!p0 [hbm4b:s2+s5], $0x80, $0x38;
	[tilespmem:$0x10200] =	vst v63  }
0x9e: {  	_ =	swait.ge @!p0 [sflag:s0], $0x80  }
0x9f: {  	[sflag:s0] =	ssyncset.done @!p0 $0x0  }
0xa0: {  	s2 =	simm.s32 @!p0 $0x8200;
	[sflag:s0] =	ssyncadd.s32 @!p0 $0xFFFFFF80;
	s0 =	simm.s32 @!p0 $0x80  }
0xa1: {  	[tilespmem:s2], [sflag:$0x1] =	stream.indirect.gather @!p0 [hbm4b:s1+s0], $0x80, s18, s0, $0xb8;
	[tilespmem:$0x10200] =	vst v63  }
0xa2: {  	s18 =	simm.s32 @!p0 $0xC200  }
0xa3: {  	[tilespmem:s18], [sflag:$0x2] =	stream.indirect.gather @!p0 [hbm4b:s4+s0], $0x80, s19, s0, $0xb8;
	[tilespmem:$0x10200] =	vst v63  }
0xa4: {  	s0 =	simm.s32 @!p0 $0x1  }
0xa5: {  	_ =	swait.ge @!p0 [sflag:s0], $0x4000  }
0xa6: {  	[sflag:s0] =	ssyncset.done @!p0 $0x0  }
0xa7: {  	[sflag:s0] =	ssyncadd.s32 @!p0 $0xFFFFC000;
	s0 =	simm.s32 @!p0 $0x2  }
0xa8: {  	_ =	swait.ge @!p0 [sflag:s0], $0x4000  }
0xa9: {  	s19 =	sadd.s32 @!p0 s24, s8;
	[sflag:s0] =	ssyncset.done @!p0 $0x0  }
0xaa: {  	[sflag:s0] =	ssyncadd.s32 @!p0 $0xFFFFC000;
	s0 =	sadd.s32 @!p0 $0x10000, s19  }
0xab: {  	[hbm4b:s0+s5] =	stream.linear.scatter @!p0 [tilespmem:s2], [sflag:$0x5], $0x4000, $0x38;
	[tilespmem:$0x10200] =	vst v63  }
0xac: {  	s0 =	sadd.s32 @!p0 s23, s8  }
0xad: {  	s29 =	simm.s32 $0x3;
	s0 =	sadd.s32 @!p0 $0x10000, s0  }
0xae: {  	[hbm4b:s0+s5] =	stream.linear.scatter @!p0 [tilespmem:s18], [sflag:$0x6], $0x4000, $0x38;
	[tilespmem:$0x10200] =	vst v63  }
0xaf: {  	_ =	swait.ge [sflag:s29], $0x4000  }
0xb0: {  	[sflag:s29] =	ssyncset.done $0x0  }
0xb1: {  	s30 =	simm.s32 $0x4;
	[sflag:s29] =	ssyncadd.s32 $0xFFFFC000  }
0xb2: {  	_ =	swait.ge [sflag:s30], $0x4000  }
0xb3: {  	[sflag:s30] =	ssyncset.done $0x0  }
0xb4: {  	[sflag:s30] =	ssyncadd.s32 $0xFFFFC000  }
0xb5: {  	_ =	swait.ge [sflag:s20], $0x4000  }
0xb6: {  	[sflag:s20] =	ssyncset.done $0x0  }
0xb7: {  	[sflag:s20] =	ssyncadd.s32 $0xFFFFC000  }
0xb8: {  	_ =	swait.ge [sflag:s21], $0x4000  }
0xb9: {  	s22 =	sadd.s32 $0x1, s22;
	s31 =	rddreg [dreg:$0x3]  }
0xba: {  	p0 =	sne.s32 s22, s31  }
.Ltmp1:
0xbb: {  	_ = 	snop;
	(pc) =	sbr.rel @p0 .LBB2_1-.Ltmp1, $3  }
0xbc: {  	_ =	sdelay $0x1  }
0xbd: {  	[sflag:s21] =	ssyncset.done $0x0  }
0xbe: {  	[sflag:s21] =	ssyncadd.s32 $0xFFFFC000  }
0xbf: {  	_ =	sfence.sel $0x180000  }
0xc0: {  	[bflag:$0x0] =	sbarrier.arrive $0xFFFF  }
0xc1: {  	_ =	strace $0x9000004D  }
0xc2: {  	s0 =	stileid.u32;
	[bflag:$0x2] =	sbarrier.arrive $0xFFFF  }
0xc3: {  	p0 =	sne.s32 s0, $0x0;
	s0 =	rddreg [dreg:$0x2]  }
0xc4: {  	s0 =	sadd.s32 @!p0 $0x100000, s0  }
0xc5: {  	[sflag:s0] =	ssyncadd.tile.s32 @!p0 $0x1;
	_ =	shalt  }
.Lfunc_end2:
_tile_overlayer_lowered:
.L_overlay_start_2:
0xc6: {  	(tag) =	ssettag $0x2  }
0xc7: {  	s0 =	rddreg [dreg:$0x0];
	s2 =	stileid.u32  }
0xc8: {  	s1 =	rddreg [dreg:$0x1];
	p0 =	sne.s32 s2, $0x0  }
0xc9: {  	s3 =	rddreg [dreg:$0x2];
	[bflag:$0x3] =	sbarrier.arrive $0xFFFF;
	s2 =	simm.s32 @!p0 $0x1C07  }
0xca: {  	[timem:s3], [sflag:s2] =	dma.local @!p0 [hbm:s0], s1  }
0xcb: {  	s0 =	simm.s32 @!p0 $0x7  }
0xcc: {  	_ =	swait.ge @!p0 [sflag:s0], s1  }
0xcd: {  	s1 =	ssub.s32 @!p0 $0x0, s1;
	[sflag:s0] =	ssyncset.done @!p0 $0x0  }
0xce: {  	[sflag:s0] =	ssyncadd.s32 @!p0 s1  }
0xcf: {  	[bflag:$0x3] =	sbarrier.arrive $0xFFFF  }
0xd0: {  	_ =	shalt  }

// kernel: kernel.19.cloned.1.call-start
scs
__scs_entry_jumppad:
0x0: {  	(pc) =	sbr.rel $0x88, $3  }
0x1: {  	(tag) =	ssettag $0x0;
	lr =	simm.s32 $0x1  }
0x2: {  	[smem:$0x3F97] =	sst lr;
	_ =	strace $0xD0000000  }
0x3: {  	_ = 	snop  }
0x4: {  	_ = 	snop  }
0x5: {  	_ = 	snop  }
0x6: {  	_ = 	snop  }
0x7: {  	_ = 	snop  }
__scs_overlays_trampoline_lowered:
0x8: {  	[smem:$0x3FA6] =	sst s0  }
0x9: {  	[smem:$0x3FA7] =	sst s1  }
0xa: {  	[smem:$0x3FA8] =	sst s2  }
0xb: {  	[smem:$0x3FA9] =	sst s3  }
0xc: {  	[smem:$0x3FAA] =	sst s4  }
0xd: {  	[smem:$0x3FAB] =	sst s5  }
0xe: {  	[smem:$0x3FAC] =	sst s6  }
0xf: {  	[smem:$0x3FAD] =	sst s7  }
0x10: {  	[smem:$0x3FAE] =	sst s8  }
0x11: {  	[smem:$0x3FAF] =	sst s9;
	s0 =	simm.s32 @!p0 $0x0  }
0x12: {  	s1 =	sld [smem:$0x3F95];
	s0 =	simm.s32 @p0 $0x1  }
0x13: {  	[smem:$0x3FB0] =	sst s0;
	s0 =	simm.s32 @!p1 $0x0  }
0x14: {  	s2 =	sld [smem:$0x3F94];
	s0 =	simm.s32 @p1 $0x1  }
0x15: {  	[smem:$0x3FB1] =	sst s0;
	s0 =	simm.s32 @!p2 $0x0  }
0x16: {  	s3 =	sld [smem:$0x3FDB];
	s0 =	simm.s32 @p2 $0x1  }
0x17: {  	s4 =	simm.s32 $0x1BF5;
	[smem:$0x3FB3] =	sst s0  }
0x18: {  	s0 =	sld [smem:$0x3F96];
	_ =	swait.ge [sflag:s4], $0x0  }
0x19: {  	s7 =	sld [smem:$0x3F97]  }
0x1a: {  	s8 =	sadd.s32 $0xFFFFE003, lr  }
0x1b: {  	s9 =	sadd.s32 $0xFFFFFEF7, lr;
	s5 =	simm.s32 $0xFFFFFFFF;
	p2 =	slt.u32 s8, $0xFFFFF086  }
0x1c: {  	p1 =	slt.u32 s9, $0xF7A;
	s5 =	simm.s32 @!p2 $0x0  }
0x1d: {  	s5 =	simm.s32 @p1 $0x1;
	p0 =	seq.s32 s7, s2  }
0x1e: {  	s7 =	smul.u32 @!p0 $0xF7A, s2;
	p2 =	seq.s32 @!p0 s5, $0x0  }
0x1f: {  	s9 =	smul.u32 $0xF7A, s1;
	s8 =	simm.s32 @!p0 $0x1BF5;
	p2 =	por !p2, p0  }
0x20: {  	[sflag:s8] =	ssyncset.s32 @!p0 $0xFFFFF086;
	s6 =	sadd.s32 @!p0 s3, s7;
	s7 =	simm.s32 @!p0 $0x108  }
0x21: {  	s3 =	sadd.s32 s3, s9;
	s6 =	sadd.s32 @!p0 $0x88, s6;
	s7 =	simm.s32 @p2 $0x1082  }
0x22: {  	[simem:s7], [sflag:s8] =	dma.local @!p0 [hbm:s6], $0xF7A  }
0x23: {  	s9 =	sor.u32 $0xD0000000, s2;
	s6 =	simm.s32 $0x108;
	_ =	swait.ge @!p0 [sflag:s8], $0x0  }
0x24: {  	s3 =	sadd.s32 $0x88, s3;
	s6 =	simm.s32 @!p1 $0x1082;
	[sflag:s4] =	ssyncset.s32 $0xFFFFF086  }
0x25: {  	[simem:s6], [sflag:s4] =	dma.local [hbm:s3], $0xF7A  }
0x26: {  	[smem:$0x3F97] =	sst s1;
	(tag) =	ssettag s2;
	_ =	strace s9  }
0x27: {  	s1 =	sld [smem:$0x3FA7]  }
0x28: {  	s2 =	sld [smem:$0x3FA8]  }
0x29: {  	s4 =	sld [smem:$0x3FAA]  }
0x2a: {  	p0 =	seq.s32 s5, $0x0;
	s5 =	sld [smem:$0x3FAB]  }
0x2b: {  	s6 =	sld [smem:$0x3FAC]  }
0x2c: {  	s7 =	sld [smem:$0x3FAD]  }
0x2d: {  	s3 =	simm.s32 $0x108;
	s8 =	sld [smem:$0x3FAE]  }
0x2e: {  	s3 =	simm.s32 @!p0 $0x1082;
	s9 =	sld [smem:$0x3FAF]  }
0x2f: {  	lr =	sadd.s32 s0, s3;
	s0 =	sld [smem:$0x3FA6]  }
0x30: {  	s3 =	sld [smem:$0x3FA9]  }
0x31: {  	[smem:$0x3FB2] =	sst s10  }
0x32: {  	s10 =	sld [smem:$0x3FB0];
	_ =	sdelay $0x3  }
0x33: {  	p0 =	seq.s32 s10, $0x1;
	s10 =	sld [smem:$0x3FB2];
	_ =	sdelay $0x3  }
0x34: {  	[smem:$0x3FB2] =	sst s10  }
0x35: {  	s10 =	sld [smem:$0x3FB1];
	_ =	sdelay $0x3  }
0x36: {  	p1 =	seq.s32 s10, $0x1;
	s10 =	sld [smem:$0x3FB2];
	_ =	sdelay $0x3  }
0x37: {  	[smem:$0x3FB2] =	sst s10  }
0x38: {  	s10 =	sld [smem:$0x3FB3]  }
0x39: {  	_ = 	snop;
	(pc) =	sbr.ind lr, $3  }
0x3a: {  	_ = 	snop  }
0x3b: {  	_ = 	snop  }
0x3c: {  	p2 =	seq.s32 s10, $0x1;
	s10 =	sld [smem:$0x3FB2]  }
0x3d: {  	_ =	shalt  }
0x3e: {  	_ =	shalt  }
0x3f: {  	_ =	shalt  }
0x40: {  	_ =	shalt  }
0x41: {  	_ =	shalt  }
0x42: {  	_ =	shalt  }
0x43: {  	_ =	shalt  }
0x44: {  	_ =	shalt  }
0x45: {  	_ =	shalt  }
0x46: {  	_ =	shalt  }
0x47: {  	_ =	shalt  }
0x48: {  	_ =	shalt  }
0x49: {  	_ =	shalt  }
0x4a: {  	_ =	shalt  }
0x4b: {  	_ =	shalt  }
0x4c: {  	_ =	shalt  }
0x4d: {  	_ =	shalt  }
0x4e: {  	_ =	shalt  }
0x4f: {  	_ =	shalt  }
0x50: {  	_ =	shalt  }
0x51: {  	_ =	shalt  }
0x52: {  	_ =	shalt  }
0x53: {  	_ =	shalt  }
0x54: {  	_ =	shalt  }
0x55: {  	_ =	shalt  }
0x56: {  	_ =	shalt  }
0x57: {  	_ =	shalt  }
0x58: {  	_ =	shalt  }
0x59: {  	_ =	shalt  }
0x5a: {  	_ =	shalt  }
0x5b: {  	_ =	shalt  }
0x5c: {  	_ =	shalt  }
0x5d: {  	_ =	shalt  }
0x5e: {  	_ =	shalt  }
0x5f: {  	_ =	shalt  }
0x60: {  	_ =	shalt  }
0x61: {  	_ =	shalt  }
0x62: {  	_ =	shalt  }
0x63: {  	_ =	shalt  }
0x64: {  	_ =	shalt  }
0x65: {  	_ =	shalt  }
0x66: {  	_ =	shalt  }
0x67: {  	_ =	shalt  }
0x68: {  	_ =	shalt  }
0x69: {  	_ =	shalt  }
0x6a: {  	_ =	shalt  }
0x6b: {  	_ =	shalt  }
0x6c: {  	_ =	shalt  }
0x6d: {  	_ =	shalt  }
0x6e: {  	_ =	shalt  }
0x6f: {  	_ =	shalt  }
0x70: {  	_ =	shalt  }
0x71: {  	_ =	shalt  }
0x72: {  	_ =	shalt  }
0x73: {  	_ =	shalt  }
0x74: {  	_ =	shalt  }
0x75: {  	_ =	shalt  }
0x76: {  	_ =	shalt  }
0x77: {  	_ =	shalt  }
0x78: {  	_ =	shalt  }
0x79: {  	_ =	shalt  }
0x7a: {  	_ =	shalt  }
0x7b: {  	_ =	shalt  }
0x7c: {  	_ =	shalt  }
0x7d: {  	_ =	shalt  }
0x7e: {  	_ =	shalt  }
0x7f: {  	_ =	shalt  }
0x80: {  	_ =	shalt  }
0x81: {  	_ =	shalt  }
0x82: {  	_ =	shalt  }
0x83: {  	_ =	shalt  }
0x84: {  	_ =	shalt  }
0x85: {  	_ =	shalt  }
0x86: {  	_ =	shalt  }
0x87: {  	_ =	shalt  }
.Lfunc_end0:
.L_simem_size_0:
called_computation.2_lowered:
.L_overlay_start_0:
0x88: {  	s2 =	sld [smem:$0x3FD9]  }
0x89: {  	s3 =	sld [smem:$0x3FFE];
	_ =	sdelay $0x1  }
0x8a: {  	s1 =	srdreg.scid  }
0x8b: {  	s0 =	sand.u32 $0x1, s1  }
0x8c: {  	s17 =	sshll.u32 s0, $0xA;
	s2 =	sadd.s32 s3, s2  }
0x8d: {  	s2 =	sadd.s32 s2, s17  }
0x8e: {  	[smem:$0x3FBE] =	sst s2  }
0x8f: {  	_ = 	snop  }
0x90: {  	s18 =	sld [smem:$0x3FD0];
	(tm) =	ssettm $0x1  }
0x91: {  	s19 =	sld [smem:$0x3FFB];
	_ =	sdelay $0x3  }
0x92: {  	_ =	strace s19  }
0x93: {  	s2 =	sld [smem:$0x3FFC];
	_ =	sdelay $0x3  }
0x94: {  	_ =	strace s2  }
0x95: {  	s2 =	sld [smem:$0x3FFD];
	_ =	sdelay $0x3  }
0x96: {  	_ =	strace s2  }
0x97: {  	_ =	strace $0x8FFFFFFF  }
0x98: {  	s20 =	sld [smem:$0x3FDB];
	_ =	sdelay $0x1  }
0x99: {  	s4 =	simm.s32 $_scs_section_size  }
0x9a: {  	s5 =	simm.s32 $_size__tile_overlayer_lowered;
	s6 =	simm.s32 $_tile_overlayer_lowered  }
0x9b: {  	s7 =	simm.s32 $0x1BFF;
	s21 =	sshll.u32 s6, $0x1;
	s4 =	sadd.s32 s4, s20  }
0x9c: {  	s22 =	simm.s32 $0x0;
	s5 =	sshll.u32 s5, $0x1;
	s6 =	sadd.s32 s21, s4  }
0x9d: {  	[timem:s22], [sflag:s7] =	dma.local [hbm:s6], s5  }
0x9e: {  	_ =	swait.ge [sflag:s7], s5  }
0x9f: {  	s5 =	ssub.s32 $0x0, s5;
	[sflag:s7] =	ssyncset.done $0x0  }
0xa0: {  	[sflag:s7] =	ssyncadd.s32 s5;
	_ =	sdelay $0x1  }
0xa1: {  	s23 =	simm.s32 $0x1B8B  }
0xa2: {  	_ =	swait.ge [sflag:s23], $0x1  }
0xa3: {  	[sflag:s23] =	ssyncset.done $0x0  }
0xa4: {  	[sflag:s23] =	ssyncadd.s32 $0xFFFFFFFF  }
0xa5: {  	s5 =	sld [smem:$0x0]  }
0xa6: {  	s6 =	sand.u32 $0xFFFFFFFE, s1  }
0xa7: {  	p0 =	sne.s32 s1, s6  }
0xa8: {  	s6 =	sshll.u32 @p0 s6, $0xE  }
0xa9: {  	s6 =	sadd.s32 @p0 $0x11B8D, s6;
	s7 =	sshll.u32 @p0 s5, $0x11  }
0xaa: {  	s6 =	sor.u32 @p0 s7, s6  }
0xab: {  	[sflag:s6] =	ssyncadd.remote.s32 @p0 $0x1;
	_ =	sdelay $0x1  }
0xac: {  	s6 =	simm.s32 @p0 $0x1B8D  }
0xad: {  	_ =	swait.eq @p0 [sflag:s6], $0x1  }
0xae: {  	[sflag:s6] =	ssyncadd.s32 @p0 $0xFFFFFFFF  }
0xaf: {  	s7 =	sshll.u32 @!p0 s1, $0xE  }
0xb0: {  	s7 =	sor.u32 @!p0 $0x4000, s7;
	s6 =	simm.s32 @!p0 $0x1B8D  }
0xb1: {  	s5 =	sshll.u32 @!p0 s5, $0x11;
	s7 =	sadd.s32 @!p0 $0x11B8D, s7;
	_ =	swait.eq @!p0 [sflag:s6], $0x1  }
0xb2: {  	s5 =	sor.u32 @!p0 s5, s7;
	[sflag:s6] =	ssyncadd.s32 @!p0 $0xFFFFFFFF  }
0xb3: {  	s25 =	simm.s32 $0x1B8E;
	s24 =	sld [smem:$0x3FFE];
	[sflag:s5] =	ssyncadd.remote.s32 @!p0 $0x1  }
0xb4: {  	s26 =	simm.s32 $execute0_lowered;
	[smem:$0x3FD2] =	sst s25  }
0xb5: {  	s6 =	sshll.u32 s26, $0x1;
	_ =	strace $0x80000049;
	[dreg:$0x1] =	wrdreg $0xFFFFFFFF  }
0xb6: {  	s28 =	simm.s32 $_size_execute0_lowered;
	s4 =	sadd.s32 s4, s6;
	[dreg:$0x0] =	wrdreg $0x0  }
0xb7: {  	s6 =	sshll.u32 s28, $0x1;
	[dreg:$0x2] =	wrdreg s4  }
0xb8: {  	[dreg:$0x3] =	wrdreg s6  }
0xb9: {  	[dreg:$0x4] =	wrdreg $0xC0  }
0xba: {  	_ =	task [dreg:s22], $0x5FFFF  }
0xbb: {  	[dreg:$0x1] =	wrdreg $0xFFFFFFFF  }
0xbc: {  	[dreg:$0x0] =	wrdreg $0x60  }
0xbd: {  	[dreg:$0x2] =	wrdreg s18  }
0xbe: {  	[dreg:$0x3] =	wrdreg s24  }
0xbf: {  	[dreg:$0x4] =	wrdreg $0xB  }
0xc0: {  	_ =	task.clear_ibuf [dreg:s22], $0x5FFFF;
	_ =	strace $0x90000049  }
0xc1: {  	s29 =	simm.s32 $0xB;
	_ =	strace $0x8000004B  }
0xc2: {  	_ =	swait.ge [sflag:s29], $0x1  }
0xc3: {  	[sflag:s29] =	ssyncadd.s32 $0xFFFFFFFF  }
0xc4: {  	_ =	strace $0x9000004B  }
0xc5: {  	_ =	sfence  }
0xc6: {  	s30 =	sld [smem:$0x0];
	_ =	sdelay $0x2  }
0xc7: {  	s31 =	sshll.u32 s1, $0xD;
	s1 =	sshrl.u32 s1, $0x2  }
0xc8: {  	s4 =	sand.u32 $0x4000, s31;
	s1 =	sadd.s32 s1, s30  }
0xc9: {  	s0 =	sor.u32 s4, s0;
	s1 =	sshll.u32 s1, $0x11  }
0xca: {  	s0 =	sor.u32 s1, s0  }
0xcb: {  	s0 =	sadd.s32 $0x8F2B, s0  }
0xcc: {  	[sflag:s0] =	ssyncadd.remote.s32 $0x1  }
0xcd: {  	_ =	sfence.sel $0xFFFF  }
0xce: {  	[dreg:$0x0] =	wrdreg $0xFFFFFFFF;
	(pc) =	sbr.abs _section_cstart, $3  }
0xcf: {  	[dreg:$0x1] =	wrdreg $0xFFFFFFFF  }
0xd0: {  	_ =	task.clear_ibuf [dreg:s22], $0x2FFFF;
	_ =	strace $0x9FFFFFFF  }
0xd1: {  	(tm) =	ssettm $0x7FFFFFFF  }
tec
execute0_lowered:
.L_overlay_start_1:
0x0: {  	(tag) =	ssettag $0x1  }
0x1: {  	s1 =	rddreg [dreg:$0x0]  }
0x2: {  	s0 =	rddreg [dreg:$0x1];
	s3 =	simm.s32 $0x0;
	s2 =	srdreg.scid  }
0x3: {  	s9 =	stileid.u32;
	s12 =	simm.s32 $0x7;
	s13 =	simm.s32 $0x80  }
0x4: {  	s14 =	simm.s32 $0x200;
	s15 =	simm.s32 $0x4200;
	s16 =	simm.s32 $0x1  }
0x5: {  	s17 =	simm.s32 $0x2;
	s20 =	simm.s32 $0x5;
	s21 =	simm.s32 $0x6  }
0x6: {  	s22 =	simm.s32 $0x0;
	[smem:$0x7FF] =	sst s3;
	s2 =	sand.u32 $0x1, s2  }
0x7: {  	s4 =	sadd.s32 $0xB7C00, s0;
	s5 =	sshll.u32 s9, $0x5;
	s7 =	sshll.u32 s9, $0xC  }
0x8: {  	s11 =	sshll.u32 s9, $0x1;
	_ =	strace $0x8000004A;
	s6 =	ssub.s32 $0x2, s2  }
0x9: {  	s5 =	sadd.s32 s5, s0;
	s0 =	sadd.s32 s7, s0;
	s30 =	sshll.u32 s2, $0x4  }
0xa: {  	s31 =	sor.u32 s2, s11;
	s8 =	sshrl.u32 s6, $0x1;
	s5 =	sadd.s32 s30, s5  }
0xb: {  	s9 =	sadd.s32 $0x34FE00, s0;
	s10 =	sadd.s32 $0xDEE00, s0;
	s6 =	ssub.s32 s6, s8  }
0xc: {  	s11 =	sor.u32 $0x20, s31;
	s7 =	sadd.s32 $0x10600, s5;
	s6 =	smax.u32 s6, $0x1  }
0xd: {  	s8 =	sshll.u32 s2, $0xB;
	[dreg:$0x3] =	wrdreg s6;
	s6 =	sadd.s32 $0x6800, s5  }
.LBB2_1:
0xe: {  	p0 =	por $0x1, $0x1  }
0xf: {  	s0 =	simm.s32 @!p0 $0x3  }
0x10: {  	_ =	swait.ge @!p0 [sflag:s0], $0x4000  }
0x11: {  	[sflag:s0] =	ssyncset.done @!p0 $0x0  }
0x12: {  	[sflag:s0] =	ssyncadd.s32 @!p0 $0xFFFFC000;
	s0 =	simm.s32 @!p0 $0x4  }
0x13: {  	_ =	swait.ge @!p0 [sflag:s0], $0x4000  }
0x14: {  	s2 =	sadd.s32 $0x0, s6;
	[sflag:s0] =	ssyncset.done @!p0 $0x0  }
0x15: {  	s2 =	sadd.s32 $0x4E20, s2;
	[sflag:s0] =	ssyncadd.s32 @!p0 $0xFFFFC000  }
0x16: {  	[tilespmem:s3], [sflag:$0x7] =	stream.linear.gather [hbm4b:s2+s3], $0x80, $0x38;
	[tilespmem:$0x10200] =	vst v63  }
0x17: {  	_ =	swait.ge [sflag:s12], $0x80  }
0x18: {  	s24 =	sadd.s32 $0x0, s7;
	[sflag:s12] =	ssyncset.done $0x0  }
0x19: {  	s0 =	sadd.s32 $0x4E20, s24;
	[sflag:s12] =	ssyncadd.s32 $0xFFFFFF80  }
0x1a: {  	[tilespmem:s13], [sflag:$0x7] =	stream.linear.gather [hbm4b:s0+s3], $0x80, $0x38;
	[tilespmem:$0x10200] =	vst v63  }
0x1b: {  	_ =	swait.ge [sflag:s12], $0x80  }
0x1c: {  	[sflag:s12] =	ssyncset.done $0x0  }
0x1d: {  	[sflag:s12] =	ssyncadd.s32 $0xFFFFFF80  }
0x1e: {  	[tilespmem:s14], [sflag:$0x1] =	stream.indirect.gather [hbm4b:s1+s13], $0x80, s3, s13, $0xb8;
	[tilespmem:$0x10200] =	vst v63  }
0x1f: {  	_ = 	snop  }
0x20: {  	[tilespmem:s15], [sflag:$0x2] =	stream.indirect.gather [hbm4b:s4+s13], $0x80, s13, s13, $0xb8;
	[tilespmem:$0x10200] =	vst v63  }
0x21: {  	_ =	swait.ge [sflag:s16], $0x4000  }
0x22: {  	[sflag:s16] =	ssyncset.done $0x0  }
0x23: {  	[sflag:s16] =	ssyncadd.s32 $0xFFFFC000  }
0x24: {  	p0 =	sgt.u32 s11, $0x4E1;
	_ =	swait.ge [sflag:s17], $0x4000  }
0x25: {  	p1 =	por @!p0 $0x1, $0x1;
	[sflag:s17] =	ssyncset.done $0x0  }
0x26: {  	s25 =	sadd.s32 s10, s8;
	p1 =	por p1, p0;
	[sflag:s17] =	ssyncadd.s32 $0xFFFFC000  }
0x27: {  	[hbm4b:s25+s3] =	stream.linear.scatter [tilespmem:s14], [sflag:$0x3], $0x4000, $0x38;
	[tilespmem:$0x10200] =	vst v63  }
0x28: {  	s26 =	sadd.s32 s9, s8;
	s2 =	simm.s32 @!p1 $0x5  }
0x29: {  	[hbm4b:s26+s3] =	stream.linear.scatter [tilespmem:s15], [sflag:$0x4], $0x4000, $0x38;
	[tilespmem:$0x10200] =	vst v63  }
0x2a: {  	_ =	swait.ge @!p1 [sflag:s2], $0x4000  }
0x2b: {  	[sflag:s2] =	ssyncset.done @!p1 $0x0  }
0x2c: {  	s0 =	simm.s32 @!p1 $0x6;
	[sflag:s2] =	ssyncadd.s32 @!p1 $0xFFFFC000  }
0x2d: {  	s28 =	simm.s32 $0x800;
	s31 =	simm.s32 @!p0 $0x0;
	_ =	swait.ge @!p1 [sflag:s0], $0x4000  }
0x2e: {  	s18 =	simm.s32 @!p0 $0x100;
	s2 =	sadd.s32 @!p0 $0x0, s6;
	[sflag:s0] =	ssyncset.done @!p1 $0x0  }
0x2f: {  	s5 =	simm.s32 @!p0 $0x7;
	s2 =	sadd.s32 @!p0 $0x5020, s2;
	[sflag:s0] =	ssyncadd.s32 @!p1 $0xFFFFC000  }
0x30: {  	[tilespmem:s18], [sflag:$0x7] =	stream.linear.gather @!p0 [hbm4b:s2+s31], $0x80, $0x38;
	[tilespmem:$0x10200] =	vst v63  }
0x31: {  	s23 =	sadd.s32 $0x20000, s9;
	s24 =	sadd.s32 $0x20000, s10;
	_ =	swait.ge @!p0 [sflag:s5], $0x80  }
0x32: {  	s19 =	simm.s32 @!p0 $0x80;
	s0 =	sadd.s32 @!p0 $0x0, s7;
	[sflag:s5] =	ssyncset.done @!p0 $0x0  }
0x33: {  	s2 =	sadd.s32 @!p0 $0x5020, s0;
	s0 =	simm.s32 @!p0 $0x180;
	[sflag:s5] =	ssyncadd.s32 @!p0 $0xFFFFFF80  }
0x34: {  	[tilespmem:s0], [sflag:$0x7] =	stream.linear.gather @!p0 [hbm4b:s2+s31], $0x80, $0x38;
	[tilespmem:$0x10200] =	vst v63  }
0x35: {  	s25 =	simm.s32 $0x400;
	s2 =	sadd.s32 @!p0 s10, s8;
	_ =	swait.ge @!p0 [sflag:s5], $0x80  }
0x36: {  	s26 =	sadd.s32 $0x40, s11;
	s29 =	sadd.s32 @!p0 $0x10000, s2;
	[sflag:s5] =	ssyncset.done @!p0 $0x0  }
0x37: {  	s2 =	sadd.s32 @!p0 s9, s8;
	[sflag:s5] =	ssyncadd.s32 @!p0 $0xFFFFFF80;
	s5 =	simm.s32 @!p0 $0x8200  }
0x38: {  	[tilespmem:s5], [sflag:$0x1] =	stream.indirect.gather @!p0 [hbm4b:s1+s19], $0x80, s18, s19, $0xb8;
	[tilespmem:$0x10200] =	vst v63  }
0x39: {  	s30 =	sadd.s32 @!p0 $0x10000, s2;
	s2 =	simm.s32 @!p0 $0xC200;
	s18 =	simm.s32 @!p0 $0x1  }
.LBB2_2:
0x3a: {  	[tilespmem:s2], [sflag:$0x2] =	stream.indirect.gather @!p0 [hbm4b:s4+s19], $0x80, s0, s19, $0xb8;
	[tilespmem:$0x10200] =	vst v63  }
0x3b: {  	s0 =	smov.u32 s28;
	s28 =	sadd.s32 $0x400, s28;
	_ =	swait.ge @!p0 [sflag:s18], $0x4000  }
0x3c: {  	s19 =	simm.s32 @!p0 $0x2;
	p1 =	sne.s32 s28, $0x5000;
	[sflag:s18] =	ssyncset.done @!p0 $0x0  }
0x3d: {  	[sflag:s18] =	ssyncadd.s32 @!p0 $0xFFFFC000  }
0x3e: {  	_ =	swait.ge @!p0 [sflag:s19], $0x4000  }
0x3f: {  	[sflag:s19] =	ssyncset.done @!p0 $0x0  }
0x40: {  	[sflag:s19] =	ssyncadd.s32 @!p0 $0xFFFFC000  }
0x41: {  	[hbm4b:s29+s31] =	stream.linear.scatter @!p0 [tilespmem:s5], [sflag:$0x5], $0x4000, $0x38;
	[tilespmem:$0x10200] =	vst v63  }
0x42: {  	p2 =	seq.s32 s25, $0x0  }
0x43: {  	[hbm4b:s30+s31] =	stream.linear.scatter @!p0 [tilespmem:s2], [sflag:$0x6], $0x4000, $0x38;
	[tilespmem:$0x10200] =	vst v63  }
0x44: {  	s2 =	simm.s32 @!p2 $0x3  }
0x45: {  	_ =	swait.ge @!p2 [sflag:s2], $0x4000  }
0x46: {  	[sflag:s2] =	ssyncset.done @!p2 $0x0  }
0x47: {  	[sflag:s2] =	ssyncadd.s32 @!p2 $0xFFFFC000;
	s2 =	simm.s32 @!p2 $0x4  }
0x48: {  	s5 =	sadd.s32 s25, s6;
	_ =	swait.ge @!p2 [sflag:s2], $0x4000  }
0x49: {  	s5 =	sadd.s32 $0x4E20, s5;
	[sflag:s2] =	ssyncset.done @!p2 $0x0  }
0x4a: {  	[sflag:s2] =	ssyncadd.s32 @!p2 $0xFFFFC000  }
0x4b: {  	[tilespmem:s3], [sflag:$0x7] =	stream.linear.gather [hbm4b:s5+s3], $0x80, $0x38;
	[tilespmem:$0x10200] =	vst v63  }
0x4c: {  	s2 =	sadd.s32 s25, s7;
	_ =	swait.ge [sflag:s12], $0x80  }
0x4d: {  	s2 =	sadd.s32 $0x4E20, s2;
	[sflag:s12] =	ssyncset.done $0x0  }
0x4e: {  	[sflag:s12] =	ssyncadd.s32 $0xFFFFFF80  }
0x4f: {  	[tilespmem:s13], [sflag:$0x7] =	stream.linear.gather [hbm4b:s2+s3], $0x80, $0x38;
	[tilespmem:$0x10200] =	vst v63  }
0x50: {  	_ =	swait.ge [sflag:s12], $0x80  }
0x51: {  	[sflag:s12] =	ssyncset.done $0x0  }
0x52: {  	p0 =	sgt.u32 s26, $0x4E1;
	[sflag:s12] =	ssyncadd.s32 $0xFFFFFF80  }
0x53: {  	[tilespmem:s14], [sflag:$0x1] =	stream.indirect.gather [hbm4b:s1+s13], $0x80, s3, s13, $0xb8;
	[tilespmem:$0x10200] =	vst v63  }
0x54: {  	p2 =	seq.s32 @!p0 s25, $0x0;
	s5 =	sadd.s32 @!p0 s24, s8;
	s2 =	sadd.s32 @!p0 s25, s7  }
0x55: {  	[tilespmem:s15], [sflag:$0x2] =	stream.indirect.gather [hbm4b:s4+s13], $0x80, s13, s13, $0xb8;
	[tilespmem:$0x10200] =	vst v63  }
0x56: {  	s29 =	sadd.s32 @!p0 $0x10000, s5;
	s5 =	sadd.s32 @!p0 s23, s8;
	_ =	swait.ge [sflag:s16], $0x4000  }
0x57: {  	s18 =	sadd.s32 @!p0 s25, s6;
	s30 =	sadd.s32 @!p0 $0x10000, s5;
	[sflag:s16] =	ssyncset.done $0x0  }
0x58: {  	s5 =	sadd.s32 @!p0 $0x5020, s18;
	s2 =	sadd.s32 @!p0 $0x5020, s2;
	[sflag:s16] =	ssyncadd.s32 $0xFFFFC000  }
0x59: {  	s25 =	smov.u32 s0;
	_ =	swait.ge [sflag:s17], $0x4000  }
0x5a: {  	[sflag:s17] =	ssyncset.done $0x0  }
0x5b: {  	p2 =	por p2, p0;
	s0 =	sadd.s32 s24, s8;
	[sflag:s17] =	ssyncadd.s32 $0xFFFFC000  }
0x5c: {  	[hbm4b:s0+s3] =	stream.linear.scatter [tilespmem:s14], [sflag:$0x3], $0x4000, $0x38;
	[tilespmem:$0x10200] =	vst v63  }
0x5d: {  	s18 =	simm.s32 @!p2 $0x5;
	s0 =	sadd.s32 s23, s8  }
0x5e: {  	[hbm4b:s0+s3] =	stream.linear.scatter [tilespmem:s15], [sflag:$0x4], $0x4000, $0x38;
	[tilespmem:$0x10200] =	vst v63  }
0x5f: {  	_ =	swait.ge @!p2 [sflag:s18], $0x4000  }
0x60: {  	s0 =	simm.s32 @!p2 $0x6;
	[sflag:s18] =	ssyncset.done @!p2 $0x0  }
0x61: {  	[sflag:s18] =	ssyncadd.s32 @!p2 $0xFFFFC000  }
0x62: {  	_ =	swait.ge @!p2 [sflag:s0], $0x4000  }
0x63: {  	s31 =	simm.s32 @!p0 $0x0;
	s18 =	simm.s32 @!p0 $0x100;
	[sflag:s0] =	ssyncset.done @!p2 $0x0  }
0x64: {  	s19 =	simm.s32 @!p0 $0x7;
	[sflag:s0] =	ssyncadd.s32 @!p2 $0xFFFFC000  }
0x65: {  	[tilespmem:s18], [sflag:$0x7] =	stream.linear.gather @!p0 [hbm4b:s5+s31], $0x80, $0x38;
	[tilespmem:$0x10200] =	vst v63  }
0x66: {  	_ =	swait.ge @!p0 [sflag:s19], $0x80  }
0x67: {  	[sflag:s19] =	ssyncset.done @!p0 $0x0  }
0x68: {  	s0 =	simm.s32 @!p0 $0x180;
	[sflag:s19] =	ssyncadd.s32 @!p0 $0xFFFFFF80  }
0x69: {  	[tilespmem:s0], [sflag:$0x7] =	stream.linear.gather @!p0 [hbm4b:s2+s31], $0x80, $0x38;
	[tilespmem:$0x10200] =	vst v63  }
.Ltmp0:
0x6a: {  	_ =	swait.ge @!p0 [sflag:s19], $0x80;
	(pc) =	sbr.rel @p1 .LBB2_2-.Ltmp0, $4  }
0x6b: {  	s26 =	sadd.s32 $0x40, s26;
	s2 =	simm.s32 @!p0 $0xC200;
	[sflag:s19] =	ssyncset.done @!p0 $0x0  }
0x6c: {  	s5 =	simm.s32 @!p0 $0x8200;
	[sflag:s19] =	ssyncadd.s32 @!p0 $0xFFFFFF80;
	s19 =	simm.s32 @!p0 $0x80  }
0x6d: {  	[tilespmem:s5], [sflag:$0x1] =	stream.indirect.gather @!p0 [hbm4b:s1+s19], $0x80, s18, s19, $0xb8;
	[tilespmem:$0x10200] =	vst v63  }
0x6e: {  	s24 =	sadd.s32 $0x20000, s24;
	s23 =	sadd.s32 $0x20000, s23;
	s18 =	simm.s32 @!p0 $0x1  }
0x6f: {  	[tilespmem:s2], [sflag:$0x2] =	stream.indirect.gather @!p0 [hbm4b:s4+s19], $0x80, s0, s19, $0xb8;
	[tilespmem:$0x10200] =	vst v63  }
0x70: {  	_ =	swait.ge @!p0 [sflag:s18], $0x4000  }
0x71: {  	[sflag:s18] =	ssyncset.done @!p0 $0x0  }
0x72: {  	s0 =	simm.s32 @!p0 $0x2;
	[sflag:s18] =	ssyncadd.s32 @!p0 $0xFFFFC000  }
0x73: {  	_ =	swait.ge @!p0 [sflag:s0], $0x4000  }
0x74: {  	[sflag:s0] =	ssyncset.done @!p0 $0x0  }
0x75: {  	p1 =	seq.s32 s25, $0x0;
	[sflag:s0] =	ssyncadd.s32 @!p0 $0xFFFFC000  }
0x76: {  	[hbm4b:s29+s31] =	stream.linear.scatter @!p0 [tilespmem:s5], [sflag:$0x5], $0x4000, $0x38;
	[tilespmem:$0x10200] =	vst v63  }
0x77: {  	s0 =	simm.s32 @!p1 $0x3  }
0x78: {  	[hbm4b:s30+s31] =	stream.linear.scatter @!p0 [tilespmem:s2], [sflag:$0x6], $0x4000, $0x38;
	[tilespmem:$0x10200] =	vst v63  }
0x79: {  	_ =	swait.ge @!p1 [sflag:s0], $0x4000  }
0x7a: {  	[sflag:s0] =	ssyncset.done @!p1 $0x0  }
0x7b: {  	[sflag:s0] =	ssyncadd.s32 @!p1 $0xFFFFC000;
	s0 =	simm.s32 @!p1 $0x4  }
0x7c: {  	_ =	swait.ge @!p1 [sflag:s0], $0x4000  }
0x7d: {  	s18 =	sadd.s32 s25, s6;
	[sflag:s0] =	ssyncset.done @!p1 $0x0  }
0x7e: {  	s2 =	sadd.s32 $0x4E20, s18;
	[sflag:s0] =	ssyncadd.s32 @!p1 $0xFFFFC000  }
0x7f: {  	[tilespmem:s3], [sflag:$0x7] =	stream.linear.gather [hbm4b:s2+s3], $0x80, $0x38;
	[tilespmem:$0x10200] =	vst v63  }
0x80: {  	_ =	swait.ge [sflag:s12], $0x80  }
0x81: {  	s19 =	sadd.s32 s25, s7;
	[sflag:s12] =	ssyncset.done $0x0  }
0x82: {  	s0 =	sadd.s32 $0x4E20, s19;
	[sflag:s12] =	ssyncadd.s32 $0xFFFFFF80  }
0x83: {  	[tilespmem:s13], [sflag:$0x7] =	stream.linear.gather [hbm4b:s0+s3], $0x80, $0x38;
	[tilespmem:$0x10200] =	vst v63  }
0x84: {  	_ =	swait.ge [sflag:s12], $0x80  }
0x85: {  	[sflag:s12] =	ssyncset.done $0x0  }
0x86: {  	[sflag:s12] =	ssyncadd.s32 $0xFFFFFF80  }
0x87: {  	[tilespmem:s14], [sflag:$0x1] =	stream.indirect.gather [hbm4b:s1+s13], $0x80, s3, s13, $0xb8;
	[tilespmem:$0x10200] =	vst v63  }
0x88: {  	_ = 	snop  }
0x89: {  	[tilespmem:s15], [sflag:$0x2] =	stream.indirect.gather [hbm4b:s4+s13], $0x80, s13, s13, $0xb8;
	[tilespmem:$0x10200] =	vst v63  }
0x8a: {  	_ =	swait.ge [sflag:s16], $0x4000  }
0x8b: {  	[sflag:s16] =	ssyncset.done $0x0  }
0x8c: {  	[sflag:s16] =	ssyncadd.s32 $0xFFFFC000  }
0x8d: {  	p0 =	sgt.u32 s26, $0x4E1;
	_ =	swait.ge [sflag:s17], $0x4000  }
0x8e: {  	p1 =	seq.s32 @!p0 s25, $0x0;
	[sflag:s17] =	ssyncset.done $0x0  }
0x8f: {  	s26 =	sadd.s32 s24, s8;
	p1 =	por p1, p0;
	[sflag:s17] =	ssyncadd.s32 $0xFFFFC000  }
0x90: {  	[hbm4b:s26+s3] =	stream.linear.scatter [tilespmem:s14], [sflag:$0x3], $0x4000, $0x38;
	[tilespmem:$0x10200] =	vst v63  }
0x91: {  	s28 =	sadd.s32 s23, s8;
	s2 =	simm.s32 @!p1 $0x5  }
0x92: {  	[hbm4b:s28+s3] =	stream.linear.scatter [tilespmem:s15], [sflag:$0x4], $0x4000, $0x38;
	[tilespmem:$0x10200] =	vst v63  }
0x93: {  	_ =	swait.ge @!p1 [sflag:s2], $0x4000  }
0x94: {  	[sflag:s2] =	ssyncset.done @!p1 $0x0  }
0x95: {  	s0 =	simm.s32 @!p1 $0x6;
	[sflag:s2] =	ssyncadd.s32 @!p1 $0xFFFFC000  }
0x96: {  	s5 =	simm.s32 @!p0 $0x0;
	_ =	swait.ge @!p1 [sflag:s0], $0x4000  }
0x97: {  	s18 =	simm.s32 @!p0 $0x100;
	s2 =	sadd.s32 @!p0 s25, s6;
	[sflag:s0] =	ssyncset.done @!p1 $0x0  }
0x98: {  	s2 =	sadd.s32 @!p0 $0x5020, s2;
	[sflag:s0] =	ssyncadd.s32 @!p1 $0xFFFFC000;
	s0 =	simm.s32 @!p0 $0x7  }
0x99: {  	[tilespmem:s18], [sflag:$0x7] =	stream.linear.gather @!p0 [hbm4b:s2+s5], $0x80, $0x38;
	[tilespmem:$0x10200] =	vst v63  }
0x9a: {  	_ =	swait.ge @!p0 [sflag:s0], $0x80  }
0x9b: {  	s2 =	sadd.s32 @!p0 s25, s7;
	[sflag:s0] =	ssyncset.done @!p0 $0x0  }
0x9c: {  	s19 =	simm.s32 @!p0 $0x180;
	s2 =	sadd.s32 @!p0 $0x5020, s2;
	[sflag:s0] =	ssyncadd.s32 @!p0 $0xFFFFFF80  }
0x9d: {  	[tilespmem:s19], [sflag:$0x7] =	stream.linear.gather @!p0 [hbm4b:s2+s5], $0x80, $0x38;
	[tilespmem:$0x10200] =	vst v63  }
0x9e: {  	_ =	swait.ge @!p0 [sflag:s0], $0x80  }
0x9f: {  	[sflag:s0] =	ssyncset.done @!p0 $0x0  }
0xa0: {  	s2 =	simm.s32 @!p0 $0x8200;
	[sflag:s0] =	ssyncadd.s32 @!p0 $0xFFFFFF80;
	s0 =	simm.s32 @!p0 $0x80  }
0xa1: {  	[tilespmem:s2], [sflag:$0x1] =	stream.indirect.gather @!p0 [hbm4b:s1+s0], $0x80, s18, s0, $0xb8;
	[tilespmem:$0x10200] =	vst v63  }
0xa2: {  	s18 =	simm.s32 @!p0 $0xC200  }
0xa3: {  	[tilespmem:s18], [sflag:$0x2] =	stream.indirect.gather @!p0 [hbm4b:s4+s0], $0x80, s19, s0, $0xb8;
	[tilespmem:$0x10200] =	vst v63  }
0xa4: {  	s0 =	simm.s32 @!p0 $0x1  }
0xa5: {  	_ =	swait.ge @!p0 [sflag:s0], $0x4000  }
0xa6: {  	[sflag:s0] =	ssyncset.done @!p0 $0x0  }
0xa7: {  	[sflag:s0] =	ssyncadd.s32 @!p0 $0xFFFFC000;
	s0 =	simm.s32 @!p0 $0x2  }
0xa8: {  	_ =	swait.ge @!p0 [sflag:s0], $0x4000  }
0xa9: {  	s19 =	sadd.s32 @!p0 s24, s8;
	[sflag:s0] =	ssyncset.done @!p0 $0x0  }
0xaa: {  	[sflag:s0] =	ssyncadd.s32 @!p0 $0xFFFFC000;
	s0 =	sadd.s32 @!p0 $0x10000, s19  }
0xab: {  	[hbm4b:s0+s5] =	stream.linear.scatter @!p0 [tilespmem:s2], [sflag:$0x5], $0x4000, $0x38;
	[tilespmem:$0x10200] =	vst v63  }
0xac: {  	s0 =	sadd.s32 @!p0 s23, s8  }
0xad: {  	s29 =	simm.s32 $0x3;
	s0 =	sadd.s32 @!p0 $0x10000, s0  }
0xae: {  	[hbm4b:s0+s5] =	stream.linear.scatter @!p0 [tilespmem:s18], [sflag:$0x6], $0x4000, $0x38;
	[tilespmem:$0x10200] =	vst v63  }
0xaf: {  	_ =	swait.ge [sflag:s29], $0x4000  }
0xb0: {  	[sflag:s29] =	ssyncset.done $0x0  }
0xb1: {  	s30 =	simm.s32 $0x4;
	[sflag:s29] =	ssyncadd.s32 $0xFFFFC000  }
0xb2: {  	_ =	swait.ge [sflag:s30], $0x4000  }
0xb3: {  	[sflag:s30] =	ssyncset.done $0x0  }
0xb4: {  	[sflag:s30] =	ssyncadd.s32 $0xFFFFC000  }
0xb5: {  	_ =	swait.ge [sflag:s20], $0x4000  }
0xb6: {  	[sflag:s20] =	ssyncset.done $0x0  }
0xb7: {  	[sflag:s20] =	ssyncadd.s32 $0xFFFFC000  }
0xb8: {  	_ =	swait.ge [sflag:s21], $0x4000  }
0xb9: {  	s22 =	sadd.s32 $0x1, s22;
	s31 =	rddreg [dreg:$0x3]  }
0xba: {  	p0 =	sne.s32 s22, s31  }
.Ltmp1:
0xbb: {  	_ = 	snop;
	(pc) =	sbr.rel @p0 .LBB2_1-.Ltmp1, $3  }
0xbc: {  	_ =	sdelay $0x1  }
0xbd: {  	[sflag:s21] =	ssyncset.done $0x0  }
0xbe: {  	[sflag:s21] =	ssyncadd.s32 $0xFFFFC000  }
0xbf: {  	_ =	sfence.sel $0x180000  }
0xc0: {  	[bflag:$0x0] =	sbarrier.arrive $0xFFFF  }
0xc1: {  	_ =	strace $0x9000004A  }
0xc2: {  	s0 =	stileid.u32;
	[bflag:$0x2] =	sbarrier.arrive $0xFFFF  }
0xc3: {  	p0 =	sne.s32 s0, $0x0;
	s0 =	rddreg [dreg:$0x2]  }
0xc4: {  	s0 =	sadd.s32 @!p0 $0x100000, s0  }
0xc5: {  	[sflag:s0] =	ssyncadd.tile.s32 @!p0 $0x1;
	_ =	shalt  }
.Lfunc_end2:
_tile_overlayer_lowered:
.L_overlay_start_2:
0xc6: {  	(tag) =	ssettag $0x2  }
0xc7: {  	s0 =	rddreg [dreg:$0x0];
	s2 =	stileid.u32  }
0xc8: {  	s1 =	rddreg [dreg:$0x1];
	p0 =	sne.s32 s2, $0x0  }
0xc9: {  	s3 =	rddreg [dreg:$0x2];
	[bflag:$0x3] =	sbarrier.arrive $0xFFFF;
	s2 =	simm.s32 @!p0 $0x1C07  }
0xca: {  	[timem:s3], [sflag:s2] =	dma.local @!p0 [hbm:s0], s1  }
0xcb: {  	s0 =	simm.s32 @!p0 $0x7  }
0xcc: {  	_ =	swait.ge @!p0 [sflag:s0], s1  }
0xcd: {  	s1 =	ssub.s32 @!p0 $0x0, s1;
	[sflag:s0] =	ssyncset.done @!p0 $0x0  }
0xce: {  	[sflag:s0] =	ssyncadd.s32 @!p0 s1  }
0xcf: {  	[bflag:$0x3] =	sbarrier.arrive $0xFFFF  }
0xd0: {  	_ =	shalt  }

// kernel: kernel.22.cloned.1.call-start
scs
__scs_entry_jumppad:
0x0: {  	(pc) =	sbr.rel $0x88, $3  }
0x1: {  	(tag) =	ssettag $0x0;
	lr =	simm.s32 $0x1  }
0x2: {  	[smem:$0x3F97] =	sst lr;
	_ =	strace $0xD0000000  }
0x3: {  	_ = 	snop  }
0x4: {  	_ = 	snop  }
0x5: {  	_ = 	snop  }
0x6: {  	_ = 	snop  }
0x7: {  	_ = 	snop  }
__scs_overlays_trampoline_lowered:
0x8: {  	[smem:$0x3FA6] =	sst s0  }
0x9: {  	[smem:$0x3FA7] =	sst s1  }
0xa: {  	[smem:$0x3FA8] =	sst s2  }
0xb: {  	[smem:$0x3FA9] =	sst s3  }
0xc: {  	[smem:$0x3FAA] =	sst s4  }
0xd: {  	[smem:$0x3FAB] =	sst s5  }
0xe: {  	[smem:$0x3FAC] =	sst s6  }
0xf: {  	[smem:$0x3FAD] =	sst s7  }
0x10: {  	[smem:$0x3FAE] =	sst s8  }
0x11: {  	[smem:$0x3FAF] =	sst s9;
	s0 =	simm.s32 @!p0 $0x0  }
0x12: {  	s1 =	sld [smem:$0x3F95];
	s0 =	simm.s32 @p0 $0x1  }
0x13: {  	[smem:$0x3FB0] =	sst s0;
	s0 =	simm.s32 @!p1 $0x0  }
0x14: {  	s2 =	sld [smem:$0x3F94];
	s0 =	simm.s32 @p1 $0x1  }
0x15: {  	[smem:$0x3FB1] =	sst s0;
	s0 =	simm.s32 @!p2 $0x0  }
0x16: {  	s3 =	sld [smem:$0x3FDB];
	s0 =	simm.s32 @p2 $0x1  }
0x17: {  	s4 =	simm.s32 $0x1BF5;
	[smem:$0x3FB3] =	sst s0  }
0x18: {  	s0 =	sld [smem:$0x3F96];
	_ =	swait.ge [sflag:s4], $0x0  }
0x19: {  	s7 =	sld [smem:$0x3F97]  }
0x1a: {  	s8 =	sadd.s32 $0xFFFFE003, lr  }
0x1b: {  	s9 =	sadd.s32 $0xFFFFFEF7, lr;
	s5 =	simm.s32 $0xFFFFFFFF;
	p2 =	slt.u32 s8, $0xFFFFF086  }
0x1c: {  	p1 =	slt.u32 s9, $0xF7A;
	s5 =	simm.s32 @!p2 $0x0  }
0x1d: {  	s5 =	simm.s32 @p1 $0x1;
	p0 =	seq.s32 s7, s2  }
0x1e: {  	s7 =	smul.u32 @!p0 $0xF7A, s2;
	p2 =	seq.s32 @!p0 s5, $0x0  }
0x1f: {  	s9 =	smul.u32 $0xF7A, s1;
	s8 =	simm.s32 @!p0 $0x1BF5;
	p2 =	por !p2, p0  }
0x20: {  	[sflag:s8] =	ssyncset.s32 @!p0 $0xFFFFF086;
	s6 =	sadd.s32 @!p0 s3, s7;
	s7 =	simm.s32 @!p0 $0x108  }
0x21: {  	s3 =	sadd.s32 s3, s9;
	s6 =	sadd.s32 @!p0 $0x88, s6;
	s7 =	simm.s32 @p2 $0x1082  }
0x22: {  	[simem:s7], [sflag:s8] =	dma.local @!p0 [hbm:s6], $0xF7A  }
0x23: {  	s9 =	sor.u32 $0xD0000000, s2;
	s6 =	simm.s32 $0x108;
	_ =	swait.ge @!p0 [sflag:s8], $0x0  }
0x24: {  	s3 =	sadd.s32 $0x88, s3;
	s6 =	simm.s32 @!p1 $0x1082;
	[sflag:s4] =	ssyncset.s32 $0xFFFFF086  }
0x25: {  	[simem:s6], [sflag:s4] =	dma.local [hbm:s3], $0xF7A  }
0x26: {  	[smem:$0x3F97] =	sst s1;
	(tag) =	ssettag s2;
	_ =	strace s9  }
0x27: {  	s1 =	sld [smem:$0x3FA7]  }
0x28: {  	s2 =	sld [smem:$0x3FA8]  }
0x29: {  	s4 =	sld [smem:$0x3FAA]  }
0x2a: {  	p0 =	seq.s32 s5, $0x0;
	s5 =	sld [smem:$0x3FAB]  }
0x2b: {  	s6 =	sld [smem:$0x3FAC]  }
0x2c: {  	s7 =	sld [smem:$0x3FAD]  }
0x2d: {  	s3 =	simm.s32 $0x108;
	s8 =	sld [smem:$0x3FAE]  }
0x2e: {  	s3 =	simm.s32 @!p0 $0x1082;
	s9 =	sld [smem:$0x3FAF]  }
0x2f: {  	lr =	sadd.s32 s0, s3;
	s0 =	sld [smem:$0x3FA6]  }
0x30: {  	s3 =	sld [smem:$0x3FA9]  }
0x31: {  	[smem:$0x3FB2] =	sst s10  }
0x32: {  	s10 =	sld [smem:$0x3FB0];
	_ =	sdelay $0x3  }
0x33: {  	p0 =	seq.s32 s10, $0x1;
	s10 =	sld [smem:$0x3FB2];
	_ =	sdelay $0x3  }
0x34: {  	[smem:$0x3FB2] =	sst s10  }
0x35: {  	s10 =	sld [smem:$0x3FB1];
	_ =	sdelay $0x3  }
0x36: {  	p1 =	seq.s32 s10, $0x1;
	s10 =	sld [smem:$0x3FB2];
	_ =	sdelay $0x3  }
0x37: {  	[smem:$0x3FB2] =	sst s10  }
0x38: {  	s10 =	sld [smem:$0x3FB3]  }
0x39: {  	_ = 	snop;
	(pc) =	sbr.ind lr, $3  }
0x3a: {  	_ = 	snop  }
0x3b: {  	_ = 	snop  }
0x3c: {  	p2 =	seq.s32 s10, $0x1;
	s10 =	sld [smem:$0x3FB2]  }
0x3d: {  	_ =	shalt  }
0x3e: {  	_ =	shalt  }
0x3f: {  	_ =	shalt  }
0x40: {  	_ =	shalt  }
0x41: {  	_ =	shalt  }
0x42: {  	_ =	shalt  }
0x43: {  	_ =	shalt  }
0x44: {  	_ =	shalt  }
0x45: {  	_ =	shalt  }
0x46: {  	_ =	shalt  }
0x47: {  	_ =	shalt  }
0x48: {  	_ =	shalt  }
0x49: {  	_ =	shalt  }
0x4a: {  	_ =	shalt  }
0x4b: {  	_ =	shalt  }
0x4c: {  	_ =	shalt  }
0x4d: {  	_ =	shalt  }
0x4e: {  	_ =	shalt  }
0x4f: {  	_ =	shalt  }
0x50: {  	_ =	shalt  }
0x51: {  	_ =	shalt  }
0x52: {  	_ =	shalt  }
0x53: {  	_ =	shalt  }
0x54: {  	_ =	shalt  }
0x55: {  	_ =	shalt  }
0x56: {  	_ =	shalt  }
0x57: {  	_ =	shalt  }
0x58: {  	_ =	shalt  }
0x59: {  	_ =	shalt  }
0x5a: {  	_ =	shalt  }
0x5b: {  	_ =	shalt  }
0x5c: {  	_ =	shalt  }
0x5d: {  	_ =	shalt  }
0x5e: {  	_ =	shalt  }
0x5f: {  	_ =	shalt  }
0x60: {  	_ =	shalt  }
0x61: {  	_ =	shalt  }
0x62: {  	_ =	shalt  }
0x63: {  	_ =	shalt  }
0x64: {  	_ =	shalt  }
0x65: {  	_ =	shalt  }
0x66: {  	_ =	shalt  }
0x67: {  	_ =	shalt  }
0x68: {  	_ =	shalt  }
0x69: {  	_ =	shalt  }
0x6a: {  	_ =	shalt  }
0x6b: {  	_ =	shalt  }
0x6c: {  	_ =	shalt  }
0x6d: {  	_ =	shalt  }
0x6e: {  	_ =	shalt  }
0x6f: {  	_ =	shalt  }
0x70: {  	_ =	shalt  }
0x71: {  	_ =	shalt  }
0x72: {  	_ =	shalt  }
0x73: {  	_ =	shalt  }
0x74: {  	_ =	shalt  }
0x75: {  	_ =	shalt  }
0x76: {  	_ =	shalt  }
0x77: {  	_ =	shalt  }
0x78: {  	_ =	shalt  }
0x79: {  	_ =	shalt  }
0x7a: {  	_ =	shalt  }
0x7b: {  	_ =	shalt  }
0x7c: {  	_ =	shalt  }
0x7d: {  	_ =	shalt  }
0x7e: {  	_ =	shalt  }
0x7f: {  	_ =	shalt  }
0x80: {  	_ =	shalt  }
0x81: {  	_ =	shalt  }
0x82: {  	_ =	shalt  }
0x83: {  	_ =	shalt  }
0x84: {  	_ =	shalt  }
0x85: {  	_ =	shalt  }
0x86: {  	_ =	shalt  }
0x87: {  	_ =	shalt  }
.Lfunc_end0:
.L_simem_size_0:
called_computation.3_lowered:
.L_overlay_start_0:
0x88: {  	s2 =	sld [smem:$0x3FD9]  }
0x89: {  	s3 =	sld [smem:$0x3FFE];
	_ =	sdelay $0x1  }
0x8a: {  	s1 =	srdreg.scid  }
0x8b: {  	s0 =	sand.u32 $0x1, s1  }
0x8c: {  	s17 =	sshll.u32 s0, $0xA;
	s2 =	sadd.s32 s3, s2  }
0x8d: {  	s2 =	sadd.s32 s2, s17  }
0x8e: {  	[smem:$0x3FBE] =	sst s2  }
0x8f: {  	_ = 	snop  }
0x90: {  	s18 =	sld [smem:$0x3FD0];
	(tm) =	ssettm $0x1  }
0x91: {  	s19 =	sld [smem:$0x3FFB];
	_ =	sdelay $0x3  }
0x92: {  	_ =	strace s19  }
0x93: {  	s2 =	sld [smem:$0x3FFC];
	_ =	sdelay $0x3  }
0x94: {  	_ =	strace s2  }
0x95: {  	s2 =	sld [smem:$0x3FFD];
	_ =	sdelay $0x3  }
0x96: {  	_ =	strace s2  }
0x97: {  	_ =	strace $0x8FFFFFFF  }
0x98: {  	s20 =	sld [smem:$0x3FDB];
	_ =	sdelay $0x1  }
0x99: {  	s4 =	simm.s32 $_scs_section_size  }
0x9a: {  	s5 =	simm.s32 $_size__tile_overlayer_lowered;
	s6 =	simm.s32 $_tile_overlayer_lowered  }
0x9b: {  	s7 =	simm.s32 $0x1BFF;
	s21 =	sshll.u32 s6, $0x1;
	s4 =	sadd.s32 s4, s20  }
0x9c: {  	s22 =	simm.s32 $0x0;
	s5 =	sshll.u32 s5, $0x1;
	s6 =	sadd.s32 s21, s4  }
0x9d: {  	[timem:s22], [sflag:s7] =	dma.local [hbm:s6], s5  }
0x9e: {  	_ =	swait.ge [sflag:s7], s5  }
0x9f: {  	s5 =	ssub.s32 $0x0, s5;
	[sflag:s7] =	ssyncset.done $0x0  }
0xa0: {  	[sflag:s7] =	ssyncadd.s32 s5;
	_ =	sdelay $0x1  }
0xa1: {  	s23 =	simm.s32 $0x1B8B  }
0xa2: {  	_ =	swait.ge [sflag:s23], $0x1  }
0xa3: {  	[sflag:s23] =	ssyncset.done $0x0  }
0xa4: {  	[sflag:s23] =	ssyncadd.s32 $0xFFFFFFFF  }
0xa5: {  	s5 =	sld [smem:$0x0]  }
0xa6: {  	s6 =	sand.u32 $0xFFFFFFFE, s1  }
0xa7: {  	p0 =	sne.s32 s1, s6  }
0xa8: {  	s6 =	sshll.u32 @p0 s6, $0xE  }
0xa9: {  	s6 =	sadd.s32 @p0 $0x11B8D, s6;
	s7 =	sshll.u32 @p0 s5, $0x11  }
0xaa: {  	s6 =	sor.u32 @p0 s7, s6  }
0xab: {  	[sflag:s6] =	ssyncadd.remote.s32 @p0 $0x1;
	_ =	sdelay $0x1  }
0xac: {  	s6 =	simm.s32 @p0 $0x1B8D  }
0xad: {  	_ =	swait.eq @p0 [sflag:s6], $0x1  }
0xae: {  	[sflag:s6] =	ssyncadd.s32 @p0 $0xFFFFFFFF  }
0xaf: {  	s7 =	sshll.u32 @!p0 s1, $0xE  }
0xb0: {  	s7 =	sor.u32 @!p0 $0x4000, s7;
	s6 =	simm.s32 @!p0 $0x1B8D  }
0xb1: {  	s5 =	sshll.u32 @!p0 s5, $0x11;
	s7 =	sadd.s32 @!p0 $0x11B8D, s7;
	_ =	swait.eq @!p0 [sflag:s6], $0x1  }
0xb2: {  	s5 =	sor.u32 @!p0 s5, s7;
	[sflag:s6] =	ssyncadd.s32 @!p0 $0xFFFFFFFF  }
0xb3: {  	s25 =	simm.s32 $0x1B8E;
	s24 =	sld [smem:$0x3FFE];
	[sflag:s5] =	ssyncadd.remote.s32 @!p0 $0x1  }
0xb4: {  	s26 =	simm.s32 $execute0_lowered;
	[smem:$0x3FD2] =	sst s25  }
0xb5: {  	s6 =	sshll.u32 s26, $0x1;
	_ =	strace $0x80000052;
	[dreg:$0x1] =	wrdreg $0xFFFFFFFF  }
0xb6: {  	s28 =	simm.s32 $_size_execute0_lowered;
	s4 =	sadd.s32 s4, s6;
	[dreg:$0x0] =	wrdreg $0x0  }
0xb7: {  	s6 =	sshll.u32 s28, $0x1;
	[dreg:$0x2] =	wrdreg s4  }
0xb8: {  	[dreg:$0x3] =	wrdreg s6  }
0xb9: {  	[dreg:$0x4] =	wrdreg $0xC0  }
0xba: {  	_ =	task [dreg:s22], $0x5FFFF  }
0xbb: {  	[dreg:$0x1] =	wrdreg $0xFFFFFFFF  }
0xbc: {  	[dreg:$0x0] =	wrdreg $0x60  }
0xbd: {  	[dreg:$0x2] =	wrdreg s24  }
0xbe: {  	[dreg:$0x3] =	wrdreg s18  }
0xbf: {  	[dreg:$0x4] =	wrdreg $0x68000  }
0xc0: {  	[dreg:$0x5] =	wrdreg $0x9  }
0xc1: {  	_ =	task.clear_ibuf [dreg:s22], $0x6FFFF;
	_ =	strace $0x90000052  }
0xc2: {  	s29 =	simm.s32 $0x9;
	_ =	strace $0x80000054  }
0xc3: {  	_ =	swait.ge [sflag:s29], $0x1  }
0xc4: {  	[sflag:s29] =	ssyncadd.s32 $0xFFFFFFFF  }
0xc5: {  	_ =	strace $0x90000054  }
0xc6: {  	_ =	sfence  }
0xc7: {  	s30 =	sld [smem:$0x0];
	_ =	sdelay $0x2  }
0xc8: {  	s31 =	sshll.u32 s1, $0xD;
	s1 =	sshrl.u32 s1, $0x2  }
0xc9: {  	s4 =	sand.u32 $0x4000, s31;
	s1 =	sadd.s32 s1, s30  }
0xca: {  	s0 =	sor.u32 s4, s0;
	s1 =	sshll.u32 s1, $0x11  }
0xcb: {  	s0 =	sor.u32 s1, s0  }
0xcc: {  	s0 =	sadd.s32 $0x8F2B, s0  }
0xcd: {  	[sflag:s0] =	ssyncadd.remote.s32 $0x1  }
0xce: {  	_ =	sfence.sel $0xFFFF  }
0xcf: {  	[dreg:$0x0] =	wrdreg $0xFFFFFFFF;
	(pc) =	sbr.abs _section_cstart, $3  }
0xd0: {  	[dreg:$0x1] =	wrdreg $0xFFFFFFFF  }
0xd1: {  	_ =	task.clear_ibuf [dreg:s22], $0x2FFFF;
	_ =	strace $0x9FFFFFFF  }
0xd2: {  	(tm) =	ssettm $0x7FFFFFFF  }
0xd3: {  	_ =	shalt  }
tec
execute0_lowered:
.L_overlay_start_1:
0x0: {  	(tag) =	ssettag $0x1  }
0x1: {  	s7 =	rddreg [dreg:$0x0]  }
0x2: {  	s8 =	rddreg [dreg:$0x1]  }
0x3: {  	s1 =	rddreg [dreg:$0x2]  }
0x4: {  	s0 =	rddreg [dreg:$0x3];
	s3 =	simm.s32 $0x0;
	s2 =	stileid.u32  }
0x5: {  	s5 =	srdreg.scid;
	[smem:$0x7FF] =	sst s3  }
0x6: {  	s4 =	sshll.u32 s2, $0xC;
	s9 =	smul.u32 $0x13800, s2;
	s21 =	sshll.u32 s2, $0x5  }
0x7: {  	s10 =	sand.u32 $0x1, s5;
	s13 =	smul.u32 $0x4E000, s2;
	s14 =	sadd.s32 $0x30A600, s7  }
0x8: {  	s24 =	sshll.u32 s2, $0x1;
	s28 =	sshll.u32 s2, $0x6;
	s18 =	sadd.s32 $0x138000, s1  }
0x9: {  	p0 =	sne.s32 s2, $0xF;
	_ =	strace $0x80000053;
	s11 =	sadd.s32 s4, s7  }
0xa: {  	s12 =	sadd.s32 s21, s7;
	s5 =	ssub.s32 $0x2, s10;
	s4 =	sor.u32 s10, s24  }
0xb: {  	s26 =	smul.u32 $0x138800, s10;
	s29 =	sshll.u32 s10, $0x4;
	s30 =	sshll.u32 s10, $0xB  }
0xc: {  	s22 =	sshrl.u32 s9, $0x3;
	s23 =	sshrl.u32 s5, $0x1;
	s25 =	sshrl.u32 s13, $0x2  }
0xd: {  	s17 =	smul.u32 $0x4E2, s4;
	s12 =	sadd.s32 s29, s12;
	s31 =	sadd.s32 s30, s11  }
0xe: {  	s6 =	sadd.s32 s22, s7;
	s15 =	ssub.s32 s5, s23;
	s16 =	sadd.s32 s25, s1  }
0xf: {  	s9 =	sadd.s32 s9, s26;
	s7 =	sadd.s32 $0x41400, s7;
	s13 =	sshrl.u32 s26, $0x3  }
0x10: {  	s12 =	sadd.s32 $0x10600, s12;
	s5 =	sadd.s32 $0x1A400, s6;
	s6 =	sor.u32 $0x1C01, s28  }
0x11: {  	s9 =	sshrl.u32 s9, $0x3;
	s8 =	sadd.s32 s8, s17;
	s13 =	sadd.s32 s14, s13  }
0x12: {  	s11 =	smax.u32 s15, $0x1;
	s15 =	simm.s32 $0x1;
	s17 =	simm.s32 $0x4080  }
0x13: {  	s9 =	sadd.s32 s14, s9;
	s10 =	sadd.s32 $0x27000, s13;
	s13 =	sadd.s32 $0x99600, s31  }
0x14: {  	v0 =	vimm.f32 $0.0e+00;
	s14 =	sshrl.u32 s16, $0x3;
	s16 =	sshrl.u32 @!p0 s18, $0x3;
	s18 =	simm.s32 $0x0  }
.LBB2_1:
0x15: {  	[spmem:s14], [sflag:s6] =	dma.local [hbm:s5], $0x2700  }
0x16: {  	_ =	swait.ge [sflag:s15], $0x2700  }
0x17: {  	[sflag:s15] =	ssyncset.done $0x0  }
0x18: {  	s19 =	simm.s32 @!p0 $0x1;
	[sflag:s15] =	ssyncadd.s32 $0xFFFFD900  }
0x19: {  	[spmem:s16], [sflag:s6] =	dma.local @!p0 [hbm:s7], $0x100  }
0x1a: {  	_ =	swait.ge @!p0 [sflag:s19], $0x100  }
0x1b: {  	[sflag:s19] =	ssyncset.done @!p0 $0x0  }
0x1c: {  	s20 =	simm.s32 $0x0;
	[sflag:s19] =	ssyncadd.s32 @!p0 $0xFFFFFF00;
	s19 =	simm.s32 $0x40  }
.LBB2_2:
0x1d: {  	p1 =	sne.s32 s19, $0x9C00;
	[tilespmem:s20+$0x4080] =	vst v0;
	s20 =	smov.u32 s19;
	s19 =	sadd.s32 $0x40, s19  }
.Ltmp0:
0x1e: {  	(pc) =	sbr.rel @p1 .LBB2_2-.Ltmp0, $2  }
0x1f: {  	_ =	sdelay $0x2  }
0x20: {  	s20 =	sshra.s32 s20, $0x2  }
0x21: {  	[tilespmem:s20+$0x4080] =	vst v0;
	s19 =	simm.s32 $0x0  }
0x22: {  	s20 =	smov.u32 s13;
	s21 =	smov.u32 s12;
	[bflag:$0x0] =	sbarrier.arrive $0xFFFF  }
.LBB2_4:
0x23: {  	s22 =	sadd.s32 s19, s4  }
0x24: {  	p1 =	sgt.u32 s22, $0x4E1  }
0x25: {  	s22 =	simm.s32 @!p1 $0x0;
	s23 =	simm.s32 @!p1 $0x1  }
0x26: {  	[tilespmem:s22], [sflag:$0x1] =	stream.linear.gather @!p1 [hbm4b:s21+s22], $0x80, $0x38;
	[tilespmem:$0x1A080] =	vst v63  }
0x27: {  	_ =	swait.ge @!p1 [sflag:s23], $0x80  }
0x28: {  	[sflag:s23] =	ssyncset.done @!p1 $0x0  }
0x29: {  	s24 =	simm.s32 @!p1 $0x80;
	[sflag:s23] =	ssyncadd.s32 @!p1 $0xFFFFFF80  }
0x2a: {  	[tilespmem:s24], [sflag:$0x1] =	stream.linear.gather @!p1 [hbm4b:s20+s22], $0x4000, $0x38;
	[tilespmem:$0x1A080] =	vst v63  }
0x2b: {  	_ =	swait.ge @!p1 [sflag:s23], $0x4000  }
0x2c: {  	[sflag:s23] =	ssyncset.done @!p1 $0x0  }
0x2d: {  	[sflag:s23] =	ssyncadd.s32 @!p1 $0xFFFFC000  }
0x2e: {  	[spmem:s1] =	stream.indirect.scatter.add.f32 @!p1 [tilespmem:s24], [sflag:$0x1], $0x80, s22, s24, $0xb8;
	[tilespmem:$0x1A080] =	vst v63  }
0x2f: {  	_ =	swait.ge @!p1 [sflag:s23], $0x4000  }
0x30: {  	[sflag:s23] =	ssyncset.done @!p1 $0x0  }
0x31: {  	[sflag:s23] =	ssyncadd.s32 @!p1 $0xFFFFC000  }
0x32: {  	v1 =	vld @!p1 [tilespmem:$0x0];
	_ =	sdelay $0x6  }
0x33: {  	v2 =	vimm.f32 @!p1 $1.000000000e+00;
	s22 =	simm.s32 @!p1 $0x4080  }
0x34: {  	[tilespmem:v1+s22+$0x0] =	vst.idx.add.f32.msk @!p1 $0xffff, v2  }
0x35: {  	v1 =	vld @!p1 [tilespmem:$0x10];
	_ =	sdelay $0x7  }
0x36: {  	[tilespmem:v1+s22+$0x0] =	vst.idx.add.f32.msk @!p1 $0xffff, v2  }
0x37: {  	v1 =	vld @!p1 [tilespmem:$0x20];
	_ =	sdelay $0x7  }
0x38: {  	[tilespmem:v1+s22+$0x0] =	vst.idx.add.f32.msk @!p1 $0xffff, v2  }
0x39: {  	v1 =	vld @!p1 [tilespmem:$0x30];
	_ =	sdelay $0x7  }
0x3a: {  	[tilespmem:v1+s22+$0x0] =	vst.idx.add.f32.msk @!p1 $0xffff, v2  }
0x3b: {  	v1 =	vld @!p1 [tilespmem:$0x40];
	_ =	sdelay $0x7  }
0x3c: {  	[tilespmem:v1+s22+$0x0] =	vst.idx.add.f32.msk @!p1 $0xffff, v2  }
0x3d: {  	v1 =	vld @!p1 [tilespmem:$0x50];
	_ =	sdelay $0x7  }
0x3e: {  	[tilespmem:v1+s22+$0x0] =	vst.idx.add.f32.msk @!p1 $0xffff, v2  }
0x3f: {  	v1 =	vld @!p1 [tilespmem:$0x60];
	_ =	sdelay $0x7  }
0x40: {  	[tilespmem:v1+s22+$0x0] =	vst.idx.add.f32.msk @!p1 $0xffff, v2  }
0x41: {  	v1 =	vld @!p1 [tilespmem:$0x70];
	_ =	sdelay $0x1  }
0x42: {  	s19 =	sadd.s32 $0x20, s19  }
0x43: {  	p2 =	sne.s32 s19, $0x500  }
.Ltmp1:
0x44: {  	_ = 	snop;
	(pc) =	sbr.rel @p2 .LBB2_4-.Ltmp1, $2  }
0x45: {  	_ =	sdelay $0x2  }
0x46: {  	s21 =	sadd.s32 $0x200, s21;
	s20 =	sadd.s32 $0x10000, s20;
	[tilespmem:v1+s22+$0x0] =	vst.idx.add.f32.msk @!p1 $0xffff, v2  }
0x47: {  	[hbm4b:s8+s3] =	stream.linear.scatter [tilespmem:s17], [sflag:$0x1], $0x2710, $0x38;
	[tilespmem:$0x1A080] =	vst v63  }
0x48: {  	_ =	swait.ge [sflag:s15], $0x2710  }
0x49: {  	[sflag:s15] =	ssyncset.done $0x0  }
0x4a: {  	[sflag:s15] =	ssyncadd.s32 $0xFFFFD8F0  }
0x4b: {  	[bflag:$0x0] =	sbarrier.arrive $0xFFFF  }
0x4c: {  	[hbm:s9], [sflag:s6] =	dma.local [spmem:s14], $0x2700  }
0x4d: {  	s18 =	sadd.s32 $0x1, s18;
	_ =	swait.ge [sflag:s15], $0x2700  }
0x4e: {  	p1 =	sne.s32 s18, s11;
	[sflag:s15] =	ssyncset.done $0x0  }
.Ltmp2:
0x4f: {  	s19 =	simm.s32 @!p0 $0x1;
	[sflag:s15] =	ssyncadd.s32 $0xFFFFD900;
	(pc) =	sbr.rel @p1 .LBB2_1-.Ltmp2, $4  }
0x50: {  	[hbm:s10], [sflag:s6] =	dma.local @!p0 [spmem:s16], $0x100  }
0x51: {  	_ =	swait.ge @!p0 [sflag:s19], $0x100  }
0x52: {  	[sflag:s19] =	ssyncset.done @!p0 $0x0  }
0x53: {  	[sflag:s19] =	ssyncadd.s32 @!p0 $0xFFFFFF00  }
0x54: {  	_ =	sfence.sel $0x180000  }
0x55: {  	[bflag:$0x0] =	sbarrier.arrive $0xFFFF  }
0x56: {  	p0 =	sne.s32 s2, $0x0;
	_ =	strace $0x90000053  }
0x57: {  	s0 =	sadd.s32 @!p0 $0x100000, s0;
	[bflag:$0x2] =	sbarrier.arrive $0xFFFF  }
0x58: {  	[sflag:s0] =	ssyncadd.tile.s32 @!p0 $0x1;
	_ =	shalt  }
.Lfunc_end2:
_tile_overlayer_lowered:
.L_overlay_start_2:
0x59: {  	(tag) =	ssettag $0x2  }
0x5a: {  	s0 =	rddreg [dreg:$0x0];
	s2 =	stileid.u32  }
0x5b: {  	s1 =	rddreg [dreg:$0x1];
	p0 =	sne.s32 s2, $0x0  }
0x5c: {  	s3 =	rddreg [dreg:$0x2];
	[bflag:$0x3] =	sbarrier.arrive $0xFFFF;
	s2 =	simm.s32 @!p0 $0x1C01  }
0x5d: {  	[timem:s3], [sflag:s2] =	dma.local @!p0 [hbm:s0], s1  }
0x5e: {  	s0 =	simm.s32 @!p0 $0x1  }
0x5f: {  	_ =	swait.ge @!p0 [sflag:s0], s1  }
0x60: {  	s1 =	ssub.s32 @!p0 $0x0, s1;
	[sflag:s0] =	ssyncset.done @!p0 $0x0  }
0x61: {  	[sflag:s0] =	ssyncadd.s32 @!p0 s1  }
0x62: {  	[bflag:$0x3] =	sbarrier.arrive $0xFFFF  }
0x63: {  	_ =	shalt  }

// kernel: kernel.25.cloned.1.call-start
scs
__scs_entry_jumppad:
0x0: {  	(pc) =	sbr.rel $0x88, $3  }
0x1: {  	(tag) =	ssettag $0x0;
	lr =	simm.s32 $0x1  }
0x2: {  	[smem:$0x3F97] =	sst lr;
	_ =	strace $0xD0000000  }
0x3: {  	_ = 	snop  }
0x4: {  	_ = 	snop  }
0x5: {  	_ = 	snop  }
0x6: {  	_ = 	snop  }
0x7: {  	_ = 	snop  }
__scs_overlays_trampoline_lowered:
0x8: {  	[smem:$0x3FA6] =	sst s0  }
0x9: {  	[smem:$0x3FA7] =	sst s1  }
0xa: {  	[smem:$0x3FA8] =	sst s2  }
0xb: {  	[smem:$0x3FA9] =	sst s3  }
0xc: {  	[smem:$0x3FAA] =	sst s4  }
0xd: {  	[smem:$0x3FAB] =	sst s5  }
0xe: {  	[smem:$0x3FAC] =	sst s6  }
0xf: {  	[smem:$0x3FAD] =	sst s7  }
0x10: {  	[smem:$0x3FAE] =	sst s8  }
0x11: {  	[smem:$0x3FAF] =	sst s9;
	s0 =	simm.s32 @!p0 $0x0  }
0x12: {  	s1 =	sld [smem:$0x3F95];
	s0 =	simm.s32 @p0 $0x1  }
0x13: {  	[smem:$0x3FB0] =	sst s0;
	s0 =	simm.s32 @!p1 $0x0  }
0x14: {  	s2 =	sld [smem:$0x3F94];
	s0 =	simm.s32 @p1 $0x1  }
0x15: {  	[smem:$0x3FB1] =	sst s0;
	s0 =	simm.s32 @!p2 $0x0  }
0x16: {  	s3 =	sld [smem:$0x3FDB];
	s0 =	simm.s32 @p2 $0x1  }
0x17: {  	s4 =	simm.s32 $0x1BF5;
	[smem:$0x3FB3] =	sst s0  }
0x18: {  	s0 =	sld [smem:$0x3F96];
	_ =	swait.ge [sflag:s4], $0x0  }
0x19: {  	s7 =	sld [smem:$0x3F97]  }
0x1a: {  	s8 =	sadd.s32 $0xFFFFE003, lr  }
0x1b: {  	s9 =	sadd.s32 $0xFFFFFEF7, lr;
	s5 =	simm.s32 $0xFFFFFFFF;
	p2 =	slt.u32 s8, $0xFFFFF086  }
0x1c: {  	p1 =	slt.u32 s9, $0xF7A;
	s5 =	simm.s32 @!p2 $0x0  }
0x1d: {  	s5 =	simm.s32 @p1 $0x1;
	p0 =	seq.s32 s7, s2  }
0x1e: {  	s7 =	smul.u32 @!p0 $0xF7A, s2;
	p2 =	seq.s32 @!p0 s5, $0x0  }
0x1f: {  	s9 =	smul.u32 $0xF7A, s1;
	s8 =	simm.s32 @!p0 $0x1BF5;
	p2 =	por !p2, p0  }
0x20: {  	[sflag:s8] =	ssyncset.s32 @!p0 $0xFFFFF086;
	s6 =	sadd.s32 @!p0 s3, s7;
	s7 =	simm.s32 @!p0 $0x108  }
0x21: {  	s3 =	sadd.s32 s3, s9;
	s6 =	sadd.s32 @!p0 $0x88, s6;
	s7 =	simm.s32 @p2 $0x1082  }
0x22: {  	[simem:s7], [sflag:s8] =	dma.local @!p0 [hbm:s6], $0xF7A  }
0x23: {  	s9 =	sor.u32 $0xD0000000, s2;
	s6 =	simm.s32 $0x108;
	_ =	swait.ge @!p0 [sflag:s8], $0x0  }
0x24: {  	s3 =	sadd.s32 $0x88, s3;
	s6 =	simm.s32 @!p1 $0x1082;
	[sflag:s4] =	ssyncset.s32 $0xFFFFF086  }
0x25: {  	[simem:s6], [sflag:s4] =	dma.local [hbm:s3], $0xF7A  }
0x26: {  	[smem:$0x3F97] =	sst s1;
	(tag) =	ssettag s2;
	_ =	strace s9  }
0x27: {  	s1 =	sld [smem:$0x3FA7]  }
0x28: {  	s2 =	sld [smem:$0x3FA8]  }
0x29: {  	s4 =	sld [smem:$0x3FAA]  }
0x2a: {  	p0 =	seq.s32 s5, $0x0;
	s5 =	sld [smem:$0x3FAB]  }
0x2b: {  	s6 =	sld [smem:$0x3FAC]  }
0x2c: {  	s7 =	sld [smem:$0x3FAD]  }
0x2d: {  	s3 =	simm.s32 $0x108;
	s8 =	sld [smem:$0x3FAE]  }
0x2e: {  	s3 =	simm.s32 @!p0 $0x1082;
	s9 =	sld [smem:$0x3FAF]  }
0x2f: {  	lr =	sadd.s32 s0, s3;
	s0 =	sld [smem:$0x3FA6]  }
0x30: {  	s3 =	sld [smem:$0x3FA9]  }
0x31: {  	[smem:$0x3FB2] =	sst s10  }
0x32: {  	s10 =	sld [smem:$0x3FB0];
	_ =	sdelay $0x3  }
0x33: {  	p0 =	seq.s32 s10, $0x1;
	s10 =	sld [smem:$0x3FB2];
	_ =	sdelay $0x3  }
0x34: {  	[smem:$0x3FB2] =	sst s10  }
0x35: {  	s10 =	sld [smem:$0x3FB1];
	_ =	sdelay $0x3  }
0x36: {  	p1 =	seq.s32 s10, $0x1;
	s10 =	sld [smem:$0x3FB2];
	_ =	sdelay $0x3  }
0x37: {  	[smem:$0x3FB2] =	sst s10  }
0x38: {  	s10 =	sld [smem:$0x3FB3]  }
0x39: {  	_ = 	snop;
	(pc) =	sbr.ind lr, $3  }
0x3a: {  	_ = 	snop  }
0x3b: {  	_ = 	snop  }
0x3c: {  	p2 =	seq.s32 s10, $0x1;
	s10 =	sld [smem:$0x3FB2]  }
0x3d: {  	_ =	shalt  }
0x3e: {  	_ =	shalt  }
0x3f: {  	_ =	shalt  }
0x40: {  	_ =	shalt  }
0x41: {  	_ =	shalt  }
0x42: {  	_ =	shalt  }
0x43: {  	_ =	shalt  }
0x44: {  	_ =	shalt  }
0x45: {  	_ =	shalt  }
0x46: {  	_ =	shalt  }
0x47: {  	_ =	shalt  }
0x48: {  	_ =	shalt  }
0x49: {  	_ =	shalt  }
0x4a: {  	_ =	shalt  }
0x4b: {  	_ =	shalt  }
0x4c: {  	_ =	shalt  }
0x4d: {  	_ =	shalt  }
0x4e: {  	_ =	shalt  }
0x4f: {  	_ =	shalt  }
0x50: {  	_ =	shalt  }
0x51: {  	_ =	shalt  }
0x52: {  	_ =	shalt  }
0x53: {  	_ =	shalt  }
0x54: {  	_ =	shalt  }
0x55: {  	_ =	shalt  }
0x56: {  	_ =	shalt  }
0x57: {  	_ =	shalt  }
0x58: {  	_ =	shalt  }
0x59: {  	_ =	shalt  }
0x5a: {  	_ =	shalt  }
0x5b: {  	_ =	shalt  }
0x5c: {  	_ =	shalt  }
0x5d: {  	_ =	shalt  }
0x5e: {  	_ =	shalt  }
0x5f: {  	_ =	shalt  }
0x60: {  	_ =	shalt  }
0x61: {  	_ =	shalt  }
0x62: {  	_ =	shalt  }
0x63: {  	_ =	shalt  }
0x64: {  	_ =	shalt  }
0x65: {  	_ =	shalt  }
0x66: {  	_ =	shalt  }
0x67: {  	_ =	shalt  }
0x68: {  	_ =	shalt  }
0x69: {  	_ =	shalt  }
0x6a: {  	_ =	shalt  }
0x6b: {  	_ =	shalt  }
0x6c: {  	_ =	shalt  }
0x6d: {  	_ =	shalt  }
0x6e: {  	_ =	shalt  }
0x6f: {  	_ =	shalt  }
0x70: {  	_ =	shalt  }
0x71: {  	_ =	shalt  }
0x72: {  	_ =	shalt  }
0x73: {  	_ =	shalt  }
0x74: {  	_ =	shalt  }
0x75: {  	_ =	shalt  }
0x76: {  	_ =	shalt  }
0x77: {  	_ =	shalt  }
0x78: {  	_ =	shalt  }
0x79: {  	_ =	shalt  }
0x7a: {  	_ =	shalt  }
0x7b: {  	_ =	shalt  }
0x7c: {  	_ =	shalt  }
0x7d: {  	_ =	shalt  }
0x7e: {  	_ =	shalt  }
0x7f: {  	_ =	shalt  }
0x80: {  	_ =	shalt  }
0x81: {  	_ =	shalt  }
0x82: {  	_ =	shalt  }
0x83: {  	_ =	shalt  }
0x84: {  	_ =	shalt  }
0x85: {  	_ =	shalt  }
0x86: {  	_ =	shalt  }
0x87: {  	_ =	shalt  }
.Lfunc_end0:
.L_simem_size_0:
called_computation.4_lowered:
.L_overlay_start_0:
0x88: {  	s2 =	sld [smem:$0x3FD9]  }
0x89: {  	s3 =	sld [smem:$0x3FFE];
	_ =	sdelay $0x1  }
0x8a: {  	s1 =	srdreg.scid  }
0x8b: {  	s0 =	sand.u32 $0x1, s1  }
0x8c: {  	s17 =	sshll.u32 s0, $0xA;
	s2 =	sadd.s32 s3, s2  }
0x8d: {  	s2 =	sadd.s32 s2, s17  }
0x8e: {  	[smem:$0x3FBE] =	sst s2  }
0x8f: {  	_ = 	snop  }
0x90: {  	(tm) =	ssettm $0x1  }
0x91: {  	s18 =	sld [smem:$0x3FFB];
	_ =	sdelay $0x3  }
0x92: {  	_ =	strace s18  }
0x93: {  	s2 =	sld [smem:$0x3FFC];
	_ =	sdelay $0x3  }
0x94: {  	_ =	strace s2  }
0x95: {  	s2 =	sld [smem:$0x3FFD];
	_ =	sdelay $0x3  }
0x96: {  	_ =	strace s2  }
0x97: {  	_ =	strace $0x8FFFFFFF  }
0x98: {  	s19 =	sld [smem:$0x3FDB];
	_ =	sdelay $0x1  }
0x99: {  	s20 =	simm.s32 $_scs_section_size  }
0x9a: {  	s4 =	simm.s32 $_size__tile_overlayer_lowered;
	s5 =	simm.s32 $_tile_overlayer_lowered  }
0x9b: {  	s6 =	simm.s32 $0x1BFF;
	s21 =	sshll.u32 s5, $0x1;
	s3 =	sadd.s32 s20, s19  }
0x9c: {  	s22 =	simm.s32 $0x0;
	s4 =	sshll.u32 s4, $0x1;
	s5 =	sadd.s32 s21, s3  }
0x9d: {  	[timem:s22], [sflag:s6] =	dma.local [hbm:s5], s4  }
0x9e: {  	_ =	swait.ge [sflag:s6], s4  }
0x9f: {  	s4 =	ssub.s32 $0x0, s4;
	[sflag:s6] =	ssyncset.done $0x0  }
0xa0: {  	[sflag:s6] =	ssyncadd.s32 s4;
	_ =	sdelay $0x1  }
0xa1: {  	s23 =	simm.s32 $0x1B8B  }
0xa2: {  	_ =	swait.ge [sflag:s23], $0x1  }
0xa3: {  	[sflag:s23] =	ssyncset.done $0x0  }
0xa4: {  	[sflag:s23] =	ssyncadd.s32 $0xFFFFFFFF  }
0xa5: {  	s4 =	sld [smem:$0x0]  }
0xa6: {  	s5 =	sand.u32 $0xFFFFFFFE, s1  }
0xa7: {  	p0 =	sne.s32 s1, s5  }
0xa8: {  	s5 =	sshll.u32 @p0 s5, $0xE  }
0xa9: {  	s5 =	sadd.s32 @p0 $0x11B8D, s5;
	s6 =	sshll.u32 @p0 s4, $0x11  }
0xaa: {  	s5 =	sor.u32 @p0 s6, s5  }
0xab: {  	[sflag:s5] =	ssyncadd.remote.s32 @p0 $0x1;
	_ =	sdelay $0x1  }
0xac: {  	s5 =	simm.s32 @p0 $0x1B8D  }
0xad: {  	_ =	swait.eq @p0 [sflag:s5], $0x1  }
0xae: {  	[sflag:s5] =	ssyncadd.s32 @p0 $0xFFFFFFFF  }
0xaf: {  	s6 =	sshll.u32 @!p0 s1, $0xE  }
0xb0: {  	s6 =	sor.u32 @!p0 $0x4000, s6;
	s5 =	simm.s32 @!p0 $0x1B8D  }
0xb1: {  	s4 =	sshll.u32 @!p0 s4, $0x11;
	s6 =	sadd.s32 @!p0 $0x11B8D, s6;
	_ =	swait.eq @!p0 [sflag:s5], $0x1  }
0xb2: {  	s4 =	sor.u32 @!p0 s4, s6;
	[sflag:s5] =	ssyncadd.s32 @!p0 $0xFFFFFFFF  }
0xb3: {  	s25 =	simm.s32 $0x1B8E;
	s24 =	sld [smem:$0x3FFE];
	[sflag:s4] =	ssyncadd.remote.s32 @!p0 $0x1  }
0xb4: {  	s26 =	simm.s32 $execute0_lowered;
	[smem:$0x3FD2] =	sst s25  }
0xb5: {  	s5 =	sshll.u32 s26, $0x1;
	_ =	strace $0x8000004F;
	[dreg:$0x1] =	wrdreg $0xFFFFFFFF  }
0xb6: {  	s28 =	simm.s32 $_size_execute0_lowered;
	s3 =	sadd.s32 s3, s5;
	[dreg:$0x0] =	wrdreg $0x0  }
0xb7: {  	s5 =	sshll.u32 s28, $0x1;
	[dreg:$0x2] =	wrdreg s3  }
0xb8: {  	[dreg:$0x3] =	wrdreg s5  }
0xb9: {  	[dreg:$0x4] =	wrdreg $0xC0  }
0xba: {  	_ =	task [dreg:s22], $0x5FFFF  }
0xbb: {  	[dreg:$0x1] =	wrdreg $0xFFFFFFFF  }
0xbc: {  	[dreg:$0x0] =	wrdreg $0x60  }
0xbd: {  	[dreg:$0x2] =	wrdreg s24  }
0xbe: {  	[dreg:$0x3] =	wrdreg $0x68000  }
0xbf: {  	[dreg:$0x4] =	wrdreg $0xA  }
0xc0: {  	_ =	task.clear_ibuf [dreg:s22], $0x5FFFF;
	_ =	strace $0x9000004F  }
0xc1: {  	s29 =	simm.s32 $0xA;
	_ =	strace $0x80000051  }
0xc2: {  	_ =	swait.ge [sflag:s29], $0x1  }
0xc3: {  	[sflag:s29] =	ssyncadd.s32 $0xFFFFFFFF  }
0xc4: {  	_ =	strace $0x90000051  }
0xc5: {  	_ =	sfence  }
0xc6: {  	s30 =	sld [smem:$0x0];
	_ =	sdelay $0x2  }
0xc7: {  	s31 =	sshll.u32 s1, $0xD;
	s1 =	sshrl.u32 s1, $0x2  }
0xc8: {  	s4 =	sand.u32 $0x4000, s31;
	s1 =	sadd.s32 s1, s30  }
0xc9: {  	s0 =	sor.u32 s4, s0;
	s1 =	sshll.u32 s1, $0x11  }
0xca: {  	s0 =	sor.u32 s1, s0  }
0xcb: {  	s0 =	sadd.s32 $0x8F2B, s0  }
0xcc: {  	[sflag:s0] =	ssyncadd.remote.s32 $0x1  }
0xcd: {  	_ =	sfence.sel $0xFFFF  }
0xce: {  	[dreg:$0x0] =	wrdreg $0xFFFFFFFF;
	(pc) =	sbr.abs _section_cstart, $3  }
0xcf: {  	[dreg:$0x1] =	wrdreg $0xFFFFFFFF  }
0xd0: {  	_ =	task.clear_ibuf [dreg:s22], $0x2FFFF;
	_ =	strace $0x9FFFFFFF  }
0xd1: {  	(tm) =	ssettm $0x7FFFFFFF  }
tec
execute0_lowered:
.L_overlay_start_1:
0x0: {  	(tag) =	ssettag $0x1  }
0x1: {  	s7 =	rddreg [dreg:$0x0]  }
0x2: {  	s2 =	rddreg [dreg:$0x1]  }
0x3: {  	s0 =	rddreg [dreg:$0x2];
	s3 =	simm.s32 $0x0;
	s1 =	stileid.u32  }
0x4: {  	s5 =	srdreg.scid;
	[smem:$0x7FF] =	sst s3;
	s4 =	sshll.u32 s1, $0xC  }
0x5: {  	s8 =	smul.u32 $0x13800, s1;
	s10 =	sand.u32 $0x1, s5;
	s22 =	sshll.u32 s1, $0x1  }
0x6: {  	s23 =	sshll.u32 s1, $0x5;
	s25 =	smul.u32 $0x4E000, s1;
	s13 =	sadd.s32 $0x4B400, s7  }
0x7: {  	s28 =	sshll.u32 s1, $0x6;
	s17 =	sadd.s32 $0x138000, s2;
	p0 =	sne.s32 s1, $0xF  }
0x8: {  	_ =	strace $0x80000050;
	s11 =	sadd.s32 s4, s7;
	s4 =	sor.u32 s10, s22  }
0x9: {  	s12 =	sadd.s32 s23, s7;
	s14 =	ssub.s32 $0x2, s10;
	s16 =	smul.u32 $0x138800, s10  }
0xa: {  	s29 =	sshll.u32 s10, $0x4;
	s30 =	sshll.u32 s10, $0xB;
	s6 =	sshrl.u32 s8, $0x3  }
0xb: {  	s9 =	smul.u32 $0x4E2, s4;
	s15 =	sshrl.u32 s14, $0x1;
	s12 =	sadd.s32 s29, s12  }
0xc: {  	s31 =	sadd.s32 s30, s11;
	s24 =	sadd.s32 s6, s7;
	s6 =	sshrl.u32 s25, $0x2  }
0xd: {  	s14 =	ssub.s32 s14, s15;
	s8 =	sadd.s32 s8, s16;
	s16 =	sshrl.u32 s16, $0x3  }
0xe: {  	s12 =	sadd.s32 $0x15420, s12;
	s15 =	simm.s32 $0x1;
	s9 =	sadd.s32 s9, s7  }
0xf: {  	s26 =	sadd.s32 s6, s2;
	s5 =	sadd.s32 $0x1A400, s24;
	s6 =	sor.u32 $0x1C01, s28  }
0x10: {  	s7 =	sadd.s32 $0x41400, s7;
	s18 =	sshrl.u32 s8, $0x3;
	s11 =	smax.u32 s14, $0x1  }
0x11: {  	s8 =	sadd.s32 $0x41600, s9;
	s9 =	sadd.s32 s13, s18;
	s13 =	sadd.s32 s13, s16  }
0x12: {  	s14 =	sshrl.u32 s26, $0x3;
	s16 =	sshrl.u32 @!p0 s17, $0x3;
	s17 =	simm.s32 $0x4080  }
0x13: {  	v0 =	vimm.f32 $0.0e+00;
	s18 =	simm.s32 $0x0;
	s10 =	sadd.s32 $0x27000, s13;
	s13 =	sadd.s32 $0x159F800, s31  }
.LBB2_1:
0x14: {  	[spmem:s14], [sflag:s6] =	dma.local [hbm:s5], $0x2700  }
0x15: {  	_ =	swait.ge [sflag:s15], $0x2700  }
0x16: {  	[sflag:s15] =	ssyncset.done $0x0  }
0x17: {  	s19 =	simm.s32 @!p0 $0x1;
	[sflag:s15] =	ssyncadd.s32 $0xFFFFD900  }
0x18: {  	[spmem:s16], [sflag:s6] =	dma.local @!p0 [hbm:s7], $0x100  }
0x19: {  	_ =	swait.ge @!p0 [sflag:s19], $0x100  }
0x1a: {  	[sflag:s19] =	ssyncset.done @!p0 $0x0  }
0x1b: {  	s20 =	simm.s32 $0x0;
	[sflag:s19] =	ssyncadd.s32 @!p0 $0xFFFFFF00;
	s19 =	simm.s32 $0x40  }
.LBB2_2:
0x1c: {  	p1 =	sne.s32 s19, $0x9C00;
	[tilespmem:s20+$0x4080] =	vst v0;
	s20 =	smov.u32 s19;
	s19 =	sadd.s32 $0x40, s19  }
.Ltmp0:
0x1d: {  	(pc) =	sbr.rel @p1 .LBB2_2-.Ltmp0, $2  }
0x1e: {  	_ =	sdelay $0x2  }
0x1f: {  	s20 =	sshra.s32 s20, $0x2  }
0x20: {  	[tilespmem:s20+$0x4080] =	vst v0;
	s19 =	simm.s32 $0x0  }
0x21: {  	s20 =	smov.u32 s13;
	s21 =	smov.u32 s12;
	[bflag:$0x0] =	sbarrier.arrive $0xFFFF  }
.LBB2_4:
0x22: {  	s22 =	sadd.s32 s19, s4  }
0x23: {  	p1 =	sgt.u32 s22, $0x4E1  }
0x24: {  	s22 =	simm.s32 @!p1 $0x0;
	s23 =	simm.s32 @!p1 $0x1  }
0x25: {  	[tilespmem:s22], [sflag:$0x1] =	stream.linear.gather @!p1 [hbm4b:s21+s22], $0x80, $0x38;
	[tilespmem:$0x1A080] =	vst v63  }
0x26: {  	_ =	swait.ge @!p1 [sflag:s23], $0x80  }
0x27: {  	[sflag:s23] =	ssyncset.done @!p1 $0x0  }
0x28: {  	s24 =	simm.s32 @!p1 $0x80;
	[sflag:s23] =	ssyncadd.s32 @!p1 $0xFFFFFF80  }
0x29: {  	[tilespmem:s24], [sflag:$0x1] =	stream.linear.gather @!p1 [hbm4b:s20+s22], $0x4000, $0x38;
	[tilespmem:$0x1A080] =	vst v63  }
0x2a: {  	_ =	swait.ge @!p1 [sflag:s23], $0x4000  }
0x2b: {  	[sflag:s23] =	ssyncset.done @!p1 $0x0  }
0x2c: {  	[sflag:s23] =	ssyncadd.s32 @!p1 $0xFFFFC000  }
0x2d: {  	[spmem:s2] =	stream.indirect.scatter.add.f32 @!p1 [tilespmem:s24], [sflag:$0x1], $0x80, s22, s24, $0xb8;
	[tilespmem:$0x1A080] =	vst v63  }
0x2e: {  	_ =	swait.ge @!p1 [sflag:s23], $0x4000  }
0x2f: {  	[sflag:s23] =	ssyncset.done @!p1 $0x0  }
0x30: {  	[sflag:s23] =	ssyncadd.s32 @!p1 $0xFFFFC000  }
0x31: {  	v1 =	vld @!p1 [tilespmem:$0x0];
	_ =	sdelay $0x6  }
0x32: {  	v2 =	vimm.f32 @!p1 $1.000000000e+00;
	s22 =	simm.s32 @!p1 $0x4080  }
0x33: {  	[tilespmem:v1+s22+$0x0] =	vst.idx.add.f32.msk @!p1 $0xffff, v2  }
0x34: {  	v1 =	vld @!p1 [tilespmem:$0x10];
	_ =	sdelay $0x7  }
0x35: {  	[tilespmem:v1+s22+$0x0] =	vst.idx.add.f32.msk @!p1 $0xffff, v2  }
0x36: {  	v1 =	vld @!p1 [tilespmem:$0x20];
	_ =	sdelay $0x7  }
0x37: {  	[tilespmem:v1+s22+$0x0] =	vst.idx.add.f32.msk @!p1 $0xffff, v2  }
0x38: {  	v1 =	vld @!p1 [tilespmem:$0x30];
	_ =	sdelay $0x7  }
0x39: {  	[tilespmem:v1+s22+$0x0] =	vst.idx.add.f32.msk @!p1 $0xffff, v2  }
0x3a: {  	v1 =	vld @!p1 [tilespmem:$0x40];
	_ =	sdelay $0x7  }
0x3b: {  	[tilespmem:v1+s22+$0x0] =	vst.idx.add.f32.msk @!p1 $0xffff, v2  }
0x3c: {  	v1 =	vld @!p1 [tilespmem:$0x50];
	_ =	sdelay $0x7  }
0x3d: {  	[tilespmem:v1+s22+$0x0] =	vst.idx.add.f32.msk @!p1 $0xffff, v2  }
0x3e: {  	v1 =	vld @!p1 [tilespmem:$0x60];
	_ =	sdelay $0x7  }
0x3f: {  	[tilespmem:v1+s22+$0x0] =	vst.idx.add.f32.msk @!p1 $0xffff, v2  }
0x40: {  	v1 =	vld @!p1 [tilespmem:$0x70];
	_ =	sdelay $0x1  }
0x41: {  	s19 =	sadd.s32 $0x20, s19  }
0x42: {  	p2 =	sne.s32 s19, $0x500  }
.Ltmp1:
0x43: {  	_ = 	snop;
	(pc) =	sbr.rel @p2 .LBB2_4-.Ltmp1, $2  }
0x44: {  	_ =	sdelay $0x2  }
0x45: {  	s21 =	sadd.s32 $0x200, s21;
	s20 =	sadd.s32 $0x10000, s20;
	[tilespmem:v1+s22+$0x0] =	vst.idx.add.f32.msk @!p1 $0xffff, v2  }
0x46: {  	[hbm4b:s8+s3] =	stream.linear.scatter [tilespmem:s17], [sflag:$0x1], $0x2710, $0x38;
	[tilespmem:$0x1A080] =	vst v63  }
0x47: {  	_ =	swait.ge [sflag:s15], $0x2710  }
0x48: {  	[sflag:s15] =	ssyncset.done $0x0  }
0x49: {  	[sflag:s15] =	ssyncadd.s32 $0xFFFFD8F0  }
0x4a: {  	[bflag:$0x0] =	sbarrier.arrive $0xFFFF  }
0x4b: {  	[hbm:s9], [sflag:s6] =	dma.local [spmem:s14], $0x2700  }
0x4c: {  	s18 =	sadd.s32 $0x1, s18;
	_ =	swait.ge [sflag:s15], $0x2700  }
0x4d: {  	p1 =	sne.s32 s18, s11;
	[sflag:s15] =	ssyncset.done $0x0  }
.Ltmp2:
0x4e: {  	s19 =	simm.s32 @!p0 $0x1;
	[sflag:s15] =	ssyncadd.s32 $0xFFFFD900;
	(pc) =	sbr.rel @p1 .LBB2_1-.Ltmp2, $4  }
0x4f: {  	[hbm:s10], [sflag:s6] =	dma.local @!p0 [spmem:s16], $0x100  }
0x50: {  	_ =	swait.ge @!p0 [sflag:s19], $0x100  }
0x51: {  	[sflag:s19] =	ssyncset.done @!p0 $0x0  }
0x52: {  	[sflag:s19] =	ssyncadd.s32 @!p0 $0xFFFFFF00  }
0x53: {  	_ =	sfence.sel $0x180000  }
0x54: {  	[bflag:$0x0] =	sbarrier.arrive $0xFFFF  }
0x55: {  	p0 =	sne.s32 s1, $0x0;
	_ =	strace $0x90000050  }
0x56: {  	s0 =	sadd.s32 @!p0 $0x100000, s0;
	[bflag:$0x2] =	sbarrier.arrive $0xFFFF  }
0x57: {  	[sflag:s0] =	ssyncadd.tile.s32 @!p0 $0x1;
	_ =	shalt  }
.Lfunc_end2:
_tile_overlayer_lowered:
.L_overlay_start_2:
0x58: {  	(tag) =	ssettag $0x2  }
0x59: {  	s0 =	rddreg [dreg:$0x0];
	s2 =	stileid.u32  }
0x5a: {  	s1 =	rddreg [dreg:$0x1];
	p0 =	sne.s32 s2, $0x0  }
0x5b: {  	s3 =	rddreg [dreg:$0x2];
	[bflag:$0x3] =	sbarrier.arrive $0xFFFF;
	s2 =	simm.s32 @!p0 $0x1C01  }
0x5c: {  	[timem:s3], [sflag:s2] =	dma.local @!p0 [hbm:s0], s1  }
0x5d: {  	s0 =	simm.s32 @!p0 $0x1  }
0x5e: {  	_ =	swait.ge @!p0 [sflag:s0], s1  }
0x5f: {  	s1 =	ssub.s32 @!p0 $0x0, s1;
	[sflag:s0] =	ssyncset.done @!p0 $0x0  }
0x60: {  	[sflag:s0] =	ssyncadd.s32 @!p0 s1  }
0x61: {  	[bflag:$0x3] =	sbarrier.arrive $0xFFFF  }
0x62: {  	_ =	shalt  }

</sc_bundles>
